<compile_context>
chip_gen: v7x
topology: tpu7x:2x2x1
jax: 0.10.2.dev20260603
libtpu: 0.0.44.dev20260713+nightly
codegen_flags: <defaults>
</compile_context>

<pallas_src>
import functools

import jax
import jax.numpy as jnp
import numpy as np
from jax import lax
from jax.experimental import pallas as pl
from jax.experimental.pallas import tpu as pltpu
from jax.experimental.pallas import tpu_sc as plsc

ROWS = 64
N = 32768
LANES = 16
VBATCH = 4
VL = LANES * VBATCH
SEGV = N // VL
NBINS = 256
NPASS = 4
WORKERS = 32
ROWS_PER_WORKER = ROWS // WORKERS
INT_MIN = np.int32(-2147483648)
KEYPAD = N + N // SEGV


def _phi(idx):
  return idx + lax.shift_right_logical(idx, 9)


def _row_sort_body(key, ia, ib, hist):
  iota = lax.iota(jnp.int32, LANES)
  vl_addr = [jnp.int32(j * LANES) + iota for j in range(VBATCH)]
  q_base = [v * SEGV for v in vl_addr]
  qphi_base = [v * (SEGV + 1) for v in vl_addr]
  ones = jnp.full((LANES,), 1, jnp.int32)
  zeros = jnp.zeros((LANES,), jnp.int32)

  def zero_hist():
    @plsc.parallel_loop(0, NBINS * VL // LANES, unroll=8)
    def _zero(j):
      hist[pl.ds(j * LANES, LANES)] = zeros

  zero_hist()

  @plsc.parallel_loop(0, N // LANES, unroll=8)
  def _xform(t):
    pos = t * LANES + iota
    v = ib[pl.ds(t * LANES, LANES)]
    flip = lax.shift_right_arithmetic(v, 31) | INT_MIN
    plsc.store_scatter(key, [_phi(pos)], v ^ flip)

  for p in range(NPASS):
    shift = 8 * p
    src = (ib, ia)[p % 2]
    dst = (ib, ia)[(p + 1) % 2]
    last = p == NPASS - 1

    if p > 0:
      zero_hist()

    @plsc.parallel_loop(0, SEGV, unroll=2)
    def _count(t, shift=shift, src=src, p=p):
      for j in range(VBATCH):
        sl = pl.ds(t * VL + j * LANES, LANES)
        idxv = (q_base[j] + t) if p == 0 else src[sl]
        k = plsc.load_gather(key, [(qphi_base[j] + t) if p == 0 else _phi(idxv)])
        d = lax.shift_right_logical(k, shift) & 255
        addr = d * VL + vl_addr[j]
        plsc.addupdate_scatter(hist, [addr], ones)
        src[sl] = (addr << 17) | idxv

    @plsc.parallel_loop(0, NBINS * VL // LANES, unroll=4, carry=jnp.int32(0))
    def _scan(j, carry):
      sl = pl.ds(j * LANES, LANES)
      v = hist[sl]
      cs = plsc.cumsum(v)
      hist[sl] = cs - v + carry
      return carry + jnp.max(cs)

    def permute(t, _, src=src, dst=dst, last=last):
      packed = [src[pl.ds(t * VL + j * LANES, LANES)] for j in range(VBATCH)]
      addrs = [lax.shift_right_logical(v, 17) for v in packed]
      bases = [plsc.load_gather(hist, [a]) for a in addrs]
      for j in range(VBATCH):
        plsc.store_scatter(hist, [addrs[j]], bases[j] + ones)
      for j in range(VBATCH):
        base = bases[j]
        if last:
          wpos = base
        else:
          wpos = ((base & (SEGV - 1)) * VL) | lax.shift_right_logical(base, 9)
        plsc.store_scatter(dst, [wpos], packed[j] & 131071)
      return _

    lax.fori_loop(0, SEGV, permute, None, unroll=2)

  @plsc.parallel_loop(0, N // LANES, unroll=8)
  def _emit(t):
    sl = pl.ds(t * LANES, LANES)
    idxv = ib[sl]
    k = plsc.load_gather(key, [_phi(idxv)])
    flip = (~lax.shift_right_arithmetic(k, 31)) | INT_MIN
    ia[sl] = k ^ flip


@functools.cache
def _make_sort_kernel():
  mesh = plsc.VectorSubcoreMesh(core_axis_name="c", subcore_axis_name="s")

  @functools.partial(
      pl.kernel,
      out_type=(
          jax.ShapeDtypeStruct((ROWS, N), jnp.int32),
          jax.ShapeDtypeStruct((ROWS, N), jnp.int32),
      ),
      mesh=mesh,
      compiler_params=pltpu.CompilerParams(needs_layout_passes=False),
      scratch_types=[
          pltpu.VMEM((KEYPAD,), jnp.int32),
          pltpu.VMEM((N,), jnp.int32),
          pltpu.VMEM((N,), jnp.int32),
          pltpu.VMEM((NBINS * VL,), jnp.int32),
      ],
  )
  def sort_kernel(x_hbm, vals_hbm, idx_hbm, key, ia, ib, hist):
    wid = lax.axis_index("s") * 2 + lax.axis_index("c")

    def do_row(i, _):
      r = wid * ROWS_PER_WORKER + i
      pltpu.sync_copy(x_hbm.at[r], ib)
      _row_sort_body(key, ia, ib, hist)
      pltpu.sync_copy(ia, vals_hbm.at[r])
      pltpu.sync_copy(ib, idx_hbm.at[r])
      return _

    lax.fori_loop(0, ROWS_PER_WORKER, do_row, None)

  return sort_kernel


def kernel(x):
  bits = lax.bitcast_convert_type(x, jnp.int32)
  vals_bits, idx = _make_sort_kernel()(bits)
  vals = lax.bitcast_convert_type(vals_bits, jnp.float32)
  ok = jnp.array(True)
  return vals, idx, ok

# --- scband reference (transcript-rebuilt; emitter-appended) ---
"""Pipeline reference for scband-my-model-61933428414814 (READ-ONLY COPY).

The authoritative reference and input builder live on the scoring server;
editing this copy changes nothing except your own understanding.
"""

import jax, jax.numpy as jnp
import numpy as np

def setup_inputs(seed: int = 0) -> dict:
    key = jax.random.key(seed)
    x = jax.random.normal(key, (64, 32768), dtype=jnp.float32)
    return {"x": x}

def reference(x):
    # The original module sorts x on CPU and on MPS and checks the results match.
    # The meaningful computation is the sort itself (values + indices along the last dim).
    # On a single backend the cross-device comparison is trivially True, so we return
    # the sort outputs plus the (trivially-true) consistency flag computed from a
    # redundant second sort, mirroring the original's duplicate-sort structure.
    vals1 = jnp.sort(x, axis=-1)
    idx1 = jnp.argsort(x, axis=-1)
    vals2 = jnp.sort(x, axis=-1)
    idx2 = jnp.argsort(x, axis=-1)
    values_ok = jnp.allclose(vals1, vals2)
    indices_ok = jnp.all(idx1 == idx2)
    ok = jnp.logical_and(values_ok, indices_ok)
    return vals1, idx1, ok

if __name__ == "__main__":
    import jax
    _d = setup_inputs()
    print(jax.jit(kernel)(*tuple(_d.values())))

</pallas_src>

<mosaic_0001>
#map = affine_map<(d0, d1) -> (0, 0)>
module attributes {stable_mosaic.version = 14 : i64} {
  func.func @sort_kernel(%arg0: i32, %arg1: i32, %arg2: memref<64x32768xi32, #tpu.memory_space<hbm>>, %arg3: memref<64x32768xi32, #tpu.memory_space<hbm>>, %arg4: memref<64x32768xi32, #tpu.memory_space<hbm>>, %arg5: memref<32832xi32, #tpu.memory_space<vmem>>, %arg6: memref<32768xi32, #tpu.memory_space<vmem>>, %arg7: memref<32768xi32, #tpu.memory_space<vmem>>, %arg8: memref<16384xi32, #tpu.memory_space<vmem>>) attributes {dimension_semantics = [#tpu.dimension_semantics<core_parallel>, #tpu.dimension_semantics<subcore_parallel>], iteration_bounds = array<i64: 2, 16>, scalar_prefetch = 0 : i64, scratch_operands = 4 : i64, tpu.core_type = #tpu.core_type<sc_vector_subcore>, window_params = [{transform_indices = #map}, {transform_indices = #map}, {transform_indices = #map}]} {
    %mul3A = arith.constant 2 : i32
    %mul3A_0 = arith.muli %arg1, %mul3A : i32
    %add3A = arith.addi %mul3A_0, %arg0 : i32
    %scan3A = arith.constant 0 : i32
    %scan3A_1 = arith.constant 2 : i32
    %scan3A_2 = arith.addi %scan3A, %scan3A_1 : i32
    %scan3A_3 = arith.constant 1 : i32
    scf.for %scan3A_5 = %scan3A to %scan3A_2 step %scan3A_3  : i32 {
      %mul3A_6 = arith.constant 2 : i32
      %mul3A_7 = arith.muli %add3A, %mul3A_6 : i32
      %add3A_8 = arith.addi %mul3A_7, %scan3A_5 : i32
      "tpu.region"() ({
        %run_scoped3A = tpu.sem_alloc : memref<!tpu.dma_semaphore, #tpu.memory_space<semaphore_mem>>
        %dma_start3A = arith.constant 0 : i32
        %dma_start3A_117 = tpu.memref_slice %arg2[%add3A_8, %dma_start3A] : memref<64x32768xi32, #tpu.memory_space<hbm>> -> memref<1x32768xi32, #tpu.memory_space<hbm>>
        %dma_start3A_118 = tpu.memref_squeeze %dma_start3A_117 : memref<1x32768xi32, #tpu.memory_space<hbm>> -> memref<32768xi32, #tpu.memory_space<hbm>>
        %dma_start3A_119 = arith.constant 0 : i32
        %dma_start3A_120 = tpu.memref_slice %arg2[%add3A_8, %dma_start3A_119] : memref<64x32768xi32, #tpu.memory_space<hbm>> -> memref<1x32768xi32, #tpu.memory_space<hbm>>
        %dma_start3A_121 = tpu.memref_squeeze %dma_start3A_120 : memref<1x32768xi32, #tpu.memory_space<hbm>> -> memref<32768xi32, #tpu.memory_space<hbm>>
        tpu.enqueue_dma source(%dma_start3A_121 : memref<32768xi32, #tpu.memory_space<hbm>>) target(%arg7 : memref<32768xi32, #tpu.memory_space<vmem>>) target_semaphore(%run_scoped3A : memref<!tpu.dma_semaphore, #tpu.memory_space<semaphore_mem>>)
        %dma_wait3A = arith.constant 0 : i32
        %dma_wait3A_122 = tpu.memref_slice %arg2[%add3A_8, %dma_wait3A] : memref<64x32768xi32, #tpu.memory_space<hbm>> -> memref<1x32768xi32, #tpu.memory_space<hbm>>
        %dma_wait3A_123 = tpu.memref_squeeze %dma_wait3A_122 : memref<1x32768xi32, #tpu.memory_space<hbm>> -> memref<32768xi32, #tpu.memory_space<hbm>>
        %dma_wait3A_124 = arith.constant 0 : i32
        %dma_wait3A_125 = tpu.memref_slice %arg2[%add3A_8, %dma_wait3A_124] : memref<64x32768xi32, #tpu.memory_space<hbm>> -> memref<1x32768xi32, #tpu.memory_space<hbm>>
        %dma_wait3A_126 = tpu.memref_squeeze %dma_wait3A_125 : memref<1x32768xi32, #tpu.memory_space<hbm>> -> memref<32768xi32, #tpu.memory_space<hbm>>
        tpu.wait_dma2 semaphore(%run_scoped3A : memref<!tpu.dma_semaphore, #tpu.memory_space<semaphore_mem>>) src(%dma_wait3A_126 : memref<32768xi32, #tpu.memory_space<hbm>>) dst(%arg7 : memref<32768xi32, #tpu.memory_space<vmem>>)
        tpu.yield
      }) : () -> ()
      %iota3A = tpu.iota {dimensions = array<i32: 0>} : vector<16xi32>
      %add3A_9 = arith.constant 0 : i32
      %add3A_10 = vector.broadcast %add3A_9 : i32 to vector<16xi32>
      %add3A_11 = arith.addi %add3A_10, %iota3A : vector<16xi32>
      %add3A_12 = arith.constant 16 : i32
      %add3A_13 = vector.broadcast %add3A_12 : i32 to vector<16xi32>
      %add3A_14 = arith.addi %add3A_13, %iota3A : vector<16xi32>
      %add3A_15 = arith.constant 32 : i32
      %add3A_16 = vector.broadcast %add3A_15 : i32 to vector<16xi32>
      %add3A_17 = arith.addi %add3A_16, %iota3A : vector<16xi32>
      %add3A_18 = arith.constant 48 : i32
      %add3A_19 = vector.broadcast %add3A_18 : i32 to vector<16xi32>
      %add3A_20 = arith.addi %add3A_19, %iota3A : vector<16xi32>
      %mul3A_21 = arith.constant 512 : i32
      %mul3A_22 = vector.broadcast %mul3A_21 : i32 to vector<16xi32>
      %mul3A_23 = arith.muli %add3A_11, %mul3A_22 : vector<16xi32>
      %mul3A_24 = arith.constant 512 : i32
      %mul3A_25 = vector.broadcast %mul3A_24 : i32 to vector<16xi32>
      %mul3A_26 = arith.muli %add3A_14, %mul3A_25 : vector<16xi32>
      %mul3A_27 = arith.constant 512 : i32
      %mul3A_28 = vector.broadcast %mul3A_27 : i32 to vector<16xi32>
      %mul3A_29 = arith.muli %add3A_17, %mul3A_28 : vector<16xi32>
      %mul3A_30 = arith.constant 512 : i32
      %mul3A_31 = vector.broadcast %mul3A_30 : i32 to vector<16xi32>
      %mul3A_32 = arith.muli %add3A_20, %mul3A_31 : vector<16xi32>
      %mul3A_33 = arith.constant 513 : i32
      %mul3A_34 = vector.broadcast %mul3A_33 : i32 to vector<16xi32>
      %mul3A_35 = arith.muli %add3A_11, %mul3A_34 : vector<16xi32>
      %mul3A_36 = arith.constant 513 : i32
      %mul3A_37 = vector.broadcast %mul3A_36 : i32 to vector<16xi32>
      %mul3A_38 = arith.muli %add3A_14, %mul3A_37 : vector<16xi32>
      %mul3A_39 = arith.constant 513 : i32
      %mul3A_40 = vector.broadcast %mul3A_39 : i32 to vector<16xi32>
      %mul3A_41 = arith.muli %add3A_17, %mul3A_40 : vector<16xi32>
      %mul3A_42 = arith.constant 513 : i32
      %mul3A_43 = vector.broadcast %mul3A_42 : i32 to vector<16xi32>
      %mul3A_44 = arith.muli %add3A_20, %mul3A_43 : vector<16xi32>
      %broadcast_in_dim3A = arith.constant 1 : i32
      %broadcast_in_dim3A_45 = vector.broadcast %broadcast_in_dim3A : i32 to vector<16xi32>
      %broadcast_in_dim3A_46 = arith.constant 0 : i32
      %broadcast_in_dim3A_47 = vector.broadcast %broadcast_in_dim3A_46 : i32 to vector<16xi32>
      %parallel_loop3A = arith.constant 0 : i32
      %parallel_loop3A_48 = arith.constant 1024 : i32
      %parallel_loop3A_49 = arith.constant 1 : i32
      scf.for %parallel_loop3A_117 = %parallel_loop3A to %parallel_loop3A_48 step %parallel_loop3A_49  : i32 {
        %parallel_loop3A_118 = arith.constant 16 : i32
        %parallel_loop3A_119 = arith.muli %parallel_loop3A_117, %parallel_loop3A_118 : i32
        %parallel_loop3A_120 = arith.index_cast %parallel_loop3A_119 : i32 to index
        %parallel_loop3A_121 = tpu.vector_load %arg8[%parallel_loop3A_120] {strides = array<i32>} : memref<16384xi32, #tpu.memory_space<vmem>>, vector<16xi32>,
        tpu.vector_store %arg8[%parallel_loop3A_120], %broadcast_in_dim3A_47 {strides = array<i32>} : memref<16384xi32, #tpu.memory_space<vmem>>, vector<16xi32>,
      } {sc.loop_unroll_factor = 8 : i64, sc.parallel_access}
      %parallel_loop3A_50 = arith.constant 0 : i32
      %parallel_loop3A_51 = arith.constant 2048 : i32
      %parallel_loop3A_52 = arith.constant 1 : i32
      scf.for %parallel_loop3A_117 = %parallel_loop3A_50 to %parallel_loop3A_51 step %parallel_loop3A_52  : i32 {
        %parallel_loop3A_118 = arith.constant 16 : i32
        %parallel_loop3A_119 = arith.muli %parallel_loop3A_117, %parallel_loop3A_118 : i32
        %parallel_loop3A_120 = vector.broadcast %parallel_loop3A_119 : i32 to vector<16xi32>
        %parallel_loop3A_121 = arith.addi %parallel_loop3A_120, %iota3A : vector<16xi32>
        %parallel_loop3A_122 = arith.constant 16 : i32
        %parallel_loop3A_123 = arith.muli %parallel_loop3A_117, %parallel_loop3A_122 : i32
        %parallel_loop3A_124 = arith.index_cast %parallel_loop3A_123 : i32 to index
        %parallel_loop3A_125 = tpu.vector_load %arg7[%parallel_loop3A_124] {strides = array<i32>} : memref<32768xi32, #tpu.memory_space<vmem>>, vector<16xi32>,
        %parallel_loop3A_126 = arith.constant 31 : i32
        %parallel_loop3A_127 = vector.broadcast %parallel_loop3A_126 : i32 to vector<16xi32>
        %parallel_loop3A_128 = arith.shrsi %parallel_loop3A_125, %parallel_loop3A_127 : vector<16xi32>
        %parallel_loop3A_129 = arith.constant -2147483648 : i32
        %parallel_loop3A_130 = vector.broadcast %parallel_loop3A_129 : i32 to vector<16xi32>
        %parallel_loop3A_131 = arith.ori %parallel_loop3A_128, %parallel_loop3A_130 : vector<16xi32>
        %parallel_loop3A_132 = arith.constant 9 : i32
        %parallel_loop3A_133 = vector.broadcast %parallel_loop3A_132 : i32 to vector<16xi32>
        %parallel_loop3A_134 = arith.shrui %parallel_loop3A_121, %parallel_loop3A_133 : vector<16xi32>
        %parallel_loop3A_135 = arith.addi %parallel_loop3A_121, %parallel_loop3A_134 : vector<16xi32>
        %parallel_loop3A_136 = arith.xori %parallel_loop3A_125, %parallel_loop3A_131 : vector<16xi32>
        tpu.vector_store_idx %arg5[%parallel_loop3A_135], %parallel_loop3A_136 : memref<32832xi32, #tpu.memory_space<vmem>>[vector<16xi32>], vector<16xi32>,
      } {sc.loop_unroll_factor = 8 : i64, sc.parallel_access}
      %parallel_loop3A_53 = arith.constant 0 : i32
      %parallel_loop3A_54 = arith.constant 512 : i32
      %parallel_loop3A_55 = arith.constant 1 : i32
      scf.for %parallel_loop3A_117 = %parallel_loop3A_53 to %parallel_loop3A_54 step %parallel_loop3A_55  : i32 {
        %parallel_loop3A_118 = arith.constant 64 : i32
        %parallel_loop3A_119 = arith.muli %parallel_loop3A_117, %parallel_loop3A_118 : i32
        %parallel_loop3A_120 = arith.constant 0 : i32
        %parallel_loop3A_121 = arith.addi %parallel_loop3A_119, %parallel_loop3A_120 : i32
        %parallel_loop3A_122 = vector.broadcast %parallel_loop3A_117 : i32 to vector<16xi32>
        %parallel_loop3A_123 = arith.addi %mul3A_23, %parallel_loop3A_122 : vector<16xi32>
        %parallel_loop3A_124 = vector.broadcast %parallel_loop3A_117 : i32 to vector<16xi32>
        %parallel_loop3A_125 = arith.addi %mul3A_35, %parallel_loop3A_124 : vector<16xi32>
        %parallel_loop3A_126 = tpu.vector_load_idx %arg5[%parallel_loop3A_125] : memref<32832xi32, #tpu.memory_space<vmem>>[vector<16xi32>], vector<16xi32>,
        %parallel_loop3A_127 = arith.constant 0 : i32
        %parallel_loop3A_128 = vector.broadcast %parallel_loop3A_127 : i32 to vector<16xi32>
        %parallel_loop3A_129 = arith.shrui %parallel_loop3A_126, %parallel_loop3A_128 : vector<16xi32>
        %parallel_loop3A_130 = arith.constant 255 : i32
        %parallel_loop3A_131 = vector.broadcast %parallel_loop3A_130 : i32 to vector<16xi32>
        %parallel_loop3A_132 = arith.andi %parallel_loop3A_129, %parallel_loop3A_131 : vector<16xi32>
        %parallel_loop3A_133 = arith.constant 64 : i32
        %parallel_loop3A_134 = vector.broadcast %parallel_loop3A_133 : i32 to vector<16xi32>
        %parallel_loop3A_135 = arith.muli %parallel_loop3A_132, %parallel_loop3A_134 : vector<16xi32>
        %parallel_loop3A_136 = arith.addi %parallel_loop3A_135, %add3A_11 : vector<16xi32>
        tpu.vector_store_idx %arg8[%parallel_loop3A_136], %broadcast_in_dim3A_45 {add = true} : memref<16384xi32, #tpu.memory_space<vmem>>[vector<16xi32>], vector<16xi32>,
        %parallel_loop3A_137 = arith.constant 17 : i32
        %parallel_loop3A_138 = vector.broadcast %parallel_loop3A_137 : i32 to vector<16xi32>
        %parallel_loop3A_139 = arith.shli %parallel_loop3A_136, %parallel_loop3A_138 : vector<16xi32>
        %parallel_loop3A_140 = arith.ori %parallel_loop3A_139, %parallel_loop3A_123 : vector<16xi32>
        %parallel_loop3A_141 = arith.index_cast %parallel_loop3A_121 : i32 to index
        %parallel_loop3A_142 = tpu.vector_load %arg7[%parallel_loop3A_141] {strides = array<i32>} : memref<32768xi32, #tpu.memory_space<vmem>>, vector<16xi32>,
        tpu.vector_store %arg7[%parallel_loop3A_141], %parallel_loop3A_140 {strides = array<i32>} : memref<32768xi32, #tpu.memory_space<vmem>>, vector<16xi32>,
        %parallel_loop3A_143 = arith.constant 64 : i32
        %parallel_loop3A_144 = arith.muli %parallel_loop3A_117, %parallel_loop3A_143 : i32
        %parallel_loop3A_145 = arith.constant 16 : i32
        %parallel_loop3A_146 = arith.addi %parallel_loop3A_144, %parallel_loop3A_145 : i32
        %parallel_loop3A_147 = vector.broadcast %parallel_loop3A_117 : i32 to vector<16xi32>
        %parallel_loop3A_148 = arith.addi %mul3A_26, %parallel_loop3A_147 : vector<16xi32>
        %parallel_loop3A_149 = vector.broadcast %parallel_loop3A_117 : i32 to vector<16xi32>
        %parallel_loop3A_150 = arith.addi %mul3A_38, %parallel_loop3A_149 : vector<16xi32>
        %parallel_loop3A_151 = tpu.vector_load_idx %arg5[%parallel_loop3A_150] : memref<32832xi32, #tpu.memory_space<vmem>>[vector<16xi32>], vector<16xi32>,
        %parallel_loop3A_152 = arith.constant 0 : i32
        %parallel_loop3A_153 = vector.broadcast %parallel_loop3A_152 : i32 to vector<16xi32>
        %parallel_loop3A_154 = arith.shrui %parallel_loop3A_151, %parallel_loop3A_153 : vector<16xi32>
        %parallel_loop3A_155 = arith.constant 255 : i32
        %parallel_loop3A_156 = vector.broadcast %parallel_loop3A_155 : i32 to vector<16xi32>
        %parallel_loop3A_157 = arith.andi %parallel_loop3A_154, %parallel_loop3A_156 : vector<16xi32>
        %parallel_loop3A_158 = arith.constant 64 : i32
        %parallel_loop3A_159 = vector.broadcast %parallel_loop3A_158 : i32 to vector<16xi32>
        %parallel_loop3A_160 = arith.muli %parallel_loop3A_157, %parallel_loop3A_159 : vector<16xi32>
        %parallel_loop3A_161 = arith.addi %parallel_loop3A_160, %add3A_14 : vector<16xi32>
        tpu.vector_store_idx %arg8[%parallel_loop3A_161], %broadcast_in_dim3A_45 {add = true} : memref<16384xi32, #tpu.memory_space<vmem>>[vector<16xi32>], vector<16xi32>,
        %parallel_loop3A_162 = arith.constant 17 : i32
        %parallel_loop3A_163 = vector.broadcast %parallel_loop3A_162 : i32 to vector<16xi32>
        %parallel_loop3A_164 = arith.shli %parallel_loop3A_161, %parallel_loop3A_163 : vector<16xi32>
        %parallel_loop3A_165 = arith.ori %parallel_loop3A_164, %parallel_loop3A_148 : vector<16xi32>
        %parallel_loop3A_166 = arith.index_cast %parallel_loop3A_146 : i32 to index
        %parallel_loop3A_167 = tpu.vector_load %arg7[%parallel_loop3A_166] {strides = array<i32>} : memref<32768xi32, #tpu.memory_space<vmem>>, vector<16xi32>,
        tpu.vector_store %arg7[%parallel_loop3A_166], %parallel_loop3A_165 {strides = array<i32>} : memref<32768xi32, #tpu.memory_space<vmem>>, vector<16xi32>,
        %parallel_loop3A_168 = arith.constant 64 : i32
        %parallel_loop3A_169 = arith.muli %parallel_loop3A_117, %parallel_loop3A_168 : i32
        %parallel_loop3A_170 = arith.constant 32 : i32
        %parallel_loop3A_171 = arith.addi %parallel_loop3A_169, %parallel_loop3A_170 : i32
        %parallel_loop3A_172 = vector.broadcast %parallel_loop3A_117 : i32 to vector<16xi32>
        %parallel_loop3A_173 = arith.addi %mul3A_29, %parallel_loop3A_172 : vector<16xi32>
        %parallel_loop3A_174 = vector.broadcast %parallel_loop3A_117 : i32 to vector<16xi32>
        %parallel_loop3A_175 = arith.addi %mul3A_41, %parallel_loop3A_174 : vector<16xi32>
        %parallel_loop3A_176 = tpu.vector_load_idx %arg5[%parallel_loop3A_175] : memref<32832xi32, #tpu.memory_space<vmem>>[vector<16xi32>], vector<16xi32>,
        %parallel_loop3A_177 = arith.constant 0 : i32
        %parallel_loop3A_178 = vector.broadcast %parallel_loop3A_177 : i32 to vector<16xi32>
        %parallel_loop3A_179 = arith.shrui %parallel_loop3A_176, %parallel_loop3A_178 : vector<16xi32>
        %parallel_loop3A_180 = arith.constant 255 : i32
        %parallel_loop3A_181 = vector.broadcast %parallel_loop3A_180 : i32 to vector<16xi32>
        %parallel_loop3A_182 = arith.andi %parallel_loop3A_179, %parallel_loop3A_181 : vector<16xi32>
        %parallel_loop3A_183 = arith.constant 64 : i32
        %parallel_loop3A_184 = vector.broadcast %parallel_loop3A_183 : i32 to vector<16xi32>
        %parallel_loop3A_185 = arith.muli %parallel_loop3A_182, %parallel_loop3A_184 : vector<16xi32>
        %parallel_loop3A_186 = arith.addi %parallel_loop3A_185, %add3A_17 : vector<16xi32>
        tpu.vector_store_idx %arg8[%parallel_loop3A_186], %broadcast_in_dim3A_45 {add = true} : memref<16384xi32, #tpu.memory_space<vmem>>[vector<16xi32>], vector<16xi32>,
        %parallel_loop3A_187 = arith.constant 17 : i32
        %parallel_loop3A_188 = vector.broadcast %parallel_loop3A_187 : i32 to vector<16xi32>
        %parallel_loop3A_189 = arith.shli %parallel_loop3A_186, %parallel_loop3A_188 : vector<16xi32>
        %parallel_loop3A_190 = arith.ori %parallel_loop3A_189, %parallel_loop3A_173 : vector<16xi32>
        %parallel_loop3A_191 = arith.index_cast %parallel_loop3A_171 : i32 to index
        %parallel_loop3A_192 = tpu.vector_load %arg7[%parallel_loop3A_191] {strides = array<i32>} : memref<32768xi32, #tpu.memory_space<vmem>>, vector<16xi32>,
        tpu.vector_store %arg7[%parallel_loop3A_191], %parallel_loop3A_190 {strides = array<i32>} : memref<32768xi32, #tpu.memory_space<vmem>>, vector<16xi32>,
        %parallel_loop3A_193 = arith.constant 64 : i32
        %parallel_loop3A_194 = arith.muli %parallel_loop3A_117, %parallel_loop3A_193 : i32
        %parallel_loop3A_195 = arith.constant 48 : i32
        %parallel_loop3A_196 = arith.addi %parallel_loop3A_194, %parallel_loop3A_195 : i32
        %parallel_loop3A_197 = vector.broadcast %parallel_loop3A_117 : i32 to vector<16xi32>
        %parallel_loop3A_198 = arith.addi %mul3A_32, %parallel_loop3A_197 : vector<16xi32>
        %parallel_loop3A_199 = vector.broadcast %parallel_loop3A_117 : i32 to vector<16xi32>
        %parallel_loop3A_200 = arith.addi %mul3A_44, %parallel_loop3A_199 : vector<16xi32>
        %parallel_loop3A_201 = tpu.vector_load_idx %arg5[%parallel_loop3A_200] : memref<32832xi32, #tpu.memory_space<vmem>>[vector<16xi32>], vector<16xi32>,
        %parallel_loop3A_202 = arith.constant 0 : i32
        %parallel_loop3A_203 = vector.broadcast %parallel_loop3A_202 : i32 to vector<16xi32>
        %parallel_loop3A_204 = arith.shrui %parallel_loop3A_201, %parallel_loop3A_203 : vector<16xi32>
        %parallel_loop3A_205 = arith.constant 255 : i32
        %parallel_loop3A_206 = vector.broadcast %parallel_loop3A_205 : i32 to vector<16xi32>
        %parallel_loop3A_207 = arith.andi %parallel_loop3A_204, %parallel_loop3A_206 : vector<16xi32>
        %parallel_loop3A_208 = arith.constant 64 : i32
        %parallel_loop3A_209 = vector.broadcast %parallel_loop3A_208 : i32 to vector<16xi32>
        %parallel_loop3A_210 = arith.muli %parallel_loop3A_207, %parallel_loop3A_209 : vector<16xi32>
        %parallel_loop3A_211 = arith.addi %parallel_loop3A_210, %add3A_20 : vector<16xi32>
        tpu.vector_store_idx %arg8[%parallel_loop3A_211], %broadcast_in_dim3A_45 {add = true} : memref<16384xi32, #tpu.memory_space<vmem>>[vector<16xi32>], vector<16xi32>,
        %parallel_loop3A_212 = arith.constant 17 : i32
        %parallel_loop3A_213 = vector.broadcast %parallel_loop3A_212 : i32 to vector<16xi32>
        %parallel_loop3A_214 = arith.shli %parallel_loop3A_211, %parallel_loop3A_213 : vector<16xi32>
        %parallel_loop3A_215 = arith.ori %parallel_loop3A_214, %parallel_loop3A_198 : vector<16xi32>
        %parallel_loop3A_216 = arith.index_cast %parallel_loop3A_196 : i32 to index
        %parallel_loop3A_217 = tpu.vector_load %arg7[%parallel_loop3A_216] {strides = array<i32>} : memref<32768xi32, #tpu.memory_space<vmem>>, vector<16xi32>,
        tpu.vector_store %arg7[%parallel_loop3A_216], %parallel_loop3A_215 {strides = array<i32>} : memref<32768xi32, #tpu.memory_space<vmem>>, vector<16xi32>,
      } {sc.loop_unroll_factor = 2 : i64, sc.parallel_access}
      %parallel_loop3A_56 = arith.constant 0 : i32
      %parallel_loop3A_57 = arith.constant 1024 : i32
      %parallel_loop3A_58 = arith.constant 1 : i32
      %parallel_loop3A_59 = arith.constant 0 : i32
      %parallel_loop3A_60 = scf.for %parallel_loop3A_117 = %parallel_loop3A_56 to %parallel_loop3A_57 step %parallel_loop3A_58 iter_args(%parallel_loop3A_118 = %parallel_loop3A_59) -> (i32)  : i32 {
        %parallel_loop3A_119 = arith.constant 16 : i32
        %parallel_loop3A_120 = arith.muli %parallel_loop3A_117, %parallel_loop3A_119 : i32
        %parallel_loop3A_121 = arith.index_cast %parallel_loop3A_120 : i32 to index
        %parallel_loop3A_122 = tpu.vector_load %arg8[%parallel_loop3A_121] {strides = array<i32>} : memref<16384xi32, #tpu.memory_space<vmem>>, vector<16xi32>,
        %parallel_loop3A_123 = arith.constant true
        %parallel_loop3A_124 = vector.broadcast %parallel_loop3A_123 : i1 to vector<16xi1>
        %parallel_loop3A_125 = tpu.scan <sum>, %parallel_loop3A_122 masked %parallel_loop3A_124 : vector<16xi32>, vector<16xi1> -> vector<16xi32>
        %parallel_loop3A_126 = arith.subi %parallel_loop3A_125, %parallel_loop3A_122 : vector<16xi32>
        %parallel_loop3A_127 = vector.broadcast %parallel_loop3A_118 : i32 to vector<16xi32>
        %parallel_loop3A_128 = arith.addi %parallel_loop3A_126, %parallel_loop3A_127 : vector<16xi32>
        %parallel_loop3A_129 = arith.index_cast %parallel_loop3A_120 : i32 to index
        %parallel_loop3A_130 = tpu.vector_load %arg8[%parallel_loop3A_129] {strides = array<i32>} : memref<16384xi32, #tpu.memory_space<vmem>>, vector<16xi32>,
        tpu.vector_store %arg8[%parallel_loop3A_129], %parallel_loop3A_128 {strides = array<i32>} : memref<16384xi32, #tpu.memory_space<vmem>>, vector<16xi32>,
        %parallel_loop3A_131 = arith.constant true
        %parallel_loop3A_132 = vector.broadcast %parallel_loop3A_131 : i1 to vector<16xi1>
        %parallel_loop3A_133 = arith.constant -2147483648 : i32
        %parallel_loop3A_134 = vector.broadcast %parallel_loop3A_133 : i32 to vector<16xi32>
        %parallel_loop3A_135 = arith.xori %parallel_loop3A_125, %parallel_loop3A_134 : vector<16xi32>
        %parallel_loop3A_136 = tpu.scan <max>, %parallel_loop3A_135 masked %parallel_loop3A_132 : vector<16xi32>, vector<16xi1> -> vector<16xi32>
        %parallel_loop3A_137 = arith.xori %parallel_loop3A_136, %parallel_loop3A_134 : vector<16xi32>
        %parallel_loop3A_138 = vector.extract %parallel_loop3A_137[15] : i32 from vector<16xi32>
        %parallel_loop3A_139 = arith.addi %parallel_loop3A_118, %parallel_loop3A_138 : i32
        scf.yield %parallel_loop3A_139 : i32
      } {sc.loop_unroll_factor = 4 : i64, sc.parallel_access}
      %scan3A_61 = arith.constant 0 : i32
      %scan3A_62 = arith.constant 512 : i32
      %scan3A_63 = arith.addi %scan3A_61, %scan3A_62 : i32
      %scan3A_64 = arith.constant 2 : i32
      scf.for %scan3A_117 = %scan3A_61 to %scan3A_63 step %scan3A_64  : i32 {
        %mul3A_118 = arith.constant 64 : i32
        %mul3A_119 = arith.muli %scan3A_117, %mul3A_118 : i32
        %add3A_120 = arith.constant 0 : i32
        %add3A_121 = arith.addi %mul3A_119, %add3A_120 : i32
        %get3A = arith.index_cast %add3A_121 : i32 to index
        %get3A_122 = tpu.vector_load %arg7[%get3A] {strides = array<i32>} : memref<32768xi32, #tpu.memory_space<vmem>>, vector<16xi32>,
        %mul3A_123 = arith.constant 64 : i32
        %mul3A_124 = arith.muli %scan3A_117, %mul3A_123 : i32
        %add3A_125 = arith.constant 16 : i32
        %add3A_126 = arith.addi %mul3A_124, %add3A_125 : i32
        %get3A_127 = arith.index_cast %add3A_126 : i32 to index
        %get3A_128 = tpu.vector_load %arg7[%get3A_127] {strides = array<i32>} : memref<32768xi32, #tpu.memory_space<vmem>>, vector<16xi32>,
        %mul3A_129 = arith.constant 64 : i32
        %mul3A_130 = arith.muli %scan3A_117, %mul3A_129 : i32
        %add3A_131 = arith.constant 32 : i32
        %add3A_132 = arith.addi %mul3A_130, %add3A_131 : i32
        %get3A_133 = arith.index_cast %add3A_132 : i32 to index
        %get3A_134 = tpu.vector_load %arg7[%get3A_133] {strides = array<i32>} : memref<32768xi32, #tpu.memory_space<vmem>>, vector<16xi32>,
        %mul3A_135 = arith.constant 64 : i32
        %mul3A_136 = arith.muli %scan3A_117, %mul3A_135 : i32
        %add3A_137 = arith.constant 48 : i32
        %add3A_138 = arith.addi %mul3A_136, %add3A_137 : i32
        %get3A_139 = arith.index_cast %add3A_138 : i32 to index
        %get3A_140 = tpu.vector_load %arg7[%get3A_139] {strides = array<i32>} : memref<32768xi32, #tpu.memory_space<vmem>>, vector<16xi32>,
        %shift_right_logical3A = arith.constant 17 : i32
        %shift_right_logical3A_141 = vector.broadcast %shift_right_logical3A : i32 to vector<16xi32>
        %shift_right_logical3A_142 = arith.shrui %get3A_122, %shift_right_logical3A_141 : vector<16xi32>
        %shift_right_logical3A_143 = arith.constant 17 : i32
        %shift_right_logical3A_144 = vector.broadcast %shift_right_logical3A_143 : i32 to vector<16xi32>
        %shift_right_logical3A_145 = arith.shrui %get3A_128, %shift_right_logical3A_144 : vector<16xi32>
        %shift_right_logical3A_146 = arith.constant 17 : i32
        %shift_right_logical3A_147 = vector.broadcast %shift_right_logical3A_146 : i32 to vector<16xi32>
        %shift_right_logical3A_148 = arith.shrui %get3A_134, %shift_right_logical3A_147 : vector<16xi32>
        %shift_right_logical3A_149 = arith.constant 17 : i32
        %shift_right_logical3A_150 = vector.broadcast %shift_right_logical3A_149 : i32 to vector<16xi32>
        %shift_right_logical3A_151 = arith.shrui %get3A_140, %shift_right_logical3A_150 : vector<16xi32>
        %gather3A = tpu.vector_load_idx %arg8[%shift_right_logical3A_142] : memref<16384xi32, #tpu.memory_space<vmem>>[vector<16xi32>], vector<16xi32>,
        %gather3A_152 = tpu.vector_load_idx %arg8[%shift_right_logical3A_145] : memref<16384xi32, #tpu.memory_space<vmem>>[vector<16xi32>], vector<16xi32>,
        %gather3A_153 = tpu.vector_load_idx %arg8[%shift_right_logical3A_148] : memref<16384xi32, #tpu.memory_space<vmem>>[vector<16xi32>], vector<16xi32>,
        %gather3A_154 = tpu.vector_load_idx %arg8[%shift_right_logical3A_151] : memref<16384xi32, #tpu.memory_space<vmem>>[vector<16xi32>], vector<16xi32>,
        %add3A_155 = arith.addi %gather3A, %broadcast_in_dim3A_45 : vector<16xi32>
        tpu.vector_store_idx %arg8[%shift_right_logical3A_142], %add3A_155 : memref<16384xi32, #tpu.memory_space<vmem>>[vector<16xi32>], vector<16xi32>,
        %add3A_156 = arith.addi %gather3A_152, %broadcast_in_dim3A_45 : vector<16xi32>
        tpu.vector_store_idx %arg8[%shift_right_logical3A_145], %add3A_156 : memref<16384xi32, #tpu.memory_space<vmem>>[vector<16xi32>], vector<16xi32>,
        %add3A_157 = arith.addi %gather3A_153, %broadcast_in_dim3A_45 : vector<16xi32>
        tpu.vector_store_idx %arg8[%shift_right_logical3A_148], %add3A_157 : memref<16384xi32, #tpu.memory_space<vmem>>[vector<16xi32>], vector<16xi32>,
        %add3A_158 = arith.addi %gather3A_154, %broadcast_in_dim3A_45 : vector<16xi32>
        tpu.vector_store_idx %arg8[%shift_right_logical3A_151], %add3A_158 : memref<16384xi32, #tpu.memory_space<vmem>>[vector<16xi32>], vector<16xi32>,
        %and3A = arith.constant 511 : i32
        %and3A_159 = vector.broadcast %and3A : i32 to vector<16xi32>
        %and3A_160 = arith.andi %gather3A, %and3A_159 : vector<16xi32>
        %mul3A_161 = arith.constant 64 : i32
        %mul3A_162 = vector.broadcast %mul3A_161 : i32 to vector<16xi32>
        %mul3A_163 = arith.muli %and3A_160, %mul3A_162 : vector<16xi32>
        %shift_right_logical3A_164 = arith.constant 9 : i32
        %shift_right_logical3A_165 = vector.broadcast %shift_right_logical3A_164 : i32 to vector<16xi32>
        %shift_right_logical3A_166 = arith.shrui %gather3A, %shift_right_logical3A_165 : vector<16xi32>
        %or3A = arith.ori %mul3A_163, %shift_right_logical3A_166 : vector<16xi32>
        %and3A_167 = arith.constant 131071 : i32
        %and3A_168 = vector.broadcast %and3A_167 : i32 to vector<16xi32>
        %and3A_169 = arith.andi %get3A_122, %and3A_168 : vector<16xi32>
        tpu.vector_store_idx %arg6[%or3A], %and3A_169 : memref<32768xi32, #tpu.memory_space<vmem>>[vector<16xi32>], vector<16xi32>,
        %and3A_170 = arith.constant 511 : i32
        %and3A_171 = vector.broadcast %and3A_170 : i32 to vector<16xi32>
        %and3A_172 = arith.andi %gather3A_152, %and3A_171 : vector<16xi32>
        %mul3A_173 = arith.constant 64 : i32
        %mul3A_174 = vector.broadcast %mul3A_173 : i32 to vector<16xi32>
        %mul3A_175 = arith.muli %and3A_172, %mul3A_174 : vector<16xi32>
        %shift_right_logical3A_176 = arith.constant 9 : i32
        %shift_right_logical3A_177 = vector.broadcast %shift_right_logical3A_176 : i32 to vector<16xi32>
        %shift_right_logical3A_178 = arith.shrui %gather3A_152, %shift_right_logical3A_177 : vector<16xi32>
        %or3A_179 = arith.ori %mul3A_175, %shift_right_logical3A_178 : vector<16xi32>
        %and3A_180 = arith.constant 131071 : i32
        %and3A_181 = vector.broadcast %and3A_180 : i32 to vector<16xi32>
        %and3A_182 = arith.andi %get3A_128, %and3A_181 : vector<16xi32>
        tpu.vector_store_idx %arg6[%or3A_179], %and3A_182 : memref<32768xi32, #tpu.memory_space<vmem>>[vector<16xi32>], vector<16xi32>,
        %and3A_183 = arith.constant 511 : i32
        %and3A_184 = vector.broadcast %and3A_183 : i32 to vector<16xi32>
        %and3A_185 = arith.andi %gather3A_153, %and3A_184 : vector<16xi32>
        %mul3A_186 = arith.constant 64 : i32
        %mul3A_187 = vector.broadcast %mul3A_186 : i32 to vector<16xi32>
        %mul3A_188 = arith.muli %and3A_185, %mul3A_187 : vector<16xi32>
        %shift_right_logical3A_189 = arith.constant 9 : i32
        %shift_right_logical3A_190 = vector.broadcast %shift_right_logical3A_189 : i32 to vector<16xi32>
        %shift_right_logical3A_191 = arith.shrui %gather3A_153, %shift_right_logical3A_190 : vector<16xi32>
        %or3A_192 = arith.ori %mul3A_188, %shift_right_logical3A_191 : vector<16xi32>
        %and3A_193 = arith.constant 131071 : i32
        %and3A_194 = vector.broadcast %and3A_193 : i32 to vector<16xi32>
        %and3A_195 = arith.andi %get3A_134, %and3A_194 : vector<16xi32>
        tpu.vector_store_idx %arg6[%or3A_192], %and3A_195 : memref<32768xi32, #tpu.memory_space<vmem>>[vector<16xi32>], vector<16xi32>,
        %and3A_196 = arith.constant 511 : i32
        %and3A_197 = vector.broadcast %and3A_196 : i32 to vector<16xi32>
        %and3A_198 = arith.andi %gather3A_154, %and3A_197 : vector<16xi32>
        %mul3A_199 = arith.constant 64 : i32
        %mul3A_200 = vector.broadcast %mul3A_199 : i32 to vector<16xi32>
        %mul3A_201 = arith.muli %and3A_198, %mul3A_200 : vector<16xi32>
        %shift_right_logical3A_202 = arith.constant 9 : i32
        %shift_right_logical3A_203 = vector.broadcast %shift_right_logical3A_202 : i32 to vector<16xi32>
        %shift_right_logical3A_204 = arith.shrui %gather3A_154, %shift_right_logical3A_203 : vector<16xi32>
        %or3A_205 = arith.ori %mul3A_201, %shift_right_logical3A_204 : vector<16xi32>
        %and3A_206 = arith.constant 131071 : i32
        %and3A_207 = vector.broadcast %and3A_206 : i32 to vector<16xi32>
        %and3A_208 = arith.andi %get3A_140, %and3A_207 : vector<16xi32>
        tpu.vector_store_idx %arg6[%or3A_205], %and3A_208 : memref<32768xi32, #tpu.memory_space<vmem>>[vector<16xi32>], vector<16xi32>,
        %scan3A_209 = arith.constant 1 : i32
        %scan3A_210 = arith.addi %scan3A_117, %scan3A_209 : i32
        %mul3A_211 = arith.constant 64 : i32
        %mul3A_212 = arith.muli %scan3A_210, %mul3A_211 : i32
        %add3A_213 = arith.constant 0 : i32
        %add3A_214 = arith.addi %mul3A_212, %add3A_213 : i32
        %get3A_215 = arith.index_cast %add3A_214 : i32 to index
        %get3A_216 = tpu.vector_load %arg7[%get3A_215] {strides = array<i32>} : memref<32768xi32, #tpu.memory_space<vmem>>, vector<16xi32>,
        %mul3A_217 = arith.constant 64 : i32
        %mul3A_218 = arith.muli %scan3A_210, %mul3A_217 : i32
        %add3A_219 = arith.constant 16 : i32
        %add3A_220 = arith.addi %mul3A_218, %add3A_219 : i32
        %get3A_221 = arith.index_cast %add3A_220 : i32 to index
        %get3A_222 = tpu.vector_load %arg7[%get3A_221] {strides = array<i32>} : memref<32768xi32, #tpu.memory_space<vmem>>, vector<16xi32>,
        %mul3A_223 = arith.constant 64 : i32
        %mul3A_224 = arith.muli %scan3A_210, %mul3A_223 : i32
        %add3A_225 = arith.constant 32 : i32
        %add3A_226 = arith.addi %mul3A_224, %add3A_225 : i32
        %get3A_227 = arith.index_cast %add3A_226 : i32 to index
        %get3A_228 = tpu.vector_load %arg7[%get3A_227] {strides = array<i32>} : memref<32768xi32, #tpu.memory_space<vmem>>, vector<16xi32>,
        %mul3A_229 = arith.constant 64 : i32
        %mul3A_230 = arith.muli %scan3A_210, %mul3A_229 : i32
        %add3A_231 = arith.constant 48 : i32
        %add3A_232 = arith.addi %mul3A_230, %add3A_231 : i32
        %get3A_233 = arith.index_cast %add3A_232 : i32 to index
        %get3A_234 = tpu.vector_load %arg7[%get3A_233] {strides = array<i32>} : memref<32768xi32, #tpu.memory_space<vmem>>, vector<16xi32>,
        %shift_right_logical3A_235 = arith.constant 17 : i32
        %shift_right_logical3A_236 = vector.broadcast %shift_right_logical3A_235 : i32 to vector<16xi32>
        %shift_right_logical3A_237 = arith.shrui %get3A_216, %shift_right_logical3A_236 : vector<16xi32>
        %shift_right_logical3A_238 = arith.constant 17 : i32
        %shift_right_logical3A_239 = vector.broadcast %shift_right_logical3A_238 : i32 to vector<16xi32>
        %shift_right_logical3A_240 = arith.shrui %get3A_222, %shift_right_logical3A_239 : vector<16xi32>
        %shift_right_logical3A_241 = arith.constant 17 : i32
        %shift_right_logical3A_242 = vector.broadcast %shift_right_logical3A_241 : i32 to vector<16xi32>
        %shift_right_logical3A_243 = arith.shrui %get3A_228, %shift_right_logical3A_242 : vector<16xi32>
        %shift_right_logical3A_244 = arith.constant 17 : i32
        %shift_right_logical3A_245 = vector.broadcast %shift_right_logical3A_244 : i32 to vector<16xi32>
        %shift_right_logical3A_246 = arith.shrui %get3A_234, %shift_right_logical3A_245 : vector<16xi32>
        %gather3A_247 = tpu.vector_load_idx %arg8[%shift_right_logical3A_237] : memref<16384xi32, #tpu.memory_space<vmem>>[vector<16xi32>], vector<16xi32>,
        %gather3A_248 = tpu.vector_load_idx %arg8[%shift_right_logical3A_240] : memref<16384xi32, #tpu.memory_space<vmem>>[vector<16xi32>], vector<16xi32>,
        %gather3A_249 = tpu.vector_load_idx %arg8[%shift_right_logical3A_243] : memref<16384xi32, #tpu.memory_space<vmem>>[vector<16xi32>], vector<16xi32>,
        %gather3A_250 = tpu.vector_load_idx %arg8[%shift_right_logical3A_246] : memref<16384xi32, #tpu.memory_space<vmem>>[vector<16xi32>], vector<16xi32>,
        %add3A_251 = arith.addi %gather3A_247, %broadcast_in_dim3A_45 : vector<16xi32>
        tpu.vector_store_idx %arg8[%shift_right_logical3A_237], %add3A_251 : memref<16384xi32, #tpu.memory_space<vmem>>[vector<16xi32>], vector<16xi32>,
        %add3A_252 = arith.addi %gather3A_248, %broadcast_in_dim3A_45 : vector<16xi32>
        tpu.vector_store_idx %arg8[%shift_right_logical3A_240], %add3A_252 : memref<16384xi32, #tpu.memory_space<vmem>>[vector<16xi32>], vector<16xi32>,
        %add3A_253 = arith.addi %gather3A_249, %broadcast_in_dim3A_45 : vector<16xi32>
        tpu.vector_store_idx %arg8[%shift_right_logical3A_243], %add3A_253 : memref<16384xi32, #tpu.memory_space<vmem>>[vector<16xi32>], vector<16xi32>,
        %add3A_254 = arith.addi %gather3A_250, %broadcast_in_dim3A_45 : vector<16xi32>
        tpu.vector_store_idx %arg8[%shift_right_logical3A_246], %add3A_254 : memref<16384xi32, #tpu.memory_space<vmem>>[vector<16xi32>], vector<16xi32>,
        %and3A_255 = arith.constant 511 : i32
        %and3A_256 = vector.broadcast %and3A_255 : i32 to vector<16xi32>
        %and3A_257 = arith.andi %gather3A_247, %and3A_256 : vector<16xi32>
        %mul3A_258 = arith.constant 64 : i32
        %mul3A_259 = vector.broadcast %mul3A_258 : i32 to vector<16xi32>
        %mul3A_260 = arith.muli %and3A_257, %mul3A_259 : vector<16xi32>
        %shift_right_logical3A_261 = arith.constant 9 : i32
        %shift_right_logical3A_262 = vector.broadcast %shift_right_logical3A_261 : i32 to vector<16xi32>
        %shift_right_logical3A_263 = arith.shrui %gather3A_247, %shift_right_logical3A_262 : vector<16xi32>
        %or3A_264 = arith.ori %mul3A_260, %shift_right_logical3A_263 : vector<16xi32>
        %and3A_265 = arith.constant 131071 : i32
        %and3A_266 = vector.broadcast %and3A_265 : i32 to vector<16xi32>
        %and3A_267 = arith.andi %get3A_216, %and3A_266 : vector<16xi32>
        tpu.vector_store_idx %arg6[%or3A_264], %and3A_267 : memref<32768xi32, #tpu.memory_space<vmem>>[vector<16xi32>], vector<16xi32>,
        %and3A_268 = arith.constant 511 : i32
        %and3A_269 = vector.broadcast %and3A_268 : i32 to vector<16xi32>
        %and3A_270 = arith.andi %gather3A_248, %and3A_269 : vector<16xi32>
        %mul3A_271 = arith.constant 64 : i32
        %mul3A_272 = vector.broadcast %mul3A_271 : i32 to vector<16xi32>
        %mul3A_273 = arith.muli %and3A_270, %mul3A_272 : vector<16xi32>
        %shift_right_logical3A_274 = arith.constant 9 : i32
        %shift_right_logical3A_275 = vector.broadcast %shift_right_logical3A_274 : i32 to vector<16xi32>
        %shift_right_logical3A_276 = arith.shrui %gather3A_248, %shift_right_logical3A_275 : vector<16xi32>
        %or3A_277 = arith.ori %mul3A_273, %shift_right_logical3A_276 : vector<16xi32>
        %and3A_278 = arith.constant 131071 : i32
        %and3A_279 = vector.broadcast %and3A_278 : i32 to vector<16xi32>
        %and3A_280 = arith.andi %get3A_222, %and3A_279 : vector<16xi32>
        tpu.vector_store_idx %arg6[%or3A_277], %and3A_280 : memref<32768xi32, #tpu.memory_space<vmem>>[vector<16xi32>], vector<16xi32>,
        %and3A_281 = arith.constant 511 : i32
        %and3A_282 = vector.broadcast %and3A_281 : i32 to vector<16xi32>
        %and3A_283 = arith.andi %gather3A_249, %and3A_282 : vector<16xi32>
        %mul3A_284 = arith.constant 64 : i32
        %mul3A_285 = vector.broadcast %mul3A_284 : i32 to vector<16xi32>
        %mul3A_286 = arith.muli %and3A_283, %mul3A_285 : vector<16xi32>
        %shift_right_logical3A_287 = arith.constant 9 : i32
        %shift_right_logical3A_288 = vector.broadcast %shift_right_logical3A_287 : i32 to vector<16xi32>
        %shift_right_logical3A_289 = arith.shrui %gather3A_249, %shift_right_logical3A_288 : vector<16xi32>
        %or3A_290 = arith.ori %mul3A_286, %shift_right_logical3A_289 : vector<16xi32>
        %and3A_291 = arith.constant 131071 : i32
        %and3A_292 = vector.broadcast %and3A_291 : i32 to vector<16xi32>
        %and3A_293 = arith.andi %get3A_228, %and3A_292 : vector<16xi32>
        tpu.vector_store_idx %arg6[%or3A_290], %and3A_293 : memref<32768xi32, #tpu.memory_space<vmem>>[vector<16xi32>], vector<16xi32>,
        %and3A_294 = arith.constant 511 : i32
        %and3A_295 = vector.broadcast %and3A_294 : i32 to vector<16xi32>
        %and3A_296 = arith.andi %gather3A_250, %and3A_295 : vector<16xi32>
        %mul3A_297 = arith.constant 64 : i32
        %mul3A_298 = vector.broadcast %mul3A_297 : i32 to vector<16xi32>
        %mul3A_299 = arith.muli %and3A_296, %mul3A_298 : vector<16xi32>
        %shift_right_logical3A_300 = arith.constant 9 : i32
        %shift_right_logical3A_301 = vector.broadcast %shift_right_logical3A_300 : i32 to vector<16xi32>
        %shift_right_logical3A_302 = arith.shrui %gather3A_250, %shift_right_logical3A_301 : vector<16xi32>
        %or3A_303 = arith.ori %mul3A_299, %shift_right_logical3A_302 : vector<16xi32>
        %and3A_304 = arith.constant 131071 : i32
        %and3A_305 = vector.broadcast %and3A_304 : i32 to vector<16xi32>
        %and3A_306 = arith.andi %get3A_234, %and3A_305 : vector<16xi32>
        tpu.vector_store_idx %arg6[%or3A_303], %and3A_306 : memref<32768xi32, #tpu.memory_space<vmem>>[vector<16xi32>], vector<16xi32>,
      }
      %scan3A_65 = arith.constant 512 : i32
      %parallel_loop3A_66 = arith.constant 0 : i32
      %parallel_loop3A_67 = arith.constant 1024 : i32
      %parallel_loop3A_68 = arith.constant 1 : i32
      scf.for %parallel_loop3A_117 = %parallel_loop3A_66 to %parallel_loop3A_67 step %parallel_loop3A_68  : i32 {
        %parallel_loop3A_118 = arith.constant 16 : i32
        %parallel_loop3A_119 = arith.muli %parallel_loop3A_117, %parallel_loop3A_118 : i32
        %parallel_loop3A_120 = arith.index_cast %parallel_loop3A_119 : i32 to index
        %parallel_loop3A_121 = tpu.vector_load %arg8[%parallel_loop3A_120] {strides = array<i32>} : memref<16384xi32, #tpu.memory_space<vmem>>, vector<16xi32>,
        tpu.vector_store %arg8[%parallel_loop3A_120], %broadcast_in_dim3A_47 {strides = array<i32>} : memref<16384xi32, #tpu.memory_space<vmem>>, vector<16xi32>,
      } {sc.loop_unroll_factor = 8 : i64, sc.parallel_access}
      %parallel_loop3A_69 = arith.constant 0 : i32
      %parallel_loop3A_70 = arith.constant 512 : i32
      %parallel_loop3A_71 = arith.constant 1 : i32
      scf.for %parallel_loop3A_117 = %parallel_loop3A_69 to %parallel_loop3A_70 step %parallel_loop3A_71  : i32 {
        %parallel_loop3A_118 = arith.constant 64 : i32
        %parallel_loop3A_119 = arith.muli %parallel_loop3A_117, %parallel_loop3A_118 : i32
        %parallel_loop3A_120 = arith.constant 0 : i32
        %parallel_loop3A_121 = arith.addi %parallel_loop3A_119, %parallel_loop3A_120 : i32
        %parallel_loop3A_122 = arith.index_cast %parallel_loop3A_121 : i32 to index
        %parallel_loop3A_123 = tpu.vector_load %arg6[%parallel_loop3A_122] {strides = array<i32>} : memref<32768xi32, #tpu.memory_space<vmem>>, vector<16xi32>,
        %parallel_loop3A_124 = arith.constant 9 : i32
        %parallel_loop3A_125 = vector.broadcast %parallel_loop3A_124 : i32 to vector<16xi32>
        %parallel_loop3A_126 = arith.shrui %parallel_loop3A_123, %parallel_loop3A_125 : vector<16xi32>
        %parallel_loop3A_127 = arith.addi %parallel_loop3A_123, %parallel_loop3A_126 : vector<16xi32>
        %parallel_loop3A_128 = tpu.vector_load_idx %arg5[%parallel_loop3A_127] : memref<32832xi32, #tpu.memory_space<vmem>>[vector<16xi32>], vector<16xi32>,
        %parallel_loop3A_129 = arith.constant 8 : i32
        %parallel_loop3A_130 = vector.broadcast %parallel_loop3A_129 : i32 to vector<16xi32>
        %parallel_loop3A_131 = arith.shrui %parallel_loop3A_128, %parallel_loop3A_130 : vector<16xi32>
        %parallel_loop3A_132 = arith.constant 255 : i32
        %parallel_loop3A_133 = vector.broadcast %parallel_loop3A_132 : i32 to vector<16xi32>
        %parallel_loop3A_134 = arith.andi %parallel_loop3A_131, %parallel_loop3A_133 : vector<16xi32>
        %parallel_loop3A_135 = arith.constant 64 : i32
        %parallel_loop3A_136 = vector.broadcast %parallel_loop3A_135 : i32 to vector<16xi32>
        %parallel_loop3A_137 = arith.muli %parallel_loop3A_134, %parallel_loop3A_136 : vector<16xi32>
        %parallel_loop3A_138 = arith.addi %parallel_loop3A_137, %add3A_11 : vector<16xi32>
        tpu.vector_store_idx %arg8[%parallel_loop3A_138], %broadcast_in_dim3A_45 {add = true} : memref<16384xi32, #tpu.memory_space<vmem>>[vector<16xi32>], vector<16xi32>,
        %parallel_loop3A_139 = arith.constant 17 : i32
        %parallel_loop3A_140 = vector.broadcast %parallel_loop3A_139 : i32 to vector<16xi32>
        %parallel_loop3A_141 = arith.shli %parallel_loop3A_138, %parallel_loop3A_140 : vector<16xi32>
        %parallel_loop3A_142 = arith.ori %parallel_loop3A_141, %parallel_loop3A_123 : vector<16xi32>
        %parallel_loop3A_143 = arith.index_cast %parallel_loop3A_121 : i32 to index
        %parallel_loop3A_144 = tpu.vector_load %arg6[%parallel_loop3A_143] {strides = array<i32>} : memref<32768xi32, #tpu.memory_space<vmem>>, vector<16xi32>,
        tpu.vector_store %arg6[%parallel_loop3A_143], %parallel_loop3A_142 {strides = array<i32>} : memref<32768xi32, #tpu.memory_space<vmem>>, vector<16xi32>,
        %parallel_loop3A_145 = arith.constant 64 : i32
        %parallel_loop3A_146 = arith.muli %parallel_loop3A_117, %parallel_loop3A_145 : i32
        %parallel_loop3A_147 = arith.constant 16 : i32
        %parallel_loop3A_148 = arith.addi %parallel_loop3A_146, %parallel_loop3A_147 : i32
        %parallel_loop3A_149 = arith.index_cast %parallel_loop3A_148 : i32 to index
        %parallel_loop3A_150 = tpu.vector_load %arg6[%parallel_loop3A_149] {strides = array<i32>} : memref<32768xi32, #tpu.memory_space<vmem>>, vector<16xi32>,
        %parallel_loop3A_151 = arith.constant 9 : i32
        %parallel_loop3A_152 = vector.broadcast %parallel_loop3A_151 : i32 to vector<16xi32>
        %parallel_loop3A_153 = arith.shrui %parallel_loop3A_150, %parallel_loop3A_152 : vector<16xi32>
        %parallel_loop3A_154 = arith.addi %parallel_loop3A_150, %parallel_loop3A_153 : vector<16xi32>
        %parallel_loop3A_155 = tpu.vector_load_idx %arg5[%parallel_loop3A_154] : memref<32832xi32, #tpu.memory_space<vmem>>[vector<16xi32>], vector<16xi32>,
        %parallel_loop3A_156 = arith.constant 8 : i32
        %parallel_loop3A_157 = vector.broadcast %parallel_loop3A_156 : i32 to vector<16xi32>
        %parallel_loop3A_158 = arith.shrui %parallel_loop3A_155, %parallel_loop3A_157 : vector<16xi32>
        %parallel_loop3A_159 = arith.constant 255 : i32
        %parallel_loop3A_160 = vector.broadcast %parallel_loop3A_159 : i32 to vector<16xi32>
        %parallel_loop3A_161 = arith.andi %parallel_loop3A_158, %parallel_loop3A_160 : vector<16xi32>
        %parallel_loop3A_162 = arith.constant 64 : i32
        %parallel_loop3A_163 = vector.broadcast %parallel_loop3A_162 : i32 to vector<16xi32>
        %parallel_loop3A_164 = arith.muli %parallel_loop3A_161, %parallel_loop3A_163 : vector<16xi32>
        %parallel_loop3A_165 = arith.addi %parallel_loop3A_164, %add3A_14 : vector<16xi32>
        tpu.vector_store_idx %arg8[%parallel_loop3A_165], %broadcast_in_dim3A_45 {add = true} : memref<16384xi32, #tpu.memory_space<vmem>>[vector<16xi32>], vector<16xi32>,
        %parallel_loop3A_166 = arith.constant 17 : i32
        %parallel_loop3A_167 = vector.broadcast %parallel_loop3A_166 : i32 to vector<16xi32>
        %parallel_loop3A_168 = arith.shli %parallel_loop3A_165, %parallel_loop3A_167 : vector<16xi32>
        %parallel_loop3A_169 = arith.ori %parallel_loop3A_168, %parallel_loop3A_150 : vector<16xi32>
        %parallel_loop3A_170 = arith.index_cast %parallel_loop3A_148 : i32 to index
        %parallel_loop3A_171 = tpu.vector_load %arg6[%parallel_loop3A_170] {strides = array<i32>} : memref<32768xi32, #tpu.memory_space<vmem>>, vector<16xi32>,
        tpu.vector_store %arg6[%parallel_loop3A_170], %parallel_loop3A_169 {strides = array<i32>} : memref<32768xi32, #tpu.memory_space<vmem>>, vector<16xi32>,
        %parallel_loop3A_172 = arith.constant 64 : i32
        %parallel_loop3A_173 = arith.muli %parallel_loop3A_117, %parallel_loop3A_172 : i32
        %parallel_loop3A_174 = arith.constant 32 : i32
        %parallel_loop3A_175 = arith.addi %parallel_loop3A_173, %parallel_loop3A_174 : i32
        %parallel_loop3A_176 = arith.index_cast %parallel_loop3A_175 : i32 to index
        %parallel_loop3A_177 = tpu.vector_load %arg6[%parallel_loop3A_176] {strides = array<i32>} : memref<32768xi32, #tpu.memory_space<vmem>>, vector<16xi32>,
        %parallel_loop3A_178 = arith.constant 9 : i32
        %parallel_loop3A_179 = vector.broadcast %parallel_loop3A_178 : i32 to vector<16xi32>
        %parallel_loop3A_180 = arith.shrui %parallel_loop3A_177, %parallel_loop3A_179 : vector<16xi32>
        %parallel_loop3A_181 = arith.addi %parallel_loop3A_177, %parallel_loop3A_180 : vector<16xi32>
        %parallel_loop3A_182 = tpu.vector_load_idx %arg5[%parallel_loop3A_181] : memref<32832xi32, #tpu.memory_space<vmem>>[vector<16xi32>], vector<16xi32>,
        %parallel_loop3A_183 = arith.constant 8 : i32
        %parallel_loop3A_184 = vector.broadcast %parallel_loop3A_183 : i32 to vector<16xi32>
        %parallel_loop3A_185 = arith.shrui %parallel_loop3A_182, %parallel_loop3A_184 : vector<16xi32>
        %parallel_loop3A_186 = arith.constant 255 : i32
        %parallel_loop3A_187 = vector.broadcast %parallel_loop3A_186 : i32 to vector<16xi32>
        %parallel_loop3A_188 = arith.andi %parallel_loop3A_185, %parallel_loop3A_187 : vector<16xi32>
        %parallel_loop3A_189 = arith.constant 64 : i32
        %parallel_loop3A_190 = vector.broadcast %parallel_loop3A_189 : i32 to vector<16xi32>
        %parallel_loop3A_191 = arith.muli %parallel_loop3A_188, %parallel_loop3A_190 : vector<16xi32>
        %parallel_loop3A_192 = arith.addi %parallel_loop3A_191, %add3A_17 : vector<16xi32>
        tpu.vector_store_idx %arg8[%parallel_loop3A_192], %broadcast_in_dim3A_45 {add = true} : memref<16384xi32, #tpu.memory_space<vmem>>[vector<16xi32>], vector<16xi32>,
        %parallel_loop3A_193 = arith.constant 17 : i32
        %parallel_loop3A_194 = vector.broadcast %parallel_loop3A_193 : i32 to vector<16xi32>
        %parallel_loop3A_195 = arith.shli %parallel_loop3A_192, %parallel_loop3A_194 : vector<16xi32>
        %parallel_loop3A_196 = arith.ori %parallel_loop3A_195, %parallel_loop3A_177 : vector<16xi32>
        %parallel_loop3A_197 = arith.index_cast %parallel_loop3A_175 : i32 to index
        %parallel_loop3A_198 = tpu.vector_load %arg6[%parallel_loop3A_197] {strides = array<i32>} : memref<32768xi32, #tpu.memory_space<vmem>>, vector<16xi32>,
        tpu.vector_store %arg6[%parallel_loop3A_197], %parallel_loop3A_196 {strides = array<i32>} : memref<32768xi32, #tpu.memory_space<vmem>>, vector<16xi32>,
        %parallel_loop3A_199 = arith.constant 64 : i32
        %parallel_loop3A_200 = arith.muli %parallel_loop3A_117, %parallel_loop3A_199 : i32
        %parallel_loop3A_201 = arith.constant 48 : i32
        %parallel_loop3A_202 = arith.addi %parallel_loop3A_200, %parallel_loop3A_201 : i32
        %parallel_loop3A_203 = arith.index_cast %parallel_loop3A_202 : i32 to index
        %parallel_loop3A_204 = tpu.vector_load %arg6[%parallel_loop3A_203] {strides = array<i32>} : memref<32768xi32, #tpu.memory_space<vmem>>, vector<16xi32>,
        %parallel_loop3A_205 = arith.constant 9 : i32
        %parallel_loop3A_206 = vector.broadcast %parallel_loop3A_205 : i32 to vector<16xi32>
        %parallel_loop3A_207 = arith.shrui %parallel_loop3A_204, %parallel_loop3A_206 : vector<16xi32>
        %parallel_loop3A_208 = arith.addi %parallel_loop3A_204, %parallel_loop3A_207 : vector<16xi32>
        %parallel_loop3A_209 = tpu.vector_load_idx %arg5[%parallel_loop3A_208] : memref<32832xi32, #tpu.memory_space<vmem>>[vector<16xi32>], vector<16xi32>,
        %parallel_loop3A_210 = arith.constant 8 : i32
        %parallel_loop3A_211 = vector.broadcast %parallel_loop3A_210 : i32 to vector<16xi32>
        %parallel_loop3A_212 = arith.shrui %parallel_loop3A_209, %parallel_loop3A_211 : vector<16xi32>
        %parallel_loop3A_213 = arith.constant 255 : i32
        %parallel_loop3A_214 = vector.broadcast %parallel_loop3A_213 : i32 to vector<16xi32>
        %parallel_loop3A_215 = arith.andi %parallel_loop3A_212, %parallel_loop3A_214 : vector<16xi32>
        %parallel_loop3A_216 = arith.constant 64 : i32
        %parallel_loop3A_217 = vector.broadcast %parallel_loop3A_216 : i32 to vector<16xi32>
        %parallel_loop3A_218 = arith.muli %parallel_loop3A_215, %parallel_loop3A_217 : vector<16xi32>
        %parallel_loop3A_219 = arith.addi %parallel_loop3A_218, %add3A_20 : vector<16xi32>
        tpu.vector_store_idx %arg8[%parallel_loop3A_219], %broadcast_in_dim3A_45 {add = true} : memref<16384xi32, #tpu.memory_space<vmem>>[vector<16xi32>], vector<16xi32>,
        %parallel_loop3A_220 = arith.constant 17 : i32
        %parallel_loop3A_221 = vector.broadcast %parallel_loop3A_220 : i32 to vector<16xi32>
        %parallel_loop3A_222 = arith.shli %parallel_loop3A_219, %parallel_loop3A_221 : vector<16xi32>
        %parallel_loop3A_223 = arith.ori %parallel_loop3A_222, %parallel_loop3A_204 : vector<16xi32>
        %parallel_loop3A_224 = arith.index_cast %parallel_loop3A_202 : i32 to index
        %parallel_loop3A_225 = tpu.vector_load %arg6[%parallel_loop3A_224] {strides = array<i32>} : memref<32768xi32, #tpu.memory_space<vmem>>, vector<16xi32>,
        tpu.vector_store %arg6[%parallel_loop3A_224], %parallel_loop3A_223 {strides = array<i32>} : memref<32768xi32, #tpu.memory_space<vmem>>, vector<16xi32>,
      } {sc.loop_unroll_factor = 2 : i64, sc.parallel_access}
      %parallel_loop3A_72 = arith.constant 0 : i32
      %parallel_loop3A_73 = arith.constant 1024 : i32
      %parallel_loop3A_74 = arith.constant 1 : i32
      %parallel_loop3A_75 = arith.constant 0 : i32
      %parallel_loop3A_76 = scf.for %parallel_loop3A_117 = %parallel_loop3A_72 to %parallel_loop3A_73 step %parallel_loop3A_74 iter_args(%parallel_loop3A_118 = %parallel_loop3A_75) -> (i32)  : i32 {
        %parallel_loop3A_119 = arith.constant 16 : i32
        %parallel_loop3A_120 = arith.muli %parallel_loop3A_117, %parallel_loop3A_119 : i32
        %parallel_loop3A_121 = arith.index_cast %parallel_loop3A_120 : i32 to index
        %parallel_loop3A_122 = tpu.vector_load %arg8[%parallel_loop3A_121] {strides = array<i32>} : memref<16384xi32, #tpu.memory_space<vmem>>, vector<16xi32>,
        %parallel_loop3A_123 = arith.constant true
        %parallel_loop3A_124 = vector.broadcast %parallel_loop3A_123 : i1 to vector<16xi1>
        %parallel_loop3A_125 = tpu.scan <sum>, %parallel_loop3A_122 masked %parallel_loop3A_124 : vector<16xi32>, vector<16xi1> -> vector<16xi32>
        %parallel_loop3A_126 = arith.subi %parallel_loop3A_125, %parallel_loop3A_122 : vector<16xi32>
        %parallel_loop3A_127 = vector.broadcast %parallel_loop3A_118 : i32 to vector<16xi32>
        %parallel_loop3A_128 = arith.addi %parallel_loop3A_126, %parallel_loop3A_127 : vector<16xi32>
        %parallel_loop3A_129 = arith.index_cast %parallel_loop3A_120 : i32 to index
        %parallel_loop3A_130 = tpu.vector_load %arg8[%parallel_loop3A_129] {strides = array<i32>} : memref<16384xi32, #tpu.memory_space<vmem>>, vector<16xi32>,
        tpu.vector_store %arg8[%parallel_loop3A_129], %parallel_loop3A_128 {strides = array<i32>} : memref<16384xi32, #tpu.memory_space<vmem>>, vector<16xi32>,
        %parallel_loop3A_131 = arith.constant true
        %parallel_loop3A_132 = vector.broadcast %parallel_loop3A_131 : i1 to vector<16xi1>
        %parallel_loop3A_133 = arith.constant -2147483648 : i32
        %parallel_loop3A_134 = vector.broadcast %parallel_loop3A_133 : i32 to vector<16xi32>
        %parallel_loop3A_135 = arith.xori %parallel_loop3A_125, %parallel_loop3A_134 : vector<16xi32>
        %parallel_loop3A_136 = tpu.scan <max>, %parallel_loop3A_135 masked %parallel_loop3A_132 : vector<16xi32>, vector<16xi1> -> vector<16xi32>
        %parallel_loop3A_137 = arith.xori %parallel_loop3A_136, %parallel_loop3A_134 : vector<16xi32>
        %parallel_loop3A_138 = vector.extract %parallel_loop3A_137[15] : i32 from vector<16xi32>
        %parallel_loop3A_139 = arith.addi %parallel_loop3A_118, %parallel_loop3A_138 : i32
        scf.yield %parallel_loop3A_139 : i32
      } {sc.loop_unroll_factor = 4 : i64, sc.parallel_access}
      %scan3A_77 = arith.constant 0 : i32
      %scan3A_78 = arith.constant 512 : i32
      %scan3A_79 = arith.addi %scan3A_77, %scan3A_78 : i32
      %scan3A_80 = arith.constant 2 : i32
      scf.for %scan3A_117 = %scan3A_77 to %scan3A_79 step %scan3A_80  : i32 {
        %mul3A_118 = arith.constant 64 : i32
        %mul3A_119 = arith.muli %scan3A_117, %mul3A_118 : i32
        %add3A_120 = arith.constant 0 : i32
        %add3A_121 = arith.addi %mul3A_119, %add3A_120 : i32
        %get3A = arith.index_cast %add3A_121 : i32 to index
        %get3A_122 = tpu.vector_load %arg6[%get3A] {strides = array<i32>} : memref<32768xi32, #tpu.memory_space<vmem>>, vector<16xi32>,
        %mul3A_123 = arith.constant 64 : i32
        %mul3A_124 = arith.muli %scan3A_117, %mul3A_123 : i32
        %add3A_125 = arith.constant 16 : i32
        %add3A_126 = arith.addi %mul3A_124, %add3A_125 : i32
        %get3A_127 = arith.index_cast %add3A_126 : i32 to index
        %get3A_128 = tpu.vector_load %arg6[%get3A_127] {strides = array<i32>} : memref<32768xi32, #tpu.memory_space<vmem>>, vector<16xi32>,
        %mul3A_129 = arith.constant 64 : i32
        %mul3A_130 = arith.muli %scan3A_117, %mul3A_129 : i32
        %add3A_131 = arith.constant 32 : i32
        %add3A_132 = arith.addi %mul3A_130, %add3A_131 : i32
        %get3A_133 = arith.index_cast %add3A_132 : i32 to index
        %get3A_134 = tpu.vector_load %arg6[%get3A_133] {strides = array<i32>} : memref<32768xi32, #tpu.memory_space<vmem>>, vector<16xi32>,
        %mul3A_135 = arith.constant 64 : i32
        %mul3A_136 = arith.muli %scan3A_117, %mul3A_135 : i32
        %add3A_137 = arith.constant 48 : i32
        %add3A_138 = arith.addi %mul3A_136, %add3A_137 : i32
        %get3A_139 = arith.index_cast %add3A_138 : i32 to index
        %get3A_140 = tpu.vector_load %arg6[%get3A_139] {strides = array<i32>} : memref<32768xi32, #tpu.memory_space<vmem>>, vector<16xi32>,
        %shift_right_logical3A = arith.constant 17 : i32
        %shift_right_logical3A_141 = vector.broadcast %shift_right_logical3A : i32 to vector<16xi32>
        %shift_right_logical3A_142 = arith.shrui %get3A_122, %shift_right_logical3A_141 : vector<16xi32>
        %shift_right_logical3A_143 = arith.constant 17 : i32
        %shift_right_logical3A_144 = vector.broadcast %shift_right_logical3A_143 : i32 to vector<16xi32>
        %shift_right_logical3A_145 = arith.shrui %get3A_128, %shift_right_logical3A_144 : vector<16xi32>
        %shift_right_logical3A_146 = arith.constant 17 : i32
        %shift_right_logical3A_147 = vector.broadcast %shift_right_logical3A_146 : i32 to vector<16xi32>
        %shift_right_logical3A_148 = arith.shrui %get3A_134, %shift_right_logical3A_147 : vector<16xi32>
        %shift_right_logical3A_149 = arith.constant 17 : i32
        %shift_right_logical3A_150 = vector.broadcast %shift_right_logical3A_149 : i32 to vector<16xi32>
        %shift_right_logical3A_151 = arith.shrui %get3A_140, %shift_right_logical3A_150 : vector<16xi32>
        %gather3A = tpu.vector_load_idx %arg8[%shift_right_logical3A_142] : memref<16384xi32, #tpu.memory_space<vmem>>[vector<16xi32>], vector<16xi32>,
        %gather3A_152 = tpu.vector_load_idx %arg8[%shift_right_logical3A_145] : memref<16384xi32, #tpu.memory_space<vmem>>[vector<16xi32>], vector<16xi32>,
        %gather3A_153 = tpu.vector_load_idx %arg8[%shift_right_logical3A_148] : memref<16384xi32, #tpu.memory_space<vmem>>[vector<16xi32>], vector<16xi32>,
        %gather3A_154 = tpu.vector_load_idx %arg8[%shift_right_logical3A_151] : memref<16384xi32, #tpu.memory_space<vmem>>[vector<16xi32>], vector<16xi32>,
        %add3A_155 = arith.addi %gather3A, %broadcast_in_dim3A_45 : vector<16xi32>
        tpu.vector_store_idx %arg8[%shift_right_logical3A_142], %add3A_155 : memref<16384xi32, #tpu.memory_space<vmem>>[vector<16xi32>], vector<16xi32>,
        %add3A_156 = arith.addi %gather3A_152, %broadcast_in_dim3A_45 : vector<16xi32>
        tpu.vector_store_idx %arg8[%shift_right_logical3A_145], %add3A_156 : memref<16384xi32, #tpu.memory_space<vmem>>[vector<16xi32>], vector<16xi32>,
        %add3A_157 = arith.addi %gather3A_153, %broadcast_in_dim3A_45 : vector<16xi32>
        tpu.vector_store_idx %arg8[%shift_right_logical3A_148], %add3A_157 : memref<16384xi32, #tpu.memory_space<vmem>>[vector<16xi32>], vector<16xi32>,
        %add3A_158 = arith.addi %gather3A_154, %broadcast_in_dim3A_45 : vector<16xi32>
        tpu.vector_store_idx %arg8[%shift_right_logical3A_151], %add3A_158 : memref<16384xi32, #tpu.memory_space<vmem>>[vector<16xi32>], vector<16xi32>,
        %and3A = arith.constant 511 : i32
        %and3A_159 = vector.broadcast %and3A : i32 to vector<16xi32>
        %and3A_160 = arith.andi %gather3A, %and3A_159 : vector<16xi32>
        %mul3A_161 = arith.constant 64 : i32
        %mul3A_162 = vector.broadcast %mul3A_161 : i32 to vector<16xi32>
        %mul3A_163 = arith.muli %and3A_160, %mul3A_162 : vector<16xi32>
        %shift_right_logical3A_164 = arith.constant 9 : i32
        %shift_right_logical3A_165 = vector.broadcast %shift_right_logical3A_164 : i32 to vector<16xi32>
        %shift_right_logical3A_166 = arith.shrui %gather3A, %shift_right_logical3A_165 : vector<16xi32>
        %or3A = arith.ori %mul3A_163, %shift_right_logical3A_166 : vector<16xi32>
        %and3A_167 = arith.constant 131071 : i32
        %and3A_168 = vector.broadcast %and3A_167 : i32 to vector<16xi32>
        %and3A_169 = arith.andi %get3A_122, %and3A_168 : vector<16xi32>
        tpu.vector_store_idx %arg7[%or3A], %and3A_169 : memref<32768xi32, #tpu.memory_space<vmem>>[vector<16xi32>], vector<16xi32>,
        %and3A_170 = arith.constant 511 : i32
        %and3A_171 = vector.broadcast %and3A_170 : i32 to vector<16xi32>
        %and3A_172 = arith.andi %gather3A_152, %and3A_171 : vector<16xi32>
        %mul3A_173 = arith.constant 64 : i32
        %mul3A_174 = vector.broadcast %mul3A_173 : i32 to vector<16xi32>
        %mul3A_175 = arith.muli %and3A_172, %mul3A_174 : vector<16xi32>
        %shift_right_logical3A_176 = arith.constant 9 : i32
        %shift_right_logical3A_177 = vector.broadcast %shift_right_logical3A_176 : i32 to vector<16xi32>
        %shift_right_logical3A_178 = arith.shrui %gather3A_152, %shift_right_logical3A_177 : vector<16xi32>
        %or3A_179 = arith.ori %mul3A_175, %shift_right_logical3A_178 : vector<16xi32>
        %and3A_180 = arith.constant 131071 : i32
        %and3A_181 = vector.broadcast %and3A_180 : i32 to vector<16xi32>
        %and3A_182 = arith.andi %get3A_128, %and3A_181 : vector<16xi32>
        tpu.vector_store_idx %arg7[%or3A_179], %and3A_182 : memref<32768xi32, #tpu.memory_space<vmem>>[vector<16xi32>], vector<16xi32>,
        %and3A_183 = arith.constant 511 : i32
        %and3A_184 = vector.broadcast %and3A_183 : i32 to vector<16xi32>
        %and3A_185 = arith.andi %gather3A_153, %and3A_184 : vector<16xi32>
        %mul3A_186 = arith.constant 64 : i32
        %mul3A_187 = vector.broadcast %mul3A_186 : i32 to vector<16xi32>
        %mul3A_188 = arith.muli %and3A_185, %mul3A_187 : vector<16xi32>
        %shift_right_logical3A_189 = arith.constant 9 : i32
        %shift_right_logical3A_190 = vector.broadcast %shift_right_logical3A_189 : i32 to vector<16xi32>
        %shift_right_logical3A_191 = arith.shrui %gather3A_153, %shift_right_logical3A_190 : vector<16xi32>
        %or3A_192 = arith.ori %mul3A_188, %shift_right_logical3A_191 : vector<16xi32>
        %and3A_193 = arith.constant 131071 : i32
        %and3A_194 = vector.broadcast %and3A_193 : i32 to vector<16xi32>
        %and3A_195 = arith.andi %get3A_134, %and3A_194 : vector<16xi32>
        tpu.vector_store_idx %arg7[%or3A_192], %and3A_195 : memref<32768xi32, #tpu.memory_space<vmem>>[vector<16xi32>], vector<16xi32>,
        %and3A_196 = arith.constant 511 : i32
        %and3A_197 = vector.broadcast %and3A_196 : i32 to vector<16xi32>
        %and3A_198 = arith.andi %gather3A_154, %and3A_197 : vector<16xi32>
        %mul3A_199 = arith.constant 64 : i32
        %mul3A_200 = vector.broadcast %mul3A_199 : i32 to vector<16xi32>
        %mul3A_201 = arith.muli %and3A_198, %mul3A_200 : vector<16xi32>
        %shift_right_logical3A_202 = arith.constant 9 : i32
        %shift_right_logical3A_203 = vector.broadcast %shift_right_logical3A_202 : i32 to vector<16xi32>
        %shift_right_logical3A_204 = arith.shrui %gather3A_154, %shift_right_logical3A_203 : vector<16xi32>
        %or3A_205 = arith.ori %mul3A_201, %shift_right_logical3A_204 : vector<16xi32>
        %and3A_206 = arith.constant 131071 : i32
        %and3A_207 = vector.broadcast %and3A_206 : i32 to vector<16xi32>
        %and3A_208 = arith.andi %get3A_140, %and3A_207 : vector<16xi32>
        tpu.vector_store_idx %arg7[%or3A_205], %and3A_208 : memref<32768xi32, #tpu.memory_space<vmem>>[vector<16xi32>], vector<16xi32>,
        %scan3A_209 = arith.constant 1 : i32
        %scan3A_210 = arith.addi %scan3A_117, %scan3A_209 : i32
        %mul3A_211 = arith.constant 64 : i32
        %mul3A_212 = arith.muli %scan3A_210, %mul3A_211 : i32
        %add3A_213 = arith.constant 0 : i32
        %add3A_214 = arith.addi %mul3A_212, %add3A_213 : i32
        %get3A_215 = arith.index_cast %add3A_214 : i32 to index
        %get3A_216 = tpu.vector_load %arg6[%get3A_215] {strides = array<i32>} : memref<32768xi32, #tpu.memory_space<vmem>>, vector<16xi32>,
        %mul3A_217 = arith.constant 64 : i32
        %mul3A_218 = arith.muli %scan3A_210, %mul3A_217 : i32
        %add3A_219 = arith.constant 16 : i32
        %add3A_220 = arith.addi %mul3A_218, %add3A_219 : i32
        %get3A_221 = arith.index_cast %add3A_220 : i32 to index
        %get3A_222 = tpu.vector_load %arg6[%get3A_221] {strides = array<i32>} : memref<32768xi32, #tpu.memory_space<vmem>>, vector<16xi32>,
        %mul3A_223 = arith.constant 64 : i32
        %mul3A_224 = arith.muli %scan3A_210, %mul3A_223 : i32
        %add3A_225 = arith.constant 32 : i32
        %add3A_226 = arith.addi %mul3A_224, %add3A_225 : i32
        %get3A_227 = arith.index_cast %add3A_226 : i32 to index
        %get3A_228 = tpu.vector_load %arg6[%get3A_227] {strides = array<i32>} : memref<32768xi32, #tpu.memory_space<vmem>>, vector<16xi32>,
        %mul3A_229 = arith.constant 64 : i32
        %mul3A_230 = arith.muli %scan3A_210, %mul3A_229 : i32
        %add3A_231 = arith.constant 48 : i32
        %add3A_232 = arith.addi %mul3A_230, %add3A_231 : i32
        %get3A_233 = arith.index_cast %add3A_232 : i32 to index
        %get3A_234 = tpu.vector_load %arg6[%get3A_233] {strides = array<i32>} : memref<32768xi32, #tpu.memory_space<vmem>>, vector<16xi32>,
        %shift_right_logical3A_235 = arith.constant 17 : i32
        %shift_right_logical3A_236 = vector.broadcast %shift_right_logical3A_235 : i32 to vector<16xi32>
        %shift_right_logical3A_237 = arith.shrui %get3A_216, %shift_right_logical3A_236 : vector<16xi32>
        %shift_right_logical3A_238 = arith.constant 17 : i32
        %shift_right_logical3A_239 = vector.broadcast %shift_right_logical3A_238 : i32 to vector<16xi32>
        %shift_right_logical3A_240 = arith.shrui %get3A_222, %shift_right_logical3A_239 : vector<16xi32>
        %shift_right_logical3A_241 = arith.constant 17 : i32
        %shift_right_logical3A_242 = vector.broadcast %shift_right_logical3A_241 : i32 to vector<16xi32>
        %shift_right_logical3A_243 = arith.shrui %get3A_228, %shift_right_logical3A_242 : vector<16xi32>
        %shift_right_logical3A_244 = arith.constant 17 : i32
        %shift_right_logical3A_245 = vector.broadcast %shift_right_logical3A_244 : i32 to vector<16xi32>
        %shift_right_logical3A_246 = arith.shrui %get3A_234, %shift_right_logical3A_245 : vector<16xi32>
        %gather3A_247 = tpu.vector_load_idx %arg8[%shift_right_logical3A_237] : memref<16384xi32, #tpu.memory_space<vmem>>[vector<16xi32>], vector<16xi32>,
        %gather3A_248 = tpu.vector_load_idx %arg8[%shift_right_logical3A_240] : memref<16384xi32, #tpu.memory_space<vmem>>[vector<16xi32>], vector<16xi32>,
        %gather3A_249 = tpu.vector_load_idx %arg8[%shift_right_logical3A_243] : memref<16384xi32, #tpu.memory_space<vmem>>[vector<16xi32>], vector<16xi32>,
        %gather3A_250 = tpu.vector_load_idx %arg8[%shift_right_logical3A_246] : memref<16384xi32, #tpu.memory_space<vmem>>[vector<16xi32>], vector<16xi32>,
        %add3A_251 = arith.addi %gather3A_247, %broadcast_in_dim3A_45 : vector<16xi32>
        tpu.vector_store_idx %arg8[%shift_right_logical3A_237], %add3A_251 : memref<16384xi32, #tpu.memory_space<vmem>>[vector<16xi32>], vector<16xi32>,
        %add3A_252 = arith.addi %gather3A_248, %broadcast_in_dim3A_45 : vector<16xi32>
        tpu.vector_store_idx %arg8[%shift_right_logical3A_240], %add3A_252 : memref<16384xi32, #tpu.memory_space<vmem>>[vector<16xi32>], vector<16xi32>,
        %add3A_253 = arith.addi %gather3A_249, %broadcast_in_dim3A_45 : vector<16xi32>
        tpu.vector_store_idx %arg8[%shift_right_logical3A_243], %add3A_253 : memref<16384xi32, #tpu.memory_space<vmem>>[vector<16xi32>], vector<16xi32>,
        %add3A_254 = arith.addi %gather3A_250, %broadcast_in_dim3A_45 : vector<16xi32>
        tpu.vector_store_idx %arg8[%shift_right_logical3A_246], %add3A_254 : memref<16384xi32, #tpu.memory_space<vmem>>[vector<16xi32>], vector<16xi32>,
        %and3A_255 = arith.constant 511 : i32
        %and3A_256 = vector.broadcast %and3A_255 : i32 to vector<16xi32>
        %and3A_257 = arith.andi %gather3A_247, %and3A_256 : vector<16xi32>
        %mul3A_258 = arith.constant 64 : i32
        %mul3A_259 = vector.broadcast %mul3A_258 : i32 to vector<16xi32>
        %mul3A_260 = arith.muli %and3A_257, %mul3A_259 : vector<16xi32>
        %shift_right_logical3A_261 = arith.constant 9 : i32
        %shift_right_logical3A_262 = vector.broadcast %shift_right_logical3A_261 : i32 to vector<16xi32>
        %shift_right_logical3A_263 = arith.shrui %gather3A_247, %shift_right_logical3A_262 : vector<16xi32>
        %or3A_264 = arith.ori %mul3A_260, %shift_right_logical3A_263 : vector<16xi32>
        %and3A_265 = arith.constant 131071 : i32
        %and3A_266 = vector.broadcast %and3A_265 : i32 to vector<16xi32>
        %and3A_267 = arith.andi %get3A_216, %and3A_266 : vector<16xi32>
        tpu.vector_store_idx %arg7[%or3A_264], %and3A_267 : memref<32768xi32, #tpu.memory_space<vmem>>[vector<16xi32>], vector<16xi32>,
        %and3A_268 = arith.constant 511 : i32
        %and3A_269 = vector.broadcast %and3A_268 : i32 to vector<16xi32>
        %and3A_270 = arith.andi %gather3A_248, %and3A_269 : vector<16xi32>
        %mul3A_271 = arith.constant 64 : i32
        %mul3A_272 = vector.broadcast %mul3A_271 : i32 to vector<16xi32>
        %mul3A_273 = arith.muli %and3A_270, %mul3A_272 : vector<16xi32>
        %shift_right_logical3A_274 = arith.constant 9 : i32
        %shift_right_logical3A_275 = vector.broadcast %shift_right_logical3A_274 : i32 to vector<16xi32>
        %shift_right_logical3A_276 = arith.shrui %gather3A_248, %shift_right_logical3A_275 : vector<16xi32>
        %or3A_277 = arith.ori %mul3A_273, %shift_right_logical3A_276 : vector<16xi32>
        %and3A_278 = arith.constant 131071 : i32
        %and3A_279 = vector.broadcast %and3A_278 : i32 to vector<16xi32>
        %and3A_280 = arith.andi %get3A_222, %and3A_279 : vector<16xi32>
        tpu.vector_store_idx %arg7[%or3A_277], %and3A_280 : memref<32768xi32, #tpu.memory_space<vmem>>[vector<16xi32>], vector<16xi32>,
        %and3A_281 = arith.constant 511 : i32
        %and3A_282 = vector.broadcast %and3A_281 : i32 to vector<16xi32>
        %and3A_283 = arith.andi %gather3A_249, %and3A_282 : vector<16xi32>
        %mul3A_284 = arith.constant 64 : i32
        %mul3A_285 = vector.broadcast %mul3A_284 : i32 to vector<16xi32>
        %mul3A_286 = arith.muli %and3A_283, %mul3A_285 : vector<16xi32>
        %shift_right_logical3A_287 = arith.constant 9 : i32
        %shift_right_logical3A_288 = vector.broadcast %shift_right_logical3A_287 : i32 to vector<16xi32>
        %shift_right_logical3A_289 = arith.shrui %gather3A_249, %shift_right_logical3A_288 : vector<16xi32>
        %or3A_290 = arith.ori %mul3A_286, %shift_right_logical3A_289 : vector<16xi32>
        %and3A_291 = arith.constant 131071 : i32
        %and3A_292 = vector.broadcast %and3A_291 : i32 to vector<16xi32>
        %and3A_293 = arith.andi %get3A_228, %and3A_292 : vector<16xi32>
        tpu.vector_store_idx %arg7[%or3A_290], %and3A_293 : memref<32768xi32, #tpu.memory_space<vmem>>[vector<16xi32>], vector<16xi32>,
        %and3A_294 = arith.constant 511 : i32
        %and3A_295 = vector.broadcast %and3A_294 : i32 to vector<16xi32>
        %and3A_296 = arith.andi %gather3A_250, %and3A_295 : vector<16xi32>
        %mul3A_297 = arith.constant 64 : i32
        %mul3A_298 = vector.broadcast %mul3A_297 : i32 to vector<16xi32>
        %mul3A_299 = arith.muli %and3A_296, %mul3A_298 : vector<16xi32>
        %shift_right_logical3A_300 = arith.constant 9 : i32
        %shift_right_logical3A_301 = vector.broadcast %shift_right_logical3A_300 : i32 to vector<16xi32>
        %shift_right_logical3A_302 = arith.shrui %gather3A_250, %shift_right_logical3A_301 : vector<16xi32>
        %or3A_303 = arith.ori %mul3A_299, %shift_right_logical3A_302 : vector<16xi32>
        %and3A_304 = arith.constant 131071 : i32
        %and3A_305 = vector.broadcast %and3A_304 : i32 to vector<16xi32>
        %and3A_306 = arith.andi %get3A_234, %and3A_305 : vector<16xi32>
        tpu.vector_store_idx %arg7[%or3A_303], %and3A_306 : memref<32768xi32, #tpu.memory_space<vmem>>[vector<16xi32>], vector<16xi32>,
      }
      %scan3A_81 = arith.constant 512 : i32
      %parallel_loop3A_82 = arith.constant 0 : i32
      %parallel_loop3A_83 = arith.constant 1024 : i32
      %parallel_loop3A_84 = arith.constant 1 : i32
      scf.for %parallel_loop3A_117 = %parallel_loop3A_82 to %parallel_loop3A_83 step %parallel_loop3A_84  : i32 {
        %parallel_loop3A_118 = arith.constant 16 : i32
        %parallel_loop3A_119 = arith.muli %parallel_loop3A_117, %parallel_loop3A_118 : i32
        %parallel_loop3A_120 = arith.index_cast %parallel_loop3A_119 : i32 to index
        %parallel_loop3A_121 = tpu.vector_load %arg8[%parallel_loop3A_120] {strides = array<i32>} : memref<16384xi32, #tpu.memory_space<vmem>>, vector<16xi32>,
        tpu.vector_store %arg8[%parallel_loop3A_120], %broadcast_in_dim3A_47 {strides = array<i32>} : memref<16384xi32, #tpu.memory_space<vmem>>, vector<16xi32>,
      } {sc.loop_unroll_factor = 8 : i64, sc.parallel_access}
      %parallel_loop3A_85 = arith.constant 0 : i32
      %parallel_loop3A_86 = arith.constant 512 : i32
      %parallel_loop3A_87 = arith.constant 1 : i32
      scf.for %parallel_loop3A_117 = %parallel_loop3A_85 to %parallel_loop3A_86 step %parallel_loop3A_87  : i32 {
        %parallel_loop3A_118 = arith.constant 64 : i32
        %parallel_loop3A_119 = arith.muli %parallel_loop3A_117, %parallel_loop3A_118 : i32
        %parallel_loop3A_120 = arith.constant 0 : i32
        %parallel_loop3A_121 = arith.addi %parallel_loop3A_119, %parallel_loop3A_120 : i32
        %parallel_loop3A_122 = arith.index_cast %parallel_loop3A_121 : i32 to index
        %parallel_loop3A_123 = tpu.vector_load %arg7[%parallel_loop3A_122] {strides = array<i32>} : memref<32768xi32, #tpu.memory_space<vmem>>, vector<16xi32>,
        %parallel_loop3A_124 = arith.constant 9 : i32
        %parallel_loop3A_125 = vector.broadcast %parallel_loop3A_124 : i32 to vector<16xi32>
        %parallel_loop3A_126 = arith.shrui %parallel_loop3A_123, %parallel_loop3A_125 : vector<16xi32>
        %parallel_loop3A_127 = arith.addi %parallel_loop3A_123, %parallel_loop3A_126 : vector<16xi32>
        %parallel_loop3A_128 = tpu.vector_load_idx %arg5[%parallel_loop3A_127] : memref<32832xi32, #tpu.memory_space<vmem>>[vector<16xi32>], vector<16xi32>,
        %parallel_loop3A_129 = arith.constant 16 : i32
        %parallel_loop3A_130 = vector.broadcast %parallel_loop3A_129 : i32 to vector<16xi32>
        %parallel_loop3A_131 = arith.shrui %parallel_loop3A_128, %parallel_loop3A_130 : vector<16xi32>
        %parallel_loop3A_132 = arith.constant 255 : i32
        %parallel_loop3A_133 = vector.broadcast %parallel_loop3A_132 : i32 to vector<16xi32>
        %parallel_loop3A_134 = arith.andi %parallel_loop3A_131, %parallel_loop3A_133 : vector<16xi32>
        %parallel_loop3A_135 = arith.constant 64 : i32
        %parallel_loop3A_136 = vector.broadcast %parallel_loop3A_135 : i32 to vector<16xi32>
        %parallel_loop3A_137 = arith.muli %parallel_loop3A_134, %parallel_loop3A_136 : vector<16xi32>
        %parallel_loop3A_138 = arith.addi %parallel_loop3A_137, %add3A_11 : vector<16xi32>
        tpu.vector_store_idx %arg8[%parallel_loop3A_138], %broadcast_in_dim3A_45 {add = true} : memref<16384xi32, #tpu.memory_space<vmem>>[vector<16xi32>], vector<16xi32>,
        %parallel_loop3A_139 = arith.constant 17 : i32
        %parallel_loop3A_140 = vector.broadcast %parallel_loop3A_139 : i32 to vector<16xi32>
        %parallel_loop3A_141 = arith.shli %parallel_loop3A_138, %parallel_loop3A_140 : vector<16xi32>
        %parallel_loop3A_142 = arith.ori %parallel_loop3A_141, %parallel_loop3A_123 : vector<16xi32>
        %parallel_loop3A_143 = arith.index_cast %parallel_loop3A_121 : i32 to index
        %parallel_loop3A_144 = tpu.vector_load %arg7[%parallel_loop3A_143] {strides = array<i32>} : memref<32768xi32, #tpu.memory_space<vmem>>, vector<16xi32>,
        tpu.vector_store %arg7[%parallel_loop3A_143], %parallel_loop3A_142 {strides = array<i32>} : memref<32768xi32, #tpu.memory_space<vmem>>, vector<16xi32>,
        %parallel_loop3A_145 = arith.constant 64 : i32
        %parallel_loop3A_146 = arith.muli %parallel_loop3A_117, %parallel_loop3A_145 : i32
        %parallel_loop3A_147 = arith.constant 16 : i32
        %parallel_loop3A_148 = arith.addi %parallel_loop3A_146, %parallel_loop3A_147 : i32
        %parallel_loop3A_149 = arith.index_cast %parallel_loop3A_148 : i32 to index
        %parallel_loop3A_150 = tpu.vector_load %arg7[%parallel_loop3A_149] {strides = array<i32>} : memref<32768xi32, #tpu.memory_space<vmem>>, vector<16xi32>,
        %parallel_loop3A_151 = arith.constant 9 : i32
        %parallel_loop3A_152 = vector.broadcast %parallel_loop3A_151 : i32 to vector<16xi32>
        %parallel_loop3A_153 = arith.shrui %parallel_loop3A_150, %parallel_loop3A_152 : vector<16xi32>
        %parallel_loop3A_154 = arith.addi %parallel_loop3A_150, %parallel_loop3A_153 : vector<16xi32>
        %parallel_loop3A_155 = tpu.vector_load_idx %arg5[%parallel_loop3A_154] : memref<32832xi32, #tpu.memory_space<vmem>>[vector<16xi32>], vector<16xi32>,
        %parallel_loop3A_156 = arith.constant 16 : i32
        %parallel_loop3A_157 = vector.broadcast %parallel_loop3A_156 : i32 to vector<16xi32>
        %parallel_loop3A_158 = arith.shrui %parallel_loop3A_155, %parallel_loop3A_157 : vector<16xi32>
        %parallel_loop3A_159 = arith.constant 255 : i32
        %parallel_loop3A_160 = vector.broadcast %parallel_loop3A_159 : i32 to vector<16xi32>
        %parallel_loop3A_161 = arith.andi %parallel_loop3A_158, %parallel_loop3A_160 : vector<16xi32>
        %parallel_loop3A_162 = arith.constant 64 : i32
        %parallel_loop3A_163 = vector.broadcast %parallel_loop3A_162 : i32 to vector<16xi32>
        %parallel_loop3A_164 = arith.muli %parallel_loop3A_161, %parallel_loop3A_163 : vector<16xi32>
        %parallel_loop3A_165 = arith.addi %parallel_loop3A_164, %add3A_14 : vector<16xi32>
        tpu.vector_store_idx %arg8[%parallel_loop3A_165], %broadcast_in_dim3A_45 {add = true} : memref<16384xi32, #tpu.memory_space<vmem>>[vector<16xi32>], vector<16xi32>,
        %parallel_loop3A_166 = arith.constant 17 : i32
        %parallel_loop3A_167 = vector.broadcast %parallel_loop3A_166 : i32 to vector<16xi32>
        %parallel_loop3A_168 = arith.shli %parallel_loop3A_165, %parallel_loop3A_167 : vector<16xi32>
        %parallel_loop3A_169 = arith.ori %parallel_loop3A_168, %parallel_loop3A_150 : vector<16xi32>
        %parallel_loop3A_170 = arith.index_cast %parallel_loop3A_148 : i32 to index
        %parallel_loop3A_171 = tpu.vector_load %arg7[%parallel_loop3A_170] {strides = array<i32>} : memref<32768xi32, #tpu.memory_space<vmem>>, vector<16xi32>,
        tpu.vector_store %arg7[%parallel_loop3A_170], %parallel_loop3A_169 {strides = array<i32>} : memref<32768xi32, #tpu.memory_space<vmem>>, vector<16xi32>,
        %parallel_loop3A_172 = arith.constant 64 : i32
        %parallel_loop3A_173 = arith.muli %parallel_loop3A_117, %parallel_loop3A_172 : i32
        %parallel_loop3A_174 = arith.constant 32 : i32
        %parallel_loop3A_175 = arith.addi %parallel_loop3A_173, %parallel_loop3A_174 : i32
        %parallel_loop3A_176 = arith.index_cast %parallel_loop3A_175 : i32 to index
        %parallel_loop3A_177 = tpu.vector_load %arg7[%parallel_loop3A_176] {strides = array<i32>} : memref<32768xi32, #tpu.memory_space<vmem>>, vector<16xi32>,
        %parallel_loop3A_178 = arith.constant 9 : i32
        %parallel_loop3A_179 = vector.broadcast %parallel_loop3A_178 : i32 to vector<16xi32>
        %parallel_loop3A_180 = arith.shrui %parallel_loop3A_177, %parallel_loop3A_179 : vector<16xi32>
        %parallel_loop3A_181 = arith.addi %parallel_loop3A_177, %parallel_loop3A_180 : vector<16xi32>
        %parallel_loop3A_182 = tpu.vector_load_idx %arg5[%parallel_loop3A_181] : memref<32832xi32, #tpu.memory_space<vmem>>[vector<16xi32>], vector<16xi32>,
        %parallel_loop3A_183 = arith.constant 16 : i32
        %parallel_loop3A_184 = vector.broadcast %parallel_loop3A_183 : i32 to vector<16xi32>
        %parallel_loop3A_185 = arith.shrui %parallel_loop3A_182, %parallel_loop3A_184 : vector<16xi32>
        %parallel_loop3A_186 = arith.constant 255 : i32
        %parallel_loop3A_187 = vector.broadcast %parallel_loop3A_186 : i32 to vector<16xi32>
        %parallel_loop3A_188 = arith.andi %parallel_loop3A_185, %parallel_loop3A_187 : vector<16xi32>
        %parallel_loop3A_189 = arith.constant 64 : i32
        %parallel_loop3A_190 = vector.broadcast %parallel_loop3A_189 : i32 to vector<16xi32>
        %parallel_loop3A_191 = arith.muli %parallel_loop3A_188, %parallel_loop3A_190 : vector<16xi32>
        %parallel_loop3A_192 = arith.addi %parallel_loop3A_191, %add3A_17 : vector<16xi32>
        tpu.vector_store_idx %arg8[%parallel_loop3A_192], %broadcast_in_dim3A_45 {add = true} : memref<16384xi32, #tpu.memory_space<vmem>>[vector<16xi32>], vector<16xi32>,
        %parallel_loop3A_193 = arith.constant 17 : i32
        %parallel_loop3A_194 = vector.broadcast %parallel_loop3A_193 : i32 to vector<16xi32>
        %parallel_loop3A_195 = arith.shli %parallel_loop3A_192, %parallel_loop3A_194 : vector<16xi32>
        %parallel_loop3A_196 = arith.ori %parallel_loop3A_195, %parallel_loop3A_177 : vector<16xi32>
        %parallel_loop3A_197 = arith.index_cast %parallel_loop3A_175 : i32 to index
        %parallel_loop3A_198 = tpu.vector_load %arg7[%parallel_loop3A_197] {strides = array<i32>} : memref<32768xi32, #tpu.memory_space<vmem>>, vector<16xi32>,
        tpu.vector_store %arg7[%parallel_loop3A_197], %parallel_loop3A_196 {strides = array<i32>} : memref<32768xi32, #tpu.memory_space<vmem>>, vector<16xi32>,
        %parallel_loop3A_199 = arith.constant 64 : i32
        %parallel_loop3A_200 = arith.muli %parallel_loop3A_117, %parallel_loop3A_199 : i32
        %parallel_loop3A_201 = arith.constant 48 : i32
        %parallel_loop3A_202 = arith.addi %parallel_loop3A_200, %parallel_loop3A_201 : i32
        %parallel_loop3A_203 = arith.index_cast %parallel_loop3A_202 : i32 to index
        %parallel_loop3A_204 = tpu.vector_load %arg7[%parallel_loop3A_203] {strides = array<i32>} : memref<32768xi32, #tpu.memory_space<vmem>>, vector<16xi32>,
        %parallel_loop3A_205 = arith.constant 9 : i32
        %parallel_loop3A_206 = vector.broadcast %parallel_loop3A_205 : i32 to vector<16xi32>
        %parallel_loop3A_207 = arith.shrui %parallel_loop3A_204, %parallel_loop3A_206 : vector<16xi32>
        %parallel_loop3A_208 = arith.addi %parallel_loop3A_204, %parallel_loop3A_207 : vector<16xi32>
        %parallel_loop3A_209 = tpu.vector_load_idx %arg5[%parallel_loop3A_208] : memref<32832xi32, #tpu.memory_space<vmem>>[vector<16xi32>], vector<16xi32>,
        %parallel_loop3A_210 = arith.constant 16 : i32
        %parallel_loop3A_211 = vector.broadcast %parallel_loop3A_210 : i32 to vector<16xi32>
        %parallel_loop3A_212 = arith.shrui %parallel_loop3A_209, %parallel_loop3A_211 : vector<16xi32>
        %parallel_loop3A_213 = arith.constant 255 : i32
        %parallel_loop3A_214 = vector.broadcast %parallel_loop3A_213 : i32 to vector<16xi32>
        %parallel_loop3A_215 = arith.andi %parallel_loop3A_212, %parallel_loop3A_214 : vector<16xi32>
        %parallel_loop3A_216 = arith.constant 64 : i32
        %parallel_loop3A_217 = vector.broadcast %parallel_loop3A_216 : i32 to vector<16xi32>
        %parallel_loop3A_218 = arith.muli %parallel_loop3A_215, %parallel_loop3A_217 : vector<16xi32>
        %parallel_loop3A_219 = arith.addi %parallel_loop3A_218, %add3A_20 : vector<16xi32>
        tpu.vector_store_idx %arg8[%parallel_loop3A_219], %broadcast_in_dim3A_45 {add = true} : memref<16384xi32, #tpu.memory_space<vmem>>[vector<16xi32>], vector<16xi32>,
        %parallel_loop3A_220 = arith.constant 17 : i32
        %parallel_loop3A_221 = vector.broadcast %parallel_loop3A_220 : i32 to vector<16xi32>
        %parallel_loop3A_222 = arith.shli %parallel_loop3A_219, %parallel_loop3A_221 : vector<16xi32>
        %parallel_loop3A_223 = arith.ori %parallel_loop3A_222, %parallel_loop3A_204 : vector<16xi32>
        %parallel_loop3A_224 = arith.index_cast %parallel_loop3A_202 : i32 to index
        %parallel_loop3A_225 = tpu.vector_load %arg7[%parallel_loop3A_224] {strides = array<i32>} : memref<32768xi32, #tpu.memory_space<vmem>>, vector<16xi32>,
        tpu.vector_store %arg7[%parallel_loop3A_224], %parallel_loop3A_223 {strides = array<i32>} : memref<32768xi32, #tpu.memory_space<vmem>>, vector<16xi32>,
      } {sc.loop_unroll_factor = 2 : i64, sc.parallel_access}
      %parallel_loop3A_88 = arith.constant 0 : i32
      %parallel_loop3A_89 = arith.constant 1024 : i32
      %parallel_loop3A_90 = arith.constant 1 : i32
      %parallel_loop3A_91 = arith.constant 0 : i32
      %parallel_loop3A_92 = scf.for %parallel_loop3A_117 = %parallel_loop3A_88 to %parallel_loop3A_89 step %parallel_loop3A_90 iter_args(%parallel_loop3A_118 = %parallel_loop3A_91) -> (i32)  : i32 {
        %parallel_loop3A_119 = arith.constant 16 : i32
        %parallel_loop3A_120 = arith.muli %parallel_loop3A_117, %parallel_loop3A_119 : i32
        %parallel_loop3A_121 = arith.index_cast %parallel_loop3A_120 : i32 to index
        %parallel_loop3A_122 = tpu.vector_load %arg8[%parallel_loop3A_121] {strides = array<i32>} : memref<16384xi32, #tpu.memory_space<vmem>>, vector<16xi32>,
        %parallel_loop3A_123 = arith.constant true
        %parallel_loop3A_124 = vector.broadcast %parallel_loop3A_123 : i1 to vector<16xi1>
        %parallel_loop3A_125 = tpu.scan <sum>, %parallel_loop3A_122 masked %parallel_loop3A_124 : vector<16xi32>, vector<16xi1> -> vector<16xi32>
        %parallel_loop3A_126 = arith.subi %parallel_loop3A_125, %parallel_loop3A_122 : vector<16xi32>
        %parallel_loop3A_127 = vector.broadcast %parallel_loop3A_118 : i32 to vector<16xi32>
        %parallel_loop3A_128 = arith.addi %parallel_loop3A_126, %parallel_loop3A_127 : vector<16xi32>
        %parallel_loop3A_129 = arith.index_cast %parallel_loop3A_120 : i32 to index
        %parallel_loop3A_130 = tpu.vector_load %arg8[%parallel_loop3A_129] {strides = array<i32>} : memref<16384xi32, #tpu.memory_space<vmem>>, vector<16xi32>,
        tpu.vector_store %arg8[%parallel_loop3A_129], %parallel_loop3A_128 {strides = array<i32>} : memref<16384xi32, #tpu.memory_space<vmem>>, vector<16xi32>,
        %parallel_loop3A_131 = arith.constant true
        %parallel_loop3A_132 = vector.broadcast %parallel_loop3A_131 : i1 to vector<16xi1>
        %parallel_loop3A_133 = arith.constant -2147483648 : i32
        %parallel_loop3A_134 = vector.broadcast %parallel_loop3A_133 : i32 to vector<16xi32>
        %parallel_loop3A_135 = arith.xori %parallel_loop3A_125, %parallel_loop3A_134 : vector<16xi32>
        %parallel_loop3A_136 = tpu.scan <max>, %parallel_loop3A_135 masked %parallel_loop3A_132 : vector<16xi32>, vector<16xi1> -> vector<16xi32>
        %parallel_loop3A_137 = arith.xori %parallel_loop3A_136, %parallel_loop3A_134 : vector<16xi32>
        %parallel_loop3A_138 = vector.extract %parallel_loop3A_137[15] : i32 from vector<16xi32>
        %parallel_loop3A_139 = arith.addi %parallel_loop3A_118, %parallel_loop3A_138 : i32
        scf.yield %parallel_loop3A_139 : i32
      } {sc.loop_unroll_factor = 4 : i64, sc.parallel_access}
      %scan3A_93 = arith.constant 0 : i32
      %scan3A_94 = arith.constant 512 : i32
      %scan3A_95 = arith.addi %scan3A_93, %scan3A_94 : i32
      %scan3A_96 = arith.constant 2 : i32
      scf.for %scan3A_117 = %scan3A_93 to %scan3A_95 step %scan3A_96  : i32 {
        %mul3A_118 = arith.constant 64 : i32
        %mul3A_119 = arith.muli %scan3A_117, %mul3A_118 : i32
        %add3A_120 = arith.constant 0 : i32
        %add3A_121 = arith.addi %mul3A_119, %add3A_120 : i32
        %get3A = arith.index_cast %add3A_121 : i32 to index
        %get3A_122 = tpu.vector_load %arg7[%get3A] {strides = array<i32>} : memref<32768xi32, #tpu.memory_space<vmem>>, vector<16xi32>,
        %mul3A_123 = arith.constant 64 : i32
        %mul3A_124 = arith.muli %scan3A_117, %mul3A_123 : i32
        %add3A_125 = arith.constant 16 : i32
        %add3A_126 = arith.addi %mul3A_124, %add3A_125 : i32
        %get3A_127 = arith.index_cast %add3A_126 : i32 to index
        %get3A_128 = tpu.vector_load %arg7[%get3A_127] {strides = array<i32>} : memref<32768xi32, #tpu.memory_space<vmem>>, vector<16xi32>,
        %mul3A_129 = arith.constant 64 : i32
        %mul3A_130 = arith.muli %scan3A_117, %mul3A_129 : i32
        %add3A_131 = arith.constant 32 : i32
        %add3A_132 = arith.addi %mul3A_130, %add3A_131 : i32
        %get3A_133 = arith.index_cast %add3A_132 : i32 to index
        %get3A_134 = tpu.vector_load %arg7[%get3A_133] {strides = array<i32>} : memref<32768xi32, #tpu.memory_space<vmem>>, vector<16xi32>,
        %mul3A_135 = arith.constant 64 : i32
        %mul3A_136 = arith.muli %scan3A_117, %mul3A_135 : i32
        %add3A_137 = arith.constant 48 : i32
        %add3A_138 = arith.addi %mul3A_136, %add3A_137 : i32
        %get3A_139 = arith.index_cast %add3A_138 : i32 to index
        %get3A_140 = tpu.vector_load %arg7[%get3A_139] {strides = array<i32>} : memref<32768xi32, #tpu.memory_space<vmem>>, vector<16xi32>,
        %shift_right_logical3A = arith.constant 17 : i32
        %shift_right_logical3A_141 = vector.broadcast %shift_right_logical3A : i32 to vector<16xi32>
        %shift_right_logical3A_142 = arith.shrui %get3A_122, %shift_right_logical3A_141 : vector<16xi32>
        %shift_right_logical3A_143 = arith.constant 17 : i32
        %shift_right_logical3A_144 = vector.broadcast %shift_right_logical3A_143 : i32 to vector<16xi32>
        %shift_right_logical3A_145 = arith.shrui %get3A_128, %shift_right_logical3A_144 : vector<16xi32>
        %shift_right_logical3A_146 = arith.constant 17 : i32
        %shift_right_logical3A_147 = vector.broadcast %shift_right_logical3A_146 : i32 to vector<16xi32>
        %shift_right_logical3A_148 = arith.shrui %get3A_134, %shift_right_logical3A_147 : vector<16xi32>
        %shift_right_logical3A_149 = arith.constant 17 : i32
        %shift_right_logical3A_150 = vector.broadcast %shift_right_logical3A_149 : i32 to vector<16xi32>
        %shift_right_logical3A_151 = arith.shrui %get3A_140, %shift_right_logical3A_150 : vector<16xi32>
        %gather3A = tpu.vector_load_idx %arg8[%shift_right_logical3A_142] : memref<16384xi32, #tpu.memory_space<vmem>>[vector<16xi32>], vector<16xi32>,
        %gather3A_152 = tpu.vector_load_idx %arg8[%shift_right_logical3A_145] : memref<16384xi32, #tpu.memory_space<vmem>>[vector<16xi32>], vector<16xi32>,
        %gather3A_153 = tpu.vector_load_idx %arg8[%shift_right_logical3A_148] : memref<16384xi32, #tpu.memory_space<vmem>>[vector<16xi32>], vector<16xi32>,
        %gather3A_154 = tpu.vector_load_idx %arg8[%shift_right_logical3A_151] : memref<16384xi32, #tpu.memory_space<vmem>>[vector<16xi32>], vector<16xi32>,
        %add3A_155 = arith.addi %gather3A, %broadcast_in_dim3A_45 : vector<16xi32>
        tpu.vector_store_idx %arg8[%shift_right_logical3A_142], %add3A_155 : memref<16384xi32, #tpu.memory_space<vmem>>[vector<16xi32>], vector<16xi32>,
        %add3A_156 = arith.addi %gather3A_152, %broadcast_in_dim3A_45 : vector<16xi32>
        tpu.vector_store_idx %arg8[%shift_right_logical3A_145], %add3A_156 : memref<16384xi32, #tpu.memory_space<vmem>>[vector<16xi32>], vector<16xi32>,
        %add3A_157 = arith.addi %gather3A_153, %broadcast_in_dim3A_45 : vector<16xi32>
        tpu.vector_store_idx %arg8[%shift_right_logical3A_148], %add3A_157 : memref<16384xi32, #tpu.memory_space<vmem>>[vector<16xi32>], vector<16xi32>,
        %add3A_158 = arith.addi %gather3A_154, %broadcast_in_dim3A_45 : vector<16xi32>
        tpu.vector_store_idx %arg8[%shift_right_logical3A_151], %add3A_158 : memref<16384xi32, #tpu.memory_space<vmem>>[vector<16xi32>], vector<16xi32>,
        %and3A = arith.constant 511 : i32
        %and3A_159 = vector.broadcast %and3A : i32 to vector<16xi32>
        %and3A_160 = arith.andi %gather3A, %and3A_159 : vector<16xi32>
        %mul3A_161 = arith.constant 64 : i32
        %mul3A_162 = vector.broadcast %mul3A_161 : i32 to vector<16xi32>
        %mul3A_163 = arith.muli %and3A_160, %mul3A_162 : vector<16xi32>
        %shift_right_logical3A_164 = arith.constant 9 : i32
        %shift_right_logical3A_165 = vector.broadcast %shift_right_logical3A_164 : i32 to vector<16xi32>
        %shift_right_logical3A_166 = arith.shrui %gather3A, %shift_right_logical3A_165 : vector<16xi32>
        %or3A = arith.ori %mul3A_163, %shift_right_logical3A_166 : vector<16xi32>
        %and3A_167 = arith.constant 131071 : i32
        %and3A_168 = vector.broadcast %and3A_167 : i32 to vector<16xi32>
        %and3A_169 = arith.andi %get3A_122, %and3A_168 : vector<16xi32>
        tpu.vector_store_idx %arg6[%or3A], %and3A_169 : memref<32768xi32, #tpu.memory_space<vmem>>[vector<16xi32>], vector<16xi32>,
        %and3A_170 = arith.constant 511 : i32
        %and3A_171 = vector.broadcast %and3A_170 : i32 to vector<16xi32>
        %and3A_172 = arith.andi %gather3A_152, %and3A_171 : vector<16xi32>
        %mul3A_173 = arith.constant 64 : i32
        %mul3A_174 = vector.broadcast %mul3A_173 : i32 to vector<16xi32>
        %mul3A_175 = arith.muli %and3A_172, %mul3A_174 : vector<16xi32>
        %shift_right_logical3A_176 = arith.constant 9 : i32
        %shift_right_logical3A_177 = vector.broadcast %shift_right_logical3A_176 : i32 to vector<16xi32>
        %shift_right_logical3A_178 = arith.shrui %gather3A_152, %shift_right_logical3A_177 : vector<16xi32>
        %or3A_179 = arith.ori %mul3A_175, %shift_right_logical3A_178 : vector<16xi32>
        %and3A_180 = arith.constant 131071 : i32
        %and3A_181 = vector.broadcast %and3A_180 : i32 to vector<16xi32>
        %and3A_182 = arith.andi %get3A_128, %and3A_181 : vector<16xi32>
        tpu.vector_store_idx %arg6[%or3A_179], %and3A_182 : memref<32768xi32, #tpu.memory_space<vmem>>[vector<16xi32>], vector<16xi32>,
        %and3A_183 = arith.constant 511 : i32
        %and3A_184 = vector.broadcast %and3A_183 : i32 to vector<16xi32>
        %and3A_185 = arith.andi %gather3A_153, %and3A_184 : vector<16xi32>
        %mul3A_186 = arith.constant 64 : i32
        %mul3A_187 = vector.broadcast %mul3A_186 : i32 to vector<16xi32>
        %mul3A_188 = arith.muli %and3A_185, %mul3A_187 : vector<16xi32>
        %shift_right_logical3A_189 = arith.constant 9 : i32
        %shift_right_logical3A_190 = vector.broadcast %shift_right_logical3A_189 : i32 to vector<16xi32>
        %shift_right_logical3A_191 = arith.shrui %gather3A_153, %shift_right_logical3A_190 : vector<16xi32>
        %or3A_192 = arith.ori %mul3A_188, %shift_right_logical3A_191 : vector<16xi32>
        %and3A_193 = arith.constant 131071 : i32
        %and3A_194 = vector.broadcast %and3A_193 : i32 to vector<16xi32>
        %and3A_195 = arith.andi %get3A_134, %and3A_194 : vector<16xi32>
        tpu.vector_store_idx %arg6[%or3A_192], %and3A_195 : memref<32768xi32, #tpu.memory_space<vmem>>[vector<16xi32>], vector<16xi32>,
        %and3A_196 = arith.constant 511 : i32
        %and3A_197 = vector.broadcast %and3A_196 : i32 to vector<16xi32>
        %and3A_198 = arith.andi %gather3A_154, %and3A_197 : vector<16xi32>
        %mul3A_199 = arith.constant 64 : i32
        %mul3A_200 = vector.broadcast %mul3A_199 : i32 to vector<16xi32>
        %mul3A_201 = arith.muli %and3A_198, %mul3A_200 : vector<16xi32>
        %shift_right_logical3A_202 = arith.constant 9 : i32
        %shift_right_logical3A_203 = vector.broadcast %shift_right_logical3A_202 : i32 to vector<16xi32>
        %shift_right_logical3A_204 = arith.shrui %gather3A_154, %shift_right_logical3A_203 : vector<16xi32>
        %or3A_205 = arith.ori %mul3A_201, %shift_right_logical3A_204 : vector<16xi32>
        %and3A_206 = arith.constant 131071 : i32
        %and3A_207 = vector.broadcast %and3A_206 : i32 to vector<16xi32>
        %and3A_208 = arith.andi %get3A_140, %and3A_207 : vector<16xi32>
        tpu.vector_store_idx %arg6[%or3A_205], %and3A_208 : memref<32768xi32, #tpu.memory_space<vmem>>[vector<16xi32>], vector<16xi32>,
        %scan3A_209 = arith.constant 1 : i32
        %scan3A_210 = arith.addi %scan3A_117, %scan3A_209 : i32
        %mul3A_211 = arith.constant 64 : i32
        %mul3A_212 = arith.muli %scan3A_210, %mul3A_211 : i32
        %add3A_213 = arith.constant 0 : i32
        %add3A_214 = arith.addi %mul3A_212, %add3A_213 : i32
        %get3A_215 = arith.index_cast %add3A_214 : i32 to index
        %get3A_216 = tpu.vector_load %arg7[%get3A_215] {strides = array<i32>} : memref<32768xi32, #tpu.memory_space<vmem>>, vector<16xi32>,
        %mul3A_217 = arith.constant 64 : i32
        %mul3A_218 = arith.muli %scan3A_210, %mul3A_217 : i32
        %add3A_219 = arith.constant 16 : i32
        %add3A_220 = arith.addi %mul3A_218, %add3A_219 : i32
        %get3A_221 = arith.index_cast %add3A_220 : i32 to index
        %get3A_222 = tpu.vector_load %arg7[%get3A_221] {strides = array<i32>} : memref<32768xi32, #tpu.memory_space<vmem>>, vector<16xi32>,
        %mul3A_223 = arith.constant 64 : i32
        %mul3A_224 = arith.muli %scan3A_210, %mul3A_223 : i32
        %add3A_225 = arith.constant 32 : i32
        %add3A_226 = arith.addi %mul3A_224, %add3A_225 : i32
        %get3A_227 = arith.index_cast %add3A_226 : i32 to index
        %get3A_228 = tpu.vector_load %arg7[%get3A_227] {strides = array<i32>} : memref<32768xi32, #tpu.memory_space<vmem>>, vector<16xi32>,
        %mul3A_229 = arith.constant 64 : i32
        %mul3A_230 = arith.muli %scan3A_210, %mul3A_229 : i32
        %add3A_231 = arith.constant 48 : i32
        %add3A_232 = arith.addi %mul3A_230, %add3A_231 : i32
        %get3A_233 = arith.index_cast %add3A_232 : i32 to index
        %get3A_234 = tpu.vector_load %arg7[%get3A_233] {strides = array<i32>} : memref<32768xi32, #tpu.memory_space<vmem>>, vector<16xi32>,
        %shift_right_logical3A_235 = arith.constant 17 : i32
        %shift_right_logical3A_236 = vector.broadcast %shift_right_logical3A_235 : i32 to vector<16xi32>
        %shift_right_logical3A_237 = arith.shrui %get3A_216, %shift_right_logical3A_236 : vector<16xi32>
        %shift_right_logical3A_238 = arith.constant 17 : i32
        %shift_right_logical3A_239 = vector.broadcast %shift_right_logical3A_238 : i32 to vector<16xi32>
        %shift_right_logical3A_240 = arith.shrui %get3A_222, %shift_right_logical3A_239 : vector<16xi32>
        %shift_right_logical3A_241 = arith.constant 17 : i32
        %shift_right_logical3A_242 = vector.broadcast %shift_right_logical3A_241 : i32 to vector<16xi32>
        %shift_right_logical3A_243 = arith.shrui %get3A_228, %shift_right_logical3A_242 : vector<16xi32>
        %shift_right_logical3A_244 = arith.constant 17 : i32
        %shift_right_logical3A_245 = vector.broadcast %shift_right_logical3A_244 : i32 to vector<16xi32>
        %shift_right_logical3A_246 = arith.shrui %get3A_234, %shift_right_logical3A_245 : vector<16xi32>
        %gather3A_247 = tpu.vector_load_idx %arg8[%shift_right_logical3A_237] : memref<16384xi32, #tpu.memory_space<vmem>>[vector<16xi32>], vector<16xi32>,
        %gather3A_248 = tpu.vector_load_idx %arg8[%shift_right_logical3A_240] : memref<16384xi32, #tpu.memory_space<vmem>>[vector<16xi32>], vector<16xi32>,
        %gather3A_249 = tpu.vector_load_idx %arg8[%shift_right_logical3A_243] : memref<16384xi32, #tpu.memory_space<vmem>>[vector<16xi32>], vector<16xi32>,
        %gather3A_250 = tpu.vector_load_idx %arg8[%shift_right_logical3A_246] : memref<16384xi32, #tpu.memory_space<vmem>>[vector<16xi32>], vector<16xi32>,
        %add3A_251 = arith.addi %gather3A_247, %broadcast_in_dim3A_45 : vector<16xi32>
        tpu.vector_store_idx %arg8[%shift_right_logical3A_237], %add3A_251 : memref<16384xi32, #tpu.memory_space<vmem>>[vector<16xi32>], vector<16xi32>,
        %add3A_252 = arith.addi %gather3A_248, %broadcast_in_dim3A_45 : vector<16xi32>
        tpu.vector_store_idx %arg8[%shift_right_logical3A_240], %add3A_252 : memref<16384xi32, #tpu.memory_space<vmem>>[vector<16xi32>], vector<16xi32>,
        %add3A_253 = arith.addi %gather3A_249, %broadcast_in_dim3A_45 : vector<16xi32>
        tpu.vector_store_idx %arg8[%shift_right_logical3A_243], %add3A_253 : memref<16384xi32, #tpu.memory_space<vmem>>[vector<16xi32>], vector<16xi32>,
        %add3A_254 = arith.addi %gather3A_250, %broadcast_in_dim3A_45 : vector<16xi32>
        tpu.vector_store_idx %arg8[%shift_right_logical3A_246], %add3A_254 : memref<16384xi32, #tpu.memory_space<vmem>>[vector<16xi32>], vector<16xi32>,
        %and3A_255 = arith.constant 511 : i32
        %and3A_256 = vector.broadcast %and3A_255 : i32 to vector<16xi32>
        %and3A_257 = arith.andi %gather3A_247, %and3A_256 : vector<16xi32>
        %mul3A_258 = arith.constant 64 : i32
        %mul3A_259 = vector.broadcast %mul3A_258 : i32 to vector<16xi32>
        %mul3A_260 = arith.muli %and3A_257, %mul3A_259 : vector<16xi32>
        %shift_right_logical3A_261 = arith.constant 9 : i32
        %shift_right_logical3A_262 = vector.broadcast %shift_right_logical3A_261 : i32 to vector<16xi32>
        %shift_right_logical3A_263 = arith.shrui %gather3A_247, %shift_right_logical3A_262 : vector<16xi32>
        %or3A_264 = arith.ori %mul3A_260, %shift_right_logical3A_263 : vector<16xi32>
        %and3A_265 = arith.constant 131071 : i32
        %and3A_266 = vector.broadcast %and3A_265 : i32 to vector<16xi32>
        %and3A_267 = arith.andi %get3A_216, %and3A_266 : vector<16xi32>
        tpu.vector_store_idx %arg6[%or3A_264], %and3A_267 : memref<32768xi32, #tpu.memory_space<vmem>>[vector<16xi32>], vector<16xi32>,
        %and3A_268 = arith.constant 511 : i32
        %and3A_269 = vector.broadcast %and3A_268 : i32 to vector<16xi32>
        %and3A_270 = arith.andi %gather3A_248, %and3A_269 : vector<16xi32>
        %mul3A_271 = arith.constant 64 : i32
        %mul3A_272 = vector.broadcast %mul3A_271 : i32 to vector<16xi32>
        %mul3A_273 = arith.muli %and3A_270, %mul3A_272 : vector<16xi32>
        %shift_right_logical3A_274 = arith.constant 9 : i32
        %shift_right_logical3A_275 = vector.broadcast %shift_right_logical3A_274 : i32 to vector<16xi32>
        %shift_right_logical3A_276 = arith.shrui %gather3A_248, %shift_right_logical3A_275 : vector<16xi32>
        %or3A_277 = arith.ori %mul3A_273, %shift_right_logical3A_276 : vector<16xi32>
        %and3A_278 = arith.constant 131071 : i32
        %and3A_279 = vector.broadcast %and3A_278 : i32 to vector<16xi32>
        %and3A_280 = arith.andi %get3A_222, %and3A_279 : vector<16xi32>
        tpu.vector_store_idx %arg6[%or3A_277], %and3A_280 : memref<32768xi32, #tpu.memory_space<vmem>>[vector<16xi32>], vector<16xi32>,
        %and3A_281 = arith.constant 511 : i32
        %and3A_282 = vector.broadcast %and3A_281 : i32 to vector<16xi32>
        %and3A_283 = arith.andi %gather3A_249, %and3A_282 : vector<16xi32>
        %mul3A_284 = arith.constant 64 : i32
        %mul3A_285 = vector.broadcast %mul3A_284 : i32 to vector<16xi32>
        %mul3A_286 = arith.muli %and3A_283, %mul3A_285 : vector<16xi32>
        %shift_right_logical3A_287 = arith.constant 9 : i32
        %shift_right_logical3A_288 = vector.broadcast %shift_right_logical3A_287 : i32 to vector<16xi32>
        %shift_right_logical3A_289 = arith.shrui %gather3A_249, %shift_right_logical3A_288 : vector<16xi32>
        %or3A_290 = arith.ori %mul3A_286, %shift_right_logical3A_289 : vector<16xi32>
        %and3A_291 = arith.constant 131071 : i32
        %and3A_292 = vector.broadcast %and3A_291 : i32 to vector<16xi32>
        %and3A_293 = arith.andi %get3A_228, %and3A_292 : vector<16xi32>
        tpu.vector_store_idx %arg6[%or3A_290], %and3A_293 : memref<32768xi32, #tpu.memory_space<vmem>>[vector<16xi32>], vector<16xi32>,
        %and3A_294 = arith.constant 511 : i32
        %and3A_295 = vector.broadcast %and3A_294 : i32 to vector<16xi32>
        %and3A_296 = arith.andi %gather3A_250, %and3A_295 : vector<16xi32>
        %mul3A_297 = arith.constant 64 : i32
        %mul3A_298 = vector.broadcast %mul3A_297 : i32 to vector<16xi32>
        %mul3A_299 = arith.muli %and3A_296, %mul3A_298 : vector<16xi32>
        %shift_right_logical3A_300 = arith.constant 9 : i32
        %shift_right_logical3A_301 = vector.broadcast %shift_right_logical3A_300 : i32 to vector<16xi32>
        %shift_right_logical3A_302 = arith.shrui %gather3A_250, %shift_right_logical3A_301 : vector<16xi32>
        %or3A_303 = arith.ori %mul3A_299, %shift_right_logical3A_302 : vector<16xi32>
        %and3A_304 = arith.constant 131071 : i32
        %and3A_305 = vector.broadcast %and3A_304 : i32 to vector<16xi32>
        %and3A_306 = arith.andi %get3A_234, %and3A_305 : vector<16xi32>
        tpu.vector_store_idx %arg6[%or3A_303], %and3A_306 : memref<32768xi32, #tpu.memory_space<vmem>>[vector<16xi32>], vector<16xi32>,
      }
      %scan3A_97 = arith.constant 512 : i32
      %parallel_loop3A_98 = arith.constant 0 : i32
      %parallel_loop3A_99 = arith.constant 1024 : i32
      %parallel_loop3A_100 = arith.constant 1 : i32
      scf.for %parallel_loop3A_117 = %parallel_loop3A_98 to %parallel_loop3A_99 step %parallel_loop3A_100  : i32 {
        %parallel_loop3A_118 = arith.constant 16 : i32
        %parallel_loop3A_119 = arith.muli %parallel_loop3A_117, %parallel_loop3A_118 : i32
        %parallel_loop3A_120 = arith.index_cast %parallel_loop3A_119 : i32 to index
        %parallel_loop3A_121 = tpu.vector_load %arg8[%parallel_loop3A_120] {strides = array<i32>} : memref<16384xi32, #tpu.memory_space<vmem>>, vector<16xi32>,
        tpu.vector_store %arg8[%parallel_loop3A_120], %broadcast_in_dim3A_47 {strides = array<i32>} : memref<16384xi32, #tpu.memory_space<vmem>>, vector<16xi32>,
      } {sc.loop_unroll_factor = 8 : i64, sc.parallel_access}
      %parallel_loop3A_101 = arith.constant 0 : i32
      %parallel_loop3A_102 = arith.constant 512 : i32
      %parallel_loop3A_103 = arith.constant 1 : i32
      scf.for %parallel_loop3A_117 = %parallel_loop3A_101 to %parallel_loop3A_102 step %parallel_loop3A_103  : i32 {
        %parallel_loop3A_118 = arith.constant 64 : i32
        %parallel_loop3A_119 = arith.muli %parallel_loop3A_117, %parallel_loop3A_118 : i32
        %parallel_loop3A_120 = arith.constant 0 : i32
        %parallel_loop3A_121 = arith.addi %parallel_loop3A_119, %parallel_loop3A_120 : i32
        %parallel_loop3A_122 = arith.index_cast %parallel_loop3A_121 : i32 to index
        %parallel_loop3A_123 = tpu.vector_load %arg6[%parallel_loop3A_122] {strides = array<i32>} : memref<32768xi32, #tpu.memory_space<vmem>>, vector<16xi32>,
        %parallel_loop3A_124 = arith.constant 9 : i32
        %parallel_loop3A_125 = vector.broadcast %parallel_loop3A_124 : i32 to vector<16xi32>
        %parallel_loop3A_126 = arith.shrui %parallel_loop3A_123, %parallel_loop3A_125 : vector<16xi32>
        %parallel_loop3A_127 = arith.addi %parallel_loop3A_123, %parallel_loop3A_126 : vector<16xi32>
        %parallel_loop3A_128 = tpu.vector_load_idx %arg5[%parallel_loop3A_127] : memref<32832xi32, #tpu.memory_space<vmem>>[vector<16xi32>], vector<16xi32>,
        %parallel_loop3A_129 = arith.constant 24 : i32
        %parallel_loop3A_130 = vector.broadcast %parallel_loop3A_129 : i32 to vector<16xi32>
        %parallel_loop3A_131 = arith.shrui %parallel_loop3A_128, %parallel_loop3A_130 : vector<16xi32>
        %parallel_loop3A_132 = arith.constant 255 : i32
        %parallel_loop3A_133 = vector.broadcast %parallel_loop3A_132 : i32 to vector<16xi32>
        %parallel_loop3A_134 = arith.andi %parallel_loop3A_131, %parallel_loop3A_133 : vector<16xi32>
        %parallel_loop3A_135 = arith.constant 64 : i32
        %parallel_loop3A_136 = vector.broadcast %parallel_loop3A_135 : i32 to vector<16xi32>
        %parallel_loop3A_137 = arith.muli %parallel_loop3A_134, %parallel_loop3A_136 : vector<16xi32>
        %parallel_loop3A_138 = arith.addi %parallel_loop3A_137, %add3A_11 : vector<16xi32>
        tpu.vector_store_idx %arg8[%parallel_loop3A_138], %broadcast_in_dim3A_45 {add = true} : memref<16384xi32, #tpu.memory_space<vmem>>[vector<16xi32>], vector<16xi32>,
        %parallel_loop3A_139 = arith.constant 17 : i32
        %parallel_loop3A_140 = vector.broadcast %parallel_loop3A_139 : i32 to vector<16xi32>
        %parallel_loop3A_141 = arith.shli %parallel_loop3A_138, %parallel_loop3A_140 : vector<16xi32>
        %parallel_loop3A_142 = arith.ori %parallel_loop3A_141, %parallel_loop3A_123 : vector<16xi32>
        %parallel_loop3A_143 = arith.index_cast %parallel_loop3A_121 : i32 to index
        %parallel_loop3A_144 = tpu.vector_load %arg6[%parallel_loop3A_143] {strides = array<i32>} : memref<32768xi32, #tpu.memory_space<vmem>>, vector<16xi32>,
        tpu.vector_store %arg6[%parallel_loop3A_143], %parallel_loop3A_142 {strides = array<i32>} : memref<32768xi32, #tpu.memory_space<vmem>>, vector<16xi32>,
        %parallel_loop3A_145 = arith.constant 64 : i32
        %parallel_loop3A_146 = arith.muli %parallel_loop3A_117, %parallel_loop3A_145 : i32
        %parallel_loop3A_147 = arith.constant 16 : i32
        %parallel_loop3A_148 = arith.addi %parallel_loop3A_146, %parallel_loop3A_147 : i32
        %parallel_loop3A_149 = arith.index_cast %parallel_loop3A_148 : i32 to index
        %parallel_loop3A_150 = tpu.vector_load %arg6[%parallel_loop3A_149] {strides = array<i32>} : memref<32768xi32, #tpu.memory_space<vmem>>, vector<16xi32>,
        %parallel_loop3A_151 = arith.constant 9 : i32
        %parallel_loop3A_152 = vector.broadcast %parallel_loop3A_151 : i32 to vector<16xi32>
        %parallel_loop3A_153 = arith.shrui %parallel_loop3A_150, %parallel_loop3A_152 : vector<16xi32>
        %parallel_loop3A_154 = arith.addi %parallel_loop3A_150, %parallel_loop3A_153 : vector<16xi32>
        %parallel_loop3A_155 = tpu.vector_load_idx %arg5[%parallel_loop3A_154] : memref<32832xi32, #tpu.memory_space<vmem>>[vector<16xi32>], vector<16xi32>,
        %parallel_loop3A_156 = arith.constant 24 : i32
        %parallel_loop3A_157 = vector.broadcast %parallel_loop3A_156 : i32 to vector<16xi32>
        %parallel_loop3A_158 = arith.shrui %parallel_loop3A_155, %parallel_loop3A_157 : vector<16xi32>
        %parallel_loop3A_159 = arith.constant 255 : i32
        %parallel_loop3A_160 = vector.broadcast %parallel_loop3A_159 : i32 to vector<16xi32>
        %parallel_loop3A_161 = arith.andi %parallel_loop3A_158, %parallel_loop3A_160 : vector<16xi32>
        %parallel_loop3A_162 = arith.constant 64 : i32
        %parallel_loop3A_163 = vector.broadcast %parallel_loop3A_162 : i32 to vector<16xi32>
        %parallel_loop3A_164 = arith.muli %parallel_loop3A_161, %parallel_loop3A_163 : vector<16xi32>
        %parallel_loop3A_165 = arith.addi %parallel_loop3A_164, %add3A_14 : vector<16xi32>
        tpu.vector_store_idx %arg8[%parallel_loop3A_165], %broadcast_in_dim3A_45 {add = true} : memref<16384xi32, #tpu.memory_space<vmem>>[vector<16xi32>], vector<16xi32>,
        %parallel_loop3A_166 = arith.constant 17 : i32
        %parallel_loop3A_167 = vector.broadcast %parallel_loop3A_166 : i32 to vector<16xi32>
        %parallel_loop3A_168 = arith.shli %parallel_loop3A_165, %parallel_loop3A_167 : vector<16xi32>
        %parallel_loop3A_169 = arith.ori %parallel_loop3A_168, %parallel_loop3A_150 : vector<16xi32>
        %parallel_loop3A_170 = arith.index_cast %parallel_loop3A_148 : i32 to index
        %parallel_loop3A_171 = tpu.vector_load %arg6[%parallel_loop3A_170] {strides = array<i32>} : memref<32768xi32, #tpu.memory_space<vmem>>, vector<16xi32>,
        tpu.vector_store %arg6[%parallel_loop3A_170], %parallel_loop3A_169 {strides = array<i32>} : memref<32768xi32, #tpu.memory_space<vmem>>, vector<16xi32>,
        %parallel_loop3A_172 = arith.constant 64 : i32
        %parallel_loop3A_173 = arith.muli %parallel_loop3A_117, %parallel_loop3A_172 : i32
        %parallel_loop3A_174 = arith.constant 32 : i32
        %parallel_loop3A_175 = arith.addi %parallel_loop3A_173, %parallel_loop3A_174 : i32
        %parallel_loop3A_176 = arith.index_cast %parallel_loop3A_175 : i32 to index
        %parallel_loop3A_177 = tpu.vector_load %arg6[%parallel_loop3A_176] {strides = array<i32>} : memref<32768xi32, #tpu.memory_space<vmem>>, vector<16xi32>,
        %parallel_loop3A_178 = arith.constant 9 : i32
        %parallel_loop3A_179 = vector.broadcast %parallel_loop3A_178 : i32 to vector<16xi32>
        %parallel_loop3A_180 = arith.shrui %parallel_loop3A_177, %parallel_loop3A_179 : vector<16xi32>
        %parallel_loop3A_181 = arith.addi %parallel_loop3A_177, %parallel_loop3A_180 : vector<16xi32>
        %parallel_loop3A_182 = tpu.vector_load_idx %arg5[%parallel_loop3A_181] : memref<32832xi32, #tpu.memory_space<vmem>>[vector<16xi32>], vector<16xi32>,
        %parallel_loop3A_183 = arith.constant 24 : i32
        %parallel_loop3A_184 = vector.broadcast %parallel_loop3A_183 : i32 to vector<16xi32>
        %parallel_loop3A_185 = arith.shrui %parallel_loop3A_182, %parallel_loop3A_184 : vector<16xi32>
        %parallel_loop3A_186 = arith.constant 255 : i32
        %parallel_loop3A_187 = vector.broadcast %parallel_loop3A_186 : i32 to vector<16xi32>
        %parallel_loop3A_188 = arith.andi %parallel_loop3A_185, %parallel_loop3A_187 : vector<16xi32>
        %parallel_loop3A_189 = arith.constant 64 : i32
        %parallel_loop3A_190 = vector.broadcast %parallel_loop3A_189 : i32 to vector<16xi32>
        %parallel_loop3A_191 = arith.muli %parallel_loop3A_188, %parallel_loop3A_190 : vector<16xi32>
        %parallel_loop3A_192 = arith.addi %parallel_loop3A_191, %add3A_17 : vector<16xi32>
        tpu.vector_store_idx %arg8[%parallel_loop3A_192], %broadcast_in_dim3A_45 {add = true} : memref<16384xi32, #tpu.memory_space<vmem>>[vector<16xi32>], vector<16xi32>,
        %parallel_loop3A_193 = arith.constant 17 : i32
        %parallel_loop3A_194 = vector.broadcast %parallel_loop3A_193 : i32 to vector<16xi32>
        %parallel_loop3A_195 = arith.shli %parallel_loop3A_192, %parallel_loop3A_194 : vector<16xi32>
        %parallel_loop3A_196 = arith.ori %parallel_loop3A_195, %parallel_loop3A_177 : vector<16xi32>
        %parallel_loop3A_197 = arith.index_cast %parallel_loop3A_175 : i32 to index
        %parallel_loop3A_198 = tpu.vector_load %arg6[%parallel_loop3A_197] {strides = array<i32>} : memref<32768xi32, #tpu.memory_space<vmem>>, vector<16xi32>,
        tpu.vector_store %arg6[%parallel_loop3A_197], %parallel_loop3A_196 {strides = array<i32>} : memref<32768xi32, #tpu.memory_space<vmem>>, vector<16xi32>,
        %parallel_loop3A_199 = arith.constant 64 : i32
        %parallel_loop3A_200 = arith.muli %parallel_loop3A_117, %parallel_loop3A_199 : i32
        %parallel_loop3A_201 = arith.constant 48 : i32
        %parallel_loop3A_202 = arith.addi %parallel_loop3A_200, %parallel_loop3A_201 : i32
        %parallel_loop3A_203 = arith.index_cast %parallel_loop3A_202 : i32 to index
        %parallel_loop3A_204 = tpu.vector_load %arg6[%parallel_loop3A_203] {strides = array<i32>} : memref<32768xi32, #tpu.memory_space<vmem>>, vector<16xi32>,
        %parallel_loop3A_205 = arith.constant 9 : i32
        %parallel_loop3A_206 = vector.broadcast %parallel_loop3A_205 : i32 to vector<16xi32>
        %parallel_loop3A_207 = arith.shrui %parallel_loop3A_204, %parallel_loop3A_206 : vector<16xi32>
        %parallel_loop3A_208 = arith.addi %parallel_loop3A_204, %parallel_loop3A_207 : vector<16xi32>
        %parallel_loop3A_209 = tpu.vector_load_idx %arg5[%parallel_loop3A_208] : memref<32832xi32, #tpu.memory_space<vmem>>[vector<16xi32>], vector<16xi32>,
        %parallel_loop3A_210 = arith.constant 24 : i32
        %parallel_loop3A_211 = vector.broadcast %parallel_loop3A_210 : i32 to vector<16xi32>
        %parallel_loop3A_212 = arith.shrui %parallel_loop3A_209, %parallel_loop3A_211 : vector<16xi32>
        %parallel_loop3A_213 = arith.constant 255 : i32
        %parallel_loop3A_214 = vector.broadcast %parallel_loop3A_213 : i32 to vector<16xi32>
        %parallel_loop3A_215 = arith.andi %parallel_loop3A_212, %parallel_loop3A_214 : vector<16xi32>
        %parallel_loop3A_216 = arith.constant 64 : i32
        %parallel_loop3A_217 = vector.broadcast %parallel_loop3A_216 : i32 to vector<16xi32>
        %parallel_loop3A_218 = arith.muli %parallel_loop3A_215, %parallel_loop3A_217 : vector<16xi32>
        %parallel_loop3A_219 = arith.addi %parallel_loop3A_218, %add3A_20 : vector<16xi32>
        tpu.vector_store_idx %arg8[%parallel_loop3A_219], %broadcast_in_dim3A_45 {add = true} : memref<16384xi32, #tpu.memory_space<vmem>>[vector<16xi32>], vector<16xi32>,
        %parallel_loop3A_220 = arith.constant 17 : i32
        %parallel_loop3A_221 = vector.broadcast %parallel_loop3A_220 : i32 to vector<16xi32>
        %parallel_loop3A_222 = arith.shli %parallel_loop3A_219, %parallel_loop3A_221 : vector<16xi32>
        %parallel_loop3A_223 = arith.ori %parallel_loop3A_222, %parallel_loop3A_204 : vector<16xi32>
        %parallel_loop3A_224 = arith.index_cast %parallel_loop3A_202 : i32 to index
        %parallel_loop3A_225 = tpu.vector_load %arg6[%parallel_loop3A_224] {strides = array<i32>} : memref<32768xi32, #tpu.memory_space<vmem>>, vector<16xi32>,
        tpu.vector_store %arg6[%parallel_loop3A_224], %parallel_loop3A_223 {strides = array<i32>} : memref<32768xi32, #tpu.memory_space<vmem>>, vector<16xi32>,
      } {sc.loop_unroll_factor = 2 : i64, sc.parallel_access}
      %parallel_loop3A_104 = arith.constant 0 : i32
      %parallel_loop3A_105 = arith.constant 1024 : i32
      %parallel_loop3A_106 = arith.constant 1 : i32
      %parallel_loop3A_107 = arith.constant 0 : i32
      %parallel_loop3A_108 = scf.for %parallel_loop3A_117 = %parallel_loop3A_104 to %parallel_loop3A_105 step %parallel_loop3A_106 iter_args(%parallel_loop3A_118 = %parallel_loop3A_107) -> (i32)  : i32 {
        %parallel_loop3A_119 = arith.constant 16 : i32
        %parallel_loop3A_120 = arith.muli %parallel_loop3A_117, %parallel_loop3A_119 : i32
        %parallel_loop3A_121 = arith.index_cast %parallel_loop3A_120 : i32 to index
        %parallel_loop3A_122 = tpu.vector_load %arg8[%parallel_loop3A_121] {strides = array<i32>} : memref<16384xi32, #tpu.memory_space<vmem>>, vector<16xi32>,
        %parallel_loop3A_123 = arith.constant true
        %parallel_loop3A_124 = vector.broadcast %parallel_loop3A_123 : i1 to vector<16xi1>
        %parallel_loop3A_125 = tpu.scan <sum>, %parallel_loop3A_122 masked %parallel_loop3A_124 : vector<16xi32>, vector<16xi1> -> vector<16xi32>
        %parallel_loop3A_126 = arith.subi %parallel_loop3A_125, %parallel_loop3A_122 : vector<16xi32>
        %parallel_loop3A_127 = vector.broadcast %parallel_loop3A_118 : i32 to vector<16xi32>
        %parallel_loop3A_128 = arith.addi %parallel_loop3A_126, %parallel_loop3A_127 : vector<16xi32>
        %parallel_loop3A_129 = arith.index_cast %parallel_loop3A_120 : i32 to index
        %parallel_loop3A_130 = tpu.vector_load %arg8[%parallel_loop3A_129] {strides = array<i32>} : memref<16384xi32, #tpu.memory_space<vmem>>, vector<16xi32>,
        tpu.vector_store %arg8[%parallel_loop3A_129], %parallel_loop3A_128 {strides = array<i32>} : memref<16384xi32, #tpu.memory_space<vmem>>, vector<16xi32>,
        %parallel_loop3A_131 = arith.constant true
        %parallel_loop3A_132 = vector.broadcast %parallel_loop3A_131 : i1 to vector<16xi1>
        %parallel_loop3A_133 = arith.constant -2147483648 : i32
        %parallel_loop3A_134 = vector.broadcast %parallel_loop3A_133 : i32 to vector<16xi32>
        %parallel_loop3A_135 = arith.xori %parallel_loop3A_125, %parallel_loop3A_134 : vector<16xi32>
        %parallel_loop3A_136 = tpu.scan <max>, %parallel_loop3A_135 masked %parallel_loop3A_132 : vector<16xi32>, vector<16xi1> -> vector<16xi32>
        %parallel_loop3A_137 = arith.xori %parallel_loop3A_136, %parallel_loop3A_134 : vector<16xi32>
        %parallel_loop3A_138 = vector.extract %parallel_loop3A_137[15] : i32 from vector<16xi32>
        %parallel_loop3A_139 = arith.addi %parallel_loop3A_118, %parallel_loop3A_138 : i32
        scf.yield %parallel_loop3A_139 : i32
      } {sc.loop_unroll_factor = 4 : i64, sc.parallel_access}
      %scan3A_109 = arith.constant 0 : i32
      %scan3A_110 = arith.constant 512 : i32
      %scan3A_111 = arith.addi %scan3A_109, %scan3A_110 : i32
      %scan3A_112 = arith.constant 2 : i32
      scf.for %scan3A_117 = %scan3A_109 to %scan3A_111 step %scan3A_112  : i32 {
        %mul3A_118 = arith.constant 64 : i32
        %mul3A_119 = arith.muli %scan3A_117, %mul3A_118 : i32
        %add3A_120 = arith.constant 0 : i32
        %add3A_121 = arith.addi %mul3A_119, %add3A_120 : i32
        %get3A = arith.index_cast %add3A_121 : i32 to index
        %get3A_122 = tpu.vector_load %arg6[%get3A] {strides = array<i32>} : memref<32768xi32, #tpu.memory_space<vmem>>, vector<16xi32>,
        %mul3A_123 = arith.constant 64 : i32
        %mul3A_124 = arith.muli %scan3A_117, %mul3A_123 : i32
        %add3A_125 = arith.constant 16 : i32
        %add3A_126 = arith.addi %mul3A_124, %add3A_125 : i32
        %get3A_127 = arith.index_cast %add3A_126 : i32 to index
        %get3A_128 = tpu.vector_load %arg6[%get3A_127] {strides = array<i32>} : memref<32768xi32, #tpu.memory_space<vmem>>, vector<16xi32>,
        %mul3A_129 = arith.constant 64 : i32
        %mul3A_130 = arith.muli %scan3A_117, %mul3A_129 : i32
        %add3A_131 = arith.constant 32 : i32
        %add3A_132 = arith.addi %mul3A_130, %add3A_131 : i32
        %get3A_133 = arith.index_cast %add3A_132 : i32 to index
        %get3A_134 = tpu.vector_load %arg6[%get3A_133] {strides = array<i32>} : memref<32768xi32, #tpu.memory_space<vmem>>, vector<16xi32>,
        %mul3A_135 = arith.constant 64 : i32
        %mul3A_136 = arith.muli %scan3A_117, %mul3A_135 : i32
        %add3A_137 = arith.constant 48 : i32
        %add3A_138 = arith.addi %mul3A_136, %add3A_137 : i32
        %get3A_139 = arith.index_cast %add3A_138 : i32 to index
        %get3A_140 = tpu.vector_load %arg6[%get3A_139] {strides = array<i32>} : memref<32768xi32, #tpu.memory_space<vmem>>, vector<16xi32>,
        %shift_right_logical3A = arith.constant 17 : i32
        %shift_right_logical3A_141 = vector.broadcast %shift_right_logical3A : i32 to vector<16xi32>
        %shift_right_logical3A_142 = arith.shrui %get3A_122, %shift_right_logical3A_141 : vector<16xi32>
        %shift_right_logical3A_143 = arith.constant 17 : i32
        %shift_right_logical3A_144 = vector.broadcast %shift_right_logical3A_143 : i32 to vector<16xi32>
        %shift_right_logical3A_145 = arith.shrui %get3A_128, %shift_right_logical3A_144 : vector<16xi32>
        %shift_right_logical3A_146 = arith.constant 17 : i32
        %shift_right_logical3A_147 = vector.broadcast %shift_right_logical3A_146 : i32 to vector<16xi32>
        %shift_right_logical3A_148 = arith.shrui %get3A_134, %shift_right_logical3A_147 : vector<16xi32>
        %shift_right_logical3A_149 = arith.constant 17 : i32
        %shift_right_logical3A_150 = vector.broadcast %shift_right_logical3A_149 : i32 to vector<16xi32>
        %shift_right_logical3A_151 = arith.shrui %get3A_140, %shift_right_logical3A_150 : vector<16xi32>
        %gather3A = tpu.vector_load_idx %arg8[%shift_right_logical3A_142] : memref<16384xi32, #tpu.memory_space<vmem>>[vector<16xi32>], vector<16xi32>,
        %gather3A_152 = tpu.vector_load_idx %arg8[%shift_right_logical3A_145] : memref<16384xi32, #tpu.memory_space<vmem>>[vector<16xi32>], vector<16xi32>,
        %gather3A_153 = tpu.vector_load_idx %arg8[%shift_right_logical3A_148] : memref<16384xi32, #tpu.memory_space<vmem>>[vector<16xi32>], vector<16xi32>,
        %gather3A_154 = tpu.vector_load_idx %arg8[%shift_right_logical3A_151] : memref<16384xi32, #tpu.memory_space<vmem>>[vector<16xi32>], vector<16xi32>,
        %add3A_155 = arith.addi %gather3A, %broadcast_in_dim3A_45 : vector<16xi32>
        tpu.vector_store_idx %arg8[%shift_right_logical3A_142], %add3A_155 : memref<16384xi32, #tpu.memory_space<vmem>>[vector<16xi32>], vector<16xi32>,
        %add3A_156 = arith.addi %gather3A_152, %broadcast_in_dim3A_45 : vector<16xi32>
        tpu.vector_store_idx %arg8[%shift_right_logical3A_145], %add3A_156 : memref<16384xi32, #tpu.memory_space<vmem>>[vector<16xi32>], vector<16xi32>,
        %add3A_157 = arith.addi %gather3A_153, %broadcast_in_dim3A_45 : vector<16xi32>
        tpu.vector_store_idx %arg8[%shift_right_logical3A_148], %add3A_157 : memref<16384xi32, #tpu.memory_space<vmem>>[vector<16xi32>], vector<16xi32>,
        %add3A_158 = arith.addi %gather3A_154, %broadcast_in_dim3A_45 : vector<16xi32>
        tpu.vector_store_idx %arg8[%shift_right_logical3A_151], %add3A_158 : memref<16384xi32, #tpu.memory_space<vmem>>[vector<16xi32>], vector<16xi32>,
        %and3A = arith.constant 131071 : i32
        %and3A_159 = vector.broadcast %and3A : i32 to vector<16xi32>
        %and3A_160 = arith.andi %get3A_122, %and3A_159 : vector<16xi32>
        tpu.vector_store_idx %arg7[%gather3A], %and3A_160 : memref<32768xi32, #tpu.memory_space<vmem>>[vector<16xi32>], vector<16xi32>,
        %and3A_161 = arith.constant 131071 : i32
        %and3A_162 = vector.broadcast %and3A_161 : i32 to vector<16xi32>
        %and3A_163 = arith.andi %get3A_128, %and3A_162 : vector<16xi32>
        tpu.vector_store_idx %arg7[%gather3A_152], %and3A_163 : memref<32768xi32, #tpu.memory_space<vmem>>[vector<16xi32>], vector<16xi32>,
        %and3A_164 = arith.constant 131071 : i32
        %and3A_165 = vector.broadcast %and3A_164 : i32 to vector<16xi32>
        %and3A_166 = arith.andi %get3A_134, %and3A_165 : vector<16xi32>
        tpu.vector_store_idx %arg7[%gather3A_153], %and3A_166 : memref<32768xi32, #tpu.memory_space<vmem>>[vector<16xi32>], vector<16xi32>,
        %and3A_167 = arith.constant 131071 : i32
        %and3A_168 = vector.broadcast %and3A_167 : i32 to vector<16xi32>
        %and3A_169 = arith.andi %get3A_140, %and3A_168 : vector<16xi32>
        tpu.vector_store_idx %arg7[%gather3A_154], %and3A_169 : memref<32768xi32, #tpu.memory_space<vmem>>[vector<16xi32>], vector<16xi32>,
        %scan3A_170 = arith.constant 1 : i32
        %scan3A_171 = arith.addi %scan3A_117, %scan3A_170 : i32
        %mul3A_172 = arith.constant 64 : i32
        %mul3A_173 = arith.muli %scan3A_171, %mul3A_172 : i32
        %add3A_174 = arith.constant 0 : i32
        %add3A_175 = arith.addi %mul3A_173, %add3A_174 : i32
        %get3A_176 = arith.index_cast %add3A_175 : i32 to index
        %get3A_177 = tpu.vector_load %arg6[%get3A_176] {strides = array<i32>} : memref<32768xi32, #tpu.memory_space<vmem>>, vector<16xi32>,
        %mul3A_178 = arith.constant 64 : i32
        %mul3A_179 = arith.muli %scan3A_171, %mul3A_178 : i32
        %add3A_180 = arith.constant 16 : i32
        %add3A_181 = arith.addi %mul3A_179, %add3A_180 : i32
        %get3A_182 = arith.index_cast %add3A_181 : i32 to index
        %get3A_183 = tpu.vector_load %arg6[%get3A_182] {strides = array<i32>} : memref<32768xi32, #tpu.memory_space<vmem>>, vector<16xi32>,
        %mul3A_184 = arith.constant 64 : i32
        %mul3A_185 = arith.muli %scan3A_171, %mul3A_184 : i32
        %add3A_186 = arith.constant 32 : i32
        %add3A_187 = arith.addi %mul3A_185, %add3A_186 : i32
        %get3A_188 = arith.index_cast %add3A_187 : i32 to index
        %get3A_189 = tpu.vector_load %arg6[%get3A_188] {strides = array<i32>} : memref<32768xi32, #tpu.memory_space<vmem>>, vector<16xi32>,
        %mul3A_190 = arith.constant 64 : i32
        %mul3A_191 = arith.muli %scan3A_171, %mul3A_190 : i32
        %add3A_192 = arith.constant 48 : i32
        %add3A_193 = arith.addi %mul3A_191, %add3A_192 : i32
        %get3A_194 = arith.index_cast %add3A_193 : i32 to index
        %get3A_195 = tpu.vector_load %arg6[%get3A_194] {strides = array<i32>} : memref<32768xi32, #tpu.memory_space<vmem>>, vector<16xi32>,
        %shift_right_logical3A_196 = arith.constant 17 : i32
        %shift_right_logical3A_197 = vector.broadcast %shift_right_logical3A_196 : i32 to vector<16xi32>
        %shift_right_logical3A_198 = arith.shrui %get3A_177, %shift_right_logical3A_197 : vector<16xi32>
        %shift_right_logical3A_199 = arith.constant 17 : i32
        %shift_right_logical3A_200 = vector.broadcast %shift_right_logical3A_199 : i32 to vector<16xi32>
        %shift_right_logical3A_201 = arith.shrui %get3A_183, %shift_right_logical3A_200 : vector<16xi32>
        %shift_right_logical3A_202 = arith.constant 17 : i32
        %shift_right_logical3A_203 = vector.broadcast %shift_right_logical3A_202 : i32 to vector<16xi32>
        %shift_right_logical3A_204 = arith.shrui %get3A_189, %shift_right_logical3A_203 : vector<16xi32>
        %shift_right_logical3A_205 = arith.constant 17 : i32
        %shift_right_logical3A_206 = vector.broadcast %shift_right_logical3A_205 : i32 to vector<16xi32>
        %shift_right_logical3A_207 = arith.shrui %get3A_195, %shift_right_logical3A_206 : vector<16xi32>
        %gather3A_208 = tpu.vector_load_idx %arg8[%shift_right_logical3A_198] : memref<16384xi32, #tpu.memory_space<vmem>>[vector<16xi32>], vector<16xi32>,
        %gather3A_209 = tpu.vector_load_idx %arg8[%shift_right_logical3A_201] : memref<16384xi32, #tpu.memory_space<vmem>>[vector<16xi32>], vector<16xi32>,
        %gather3A_210 = tpu.vector_load_idx %arg8[%shift_right_logical3A_204] : memref<16384xi32, #tpu.memory_space<vmem>>[vector<16xi32>], vector<16xi32>,
        %gather3A_211 = tpu.vector_load_idx %arg8[%shift_right_logical3A_207] : memref<16384xi32, #tpu.memory_space<vmem>>[vector<16xi32>], vector<16xi32>,
        %add3A_212 = arith.addi %gather3A_208, %broadcast_in_dim3A_45 : vector<16xi32>
        tpu.vector_store_idx %arg8[%shift_right_logical3A_198], %add3A_212 : memref<16384xi32, #tpu.memory_space<vmem>>[vector<16xi32>], vector<16xi32>,
        %add3A_213 = arith.addi %gather3A_209, %broadcast_in_dim3A_45 : vector<16xi32>
        tpu.vector_store_idx %arg8[%shift_right_logical3A_201], %add3A_213 : memref<16384xi32, #tpu.memory_space<vmem>>[vector<16xi32>], vector<16xi32>,
        %add3A_214 = arith.addi %gather3A_210, %broadcast_in_dim3A_45 : vector<16xi32>
        tpu.vector_store_idx %arg8[%shift_right_logical3A_204], %add3A_214 : memref<16384xi32, #tpu.memory_space<vmem>>[vector<16xi32>], vector<16xi32>,
        %add3A_215 = arith.addi %gather3A_211, %broadcast_in_dim3A_45 : vector<16xi32>
        tpu.vector_store_idx %arg8[%shift_right_logical3A_207], %add3A_215 : memref<16384xi32, #tpu.memory_space<vmem>>[vector<16xi32>], vector<16xi32>,
        %and3A_216 = arith.constant 131071 : i32
        %and3A_217 = vector.broadcast %and3A_216 : i32 to vector<16xi32>
        %and3A_218 = arith.andi %get3A_177, %and3A_217 : vector<16xi32>
        tpu.vector_store_idx %arg7[%gather3A_208], %and3A_218 : memref<32768xi32, #tpu.memory_space<vmem>>[vector<16xi32>], vector<16xi32>,
        %and3A_219 = arith.constant 131071 : i32
        %and3A_220 = vector.broadcast %and3A_219 : i32 to vector<16xi32>
        %and3A_221 = arith.andi %get3A_183, %and3A_220 : vector<16xi32>
        tpu.vector_store_idx %arg7[%gather3A_209], %and3A_221 : memref<32768xi32, #tpu.memory_space<vmem>>[vector<16xi32>], vector<16xi32>,
        %and3A_222 = arith.constant 131071 : i32
        %and3A_223 = vector.broadcast %and3A_222 : i32 to vector<16xi32>
        %and3A_224 = arith.andi %get3A_189, %and3A_223 : vector<16xi32>
        tpu.vector_store_idx %arg7[%gather3A_210], %and3A_224 : memref<32768xi32, #tpu.memory_space<vmem>>[vector<16xi32>], vector<16xi32>,
        %and3A_225 = arith.constant 131071 : i32
        %and3A_226 = vector.broadcast %and3A_225 : i32 to vector<16xi32>
        %and3A_227 = arith.andi %get3A_195, %and3A_226 : vector<16xi32>
        tpu.vector_store_idx %arg7[%gather3A_211], %and3A_227 : memref<32768xi32, #tpu.memory_space<vmem>>[vector<16xi32>], vector<16xi32>,
      }
      %scan3A_113 = arith.constant 512 : i32
      %parallel_loop3A_114 = arith.constant 0 : i32
      %parallel_loop3A_115 = arith.constant 2048 : i32
      %parallel_loop3A_116 = arith.constant 1 : i32
      scf.for %parallel_loop3A_117 = %parallel_loop3A_114 to %parallel_loop3A_115 step %parallel_loop3A_116  : i32 {
        %parallel_loop3A_118 = arith.constant 16 : i32
        %parallel_loop3A_119 = arith.muli %parallel_loop3A_117, %parallel_loop3A_118 : i32
        %parallel_loop3A_120 = arith.index_cast %parallel_loop3A_119 : i32 to index
        %parallel_loop3A_121 = tpu.vector_load %arg7[%parallel_loop3A_120] {strides = array<i32>} : memref<32768xi32, #tpu.memory_space<vmem>>, vector<16xi32>,
        %parallel_loop3A_122 = arith.constant 9 : i32
        %parallel_loop3A_123 = vector.broadcast %parallel_loop3A_122 : i32 to vector<16xi32>
        %parallel_loop3A_124 = arith.shrui %parallel_loop3A_121, %parallel_loop3A_123 : vector<16xi32>
        %parallel_loop3A_125 = arith.addi %parallel_loop3A_121, %parallel_loop3A_124 : vector<16xi32>
        %parallel_loop3A_126 = tpu.vector_load_idx %arg5[%parallel_loop3A_125] : memref<32832xi32, #tpu.memory_space<vmem>>[vector<16xi32>], vector<16xi32>,
        %parallel_loop3A_127 = arith.constant 31 : i32
        %parallel_loop3A_128 = vector.broadcast %parallel_loop3A_127 : i32 to vector<16xi32>
        %parallel_loop3A_129 = arith.shrsi %parallel_loop3A_126, %parallel_loop3A_128 : vector<16xi32>
        %parallel_loop3A_130 = arith.constant dense<-1> : vector<16xi32>
        %parallel_loop3A_131 = arith.xori %parallel_loop3A_129, %parallel_loop3A_130 : vector<16xi32>
        %parallel_loop3A_132 = arith.constant -2147483648 : i32
        %parallel_loop3A_133 = vector.broadcast %parallel_loop3A_132 : i32 to vector<16xi32>
        %parallel_loop3A_134 = arith.ori %parallel_loop3A_131, %parallel_loop3A_133 : vector<16xi32>
        %parallel_loop3A_135 = arith.xori %parallel_loop3A_126, %parallel_loop3A_134 : vector<16xi32>
        %parallel_loop3A_136 = arith.index_cast %parallel_loop3A_119 : i32 to index
        %parallel_loop3A_137 = tpu.vector_load %arg6[%parallel_loop3A_136] {strides = array<i32>} : memref<32768xi32, #tpu.memory_space<vmem>>, vector<16xi32>,
        tpu.vector_store %arg6[%parallel_loop3A_136], %parallel_loop3A_135 {strides = array<i32>} : memref<32768xi32, #tpu.memory_space<vmem>>, vector<16xi32>,
      } {sc.loop_unroll_factor = 8 : i64, sc.parallel_access}
      "tpu.region"() ({
        %run_scoped3A = tpu.sem_alloc : memref<!tpu.dma_semaphore, #tpu.memory_space<semaphore_mem>>
        %dma_start3A = arith.constant 0 : i32
        %dma_start3A_117 = tpu.memref_slice %arg3[%add3A_8, %dma_start3A] : memref<64x32768xi32, #tpu.memory_space<hbm>> -> memref<1x32768xi32, #tpu.memory_space<hbm>>
        %dma_start3A_118 = tpu.memref_squeeze %dma_start3A_117 : memref<1x32768xi32, #tpu.memory_space<hbm>> -> memref<32768xi32, #tpu.memory_space<hbm>>
        %dma_start3A_119 = arith.constant 0 : i32
        %dma_start3A_120 = tpu.memref_slice %arg3[%add3A_8, %dma_start3A_119] : memref<64x32768xi32, #tpu.memory_space<hbm>> -> memref<1x32768xi32, #tpu.memory_space<hbm>>
        %dma_start3A_121 = tpu.memref_squeeze %dma_start3A_120 : memref<1x32768xi32, #tpu.memory_space<hbm>> -> memref<32768xi32, #tpu.memory_space<hbm>>
        tpu.enqueue_dma source(%arg6 : memref<32768xi32, #tpu.memory_space<vmem>>) target(%dma_start3A_121 : memref<32768xi32, #tpu.memory_space<hbm>>) target_semaphore(%run_scoped3A : memref<!tpu.dma_semaphore, #tpu.memory_space<semaphore_mem>>)
        %dma_wait3A = arith.constant 0 : i32
        %dma_wait3A_122 = tpu.memref_slice %arg3[%add3A_8, %dma_wait3A] : memref<64x32768xi32, #tpu.memory_space<hbm>> -> memref<1x32768xi32, #tpu.memory_space<hbm>>
        %dma_wait3A_123 = tpu.memref_squeeze %dma_wait3A_122 : memref<1x32768xi32, #tpu.memory_space<hbm>> -> memref<32768xi32, #tpu.memory_space<hbm>>
        %dma_wait3A_124 = arith.constant 0 : i32
        %dma_wait3A_125 = tpu.memref_slice %arg3[%add3A_8, %dma_wait3A_124] : memref<64x32768xi32, #tpu.memory_space<hbm>> -> memref<1x32768xi32, #tpu.memory_space<hbm>>
        %dma_wait3A_126 = tpu.memref_squeeze %dma_wait3A_125 : memref<1x32768xi32, #tpu.memory_space<hbm>> -> memref<32768xi32, #tpu.memory_space<hbm>>
        tpu.wait_dma2 semaphore(%run_scoped3A : memref<!tpu.dma_semaphore, #tpu.memory_space<semaphore_mem>>) src(%arg6 : memref<32768xi32, #tpu.memory_space<vmem>>) dst(%dma_wait3A_126 : memref<32768xi32, #tpu.memory_space<hbm>>)
        tpu.yield
      }) : () -> ()
      "tpu.region"() ({
        %run_scoped3A = tpu.sem_alloc : memref<!tpu.dma_semaphore, #tpu.memory_space<semaphore_mem>>
        %dma_start3A = arith.constant 0 : i32
        %dma_start3A_117 = tpu.memref_slice %arg4[%add3A_8, %dma_start3A] : memref<64x32768xi32, #tpu.memory_space<hbm>> -> memref<1x32768xi32, #tpu.memory_space<hbm>>
        %dma_start3A_118 = tpu.memref_squeeze %dma_start3A_117 : memref<1x32768xi32, #tpu.memory_space<hbm>> -> memref<32768xi32, #tpu.memory_space<hbm>>
        %dma_start3A_119 = arith.constant 0 : i32
        %dma_start3A_120 = tpu.memref_slice %arg4[%add3A_8, %dma_start3A_119] : memref<64x32768xi32, #tpu.memory_space<hbm>> -> memref<1x32768xi32, #tpu.memory_space<hbm>>
        %dma_start3A_121 = tpu.memref_squeeze %dma_start3A_120 : memref<1x32768xi32, #tpu.memory_space<hbm>> -> memref<32768xi32, #tpu.memory_space<hbm>>
        tpu.enqueue_dma source(%arg7 : memref<32768xi32, #tpu.memory_space<vmem>>) target(%dma_start3A_121 : memref<32768xi32, #tpu.memory_space<hbm>>) target_semaphore(%run_scoped3A : memref<!tpu.dma_semaphore, #tpu.memory_space<semaphore_mem>>)
        %dma_wait3A = arith.constant 0 : i32
        %dma_wait3A_122 = tpu.memref_slice %arg4[%add3A_8, %dma_wait3A] : memref<64x32768xi32, #tpu.memory_space<hbm>> -> memref<1x32768xi32, #tpu.memory_space<hbm>>
        %dma_wait3A_123 = tpu.memref_squeeze %dma_wait3A_122 : memref<1x32768xi32, #tpu.memory_space<hbm>> -> memref<32768xi32, #tpu.memory_space<hbm>>
        %dma_wait3A_124 = arith.constant 0 : i32
        %dma_wait3A_125 = tpu.memref_slice %arg4[%add3A_8, %dma_wait3A_124] : memref<64x32768xi32, #tpu.memory_space<hbm>> -> memref<1x32768xi32, #tpu.memory_space<hbm>>
        %dma_wait3A_126 = tpu.memref_squeeze %dma_wait3A_125 : memref<1x32768xi32, #tpu.memory_space<hbm>> -> memref<32768xi32, #tpu.memory_space<hbm>>
        tpu.wait_dma2 semaphore(%run_scoped3A : memref<!tpu.dma_semaphore, #tpu.memory_space<semaphore_mem>>) src(%arg7 : memref<32768xi32, #tpu.memory_space<vmem>>) dst(%dma_wait3A_126 : memref<32768xi32, #tpu.memory_space<hbm>>)
        tpu.yield
      }) : () -> ()
    }
    %scan3A_4 = arith.constant 2 : i32
    return
  }
}

</mosaic_0001>

<sc_bundles>
// kernel: kernel.3.cloned.1.call-start
scs
__scs_entry_jumppad:
0x0: {  	(pc) =	sbr.rel $0x88, $3  }
0x1: {  	(tag) =	ssettag $0x0;
	lr =	simm.s32 $0x1  }
0x2: {  	[smem:$0x3FA0] =	sst lr;
	_ =	strace $0xD0000000  }
0x3: {  	_ = 	snop  }
0x4: {  	_ = 	snop  }
0x5: {  	_ = 	snop  }
0x6: {  	_ = 	snop  }
0x7: {  	_ = 	snop  }
__scs_overlays_trampoline_lowered:
0x8: {  	[smem:$0x3FAF] =	sst s0  }
0x9: {  	[smem:$0x3FB0] =	sst s1  }
0xa: {  	[smem:$0x3FB1] =	sst s2  }
0xb: {  	[smem:$0x3FB2] =	sst s3  }
0xc: {  	[smem:$0x3FB3] =	sst s4  }
0xd: {  	[smem:$0x3FB4] =	sst s5  }
0xe: {  	[smem:$0x3FB5] =	sst s6  }
0xf: {  	[smem:$0x3FB6] =	sst s7  }
0x10: {  	[smem:$0x3FB7] =	sst s8  }
0x11: {  	[smem:$0x3FB8] =	sst s9;
	s0 =	simm.s32 @!p0 $0x0  }
0x12: {  	s1 =	sld [smem:$0x3F9E];
	s0 =	simm.s32 @p0 $0x1  }
0x13: {  	[smem:$0x3FB9] =	sst s0;
	s0 =	simm.s32 @!p1 $0x0  }
0x14: {  	s2 =	sld [smem:$0x3F9D];
	s0 =	simm.s32 @p1 $0x1  }
0x15: {  	[smem:$0x3FBA] =	sst s0;
	s0 =	simm.s32 @!p2 $0x0  }
0x16: {  	s3 =	sld [smem:$0x3FDB];
	s0 =	simm.s32 @p2 $0x1  }
0x17: {  	s4 =	simm.s32 $0x1BF5;
	[smem:$0x3FBC] =	sst s0  }
0x18: {  	s0 =	sld [smem:$0x3F9F];
	_ =	swait.ge [sflag:s4], $0x0  }
0x19: {  	s7 =	sld [smem:$0x3FA0]  }
0x1a: {  	s8 =	sadd.s32 $0xFFFFE003, lr  }
0x1b: {  	s9 =	sadd.s32 $0xFFFFFEF7, lr;
	s5 =	simm.s32 $0xFFFFFFFF;
	p2 =	slt.u32 s8, $0xFFFFF086  }
0x1c: {  	p1 =	slt.u32 s9, $0xF7A;
	s5 =	simm.s32 @!p2 $0x0  }
0x1d: {  	s5 =	simm.s32 @p1 $0x1;
	p0 =	seq.s32 s7, s2  }
0x1e: {  	s7 =	smul.u32 @!p0 $0xF7A, s2;
	p2 =	seq.s32 @!p0 s5, $0x0  }
0x1f: {  	s9 =	smul.u32 $0xF7A, s1;
	s8 =	simm.s32 @!p0 $0x1BF5;
	p2 =	por !p2, p0  }
0x20: {  	[sflag:s8] =	ssyncset.s32 @!p0 $0xFFFFF086;
	s6 =	sadd.s32 @!p0 s3, s7;
	s7 =	simm.s32 @!p0 $0x108  }
0x21: {  	s3 =	sadd.s32 s3, s9;
	s6 =	sadd.s32 @!p0 $0x88, s6;
	s7 =	simm.s32 @p2 $0x1082  }
0x22: {  	[simem:s7], [sflag:s8] =	dma.local @!p0 [hbm:s6], $0xF7A  }
0x23: {  	s9 =	sor.u32 $0xD0000000, s2;
	s6 =	simm.s32 $0x108;
	_ =	swait.ge @!p0 [sflag:s8], $0x0  }
0x24: {  	s3 =	sadd.s32 $0x88, s3;
	s6 =	simm.s32 @!p1 $0x1082;
	[sflag:s4] =	ssyncset.s32 $0xFFFFF086  }
0x25: {  	[simem:s6], [sflag:s4] =	dma.local [hbm:s3], $0xF7A  }
0x26: {  	[smem:$0x3FA0] =	sst s1;
	(tag) =	ssettag s2;
	_ =	strace s9  }
0x27: {  	s1 =	sld [smem:$0x3FB0]  }
0x28: {  	s2 =	sld [smem:$0x3FB1]  }
0x29: {  	s4 =	sld [smem:$0x3FB3]  }
0x2a: {  	p0 =	seq.s32 s5, $0x0;
	s5 =	sld [smem:$0x3FB4]  }
0x2b: {  	s6 =	sld [smem:$0x3FB5]  }
0x2c: {  	s7 =	sld [smem:$0x3FB6]  }
0x2d: {  	s3 =	simm.s32 $0x108;
	s8 =	sld [smem:$0x3FB7]  }
0x2e: {  	s3 =	simm.s32 @!p0 $0x1082;
	s9 =	sld [smem:$0x3FB8]  }
0x2f: {  	lr =	sadd.s32 s0, s3;
	s0 =	sld [smem:$0x3FAF]  }
0x30: {  	s3 =	sld [smem:$0x3FB2]  }
0x31: {  	[smem:$0x3FBB] =	sst s10  }
0x32: {  	s10 =	sld [smem:$0x3FB9];
	_ =	sdelay $0x3  }
0x33: {  	p0 =	seq.s32 s10, $0x1;
	s10 =	sld [smem:$0x3FBB];
	_ =	sdelay $0x3  }
0x34: {  	[smem:$0x3FBB] =	sst s10  }
0x35: {  	s10 =	sld [smem:$0x3FBA];
	_ =	sdelay $0x3  }
0x36: {  	p1 =	seq.s32 s10, $0x1;
	s10 =	sld [smem:$0x3FBB];
	_ =	sdelay $0x3  }
0x37: {  	[smem:$0x3FBB] =	sst s10  }
0x38: {  	s10 =	sld [smem:$0x3FBC]  }
0x39: {  	_ = 	snop;
	(pc) =	sbr.ind lr, $3  }
0x3a: {  	_ = 	snop  }
0x3b: {  	_ = 	snop  }
0x3c: {  	p2 =	seq.s32 s10, $0x1;
	s10 =	sld [smem:$0x3FBB]  }
0x3d: {  	_ =	shalt  }
0x3e: {  	_ =	shalt  }
0x3f: {  	_ =	shalt  }
0x40: {  	_ =	shalt  }
0x41: {  	_ =	shalt  }
0x42: {  	_ =	shalt  }
0x43: {  	_ =	shalt  }
0x44: {  	_ =	shalt  }
0x45: {  	_ =	shalt  }
0x46: {  	_ =	shalt  }
0x47: {  	_ =	shalt  }
0x48: {  	_ =	shalt  }
0x49: {  	_ =	shalt  }
0x4a: {  	_ =	shalt  }
0x4b: {  	_ =	shalt  }
0x4c: {  	_ =	shalt  }
0x4d: {  	_ =	shalt  }
0x4e: {  	_ =	shalt  }
0x4f: {  	_ =	shalt  }
0x50: {  	_ =	shalt  }
0x51: {  	_ =	shalt  }
0x52: {  	_ =	shalt  }
0x53: {  	_ =	shalt  }
0x54: {  	_ =	shalt  }
0x55: {  	_ =	shalt  }
0x56: {  	_ =	shalt  }
0x57: {  	_ =	shalt  }
0x58: {  	_ =	shalt  }
0x59: {  	_ =	shalt  }
0x5a: {  	_ =	shalt  }
0x5b: {  	_ =	shalt  }
0x5c: {  	_ =	shalt  }
0x5d: {  	_ =	shalt  }
0x5e: {  	_ =	shalt  }
0x5f: {  	_ =	shalt  }
0x60: {  	_ =	shalt  }
0x61: {  	_ =	shalt  }
0x62: {  	_ =	shalt  }
0x63: {  	_ =	shalt  }
0x64: {  	_ =	shalt  }
0x65: {  	_ =	shalt  }
0x66: {  	_ =	shalt  }
0x67: {  	_ =	shalt  }
0x68: {  	_ =	shalt  }
0x69: {  	_ =	shalt  }
0x6a: {  	_ =	shalt  }
0x6b: {  	_ =	shalt  }
0x6c: {  	_ =	shalt  }
0x6d: {  	_ =	shalt  }
0x6e: {  	_ =	shalt  }
0x6f: {  	_ =	shalt  }
0x70: {  	_ =	shalt  }
0x71: {  	_ =	shalt  }
0x72: {  	_ =	shalt  }
0x73: {  	_ =	shalt  }
0x74: {  	_ =	shalt  }
0x75: {  	_ =	shalt  }
0x76: {  	_ =	shalt  }
0x77: {  	_ =	shalt  }
0x78: {  	_ =	shalt  }
0x79: {  	_ =	shalt  }
0x7a: {  	_ =	shalt  }
0x7b: {  	_ =	shalt  }
0x7c: {  	_ =	shalt  }
0x7d: {  	_ =	shalt  }
0x7e: {  	_ =	shalt  }
0x7f: {  	_ =	shalt  }
0x80: {  	_ =	shalt  }
0x81: {  	_ =	shalt  }
0x82: {  	_ =	shalt  }
0x83: {  	_ =	shalt  }
0x84: {  	_ =	shalt  }
0x85: {  	_ =	shalt  }
0x86: {  	_ =	shalt  }
0x87: {  	_ =	shalt  }
.Lfunc_end0:
.L_simem_size_0:
called_computation_lowered:
.L_overlay_start_0:
0x88: {  	s2 =	sld [smem:$0x3FD9]  }
0x89: {  	s3 =	sld [smem:$0x3FFE];
	_ =	sdelay $0x1  }
0x8a: {  	s1 =	srdreg.scid  }
0x8b: {  	s0 =	sand.u32 $0x1, s1  }
0x8c: {  	s14 =	sshll.u32 s0, $0xA;
	s2 =	sadd.s32 s3, s2  }
0x8d: {  	s2 =	sadd.s32 s2, s14  }
0x8e: {  	[smem:$0x3FC7] =	sst s2  }
0x8f: {  	_ = 	snop  }
0x90: {  	s2 =	sld [smem:$0x3FD0];
	_ =	sdelay $0x2  }
0x91: {  	s15 =	simm.s32 $0xA;
	s4 =	simm.s32 $0x10  }
0x92: {  	[smem:s4], [sflag:s15] =	dma.local [hbm:s2], $0x1  }
0x93: {  	_ =	swait.eq [sflag:s15], $0x1  }
0x94: {  	[sflag:s15] =	ssyncset.done $0x0  }
0x95: {  	s16 =	sld [smem:$0x10];
	[sflag:s15] =	ssyncadd.s32 $0xFFFFFFFF  }
0x96: {  	s17 =	sld [smem:$0x11];
	(tm) =	ssettm $0x1  }
0x97: {  	s18 =	sld [smem:$0x3FFB];
	_ =	sdelay $0x3  }
0x98: {  	_ =	strace s18  }
0x99: {  	s4 =	sld [smem:$0x3FFC];
	_ =	sdelay $0x3  }
0x9a: {  	_ =	strace s4  }
0x9b: {  	s4 =	sld [smem:$0x3FFD];
	_ =	sdelay $0x3  }
0x9c: {  	_ =	strace s4  }
0x9d: {  	_ =	strace $0x8FFFFFFF  }
0x9e: {  	s19 =	sld [smem:$0x3FDB];
	_ =	sdelay $0x1  }
0x9f: {  	s5 =	simm.s32 $_scs_section_size  }
0xa0: {  	s6 =	simm.s32 $_size__tile_overlayer_lowered;
	s7 =	simm.s32 $_tile_overlayer_lowered  }
0xa1: {  	s22 =	simm.s32 $0x1BFF;
	s21 =	sshll.u32 s7, $0x1;
	s4 =	sadd.s32 s5, s19  }
0xa2: {  	s8 =	simm.s32 $0x0;
	s20 =	sshll.u32 s6, $0x1;
	s6 =	sadd.s32 s21, s4  }
0xa3: {  	[timem:s8], [sflag:s22] =	dma.local [hbm:s6], s20  }
0xa4: {  	_ =	swait.ge [sflag:s22], s20  }
0xa5: {  	s5 =	ssub.s32 $0x0, s20;
	[sflag:s22] =	ssyncset.done $0x0  }
0xa6: {  	[sflag:s22] =	ssyncadd.s32 s5;
	_ =	sdelay $0x1  }
0xa7: {  	s23 =	simm.s32 $0x1B8B  }
0xa8: {  	_ =	swait.ge [sflag:s23], $0x1  }
0xa9: {  	[sflag:s23] =	ssyncset.done $0x0  }
0xaa: {  	s25 =	simm.s32 $0x1B8E;
	s24 =	sld [smem:$0x3FFE];
	[sflag:s23] =	ssyncadd.s32 $0xFFFFFFFF  }
0xab: {  	s26 =	simm.s32 $execute0_lowered;
	[smem:$0x3FD2] =	sst s25  }
0xac: {  	s6 =	sshll.u32 s26, $0x1;
	_ =	strace $0x80000046;
	[dreg:$0x1] =	wrdreg $0xFFFFFFFF  }
0xad: {  	s28 =	simm.s32 $_size_execute0_lowered;
	s4 =	sadd.s32 s4, s6;
	[dreg:$0x0] =	wrdreg $0x0  }
0xae: {  	s6 =	sshll.u32 s28, $0x1;
	[dreg:$0x2] =	wrdreg s4  }
0xaf: {  	[dreg:$0x3] =	wrdreg s6  }
0xb0: {  	[dreg:$0x4] =	wrdreg $0xC0  }
0xb1: {  	_ =	task [dreg:s8], $0x5FFFF  }
0xb2: {  	[dreg:$0x1] =	wrdreg $0xFFFFFFFF  }
0xb3: {  	[dreg:$0x0] =	wrdreg $0x60  }
0xb4: {  	[dreg:$0x2] =	wrdreg s16  }
0xb5: {  	[dreg:$0x3] =	wrdreg s24  }
0xb6: {  	[dreg:$0x4] =	wrdreg s17  }
0xb7: {  	[dreg:$0x5] =	wrdreg $0x9  }
0xb8: {  	_ =	task.clear_ibuf [dreg:s8], $0x6FFFF;
	_ =	strace $0x90000046  }
0xb9: {  	s29 =	simm.s32 $0x9;
	_ =	strace $0x80000048  }
0xba: {  	_ =	swait.ge [sflag:s29], $0x1  }
0xbb: {  	[sflag:s29] =	ssyncadd.s32 $0xFFFFFFFF  }
0xbc: {  	_ =	strace $0x90000048  }
0xbd: {  	_ =	sfence  }
0xbe: {  	s30 =	sld [smem:$0x0];
	_ =	sdelay $0x2  }
0xbf: {  	s31 =	sshll.u32 s1, $0xD;
	s1 =	sshrl.u32 s1, $0x2  }
0xc0: {  	s3 =	sand.u32 $0x4000, s31;
	s1 =	sadd.s32 s1, s30  }
0xc1: {  	s0 =	sor.u32 s3, s0;
	s1 =	sshll.u32 s1, $0x11  }
0xc2: {  	s0 =	sor.u32 s1, s0  }
0xc3: {  	s0 =	sadd.s32 $0x8F2B, s0  }
0xc4: {  	[sflag:s0] =	ssyncadd.remote.s32 $0x1  }
0xc5: {  	_ =	sfence.sel $0xFFFF  }
0xc6: {  	[dreg:$0x0] =	wrdreg $0xFFFFFFFF;
	(pc) =	sbr.abs _section_cstart, $3  }
0xc7: {  	[dreg:$0x1] =	wrdreg $0xFFFFFFFF  }
0xc8: {  	_ =	task.clear_ibuf [dreg:s8], $0x2FFFF;
	_ =	strace $0x9FFFFFFF  }
0xc9: {  	(tm) =	ssettm $0x7FFFFFFF  }
tec
execute0_lowered:
.L_overlay_start_1:
0x0: {  	(tag) =	ssettag $0x1  }
0x1: {  	s1 =	rddreg [dreg:$0x0]  }
0x2: {  	s5 =	rddreg [dreg:$0x1]  }
0x3: {  	s2 =	rddreg [dreg:$0x2]  }
0x4: {  	s0 =	rddreg [dreg:$0x3];
	s3 =	simm.s32 $0x0;
	s4 =	srdreg.scid  }
0x5: {  	s11 =	simm.s32 $0x1;
	s12 =	simm.s32 $0x18080;
	s13 =	simm.s32 $0x8080  }
0x6: {  	s14 =	simm.s32 $0x0;
	[smem:$0x7FF] =	sst s3;
	s6 =	sand.u32 $0x1, s4  }
0x7: {  	s4 =	stileid.u32;
	s5 =	sadd.s32 $0x800, s5;
	_ =	strace $0x80000047  }
.Ltmp0:
0x8: {  	v0 =	vlaneseq.u32;
	v3 =	vimm.s32 $0x0;
	v4 =	vimm.s32 $0x1;
	s7 =	ssub.s32 $0x2, s6;
	s9 =	sshll.u32 s4, $0x6;
	(pc) =	sbr.rel .LBB2_1-.Ltmp0, $4  }
0x9: {  	v14 =	vimm.s32 $0x80000000;
	v1 =	vmul.u32 $0x200, v0;
	v2 =	vmul.u32 $0x201, v0;
	s10 =	sshll.u32 s4, $0xE;
	s6 =	sshll.u32 s6, $0x5;
	s8 =	sshrl.u32 s7, $0x1  }
0xa: {  	v7 =	vor.u32 $0x10, v0;
	v10 =	vor.u32 $0x20, v0;
	v13 =	vor.u32 $0x30, v0;
	s9 =	sand.u32 $0x40, s9;
	s31 =	sand.u32 $0x38000, s10;
	s10 =	simm.s32 $0x10080  }
0xb: {  	v5 =	vor.u32 $0x2000, v1;
	v6 =	vadd.s32 $0x2010, v2;
	v8 =	vor.u32 $0x4000, v1;
	s7 =	ssub.s32 s7, s8;
	s9 =	sor.u32 s6, s9;
	s8 =	simm.s32 $0x80  }
0xc: {  	v9 =	vadd.s32 $0x4020, v2;
	v11 =	vor.u32 $0x6000, v1;
	v12 =	vadd.s32 $0x6030, v2;
	s6 =	smax.u32 s7, $0x1;
	s7 =	sor.u32 s31, s9;
	s9 =	simm.s32 $0x400  }
.LBB2_71:
0xd: {  	s14 =	sadd.s32 $0x1, s14  }
0xe: {  	p0 =	sne.s32 s14, s6  }
.Ltmp1:
0xf: {  	_ = 	snop;
	(pc) =	sbr.rel @!p0 .LBB2_72-.Ltmp1, $1  }
0x10: {  	_ =	sdelay $0x3  }
.LBB2_1:
0x11: {  	p1 =	por $0x1, $0x1;
	s15 =	simm.s32 $0x0  }
.LBB2_2:
0x12: {  	s15 =	sor.u32 s7, s15  }
0x13: {  	s16 =	sadd.s32 s1, s15  }
0x14: {  	[tilespmem:s10], [sflag:$0x1] =	stream.strided.gather [hbm4b:s16+s8], $0x8000, s9, s8, $0x38;
	[tilespmem:$0x1C080] =	vst v63  }
0x15: {  	_ =	swait.ge [sflag:s11], $0x8000  }
0x16: {  	[sflag:s11] =	ssyncset.done $0x0  }
0x17: {  	s16 =	simm.s32 $0x180C0;
	[sflag:s11] =	ssyncadd.s32 $0xFFFF8000  }
0x18: {  	[tilespmem:s16+$0xFFFFFFC0] =	vst v3  }
0x19: {  	[tilespmem:s16+$0x30] =	vst v3  }
0x1a: {  	[tilespmem:s16+$0x20] =	vst v3  }
0x1b: {  	[tilespmem:s16+$0x10] =	vst v3  }
0x1c: {  	[tilespmem:s16+$0x0] =	vst v3  }
0x1d: {  	[tilespmem:s16+$0xFFFFFFF0] =	vst v3  }
0x1e: {  	p0 =	por p1, p1;
	s18 =	simm.s32 $0x0;
	s19 =	simm.s32 $0x100C0;
	[tilespmem:s16+$0xFFFFFFE0] =	vst v3  }
.LBB2_3:
0x1f: {  	s18 =	sadd.s32 $0x8, s18;
	[tilespmem:s16+$0xFFFFFFD0] =	vst v3;
	s16 =	sadd.s32 $0x80, s16;
	s17 =	simm.s32 $0x70  }
0x20: {  	[tilespmem:s16+$0xFFFFFFC0] =	vst v3;
	p1 =	slt.u32 s18, $0x3F8  }
0x21: {  	[tilespmem:s16+$0x30] =	vst v3  }
.Ltmp2:
0x22: {  	[tilespmem:s16+$0x20] =	vst v3;
	(pc) =	sbr.rel @p1 .LBB2_3-.Ltmp2, $4  }
0x23: {  	[tilespmem:s16+$0x10] =	vst v3  }
0x24: {  	[tilespmem:s16+$0x0] =	vst v3  }
0x25: {  	[tilespmem:s16+$0xFFFFFFF0] =	vst v3  }
0x26: {  	[tilespmem:s16+$0xFFFFFFE0] =	vst v3  }
0x27: {  	[tilespmem:s16+$0xFFFFFFD0] =	vst v3;
	s31 =	simm.s32 $0x60;
	v15 =	vmov s17  }
0x28: {  	s18 =	simm.s32 $0x10;
	s20 =	simm.s32 $0x20;
	s21 =	simm.s32 $0x30;
	v16 =	vmov s31;
	v17 =	vld [tilespmem:s19+$0x20];
	v18 =	vshrl.u32 v15, $0x9  }
0x29: {  	s22 =	simm.s32 $0x40;
	s23 =	simm.s32 $0x50;
	s24 =	simm.s32 $0x0;
	v20 =	vld [tilespmem:s19+$0xFFFFFFC0];
	v15 =	vmov s18;
	v19 =	vmov s20;
	v22 =	vmov s21  }
0x2a: {  	v21 =	vld [tilespmem:s19+$0xFFFFFFD0];
	v23 =	vmov s22;
	v24 =	vmov s24;
	v25 =	vmov s23  }
0x2b: {  	v30 =	vld [tilespmem:s19+$0xFFFFFFE0];
	v16 =	vshrl.u32 v16, $0x9;
	v24 =	vshrl.u32 v24, $0x9;
	v26 =	vshrl.u32 v15, $0x9  }
0x2c: {  	v31 =	vld [tilespmem:s19+$0xFFFFFFF0];
	v19 =	vshrl.u32 v19, $0x9;
	v22 =	vshrl.u32 v22, $0x9;
	v23 =	vshrl.u32 v23, $0x9  }
0x2d: {  	v32 =	vld [tilespmem:s19+$0x0];
	v25 =	vshrl.u32 v25, $0x9;
	v16 =	vadd.s32 s31, v16;
	v24 =	vadd.s32 s24, v24  }
0x2e: {  	v33 =	vld [tilespmem:s19+$0x10];
	v29 =	vadd.s32 s18, v26;
	v19 =	vadd.s32 s20, v19;
	v35 =	vadd.s32 s21, v22  }
0x2f: {  	v23 =	vadd.s32 s22, v23;
	v37 =	vadd.s32 s23, v25;
	v15 =	vshra.s32 v17, $0x1F  }
0x30: {  	v16 =	vadd.s32 v0, v16;
	v19 =	vadd.s32 v0, v19;
	v15 =	vor.u32 $0x80000000, v15  }
0x31: {  	v27 =	vshra.s32 v20, $0x1F;
	v28 =	vshra.s32 v21, $0x1F;
	v17 =	vxor.u32 v17, v15;
	v15 =	vld [tilespmem:s19+$0x30]  }
0x32: {  	v26 =	vshra.s32 v30, $0x1F;
	v34 =	vshra.s32 v31, $0x1F;
	v22 =	vshra.s32 v32, $0x1F  }
0x33: {  	v25 =	vshra.s32 v33, $0x1F;
	v36 =	vor.u32 $0x80000000, v27;
	v28 =	vor.u32 $0x80000000, v28  }
0x34: {  	v38 =	vor.u32 $0x80000000, v26;
	v39 =	vor.u32 $0x80000000, v22;
	v40 =	vor.u32 $0x80000000, v25  }
0x35: {  	v27 =	vadd.s32 s17, v18;
	v26 =	vadd.s32 v0, v24;
	v18 =	vadd.s32 v0, v35  }
0x36: {  	v28 =	vxor.u32 v21, v28;
	v24 =	vxor.u32 v30, v38;
	v22 =	vshra.s32 v15, $0x1F  }
0x37: {  	s16 =	simm.s32 $0x0;
	v21 =	vxor.u32 v32, v39;
	v25 =	vor.u32 $0x80000000, v22;
	v22 =	vadd.s32 v0, v29  }
0x38: {  	s20 =	simm.s32 $0x0;
	v34 =	vor.u32 $0x80000000, v34;
	[tilespmem:v16+s16+$0x0] =	vst.idx.msk $0xffff, v17;
	v17 =	vadd.s32 v0, v23;
	v16 =	vadd.s32 v0, v37  }
0x39: {  	s18 =	simm.s32 $0x100A0;
	s21 =	simm.s32 $0xF0;
	s17 =	simm.s32 $0x40;
	v23 =	vxor.u32 v31, v34;
	v29 =	vxor.u32 v20, v36;
	v20 =	vxor.u32 v33, v40  }
.LBB2_5:
0x3a: {  	s22 =	sadd.s32 $0xFFFFFFF0, s21;
	v30 =	vmov s21;
	s20 =	sadd.s32 $0x8, s20;
	v27 =	vadd.s32 v0, v27;
	v25 =	vxor.u32 v15, v25;
	s19 =	sadd.s32 $0x80, s19  }
0x3b: {  	s23 =	sadd.s32 $0xFFFFFFA0, s21;
	s24 =	sadd.s32 $0xFFFFFFB0, s21;
	v15 =	vmov s22;
	v31 =	vld [tilespmem:s19+$0x20];
	v30 =	vshrl.u32 v30, $0x9;
	p1 =	slt.u32 s20, $0x7F8;
	[tilespmem:v26+s16+$0x0] =	vst.idx.msk $0xffff, v29  }
0x3c: {  	s25 =	sadd.s32 $0xFFFFFFC0, s21;
	s26 =	sadd.s32 $0xFFFFFFD0, s21;
	s28 =	sadd.s32 $0xFFFFFFE0, s21;
	v26 =	vmov s23;
	v32 =	vmov s24;
	v29 =	vld [tilespmem:s19+$0xFFFFFFC0];
	v15 =	vshrl.u32 v15, $0x9;
	[tilespmem:v22+s16+$0x0] =	vst.idx.msk $0xffff, v28  }
0x3d: {  	s29 =	sadd.s32 $0xFFFFFF90, s21;
	v33 =	vmov s26;
	v22 =	vmov s25;
	v28 =	vld [tilespmem:s19+$0xFFFFFFD0];
	v15 =	vadd.s32 s22, v15  }
0x3e: {  	v34 =	vmov s29;
	v36 =	vmov s28;
	v35 =	vld [tilespmem:s19+$0xFFFFFFE0];
	v37 =	vadd.s32 v0, v15;
	[tilespmem:v19+s16+$0x0] =	vst.idx.msk $0xffff, v24  }
0x3f: {  	v15 =	vshrl.u32 v34, $0x9;
	v19 =	vshrl.u32 v26, $0x9;
	v24 =	vshrl.u32 v32, $0x9;
	v32 =	vld [tilespmem:s19+$0xFFFFFFF0];
	[tilespmem:v18+s16+$0x0] =	vst.idx.msk $0xffff, v23  }
0x40: {  	v18 =	vshrl.u32 v22, $0x9;
	v22 =	vshrl.u32 v33, $0x9;
	v34 =	vld [tilespmem:s19+$0x0];
	v23 =	vshra.s32 v31, $0x1F;
	[tilespmem:v17+s16+$0x0] =	vst.idx.msk $0xffff, v21  }
0x41: {  	v21 =	vshrl.u32 v36, $0x9;
	v17 =	vshra.s32 v29, $0x1F;
	v33 =	vld [tilespmem:s19+$0x10];
	v23 =	vor.u32 $0x80000000, v23;
	[tilespmem:v16+s16+$0x0] =	vst.idx.msk $0xffff, v20  }
0x42: {  	v16 =	vadd.s32 s29, v15;
	v20 =	vshra.s32 v28, $0x1F;
	v23 =	vxor.u32 v31, v23;
	v15 =	vld [tilespmem:s19+$0x30];
	[tilespmem:v27+s16+$0x0] =	vst.idx.msk $0xffff, v25  }
0x43: {  	v19 =	vadd.s32 s23, v19;
	v24 =	vadd.s32 s24, v24;
	v25 =	vshra.s32 v35, $0x1F;
	[tilespmem:v37+s16+$0x0] =	vst.idx.msk $0xffff, v23  }
0x44: {  	v18 =	vadd.s32 s25, v18;
	v31 =	vadd.s32 s26, v22;
	v23 =	vshra.s32 v32, $0x1F  }
0x45: {  	v21 =	vadd.s32 s28, v21;
	v36 =	vor.u32 $0x80000000, v17;
	v17 =	vshra.s32 v34, $0x1F  }
0x46: {  	v20 =	vor.u32 $0x80000000, v20;
	v37 =	vor.u32 $0x80000000, v25;
	v22 =	vshra.s32 v33, $0x1F  }
0x47: {  	v23 =	vor.u32 $0x80000000, v23;
	v38 =	vor.u32 $0x80000000, v17;
	v17 =	vshra.s32 v15, $0x1F  }
.Ltmp3:
0x48: {  	v27 =	vadd.s32 s21, v30;
	v39 =	vor.u32 $0x80000000, v22;
	v25 =	vor.u32 $0x80000000, v17;
	(pc) =	sbr.rel @p1 .LBB2_5-.Ltmp3, $4  }
0x49: {  	v26 =	vadd.s32 v0, v16;
	v22 =	vadd.s32 v0, v19;
	v19 =	vadd.s32 v0, v24  }
0x4a: {  	v18 =	vadd.s32 v0, v18;
	v16 =	vadd.s32 v0, v21;
	v17 =	vadd.s32 v0, v31  }
0x4b: {  	v29 =	vxor.u32 v29, v36;
	v28 =	vxor.u32 v28, v20;
	v24 =	vxor.u32 v35, v37  }
0x4c: {  	s21 =	sadd.s32 $0x80, s21;
	v23 =	vxor.u32 v32, v23;
	v21 =	vxor.u32 v34, v38;
	v20 =	vxor.u32 v33, v39  }
0x4d: {  	_ =	sdelay $0x3  }
0x4e: {  	[tilespmem:v26+s16+$0x0] =	vst.idx.msk $0xffff, v29  }
0x4f: {  	v26 =	vadd.s32 v0, v27;
	[tilespmem:v22+s16+$0x0] =	vst.idx.msk $0xffff, v28;
	s20 =	simm.s32 $0x1  }
0x50: {  	[tilespmem:v19+s16+$0x0] =	vst.idx.msk $0xffff, v24;
	v19 =	vadd.s32 s20, v2  }
0x51: {  	[tilespmem:v18+s16+$0x0] =	vst.idx.msk $0xffff, v23  }
0x52: {  	[tilespmem:v17+s16+$0x0] =	vst.idx.msk $0xffff, v21  }
0x53: {  	v15 =	vxor.u32 v15, v25;
	[tilespmem:v16+s16+$0x0] =	vst.idx.msk $0xffff, v20;
	v16 =	vadd.s32 s16, v2  }
0x54: {  	[tilespmem:v26+s16+$0x0] =	vst.idx.msk $0xffff, v15  }
0x55: {  	v15 =	vld.idx.msk [tilespmem:v19+s16+$0x0], $0xffff;
	_ =	sdelay $0x2  }
0x56: {  	v16 =	vld.idx.msk [tilespmem:v16+s16+$0x0], $0xffff;
	_ =	sdelay $0x1  }
0x57: {  	v15 =	vshll.u32 v15, $0x6  }
0x58: {  	v17 =	vand.u32 $0x3FC0, v15  }
0x59: {  	v17 =	vor.u32 v0, v17  }
0x5a: {  	v16 =	vshll.u32 v16, $0x6;
	v15 =	vand.u32 $0x3F80, v15;
	v18 =	vand.u32 $0x4F, v17  }
0x5b: {  	v15 =	vor.u32 v15, v18;
	v18 =	vand.u32 $0x3FC0, v16  }
0x5c: {  	v18 =	vor.u32 v0, v18  }
0x5d: {  	v19 =	vadd.s32 s20, v6;
	v16 =	vand.u32 $0x3F80, v16;
	v20 =	vand.u32 $0x4F, v18  }
0x5e: {  	v17 =	vshll.u32 v17, $0x11;
	v16 =	vor.u32 v16, v20  }
0x5f: {  	v17 =	vadd.s32 s20, v17  }
0x60: {  	v17 =	vadd.s32 v1, v17;
	[tilespmem:v15+s12+$0x0] =	vst.idx.add.s32.msk $0xffff, v4;
	v15 =	vadd.s32 s16, v6  }
0x61: {  	v18 =	vshll.u32 v18, $0x11;
	[tilespmem:s18+$0x20] =	vst v17  }
0x62: {  	s19 =	simm.s32 $0x3;
	v17 =	vadd.s32 s16, v18;
	v18 =	vld.idx.msk [tilespmem:v19+s16+$0x0], $0xffff  }
0x63: {  	v17 =	vadd.s32 v1, v17;
	[tilespmem:v16+s12+$0x0] =	vst.idx.add.s32.msk $0xffff, v4;
	v16 =	vadd.s32 s19, v2  }
0x64: {  	[tilespmem:s18+$0xFFFFFFE0] =	vst v17  }
0x65: {  	v15 =	vld.idx.msk [tilespmem:v15+s16+$0x0], $0xffff;
	_ =	sdelay $0x1  }
0x66: {  	v17 =	vshll.u32 v18, $0x6  }
0x67: {  	s21 =	simm.s32 $0x2;
	v18 =	vand.u32 $0x3FC0, v17;
	v16 =	vld.idx.msk [tilespmem:v16+s16+$0x0], $0xffff  }
0x68: {  	v19 =	vadd.s32 s21, v2;
	v18 =	vor.u32 v7, v18  }
0x69: {  	v17 =	vand.u32 $0x3F80, v17;
	v15 =	vshll.u32 v15, $0x6;
	v20 =	vand.u32 $0x5F, v18  }
0x6a: {  	v21 =	vand.u32 $0x3FC0, v15;
	v17 =	vor.u32 v17, v20  }
0x6b: {  	v20 =	vor.u32 v7, v21  }
0x6c: {  	v15 =	vand.u32 $0x3F80, v15;
	v21 =	vand.u32 $0x5F, v20;
	v16 =	vshll.u32 v16, $0x6  }
0x6d: {  	v23 =	vadd.s32 s16, v9;
	v19 =	vld.idx.msk [tilespmem:v19+s16+$0x0], $0xffff;
	v15 =	vor.u32 v15, v21;
	v22 =	vand.u32 $0x3FC0, v16  }
0x6e: {  	v18 =	vshll.u32 v18, $0x11;
	v21 =	vadd.s32 s20, v9;
	v22 =	vor.u32 v0, v22  }
0x6f: {  	v18 =	vadd.s32 s20, v18;
	v16 =	vand.u32 $0x3F80, v16;
	[tilespmem:v17+s12+$0x0] =	vst.idx.add.s32.msk $0xffff, v4;
	v17 =	vand.u32 $0x4F, v22  }
0x70: {  	s22 =	sor.u32 $0x50, s17;
	v18 =	vadd.s32 v5, v18;
	v20 =	vshll.u32 v20, $0x11;
	v16 =	vor.u32 v16, v17  }
0x71: {  	v20 =	vadd.s32 s16, v20;
	[tilespmem:s22+$0x10080] =	vst v18  }
0x72: {  	v19 =	vshll.u32 v19, $0x6;
	v17 =	vadd.s32 v5, v20;
	[tilespmem:v15+s12+$0x0] =	vst.idx.add.s32.msk $0xffff, v4;
	v15 =	vadd.s32 s19, v6  }
0x73: {  	v20 =	vand.u32 $0x3FC0, v19;
	v18 =	vld.idx.msk [tilespmem:v21+s16+$0x0], $0xffff;
	[tilespmem:s18+$0xFFFFFFF0] =	vst v17;
	v17 =	vshll.u32 v22, $0x11  }
0x74: {  	v20 =	vor.u32 v0, v20;
	v21 =	vld.idx.msk [tilespmem:v23+s16+$0x0], $0xffff;
	v17 =	vadd.s32 s19, v17  }
0x75: {  	s23 =	simm.s32 $0x10120;
	v19 =	vand.u32 $0x3F80, v19;
	v22 =	vand.u32 $0x4F, v20;
	v17 =	vadd.s32 v1, v17;
	[tilespmem:v16+s12+$0x0] =	vst.idx.add.s32.msk $0xffff, v4  }
0x76: {  	s24 =	simm.s32 $0x4;
	v19 =	vor.u32 v19, v22;
	[tilespmem:s23+$0x20] =	vst v17  }
0x77: {  	v24 =	vadd.s32 s20, v12;
	v26 =	vadd.s32 s24, v2;
	v15 =	vld.idx.msk [tilespmem:v15+s16+$0x0], $0xffff  }
0x78: {  	s22 =	simm.s32 $0x5;
	v16 =	vshll.u32 v20, $0x11;
	v17 =	vshll.u32 v18, $0x6;
	v18 =	vadd.s32 s21, v6  }
0x79: {  	v22 =	vadd.s32 s22, v2;
	v16 =	vadd.s32 s21, v16;
	v20 =	vshll.u32 v21, $0x6  }
0x7a: {  	v16 =	vadd.s32 v1, v16;
	v21 =	vand.u32 $0x3FC0, v17;
	v23 =	vand.u32 $0x3FC0, v20  }
0x7b: {  	[tilespmem:v19+s12+$0x0] =	vst.idx.add.s32.msk $0xffff, v4;
	v19 =	vadd.s32 s16, v12;
	v17 =	vand.u32 $0x3F80, v17;
	v23 =	vor.u32 v10, v23  }
0x7c: {  	v20 =	vand.u32 $0x3F80, v20;
	[tilespmem:s23+$0xFFFFFFE0] =	vst v16;
	v25 =	vand.u32 $0x6F, v23;
	v15 =	vshll.u32 v15, $0x6  }
0x7d: {  	v16 =	vshll.u32 v23, $0x11;
	v18 =	vld.idx.msk [tilespmem:v18+s16+$0x0], $0xffff;
	v20 =	vor.u32 v20, v25;
	v23 =	vand.u32 $0x3FC0, v15  }
0x7e: {  	v21 =	vor.u32 v10, v21;
	v16 =	vadd.s32 s16, v16;
	v23 =	vor.u32 v7, v23  }
0x7f: {  	v22 =	vld.idx.msk [tilespmem:v22+s16+$0x0], $0xffff;
	v25 =	vadd.s32 s21, v9;
	v15 =	vand.u32 $0x3F80, v15;
	v27 =	vand.u32 $0x5F, v23  }
0x80: {  	v16 =	vadd.s32 v8, v16;
	v23 =	vshll.u32 v23, $0x11;
	v15 =	vor.u32 v15, v27  }
0x81: {  	v23 =	vadd.s32 s19, v23;
	v27 =	vand.u32 $0x6F, v21;
	v21 =	vshll.u32 v21, $0x11  }
0x82: {  	v18 =	vshll.u32 v18, $0x6;
	v17 =	vor.u32 v17, v27;
	[tilespmem:v20+s12+$0x0] =	vst.idx.add.s32.msk $0xffff, v4;
	v20 =	vadd.s32 s20, v21  }
0x83: {  	[tilespmem:s18+$0x0] =	vst v16;
	v16 =	vand.u32 $0x3FC0, v18;
	v27 =	vadd.s32 v8, v20;
	v20 =	vadd.s32 v5, v23;
	v23 =	vld.idx.msk [tilespmem:v26+s16+$0x0], $0xffff  }
0x84: {  	s25 =	simm.s32 $0xC0;
	v22 =	vshll.u32 v22, $0x6;
	v21 =	vadd.s32 s19, v9;
	v19 =	vld.idx.msk [tilespmem:v19+s16+$0x0], $0xffff;
	v16 =	vor.u32 v7, v16  }
0x85: {  	s26 =	sor.u32 $0x50, s25;
	v18 =	vand.u32 $0x3F80, v18;
	v26 =	vand.u32 $0x5F, v16;
	v16 =	vshll.u32 v16, $0x11;
	[tilespmem:v15+s12+$0x0] =	vst.idx.add.s32.msk $0xffff, v4  }
0x86: {  	v15 =	vand.u32 $0x3FC0, v22;
	v18 =	vor.u32 v18, v26;
	v16 =	vadd.s32 s21, v16;
	[tilespmem:s26+$0x10080] =	vst v20  }
0x87: {  	v15 =	vor.u32 v0, v15;
	v20 =	vadd.s32 s22, v6;
	[tilespmem:v17+s12+$0x0] =	vst.idx.add.s32.msk $0xffff, v4;
	v17 =	vand.u32 $0x3F80, v22  }
0x88: {  	s31 =	sor.u32 $0x60, s17;
	v16 =	vadd.s32 v5, v16;
	v22 =	vand.u32 $0x4F, v15;
	v15 =	vshll.u32 v15, $0x11  }
0x89: {  	v21 =	vld.idx.msk [tilespmem:v21+s16+$0x0], $0xffff;
	[tilespmem:s31+$0x10080] =	vst v27;
	v17 =	vor.u32 v17, v22;
	v15 =	vadd.s32 s22, v15;
	v19 =	vshll.u32 v19, $0x6  }
0x8a: {  	v22 =	vld.idx.msk [tilespmem:v24+s16+$0x0], $0xffff;
	v23 =	vshll.u32 v23, $0x6;
	v26 =	vadd.s32 v1, v15;
	v15 =	vand.u32 $0x3FC0, v19  }
0x8b: {  	v24 =	vand.u32 $0x3FC0, v23;
	v23 =	vand.u32 $0x3F80, v23;
	v27 =	vor.u32 v13, v15  }
0x8c: {  	v15 =	vand.u32 $0x3F80, v19;
	v19 =	vor.u32 v0, v24;
	[tilespmem:v18+s12+$0x0] =	vst.idx.add.s32.msk $0xffff, v4;
	v24 =	vand.u32 $0x7F, v27  }
0x8d: {  	v18 =	vand.u32 $0x4F, v19;
	v19 =	vshll.u32 v19, $0x11;
	[tilespmem:s23+$0xFFFFFFF0] =	vst v16;
	v16 =	vshll.u32 v27, $0x11  }
0x8e: {  	v15 =	vor.u32 v15, v24;
	v23 =	vor.u32 v23, v18;
	v24 =	vadd.s32 s24, v19;
	[tilespmem:v17+s12+$0x0] =	vst.idx.add.s32.msk $0xffff, v4  }
0x8f: {  	s26 =	simm.s32 $0x101A0;
	v18 =	vshll.u32 v21, $0x6;
	v16 =	vadd.s32 s16, v16;
	v17 =	vshll.u32 v22, $0x6;
	v22 =	vld.idx.msk [tilespmem:v25+s16+$0x0], $0xffff  }
0x90: {  	s28 =	simm.s32 $0x6;
	[tilespmem:s26+$0x20] =	vst v26;
	v19 =	vand.u32 $0x3FC0, v18;
	v16 =	vadd.s32 v11, v16;
	v21 =	vand.u32 $0x3FC0, v17  }
.LBB2_7:
0x91: {  	s30 =	sadd.s32 $0x1, s28  }
0x92: {  	p1 =	slt.u32 s28, $0x1FE;
	v25 =	vadd.s32 s24, v6;
	v20 =	vld.idx.msk [tilespmem:v20+s16+$0x0], $0xffff;
	v21 =	vor.u32 v13, v21;
	s29 =	smov.u32 s28;
	s28 =	sadd.s32 $0x2, s28  }
0x93: {  	v26 =	vadd.s32 s30, v2;
	[tilespmem:v15+s12+$0x0] =	vst.idx.add.s32.msk $0xffff, v4;
	v15 =	vand.u32 $0x3F80, v17;
	v17 =	vand.u32 $0x7F, v21  }
0x94: {  	v24 =	vadd.s32 v1, v24;
	v22 =	vshll.u32 v22, $0x6;
	[tilespmem:s18+$0x10] =	vst v16;
	v15 =	vor.u32 v15, v17;
	s18 =	smov.u32 s23;
	s23 =	smov.u32 s26  }
0x95: {  	v21 =	vshll.u32 v21, $0x11;
	v16 =	vand.u32 $0x3FC0, v22;
	v17 =	vadd.s32 s19, v12;
	[tilespmem:v23+s12+$0x0] =	vst.idx.add.s32.msk $0xffff, v4  }
0x96: {  	v21 =	vadd.s32 s20, v21;
	s20 =	smov.u32 s19;
	s19 =	smov.u32 s22;
	s22 =	smov.u32 s30;
	v16 =	vor.u32 v10, v16;
	v23 =	vadd.s32 s21, v12;
	[tilespmem:s26+$0xFFFFFFE0] =	vst v24  }
0x97: {  	v22 =	vand.u32 $0x3F80, v22;
	v24 =	vand.u32 $0x6F, v16;
	v16 =	vshll.u32 v16, $0x11  }
0x98: {  	v20 =	vshll.u32 v20, $0x6;
	v22 =	vor.u32 v22, v24;
	v16 =	vadd.s32 s21, v16;
	v25 =	vld.idx.msk [tilespmem:v25+s16+$0x0], $0xffff  }
0x99: {  	s30 =	sor.u32 $0x70, s17;
	s17 =	smov.u32 s25;
	v24 =	vadd.s32 s24, v9;
	v27 =	vand.u32 $0x3FC0, v20;
	[tilespmem:v15+s12+$0x0] =	vst.idx.add.s32.msk $0xffff, v4;
	v15 =	vadd.s32 v11, v21  }
0x9a: {  	v18 =	vand.u32 $0x3F80, v18;
	v20 =	vand.u32 $0x3F80, v20;
	v21 =	vld.idx.msk [tilespmem:v26+s16+$0x0], $0xffff;
	v26 =	vor.u32 v7, v27;
	[tilespmem:s30+$0x10080] =	vst v15  }
0x9b: {  	v15 =	vadd.s32 s29, v2;
	v27 =	vand.u32 $0x5F, v26;
	v26 =	vshll.u32 v26, $0x11  }
0x9c: {  	v19 =	vor.u32 v10, v19;
	s25 =	sadd.s32 $0x80, s25;
	v20 =	vor.u32 v20, v27;
	v26 =	vadd.s32 s19, v26  }
0x9d: {  	v16 =	vadd.s32 v8, v16;
	[tilespmem:v22+s12+$0x0] =	vst.idx.add.s32.msk $0xffff, v4;
	v22 =	vand.u32 $0x6F, v19;
	v19 =	vshll.u32 v19, $0x11  }
0x9e: {  	v25 =	vshll.u32 v25, $0x6;
	[tilespmem:s18+$0x0] =	vst v16;
	v16 =	vor.u32 v18, v22;
	v18 =	vadd.s32 s20, v19  }
0x9f: {  	v19 =	vand.u32 $0x3FC0, v25;
	v22 =	vadd.s32 s19, v9;
	v23 =	vld.idx.msk [tilespmem:v23+s16+$0x0], $0xffff;
	v18 =	vadd.s32 v8, v18  }
0xa0: {  	v26 =	vadd.s32 v5, v26;
	v21 =	vshll.u32 v21, $0x6;
	v19 =	vor.u32 v7, v19;
	v15 =	vld.idx.msk [tilespmem:v15+s16+$0x0], $0xffff  }
0xa1: {  	s30 =	sor.u32 $0x50, s25;
	v25 =	vand.u32 $0x3F80, v25;
	v27 =	vand.u32 $0x5F, v19;
	v19 =	vshll.u32 v19, $0x11;
	[tilespmem:v20+s12+$0x0] =	vst.idx.add.s32.msk $0xffff, v4  }
0xa2: {  	v20 =	vand.u32 $0x3FC0, v21;
	v25 =	vor.u32 v25, v27;
	v19 =	vadd.s32 s24, v19;
	[tilespmem:s30+$0x10080] =	vst v26  }
0xa3: {  	v26 =	vor.u32 v0, v20;
	v20 =	vadd.s32 s22, v6;
	v19 =	vadd.s32 v5, v19;
	s30 =	sor.u32 $0x60, s17;
	[tilespmem:v16+s12+$0x0] =	vst.idx.add.s32.msk $0xffff, v4  }
0xa4: {  	v16 =	vand.u32 $0x3F80, v21;
	v21 =	vand.u32 $0x4F, v26;
	v26 =	vshll.u32 v26, $0x11;
	v27 =	vld.idx.msk [tilespmem:v22+s16+$0x0], $0xffff;
	[tilespmem:s30+$0x10080] =	vst v18  }
0xa5: {  	v16 =	vor.u32 v16, v21;
	v18 =	vadd.s32 s22, v26;
	v21 =	vshll.u32 v23, $0x6;
	v17 =	vld.idx.msk [tilespmem:v17+s16+$0x0], $0xffff  }
0xa6: {  	v15 =	vshll.u32 v15, $0x6;
	v26 =	vadd.s32 v1, v18;
	v18 =	vand.u32 $0x3FC0, v21  }
0xa7: {  	s26 =	sadd.s32 $0x80, s26;
	v21 =	vand.u32 $0x3F80, v21;
	v22 =	vand.u32 $0x3FC0, v15;
	v18 =	vor.u32 v13, v18;
	[tilespmem:v25+s12+$0x0] =	vst.idx.add.s32.msk $0xffff, v4  }
.Ltmp4:
0xa8: {  	v23 =	vand.u32 $0x3F80, v15;
	v22 =	vor.u32 v0, v22;
	v15 =	vand.u32 $0x7F, v18;
	[tilespmem:s23+$0xFFFFFFF0] =	vst v19;
	(pc) =	sbr.rel @p1 .LBB2_7-.Ltmp4, $4  }
0xa9: {  	v19 =	vand.u32 $0x4F, v22;
	v25 =	vshll.u32 v22, $0x11;
	v15 =	vor.u32 v21, v15;
	v22 =	vld.idx.msk [tilespmem:v24+s16+$0x0], $0xffff  }
0xaa: {  	v23 =	vor.u32 v23, v19;
	v24 =	vadd.s32 s29, v25;
	v19 =	vshll.u32 v18, $0x11  }
0xab: {  	v18 =	vshll.u32 v27, $0x6;
	v17 =	vshll.u32 v17, $0x6;
	[tilespmem:v16+s12+$0x0] =	vst.idx.add.s32.msk $0xffff, v4;
	v16 =	vadd.s32 s21, v19;
	s21 =	smov.u32 s24;
	s24 =	smov.u32 s29  }
0xac: {  	v19 =	vand.u32 $0x3FC0, v18;
	v21 =	vand.u32 $0x3FC0, v17;
	[tilespmem:s26+$0x20] =	vst v26;
	v16 =	vadd.s32 v11, v16  }
0xad: {  	_ = 	snop  }
0xae: {  	v25 =	vadd.s32 s24, v6;
	_ =	sdelay $0x2  }
0xaf: {  	v24 =	vadd.s32 v1, v24;
	[tilespmem:v23+s12+$0x0] =	vst.idx.add.s32.msk $0xffff, v4  }
0xb0: {  	[tilespmem:s26+$0xFFFFFFE0] =	vst v24  }
0xb1: {  	v23 =	vld.idx.msk [tilespmem:v25+s16+$0x0], $0xffff;
	_ =	sdelay $0x2  }
0xb2: {  	v20 =	vld.idx.msk [tilespmem:v20+s16+$0x0], $0xffff;
	_ =	sdelay $0x1  }
0xb3: {  	v23 =	vshll.u32 v23, $0x6  }
0xb4: {  	v48 =	vand.u32 $0x3FC0, v23  }
0xb5: {  	v24 =	vor.u32 v7, v48  }
0xb6: {  	v20 =	vshll.u32 v20, $0x6;
	v23 =	vand.u32 $0x3F80, v23;
	v49 =	vand.u32 $0x5F, v24  }
0xb7: {  	v26 =	vand.u32 $0x3FC0, v20;
	v23 =	vor.u32 v23, v49  }
0xb8: {  	v50 =	vor.u32 v7, v26  }
0xb9: {  	v51 =	vadd.s32 s24, v9;
	v20 =	vand.u32 $0x3F80, v20;
	v27 =	vand.u32 $0x5F, v50  }
0xba: {  	v20 =	vor.u32 v20, v27;
	v24 =	vshll.u32 v24, $0x11  }
0xbb: {  	v24 =	vadd.s32 s24, v24  }
0xbc: {  	v52 =	vadd.s32 s22, v9;
	v24 =	vadd.s32 v5, v24;
	[tilespmem:v23+s12+$0x0] =	vst.idx.add.s32.msk $0xffff, v4  }
0xbd: {  	v23 =	vshll.u32 v50, $0x11;
	[tilespmem:s26+$0xFFFFFFF0] =	vst v24  }
0xbe: {  	s28 =	sadd.s32 $0x80, s25;
	v22 =	vshll.u32 v22, $0x6;
	v23 =	vadd.s32 s22, v23;
	v24 =	vld.idx.msk [tilespmem:v51+s16+$0x0], $0xffff  }
0xbf: {  	s29 =	sor.u32 $0x50, s28;
	v53 =	vand.u32 $0x3FC0, v22;
	[tilespmem:v20+s12+$0x0] =	vst.idx.add.s32.msk $0xffff, v4;
	v23 =	vadd.s32 v5, v23  }
0xc0: {  	v19 =	vor.u32 v10, v19;
	v20 =	vor.u32 v10, v53;
	[tilespmem:s29+$0x10080] =	vst v23  }
0xc1: {  	v18 =	vand.u32 $0x3F80, v18;
	v22 =	vand.u32 $0x3F80, v22;
	v23 =	vand.u32 $0x6F, v20;
	v54 =	vld.idx.msk [tilespmem:v52+s16+$0x0], $0xffff  }
0xc2: {  	v55 =	vadd.s32 s21, v12;
	v57 =	vadd.s32 s19, v12;
	v22 =	vor.u32 v22, v23  }
0xc3: {  	v20 =	vshll.u32 v20, $0x11;
	v23 =	vand.u32 $0x6F, v19;
	v24 =	vshll.u32 v24, $0x6  }
0xc4: {  	v20 =	vadd.s32 s21, v20;
	v18 =	vor.u32 v18, v23;
	v23 =	vand.u32 $0x3FC0, v24  }
0xc5: {  	v19 =	vshll.u32 v19, $0x11;
	v20 =	vadd.s32 v8, v20;
	v23 =	vor.u32 v10, v23  }
0xc6: {  	v24 =	vand.u32 $0x3F80, v24;
	v25 =	vshll.u32 v54, $0x6;
	v56 =	vand.u32 $0x6F, v23  }
0xc7: {  	v19 =	vadd.s32 s19, v19;
	[tilespmem:v22+s12+$0x0] =	vst.idx.add.s32.msk $0xffff, v4;
	v22 =	vand.u32 $0x3FC0, v25;
	v24 =	vor.u32 v24, v56  }
0xc8: {  	v19 =	vadd.s32 v8, v19;
	[tilespmem:s23+$0x0] =	vst v20;
	v20 =	vor.u32 v10, v22  }
0xc9: {  	s31 =	sor.u32 $0x60, s25;
	[tilespmem:v18+s12+$0x0] =	vst.idx.add.s32.msk $0xffff, v4;
	v18 =	vadd.s32 s24, v12;
	v22 =	vand.u32 $0x3F80, v25;
	v58 =	vand.u32 $0x6F, v20  }
0xca: {  	v23 =	vshll.u32 v23, $0x11;
	v59 =	vld.idx.msk [tilespmem:v55+s16+$0x0], $0xffff;
	[tilespmem:s31+$0x10080] =	vst v19;
	v22 =	vor.u32 v22, v58  }
0xcb: {  	v19 =	vadd.s32 s24, v23;
	v60 =	vld.idx.msk [tilespmem:v57+s16+$0x0], $0xffff  }
0xcc: {  	v23 =	vadd.s32 s22, v12;
	v19 =	vadd.s32 v8, v19;
	[tilespmem:v24+s12+$0x0] =	vst.idx.add.s32.msk $0xffff, v4  }
0xcd: {  	v20 =	vshll.u32 v20, $0x11;
	[tilespmem:s26+$0x0] =	vst v19  }
0xce: {  	v21 =	vor.u32 v13, v21;
	v17 =	vand.u32 $0x3F80, v17;
	v20 =	vadd.s32 s22, v20;
	v18 =	vld.idx.msk [tilespmem:v18+s16+$0x0], $0xffff  }
0xcf: {  	s29 =	sor.u32 $0x60, s28;
	v20 =	vadd.s32 v8, v20;
	v25 =	vshll.u32 v59, $0x6;
	v19 =	vshll.u32 v21, $0x11;
	[tilespmem:v22+s12+$0x0] =	vst.idx.add.s32.msk $0xffff, v4  }
0xd0: {  	v24 =	vshll.u32 v60, $0x6;
	[tilespmem:s29+$0x10080] =	vst v20;
	v20 =	vand.u32 $0x7F, v21;
	v21 =	vand.u32 $0x3FC0, v25  }
0xd1: {  	v19 =	vadd.s32 s20, v19;
	v17 =	vor.u32 v17, v20;
	v20 =	vor.u32 v13, v21;
	v21 =	vld.idx.msk [tilespmem:v23+s16+$0x0], $0xffff  }
0xd2: {  	[tilespmem:v15+s12+$0x0] =	vst.idx.add.s32.msk $0xffff, v4;
	v22 =	vand.u32 $0x3F80, v25;
	v15 =	vand.u32 $0x3F80, v24;
	v23 =	vand.u32 $0x7F, v20  }
0xd3: {  	v19 =	vadd.s32 v11, v19;
	v22 =	vor.u32 v22, v23;
	v23 =	vand.u32 $0x3FC0, v24  }
0xd4: {  	v20 =	vshll.u32 v20, $0x11;
	v23 =	vor.u32 v13, v23;
	v18 =	vshll.u32 v18, $0x6  }
0xd5: {  	v20 =	vadd.s32 s21, v20;
	v61 =	vand.u32 $0x7F, v23;
	v62 =	vand.u32 $0x3FC0, v18  }
0xd6: {  	[tilespmem:s18+$0x10] =	vst v16;
	v15 =	vor.u32 v15, v61;
	v16 =	vor.u32 v13, v62;
	v21 =	vshll.u32 v21, $0x6  }
0xd7: {  	s17 =	sor.u32 $0x70, s17;
	[tilespmem:v17+s12+$0x0] =	vst.idx.add.s32.msk $0xffff, v4;
	v17 =	vand.u32 $0x3F80, v18;
	v18 =	vand.u32 $0x7F, v16;
	v63 =	vand.u32 $0x3FC0, v21  }
0xd8: {  	[tilespmem:s17+$0x10080] =	vst v19;
	v19 =	vadd.s32 v11, v20;
	v17 =	vor.u32 v17, v18;
	v18 =	vor.u32 v13, v63  }
0xd9: {  	v20 =	vshll.u32 v23, $0x11;
	v21 =	vand.u32 $0x3F80, v21;
	[tilespmem:v22+s12+$0x0] =	vst.idx.add.s32.msk $0xffff, v4;
	v22 =	vand.u32 $0x7F, v18  }
0xda: {  	[tilespmem:s23+$0x10] =	vst v19;
	v19 =	vadd.s32 s19, v20;
	v20 =	vor.u32 v21, v22  }
0xdb: {  	s30 =	sor.u32 $0x70, s25;
	v16 =	vshll.u32 v16, $0x11;
	[tilespmem:v15+s12+$0x0] =	vst.idx.add.s32.msk $0xffff, v4;
	v15 =	vadd.s32 v11, v19  }
0xdc: {  	[tilespmem:s30+$0x10080] =	vst v15;
	v15 =	vadd.s32 s24, v16  }
0xdd: {  	v16 =	vshll.u32 v18, $0x11;
	v15 =	vadd.s32 v11, v15;
	[tilespmem:v17+s12+$0x0] =	vst.idx.add.s32.msk $0xffff, v4  }
0xde: {  	[tilespmem:s26+$0x10] =	vst v15;
	v15 =	vadd.s32 s22, v16  }
0xdf: {  	s31 =	sor.u32 $0x70, s28;
	[tilespmem:v20+s12+$0x0] =	vst.idx.add.s32.msk $0xffff, v4;
	v15 =	vadd.s32 v11, v15  }
0xe0: {  	s18 =	simm.s32 $0x180A0;
	[tilespmem:s31+$0x10080] =	vst v15  }
0xe1: {  	v17 =	vld [tilespmem:s18+$0xFFFFFFE0]  }
0xe2: {  	v19 =	vld [tilespmem:s18+$0xFFFFFFF0]  }
0xe3: {  	p4 =	por $0x1, $0x1;
	v23 =	vld [tilespmem:s18+$0x0]  }
.Ltmp5:
0xe4: {  	_ = 	snop;
	(pc) =	sbr.rel @!p4 .LBB2_9-.Ltmp5, $4  }
0xe5: {  	_ = 	snop  }
0xe6: {  	(xrf0) =	vadd.scan.msk.s32 $0xffff, v17  }
0xe7: {  	p1 =	por $0x0, $0x0;
	(xrf0) =	vadd.scan.msk.s32 $0xffff, v19  }
0xe8: {  	p2 =	por $0x0, $0x0;
	p3 =	por $0x0, $0x0;
	s17 =	simm.s32 $0x180E0;
	v22 =	vld [tilespmem:s18+$0x10];
	(xrf0) =	vadd.scan.msk.s32 $0xffff, v23  }
0xe9: {  	_ =	sdelay $0x1  }
0xea: {  	v15 =	vld [tilespmem:s17+$0xFFFFFFE0];
	_ =	sdelay $0x1  }
0xeb: {  	v21 =	vld [tilespmem:s17+$0xFFFFFFF0];
	v18, _, _ =	vpop (xrf0);
	(xrf0) =	vadd.scan.msk.s32 $0xffff, v22  }
0xec: {  	v20 =	vxor.u32 $0x80000000, v18  }
0xed: {  	v16 =	vld [tilespmem:s17+$0x0];
	p4 =	por $0x1, $0x1;
	v24, _, _ =	vpop (xrf0);
	(xrf0) =	vmax.scan.msk.u32 $0xffff, v20  }
.Ltmp6:
0xee: {  	v20 =	vxor.u32 $0x80000000, v24;
	(xrf0) =	vadd.scan.msk.s32 $0xffff, v15;
	(pc) =	sbr.rel @!p4 .LBB2_11-.Ltmp6, $4  }
0xef: {  	v25, _, _ =	vpop (xrf0);
	(xrf0) =	vmax.scan.msk.u32 $0xffff, v20  }
0xf0: {  	v26 =	vxor.u32 $0x80000000, v25;
	(xrf0) =	vadd.scan.msk.s32 $0xffff, v21  }
0xf1: {  	v20 =	vsub.s32 v24, v19;
	(xrf0) =	vmax.scan.msk.u32 $0xffff, v26;
	v63, _, _ =	vpop (xrf0)  }
0xf2: {  	s19 =	simm.s32 $0x18120;
	p1 =	por $0x1, $0x1;
	v19 =	vsub.s32 v25, v23;
	v23 =	vld [tilespmem:s17+$0x10];
	(xrf0) =	vadd.scan.msk.s32 $0xffff, v16;
	v22 =	vsub.s32 v63, v22;
	v33 =	vxor.u32 $0x80000000, v63  }
0xf3: {  	v24, _, _ =	vpop (xrf0)  }
0xf4: {  	(xrf0) =	vmax.scan.msk.u32 $0xffff, v33;
	v27, _, _ =	vpop (xrf0)  }
0xf5: {  	v26 =	vxor.u32 $0x80000000, v27  }
0xf6: {  	v25, _, _ =	vpop (xrf0)  }
0xf7: {  	(v2sf) =	vpush v24, $0xF;
	v29, _, _ =	vpop (xrf0);
	(xrf0) =	vadd.scan.msk.s32 $0xffff, v23  }
0xf8: {  	(v2sf) =	vpush v25, $0xF;
	(xrf0) =	vmax.scan.msk.u32 $0xffff, v26;
	v26, _, _ =	vpop (xrf0)  }
0xf9: {  	v32, _, _ =	vpop (xrf0);
	(v2sf) =	vpush v26, $0xF  }
0xfa: {  	v25, _, _ =	vpop (xrf0)  }
0xfb: {  	(v2sf) =	vpush v25, $0xF;
	_ =	sdelay $0x1  }
0xfc: {  	v30 =	vld [tilespmem:s19+$0xFFFFFFE0];
	_ =	sdelay $0x1  }
0xfd: {  	v39 =	vld [tilespmem:s19+$0xFFFFFFF0];
	_ =	sdelay $0x1  }
0xfe: {  	v28 =	vld [tilespmem:s19+$0x0];
	p4 =	por $0x1, $0x1  }
.Ltmp7:
0xff: {  	v31 =	vxor.u32 $0x80000000, v29;
	(xrf0) =	vadd.scan.msk.s32 $0xffff, v30;
	(pc) =	sbr.rel @!p4 .LBB2_13-.Ltmp7, $4  }
0x100: {  	(xrf0) =	vmax.scan.msk.u32 $0xffff, v31  }
0x101: {  	v31 =	vxor.u32 $0x80000000, v32;
	(xrf0) =	vadd.scan.msk.s32 $0xffff, v39  }
0x102: {  	v26 =	vsub.s32 v32, v16;
	(xrf0) =	vmax.scan.msk.u32 $0xffff, v31;
	v16, _, _ =	vpop (xrf0)  }
0x103: {  	s21 =	simm.s32 $0x18160;
	p2 =	por $0x1, $0x1;
	v24 =	vsub.s32 v29, v21;
	v29 =	vld [tilespmem:s19+$0x10];
	(xrf0) =	vadd.scan.msk.s32 $0xffff, v28;
	v25 =	vsub.s32 v16, v23;
	v33 =	vxor.u32 $0x80000000, v16  }
0x104: {  	v23, _, _ =	vpop (xrf0);
	(xrf0) =	vmax.scan.msk.u32 $0xffff, v33  }
0x105: {  	v32, _, _ =	vpop (xrf0)  }
0x106: {  	v34 =	vld [tilespmem:s21+$0xFFFFFFE0];
	v31, _, _ =	vpop (xrf0)  }
0x107: {  	v35, _, _ =	vpop (xrf0)  }
0x108: {  	v21 =	vld [tilespmem:s21+$0xFFFFFFF0];
	(v2sf) =	vpush v23, $0xF;
	(xrf0) =	vadd.scan.msk.s32 $0xffff, v29;
	v23, _, _ =	vpop (xrf0)  }
0x109: {  	v59 =	vxor.u32 $0x80000000, v32;
	(v2sf) =	vpush v31, $0xF;
	v31, _, _ =	vpop (xrf0)  }
0x10a: {  	v16 =	vld [tilespmem:s21+$0x0];
	p4 =	por $0x1, $0x1;
	(xrf0) =	vmax.scan.msk.u32 $0xffff, v59;
	(v2sf) =	vpush v23, $0xF;
	v23, _, _ =	vpop (xrf0)  }
.Ltmp8:
0x10b: {  	v61 =	vsub.s32 s16, v17;
	s20 =	spop (v2sf);
	v60 =	vxor.u32 $0x80000000, v35;
	(xrf0) =	vadd.scan.msk.s32 $0xffff, v34;
	(v2sf) =	vpush v23, $0xF;
	(pc) =	sbr.rel @!p4 .LBB2_15-.Ltmp8, $4  }
0x10c: {  	v62 =	vadd.s32 v18, v61;
	s20 =	sadd.s32 $0x0, s20;
	(xrf0) =	vmax.scan.msk.u32 $0xffff, v60  }
0x10d: {  	[tilespmem:s18+$0xFFFFFFE0] =	vst v62;
	s20 =	sadd.s32 $0x80000000, s20;
	v63 =	vxor.u32 $0x80000000, v31;
	(xrf0) =	vadd.scan.msk.s32 $0xffff, v21  }
0x10e: {  	s23 =	simm.s32 $0xC;
	s24 =	simm.s32 $0x181A0;
	s22 =	spop (v2sf);
	v37 =	vsub.s32 v35, v39;
	v41 =	vsub.s32 v31, v28;
	v31 =	vadd.s32 s20, v20;
	v23 =	vld [tilespmem:s21+$0x10];
	(xrf0) =	vmax.scan.msk.u32 $0xffff, v63;
	v28, _, _ =	vpop (xrf0)  }
0x10f: {  	p3 =	por $0x1, $0x1;
	s22 =	sadd.s32 s22, s20;
	s20 =	simm.s32 $0x180A0;
	(xrf0) =	vadd.scan.msk.s32 $0xffff, v16;
	v42 =	vsub.s32 v28, v29;
	v33 =	vxor.u32 $0x80000000, v28;
	v28 =	vmovc v19;
	v29 =	vmov v22  }
.LBB2_16:
0x110: {  	v36, _, _ =	vpop (xrf0);
	(xrf0) =	vmax.scan.msk.u32 $0xffff, v33  }
0x111: {  	v35 =	vld [tilespmem:s24+$0xFFFFFFE0];
	[tilespmem:s20+$0xFFFFFFF0] =	vst v31;
	s22 =	sadd.s32 $0x80000000, s22;
	s25 =	spop (v2sf);
	v31 =	vmovc v16;
	v38 =	vmovc v24;
	v24 =	vmov v37;
	v33 =	vmov v25;
	v25 =	vmov v42  }
0x112: {  	s23 =	sadd.s32 $0x4, s23;
	v39, _, _ =	vpop (xrf0);
	(v2sf) =	vpush v36, $0xF;
	v16 =	vadd.s32 s22, v28;
	s22 =	sadd.s32 s25, s22;
	v28 =	vmov v26  }
0x113: {  	p4 =	slt.u32 s23, $0x3FC;
	v26 =	vmov v41;
	v36 =	vld [tilespmem:s24+$0xFFFFFFF0];
	(xrf0) =	vadd.scan.msk.s32 $0xffff, v23;
	v37, _, _ =	vpop (xrf0);
	[tilespmem:s20+$0x0] =	vst v16;
	s22 =	sadd.s32 $0x80000000, s22;
	s25 =	spop (v2sf);
	v40 =	vmov v23  }
0x114: {  	v23 =	vxor.u32 $0x80000000, v39;
	v41, _, _ =	vpop (xrf0);
	(v2sf) =	vpush v37, $0xF;
	v42 =	vadd.s32 s22, v29;
	s22 =	sadd.s32 s25, s22  }
0x115: {  	v29 =	vmov v33;
	v16 =	vld [tilespmem:s24+$0x0];
	v37 =	vsub.s32 v41, v21;
	(xrf0) =	vmax.scan.msk.u32 $0xffff, v23;
	v21, _, _ =	vpop (xrf0);
	[tilespmem:s20+$0x10] =	vst v42;
	s22 =	sadd.s32 $0x80000000, s22  }
.Ltmp9:
0x116: {  	v23 =	vxor.u32 $0x80000000, v41;
	s20 =	smov.u32 s17;
	s17 =	smov.u32 s19;
	(xrf0) =	vadd.scan.msk.s32 $0xffff, v35;
	v33, _, _ =	vpop (xrf0);
	(v2sf) =	vpush v21, $0xF;
	v42 =	vsub.s32 s22, v15;
	(pc) =	sbr.rel @p4 .LBB2_16-.Ltmp9, $4  }
0x117: {  	s19 =	smov.u32 s21;
	s21 =	smov.u32 s24;
	v15 =	vmov v30;
	v41 =	vsub.s32 v33, v31;
	(xrf0) =	vmax.scan.msk.u32 $0xffff, v23;
	v21, _, _ =	vpop (xrf0);
	v42 =	vadd.s32 v27, v42;
	s25 =	spop (v2sf)  }
0x118: {  	v30 =	vmovc v34;
	v31 =	vxor.u32 $0x80000000, v33;
	v23 =	vld [tilespmem:s24+$0x10];
	(xrf0) =	vadd.scan.msk.s32 $0xffff, v36;
	(v2sf) =	vpush v21, $0xF;
	[tilespmem:s20+$0xFFFFFFE0] =	vst v42;
	s22 =	sadd.s32 s25, s22  }
0x119: {  	v34 =	vmov v35;
	v27 =	vmov v32;
	v32 =	vmov v39;
	(xrf0) =	vmax.scan.msk.u32 $0xffff, v31;
	v21, _, _ =	vpop (xrf0);
	s22 =	sadd.s32 $0x80000000, s22;
	s25 =	spop (v2sf)  }
0x11a: {  	s24 =	sadd.s32 $0x40, s24;
	(xrf0) =	vadd.scan.msk.s32 $0xffff, v16;
	v42 =	vsub.s32 v21, v40;
	v33 =	vxor.u32 $0x80000000, v21;
	v31 =	vadd.s32 s22, v38;
	s22 =	sadd.s32 s25, s22;
	v21 =	vmovc v36  }
0x11b: {  	v35 =	vmov v24  }
0x11c: {  	v36 =	vmovc v25;
	v38 =	vmovc v26;
	v39 =	vmov v15;
	v40 =	vmov v27;
	v24 =	vmov v37  }
0x11d: {  	s23 =	smov.u32 s17;
	v25 =	vmovc v42;
	v26 =	vmovc v41;
	v37 =	vmov v30;
	s17 =	smov.u32 s21;
	v15 =	vmov v34;
	v27 =	vmov v32  }
.LBB2_18:
0x11e: {  	v30, _, _ =	vpop @p1 (xrf0)  }
0x11f: {  	(xrf0) =	vmax.scan.msk.u32 @p1 $0xffff, v33;
	s21 =	sadd.s32 @p3 $0x80000000, s22;
	s22 =	spop @p3 (v2sf);
	v32, _, _ =	vpop (xrf0);
	(v2sf) =	vpush @p1 v30, $0xF  }
0x120: {  	s22 =	sadd.s32 @p3 s22, s21;
	v30, _, _ =	vpop @p1 (xrf0)  }
0x121: {  	(xrf0) =	vadd.scan.msk.s32 $0xffff, v23;
	s24 =	spop @p3 (v2sf);
	s22 =	sadd.s32 @p3 $0x80000000, s22;
	v53 =	vxor.u32 $0x80000000, v32;
	(v2sf) =	vpush @p1 v30, $0xF  }
0x122: {  	v54, _, _ =	vpop (xrf0);
	s24 =	sadd.s32 @p3 s24, s22;
	(xrf0) =	vmax.scan.msk.u32 $0xffff, v53  }
0x123: {  	s25 =	smov.u32 s16;
	v33, _, _ =	vpop @p1 (xrf0);
	s24 =	sadd.s32 @p3 $0x80000000, s24;
	v34 =	vxor.u32 $0x80000000, v54  }
0x124: {  	v41, _, _ =	vpop (xrf0);
	(v2sf) =	vpush @p1 v33, $0xF;
	s25 =	smov.u32 @p3 s24;
	(xrf0) =	vmax.scan.msk.u32 $0xffff, v34;
	s24 =	spop @p2 (v2sf)  }
0x125: {  	v33, _, _ =	vpop @p1 (xrf0);
	v55 =	vxor.u32 $0x80000000, v41;
	s24 =	sadd.s32 @p2 s24, s25  }
0x126: {  	s26 =	spop @p2 (v2sf);
	(v2sf) =	vpush @p1 v33, $0xF;
	(xrf0) =	vmax.scan.msk.u32 $0xffff, v55;
	s24 =	sadd.s32 @p2 $0x80000000, s24  }
0x127: {  	v56, _, _ =	vpop (xrf0);
	s26 =	sadd.s32 @p2 s26, s24  }
0x128: {  	s26 =	smov.u32 @p2 s26;
	v57, _, _ =	vpop (xrf0)  }
0x129: {  	s28 =	spop @p2 (v2sf);
	v58 =	vxor.u32 $0x80000000, v56;
	(v2sf) =	vpush v57, $0xF;
	s26 =	sadd.s32 @p2 $0x80000000, s26  }
0x12a: {  	(xrf0) =	vmax.scan.msk.u32 $0xffff, v58;
	s28 =	sadd.s32 @p2 s28, s26;
	v59, _, _ =	vpop (xrf0)  }
0x12b: {  	s29 =	spop @p2 (v2sf);
	s28 =	sadd.s32 @p2 $0x80000000, s28;
	(v2sf) =	vpush v59, $0xF  }
0x12c: {  	s29 =	sadd.s32 @p2 s29, s28;
	v60, _, _ =	vpop (xrf0)  }
0x12d: {  	s30 =	smov.u32 s16;
	s29 =	sadd.s32 @p2 $0x80000000, s29;
	(v2sf) =	vpush v60, $0xF  }
0x12e: {  	s30 =	smov.u32 @p2 s29;
	s29 =	spop @p1 (v2sf)  }
0x12f: {  	s29 =	sadd.s32 @p1 s29, s30  }
0x130: {  	v28 =	vadd.s32 @p3 s21, v28;
	v61, _, _ =	vpop (xrf0);
	s29 =	sadd.s32 @p1 $0x80000000, s29;
	s31 =	spop @p1 (v2sf)  }
0x131: {  	[tilespmem:s20+$0xFFFFFFF0] =	vst @p3 v31;
	(v2sf) =	vpush v61, $0xF;
	s21 =	sadd.s32 @p1 s31, s29  }
0x132: {  	[tilespmem:s20+$0x0] =	vst @p3 v28;
	v29 =	vadd.s32 @p3 s22, v29;
	s21 =	smov.u32 @p1 s21  }
0x133: {  	v20 =	vpsel p1, v24, v20;
	v28 =	vmov @p2 v35;
	[tilespmem:s20+$0x10] =	vst @p3 v29;
	v29 =	vsub.s32 @p2 s25, v39;
	s20 =	sadd.s32 @p1 $0x80000000, s21;
	s21 =	spop @p1 (v2sf)  }
0x134: {  	v22 =	vpsel p1, v25, v22;
	s22 =	smov.u32 @p2 s23;
	v34 =	vmovc @p2 v38;
	v29 =	vadd.s32 @p2 v40, v29;
	v28 =	vadd.s32 @p2 s24, v28;
	s21 =	sadd.s32 @p1 s21, s20  }
0x135: {  	v31 =	vmovc @p2 v36;
	v35 =	vmov @p1 v37;
	v34 =	vpsel p2, v34, v0;
	[tilespmem:s22+$0xFFFFFFE0] =	vst @p2 v29;
	s22 =	smov.u32 @p2 s22;
	v28 =	vpsel p2, v28, v0;
	s23 =	spop @p1 (v2sf);
	s21 =	sadd.s32 @p1 $0x80000000, s21  }
0x136: {  	v31 =	vpsel p2, v31, v0;
	v17 =	vpsel p1, v35, v17;
	[tilespmem:s22+$0xFFFFFFF0] =	vst @p2 v28;
	v34 =	vadd.s32 @p2 s26, v34;
	s23 =	sadd.s32 @p1 s23, s21  }
0x137: {  	s18 =	smov.u32 @p1 s19;
	v18 =	vpsel p1, v27, v18;
	[tilespmem:s22+$0x0] =	vst @p2 v34;
	v29 =	vadd.s32 @p2 s28, v31;
	v17 =	vsub.s32 @p1 s30, v17;
	s19 =	sadd.s32 @p1 $0x80000000, s23  }
0x138: {  	v19 =	vpsel p1, v26, v19;
	[tilespmem:s22+$0x10] =	vst @p2 v29;
	v17 =	vadd.s32 @p1 v18, v17;
	v18 =	vadd.s32 @p1 s29, v20;
	s25 =	spop (v2sf);
	s16 =	smov.u32 @p1 s19  }
0x139: {  	[tilespmem:s18+$0xFFFFFFE0] =	vst @p1 v17;
	s18 =	smov.u32 @p1 s18;
	v20 =	vmov @p1 v22;
	v17 =	vpsel p1, v18, v0;
	v18 =	vpsel p1, v19, v0;
	s19 =	sadd.s32 s25, s16  }
0x13a: {  	v19 =	vpsel p1, v20, v0;
	[tilespmem:s18+$0xFFFFFFF0] =	vst @p1 v17;
	v17 =	vadd.s32 @p1 s20, v18;
	s26 =	spop (v2sf);
	s19 =	sadd.s32 $0x80000000, s19  }
0x13b: {  	[tilespmem:s18+$0x0] =	vst @p1 v17;
	v17 =	vadd.s32 @p1 s21, v19;
	v15 =	vsub.s32 s16, v15;
	s28 =	sadd.s32 s26, s19  }
0x13c: {  	v62 =	vsub.s32 v54, v21;
	[tilespmem:s18+$0x10] =	vst @p1 v17;
	v15 =	vadd.s32 v32, v15;
	s29 =	spop (v2sf);
	s16 =	sadd.s32 $0x80000000, s28  }
0x13d: {  	v16 =	vsub.s32 v41, v16;
	[tilespmem:s17+$0xFFFFFFE0] =	vst v15;
	v15 =	vadd.s32 s19, v62;
	s18 =	sadd.s32 s29, s16  }
0x13e: {  	v63 =	vsub.s32 v56, v23;
	[tilespmem:s17+$0xFFFFFFF0] =	vst v15;
	v15 =	vadd.s32 s16, v16;
	s30 =	sadd.s32 $0x80000000, s18  }
0x13f: {  	[tilespmem:s17+$0x0] =	vst v15;
	v15 =	vadd.s32 s30, v63  }
0x140: {  	s31 =	spop (v2sf);
	s16 =	simm.s32 $0xFFFFFFFE;
	[tilespmem:s17+$0x10] =	vst v15;
	s17 =	simm.s32 $0x100C0  }
.LBB2_19:
0x141: {  	v15 =	vld [tilespmem:s17+$0xFFFFFFC0]  }
0x142: {  	v16 =	vld [tilespmem:s17+$0xFFFFFFD0];
	_ =	sdelay $0x1  }
0x143: {  	v17 =	vld [tilespmem:s17+$0xFFFFFFE0];
	_ =	sdelay $0x1  }
0x144: {  	v18 =	vld [tilespmem:s17+$0xFFFFFFF0];
	v19 =	vshrl.u32 v15, $0x11  }
0x145: {  	v20 =	vshrl.u32 v16, $0x11;
	_ =	sdelay $0x1  }
0x146: {  	v21 =	vshrl.u32 v17, $0x11;
	_ =	sdelay $0x1  }
0x147: {  	v22 =	vshrl.u32 v18, $0x11;
	v23 =	vld.idx.msk [tilespmem:v19+s12+$0x0], $0xffff  }
0x148: {  	v24 =	vld.idx.msk [tilespmem:v20+s12+$0x0], $0xffff;
	_ =	sdelay $0x1  }
0x149: {  	v25 =	vld.idx.msk [tilespmem:v21+s12+$0x0], $0xffff;
	_ =	sdelay $0x1  }
0x14a: {  	v26 =	vld.idx.msk [tilespmem:v22+s12+$0x0], $0xffff  }
0x14b: {  	v27 =	vadd.s32 $0x1, v23;
	v28 =	vadd.s32 $0x1, v24;
	v29 =	vshll.u32 v23, $0x6  }
0x14c: {  	v23 =	vshrl.u32 v23, $0x9;
	v30 =	vshll.u32 v24, $0x6;
	v24 =	vshrl.u32 v24, $0x9  }
0x14d: {  	v36 =	vadd.s32 $0x1, v25;
	v37 =	vshll.u32 v25, $0x6;
	v29 =	vand.u32 $0x7FC0, v29  }
0x14e: {  	v25 =	vshrl.u32 v25, $0x9;
	v35 =	vand.u32 $0x7FC0, v30;
	v23 =	vor.u32 v23, v29  }
0x14f: {  	v39 =	vshll.u32 v26, $0x6;
	[tilespmem:v19+s12+$0x0] =	vst.idx.msk $0xffff, v27;
	v38 =	vand.u32 $0x7FC0, v37;
	v24 =	vor.u32 v24, v35  }
0x150: {  	v41 =	vshrl.u32 v26, $0x9;
	v40 =	vand.u32 $0x7FC0, v39;
	[tilespmem:v20+s12+$0x0] =	vst.idx.msk $0xffff, v28;
	v19 =	vor.u32 v25, v38  }
0x151: {  	v42 =	vadd.s32 $0x1, v26;
	v20 =	vor.u32 v41, v40;
	[tilespmem:v21+s12+$0x0] =	vst.idx.msk $0xffff, v36  }
0x152: {  	v15 =	vand.u32 $0x1FFFF, v15;
	[tilespmem:v22+s12+$0x0] =	vst.idx.msk $0xffff, v42  }
0x153: {  	[tilespmem:v23+s13+$0x0] =	vst.idx.msk $0xffff, v15;
	v15 =	vand.u32 $0x1FFFF, v16  }
0x154: {  	[tilespmem:v24+s13+$0x0] =	vst.idx.msk $0xffff, v15;
	v15 =	vand.u32 $0x1FFFF, v17  }
0x155: {  	[tilespmem:v19+s13+$0x0] =	vst.idx.msk $0xffff, v15;
	v15 =	vand.u32 $0x1FFFF, v18  }
0x156: {  	[tilespmem:v20+s13+$0x0] =	vst.idx.msk $0xffff, v15  }
0x157: {  	v15 =	vld [tilespmem:s17+$0x0]  }
0x158: {  	v43 =	vld [tilespmem:s17+$0x10];
	_ =	sdelay $0x1  }
0x159: {  	v44 =	vld [tilespmem:s17+$0x20];
	_ =	sdelay $0x1  }
0x15a: {  	v45 =	vld [tilespmem:s17+$0x30];
	v46 =	vshrl.u32 v15, $0x11  }
0x15b: {  	v47 =	vshrl.u32 v43, $0x11;
	_ =	sdelay $0x1  }
0x15c: {  	v48 =	vshrl.u32 v44, $0x11;
	_ =	sdelay $0x1  }
0x15d: {  	v49 =	vshrl.u32 v45, $0x11;
	v23 =	vld.idx.msk [tilespmem:v46+s12+$0x0], $0xffff  }
0x15e: {  	v24 =	vld.idx.msk [tilespmem:v47+s12+$0x0], $0xffff;
	_ =	sdelay $0x1  }
0x15f: {  	v50 =	vld.idx.msk [tilespmem:v48+s12+$0x0], $0xffff;
	_ =	sdelay $0x1  }
0x160: {  	v51 =	vld.idx.msk [tilespmem:v49+s12+$0x0], $0xffff  }
0x161: {  	v52 =	vadd.s32 $0x1, v23;
	v53 =	vadd.s32 $0x1, v24;
	v54 =	vshll.u32 v23, $0x6  }
0x162: {  	v23 =	vshrl.u32 v23, $0x9;
	v55 =	vshll.u32 v24, $0x6;
	v24 =	vshrl.u32 v24, $0x9  }
0x163: {  	v57 =	vadd.s32 $0x1, v50;
	v58 =	vshll.u32 v50, $0x6;
	v29 =	vand.u32 $0x7FC0, v54  }
0x164: {  	v25 =	vshrl.u32 v50, $0x9;
	v56 =	vand.u32 $0x7FC0, v55;
	v23 =	vor.u32 v23, v29  }
0x165: {  	v60 =	vshll.u32 v51, $0x6;
	[tilespmem:v46+s12+$0x0] =	vst.idx.msk $0xffff, v52;
	v59 =	vand.u32 $0x7FC0, v58;
	v24 =	vor.u32 v24, v56  }
0x166: {  	s16 =	sadd.s32 $0x2, s16;
	v62 =	vshrl.u32 v51, $0x9;
	v61 =	vand.u32 $0x7FC0, v60;
	[tilespmem:v47+s12+$0x0] =	vst.idx.msk $0xffff, v53;
	v19 =	vor.u32 v25, v59  }
0x167: {  	p1 =	slt.u32 s16, $0x1FE;
	v63 =	vadd.s32 $0x1, v51;
	v20 =	vor.u32 v62, v61;
	[tilespmem:v48+s12+$0x0] =	vst.idx.msk $0xffff, v57  }
.Ltmp10:
0x168: {  	v15 =	vand.u32 $0x1FFFF, v15;
	[tilespmem:v49+s12+$0x0] =	vst.idx.msk $0xffff, v63;
	(pc) =	sbr.rel @p1 .LBB2_19-.Ltmp10, $4  }
0x169: {  	[tilespmem:v23+s13+$0x0] =	vst.idx.msk $0xffff, v15;
	v15 =	vand.u32 $0x1FFFF, v43  }
0x16a: {  	[tilespmem:v24+s13+$0x0] =	vst.idx.msk $0xffff, v15;
	v15 =	vand.u32 $0x1FFFF, v44  }
0x16b: {  	[tilespmem:v19+s13+$0x0] =	vst.idx.msk $0xffff, v15;
	v15 =	vand.u32 $0x1FFFF, v45  }
0x16c: {  	s19 =	simm.s32 $0xFFFFFFF8;
	s18 =	simm.s32 $0x180C0;
	s17 =	sadd.s32 $0x80, s17;
	[tilespmem:v20+s13+$0x0] =	vst.idx.msk $0xffff, v15  }
0x16d: {  	[tilespmem:s18+$0xFFFFFFC0] =	vst v3  }
0x16e: {  	[tilespmem:s18+$0x30] =	vst v3  }
0x16f: {  	[tilespmem:s18+$0x20] =	vst v3  }
0x170: {  	[tilespmem:s18+$0x10] =	vst v3  }
0x171: {  	[tilespmem:s18+$0x0] =	vst v3  }
0x172: {  	[tilespmem:s18+$0xFFFFFFF0] =	vst v3  }
0x173: {  	s16 =	sadd.s32 $0x8, s19;
	[tilespmem:s18+$0xFFFFFFE0] =	vst v3;
	s17 =	simm.s32 $0x80C0  }
.LBB2_21:
0x174: {  	s16 =	sadd.s32 $0x8, s16;
	[tilespmem:s18+$0xFFFFFFD0] =	vst v3;
	s18 =	sadd.s32 $0x80, s18  }
0x175: {  	[tilespmem:s18+$0xFFFFFFC0] =	vst v3;
	p1 =	slt.u32 s16, $0x3F8  }
0x176: {  	[tilespmem:s18+$0x30] =	vst v3  }
.Ltmp11:
0x177: {  	[tilespmem:s18+$0x20] =	vst v3;
	(pc) =	sbr.rel @p1 .LBB2_21-.Ltmp11, $4  }
0x178: {  	[tilespmem:s18+$0x10] =	vst v3  }
0x179: {  	[tilespmem:s18+$0x0] =	vst v3  }
0x17a: {  	[tilespmem:s18+$0xFFFFFFF0] =	vst v3  }
0x17b: {  	[tilespmem:s18+$0xFFFFFFE0] =	vst v3  }
0x17c: {  	[tilespmem:s18+$0xFFFFFFD0] =	vst v3  }
0x17d: {  	v15 =	vld [tilespmem:s17+$0x0];
	_ =	sdelay $0x4  }
0x17e: {  	v16 =	vshrl.u32 v15, $0x9  }
0x17f: {  	v16 =	vadd.s32 v15, v16;
	_ =	sdelay $0x1  }
0x180: {  	v17 =	vld [tilespmem:s17+$0xFFFFFFC0];
	_ =	sdelay $0x1  }
0x181: {  	s16 =	simm.s32 $0x0  }
0x182: {  	v16 =	vld.idx.msk [tilespmem:v16+s16+$0x0], $0xffff;
	_ =	sdelay $0x1  }
0x183: {  	v18 =	vshrl.u32 v17, $0x9  }
0x184: {  	v18 =	vadd.s32 v17, v18;
	_ =	sdelay $0x1  }
0x185: {  	v16 =	vshrl.u32 v16, $0x2  }
0x186: {  	v19 =	vand.u32 $0x3FC0, v16  }
0x187: {  	v19 =	vor.u32 v0, v19  }
0x188: {  	v18 =	vld.idx.msk [tilespmem:v18+s16+$0x0], $0xffff;
	v16 =	vand.u32 $0x3F80, v16;
	v20 =	vand.u32 $0x4F, v19  }
0x189: {  	v16 =	vor.u32 v16, v20;
	_ =	sdelay $0x2  }
0x18a: {  	s18 =	simm.s32 $0x8140  }
0x18b: {  	v18 =	vshrl.u32 v18, $0x2;
	v20 =	vld [tilespmem:s18+$0x0]  }
0x18c: {  	v21 =	vand.u32 $0x3FC0, v18;
	[tilespmem:v16+s12+$0x0] =	vst.idx.add.s32.msk $0xffff, v4  }
0x18d: {  	v16 =	vor.u32 v0, v21;
	v21 =	vld [tilespmem:s17+$0x10]  }
0x18e: {  	v18 =	vand.u32 $0x3F80, v18;
	v22 =	vand.u32 $0x4F, v16  }
0x18f: {  	v18 =	vor.u32 v18, v22  }
0x190: {  	v22 =	vshrl.u32 v20, $0x9  }
0x191: {  	v22 =	vadd.s32 v20, v22  }
0x192: {  	v23 =	vld [tilespmem:s18+$0xFFFFFFC0];
	v16 =	vshll.u32 v16, $0x11;
	v24 =	vshrl.u32 v21, $0x9  }
0x193: {  	v16 =	vor.u32 v17, v16;
	v17 =	vadd.s32 v21, v24  }
0x194: {  	[tilespmem:v18+s12+$0x0] =	vst.idx.add.s32.msk $0xffff, v4  }
0x195: {  	v18 =	vshll.u32 v19, $0x11;
	[tilespmem:s17+$0xFFFFFFC0] =	vst v16;
	v16 =	vld [tilespmem:s17+$0xFFFFFFD0]  }
0x196: {  	v19 =	vld.idx.msk [tilespmem:v22+s16+$0x0], $0xffff;
	v15 =	vor.u32 v15, v18  }
0x197: {  	v22 =	vshrl.u32 v23, $0x9;
	[tilespmem:s17+$0x0] =	vst v15  }
0x198: {  	v18 =	vadd.s32 v23, v22;
	v15 =	vld.idx.msk [tilespmem:v17+s16+$0x0], $0xffff;
	_ =	sdelay $0x1  }
0x199: {  	v17 =	vshrl.u32 v16, $0x9  }
0x19a: {  	v19 =	vshrl.u32 v19, $0x2;
	v17 =	vadd.s32 v16, v17  }
0x19b: {  	v22 =	vand.u32 $0x3FC0, v19  }
0x19c: {  	v18 =	vld.idx.msk [tilespmem:v18+s16+$0x0], $0xffff;
	v22 =	vor.u32 v0, v22;
	v15 =	vshrl.u32 v15, $0x2  }
0x19d: {  	v19 =	vand.u32 $0x3F80, v19;
	v24 =	vand.u32 $0x4F, v22;
	v25 =	vand.u32 $0x3FC0, v15  }
0x19e: {  	v19 =	vor.u32 v19, v24;
	v24 =	vor.u32 v7, v25  }
0x19f: {  	v15 =	vand.u32 $0x3F80, v15;
	v17 =	vld.idx.msk [tilespmem:v17+s16+$0x0], $0xffff;
	v25 =	vand.u32 $0x5F, v24  }
0x1a0: {  	v15 =	vor.u32 v15, v25  }
0x1a1: {  	s19 =	simm.s32 $0x81C0;
	v18 =	vshrl.u32 v18, $0x2  }
0x1a2: {  	v27 =	vld [tilespmem:s19+$0x0];
	v25 =	vand.u32 $0x3FC0, v18  }
0x1a3: {  	v25 =	vor.u32 v0, v25;
	[tilespmem:v19+s12+$0x0] =	vst.idx.add.s32.msk $0xffff, v4  }
0x1a4: {  	v18 =	vand.u32 $0x3F80, v18;
	v19 =	vand.u32 $0x4F, v25;
	v28 =	vld [tilespmem:s18+$0x10];
	v17 =	vshrl.u32 v17, $0x2  }
0x1a5: {  	v18 =	vor.u32 v18, v19;
	v19 =	vand.u32 $0x3FC0, v17;
	[tilespmem:v15+s12+$0x0] =	vst.idx.add.s32.msk $0xffff, v4  }
0x1a6: {  	v15 =	vor.u32 v7, v19;
	v19 =	vld [tilespmem:s17+$0x20]  }
0x1a7: {  	v26 =	vshrl.u32 v27, $0x9;
	v17 =	vand.u32 $0x3F80, v17;
	v29 =	vand.u32 $0x5F, v15  }
0x1a8: {  	v26 =	vadd.s32 v27, v26;
	v25 =	vshll.u32 v25, $0x11;
	v17 =	vor.u32 v17, v29;
	v29 =	vld [tilespmem:s19+$0xFFFFFFC0]  }
0x1a9: {  	v23 =	vor.u32 v23, v25;
	v25 =	vshrl.u32 v28, $0x9  }
0x1aa: {  	[tilespmem:v18+s12+$0x0] =	vst.idx.add.s32.msk $0xffff, v4;
	v18 =	vadd.s32 v28, v25  }
0x1ab: {  	v22 =	vshll.u32 v22, $0x11;
	[tilespmem:s18+$0xFFFFFFC0] =	vst v23;
	v23 =	vshrl.u32 v19, $0x9  }
0x1ac: {  	v20 =	vor.u32 v20, v22;
	v30 =	vld [tilespmem:s18+$0xFFFFFFD0];
	v23 =	vadd.s32 v19, v23  }
0x1ad: {  	[tilespmem:s18+$0x0] =	vst v20;
	v25 =	vld.idx.msk [tilespmem:v26+s16+$0x0], $0xffff;
	v26 =	vshrl.u32 v29, $0x9  }
0x1ae: {  	v22 =	vshll.u32 v24, $0x11;
	[tilespmem:v17+s12+$0x0] =	vst.idx.add.s32.msk $0xffff, v4;
	v17 =	vadd.s32 v29, v26  }
0x1af: {  	v21 =	vor.u32 v21, v22;
	v18 =	vld.idx.msk [tilespmem:v18+s16+$0x0], $0xffff  }
0x1b0: {  	[tilespmem:s17+$0x10] =	vst v21  }
0x1b1: {  	v21 =	vshrl.u32 v30, $0x9;
	v22 =	vld.idx.msk [tilespmem:v23+s16+$0x0], $0xffff  }
0x1b2: {  	v15 =	vshll.u32 v15, $0x11;
	v21 =	vadd.s32 v30, v21;
	v23 =	vshrl.u32 v25, $0x2  }
0x1b3: {  	v15 =	vor.u32 v16, v15;
	v16 =	vld.idx.msk [tilespmem:v17+s16+$0x0], $0xffff;
	v17 =	vand.u32 $0x3FC0, v23  }
0x1b4: {  	v18 =	vshrl.u32 v18, $0x2;
	v17 =	vor.u32 v0, v17  }
0x1b5: {  	v20 =	vld [tilespmem:s17+$0xFFFFFFE0];
	v23 =	vand.u32 $0x3F80, v23;
	v26 =	vand.u32 $0x3FC0, v18;
	v25 =	vand.u32 $0x4F, v17  }
0x1b6: {  	v31 =	vor.u32 v7, v26;
	v23 =	vor.u32 v23, v25;
	v22 =	vshrl.u32 v22, $0x2  }
0x1b7: {  	v18 =	vand.u32 $0x3F80, v18;
	v21 =	vld.idx.msk [tilespmem:v21+s16+$0x0], $0xffff;
	v25 =	vand.u32 $0x5F, v31;
	v26 =	vand.u32 $0x3FC0, v22  }
0x1b8: {  	s20 =	simm.s32 $0x8240;
	v25 =	vor.u32 v18, v25;
	v32 =	vor.u32 v10, v26  }
0x1b9: {  	[tilespmem:s17+$0xFFFFFFD0] =	vst v15;
	v18 =	vld [tilespmem:s20+$0x0];
	v16 =	vshrl.u32 v16, $0x2;
	v15 =	vand.u32 $0x3F80, v22;
	v22 =	vand.u32 $0x6F, v32  }
0x1ba: {  	v44 =	vld [tilespmem:s20+$0xFFFFFFC0];
	v24 =	vshrl.u32 v20, $0x9;
	v26 =	vand.u32 $0x3FC0, v16;
	v15 =	vor.u32 v15, v22  }
0x1bb: {  	v24 =	vadd.s32 v20, v24;
	v22 =	vor.u32 v0, v26;
	[tilespmem:v23+s12+$0x0] =	vst.idx.add.s32.msk $0xffff, v4  }
0x1bc: {  	v16 =	vand.u32 $0x3F80, v16;
	v21 =	vshrl.u32 v21, $0x2;
	v26 =	vand.u32 $0x4F, v22;
	v23 =	vld [tilespmem:s19+$0x10]  }
0x1bd: {  	[tilespmem:v25+s12+$0x0] =	vst.idx.add.s32.msk $0xffff, v4;
	v16 =	vor.u32 v16, v26;
	v26 =	vand.u32 $0x3FC0, v21  }
0x1be: {  	v33 =	vshrl.u32 v18, $0x9;
	v25 =	vld [tilespmem:s18+$0x20];
	v26 =	vor.u32 v7, v26  }
0x1bf: {  	v21 =	vand.u32 $0x3F80, v21;
	v34 =	vand.u32 $0x5F, v26;
	[tilespmem:v15+s12+$0x0] =	vst.idx.add.s32.msk $0xffff, v4;
	v15 =	vadd.s32 v18, v33  }
0x1c0: {  	v24 =	vld.idx.msk [tilespmem:v24+s16+$0x0], $0xffff;
	v22 =	vshll.u32 v22, $0x11;
	v21 =	vor.u32 v21, v34  }
0x1c1: {  	v22 =	vor.u32 v29, v22;
	v43 =	vld [tilespmem:s17+$0x30];
	v29 =	vshrl.u32 v23, $0x9  }
0x1c2: {  	v17 =	vshll.u32 v17, $0x11;
	[tilespmem:v16+s12+$0x0] =	vst.idx.add.s32.msk $0xffff, v4;
	v16 =	vadd.s32 v23, v29  }
0x1c3: {  	v17 =	vor.u32 v27, v17;
	v29 =	vshrl.u32 v25, $0x9;
	[tilespmem:s19+$0xFFFFFFC0] =	vst v22;
	v22 =	vshll.u32 v26, $0x11;
	v26 =	vld [tilespmem:s19+$0xFFFFFFD0]  }
0x1c4: {  	[tilespmem:s19+$0x0] =	vst v17;
	v17 =	vshll.u32 v31, $0x11;
	v29 =	vadd.s32 v25, v29;
	v15 =	vld.idx.msk [tilespmem:v15+s16+$0x0], $0xffff  }
0x1c5: {  	v31 =	vshrl.u32 v44, $0x9;
	v17 =	vor.u32 v28, v17;
	v24 =	vshrl.u32 v24, $0x2;
	[tilespmem:v21+s12+$0x0] =	vst.idx.add.s32.msk $0xffff, v4  }
0x1c6: {  	v22 =	vor.u32 v30, v22;
	v30 =	vand.u32 $0x3FC0, v24;
	v35 =	vshrl.u32 v43, $0x9;
	v27 =	vld [tilespmem:s18+$0xFFFFFFE0]  }
0x1c7: {  	v21 =	vand.u32 $0x3F80, v24;
	v30 =	vor.u32 v10, v30;
	v24 =	vadd.s32 v43, v35;
	v16 =	vld.idx.msk [tilespmem:v16+s16+$0x0], $0xffff  }
0x1c8: {  	v31 =	vadd.s32 v44, v31;
	[tilespmem:s18+$0x10] =	vst v17;
	v28 =	vand.u32 $0x6F, v30  }
0x1c9: {  	v32 =	vshll.u32 v32, $0x11;
	v17 =	vshll.u32 v30, $0x11;
	v21 =	vor.u32 v21, v28;
	v28 =	vld.idx.msk [tilespmem:v29+s16+$0x0], $0xffff  }
0x1ca: {  	v19 =	vor.u32 v19, v32;
	v17 =	vor.u32 v20, v17;
	v20 =	vshrl.u32 v26, $0x9  }
0x1cb: {  	[tilespmem:s17+$0x20] =	vst v19;
	v19 =	vadd.s32 v26, v20;
	v15 =	vshrl.u32 v15, $0x2;
	v29 =	vshrl.u32 v27, $0x9  }
0x1cc: {  	v20 =	vld.idx.msk [tilespmem:v24+s16+$0x0], $0xffff;
	v24 =	vand.u32 $0x3FC0, v15;
	v16 =	vshrl.u32 v16, $0x2;
	v15 =	vand.u32 $0x3F80, v15  }
0x1cd: {  	v30 =	vor.u32 v0, v24;
	v24 =	vadd.s32 v27, v29;
	v29 =	vld.idx.msk [tilespmem:v31+s16+$0x0], $0xffff;
	v45 =	vand.u32 $0x3FC0, v16  }
0x1ce: {  	[tilespmem:s18+$0xFFFFFFD0] =	vst v22;
	v28 =	vshrl.u32 v28, $0x2;
	v16 =	vand.u32 $0x3F80, v16;
	v31 =	vand.u32 $0x4F, v30  }
0x1cf: {  	[tilespmem:v21+s12+$0x0] =	vst.idx.add.s32.msk $0xffff, v4;
	v46 =	vand.u32 $0x3FC0, v28;
	v21 =	vor.u32 v15, v31;
	v31 =	vor.u32 v7, v45  }
0x1d0: {  	[tilespmem:s17+$0xFFFFFFE0] =	vst v17;
	v22 =	vand.u32 $0x3F80, v28;
	v15 =	vld [tilespmem:s17+$0xFFFFFFF0];
	v32 =	vor.u32 v10, v46;
	v17 =	vand.u32 $0x5F, v31  }
0x1d1: {  	s21 =	simm.s32 $0x82C0;
	v28 =	vand.u32 $0x6F, v32;
	v20 =	vshrl.u32 v20, $0x2;
	v16 =	vor.u32 v16, v17;
	v17 =	vld.idx.msk [tilespmem:v19+s16+$0x0], $0xffff  }
0x1d2: {  	v28 =	vor.u32 v22, v28;
	v22 =	vld [tilespmem:s21+$0x0];
	v19 =	vand.u32 $0x3FC0, v20;
	v29 =	vshrl.u32 v29, $0x2  }
0x1d3: {  	v24 =	vld.idx.msk [tilespmem:v24+s16+$0x0], $0xffff;
	v19 =	vor.u32 v13, v19;
	v36 =	vand.u32 $0x3FC0, v29  }
0x1d4: {  	v20 =	vand.u32 $0x3F80, v20;
	v47 =	vand.u32 $0x7F, v19;
	[tilespmem:v21+s12+$0x0] =	vst.idx.add.s32.msk $0xffff, v4;
	v48 =	vor.u32 v0, v36  }
0x1d5: {  	v29 =	vand.u32 $0x3F80, v29;
	v21 =	vor.u32 v20, v47;
	v20 =	vld [tilespmem:s20+$0x10];
	v36 =	vand.u32 $0x4F, v48  }
0x1d6: {  	v30 =	vshll.u32 v30, $0x11;
	v37 =	vshrl.u32 v17, $0x2;
	[tilespmem:v16+s12+$0x0] =	vst.idx.add.s32.msk $0xffff, v4;
	v29 =	vor.u32 v29, v36  }
0x1d7: {  	v18 =	vor.u32 v18, v30;
	[tilespmem:v28+s12+$0x0] =	vst.idx.add.s32.msk $0xffff, v4;
	v16 =	vand.u32 $0x3FC0, v37  }
0x1d8: {  	v19 =	vshll.u32 v19, $0x11;
	v17 =	vld [tilespmem:s19+$0x20];
	v49 =	vor.u32 v7, v16;
	v16 =	vshrl.u32 v22, $0x9  }
0x1d9: {  	[tilespmem:s20+$0x0] =	vst v18;
	v28 =	vand.u32 $0x3F80, v37;
	v50 =	vand.u32 $0x5F, v49;
	v38 =	vadd.s32 v22, v16;
	v16 =	vld [tilespmem:s18+$0x30]  }
0x1da: {  	v51 =	vor.u32 v43, v19;
	[tilespmem:v21+s12+$0x0] =	vst.idx.add.s32.msk $0xffff, v4;
	v28 =	vor.u32 v28, v50  }
0x1db: {  	v18 =	vshll.u32 v31, $0x11;
	v21 =	vshll.u32 v48, $0x11;
	[tilespmem:v29+s12+$0x0] =	vst.idx.add.s32.msk $0xffff, v4;
	v29 =	vshrl.u32 v20, $0x9  }
0x1dc: {  	v19 =	vshrl.u32 v24, $0x2;
	v24 =	vld [tilespmem:s21+$0xFFFFFFC0];
	v21 =	vor.u32 v44, v21;
	v29 =	vadd.s32 v20, v29  }
0x1dd: {  	v53 =	vand.u32 $0x3FC0, v19;
	v54 =	vand.u32 $0x3F80, v19;
	[tilespmem:s20+$0xFFFFFFC0] =	vst v21;
	v21 =	vld [tilespmem:s20+$0xFFFFFFD0];
	v19 =	vshrl.u32 v17, $0x9  }
0x1de: {  	v18 =	vor.u32 v23, v18;
	v56 =	vadd.s32 v17, v19;
	v55 =	vld.idx.msk [tilespmem:v38+s16+$0x0], $0xffff;
	v19 =	vshrl.u32 v16, $0x9  }
0x1df: {  	v23 =	vshll.u32 v32, $0x11;
	v34 =	vor.u32 v10, v53;
	[tilespmem:v28+s12+$0x0] =	vst.idx.add.s32.msk $0xffff, v4;
	v30 =	vadd.s32 v16, v19  }
0x1e0: {  	[tilespmem:s19+$0x10] =	vst v18;
	v18 =	vor.u32 v25, v23;
	v28 =	vand.u32 $0x6F, v34;
	v19 =	vld [tilespmem:s19+$0xFFFFFFE0]  }
0x1e1: {  	v57 =	vshll.u32 v34, $0x11;
	v31 =	vshrl.u32 v24, $0x9;
	v36 =	vor.u32 v54, v28;
	v29 =	vld.idx.msk [tilespmem:v29+s16+$0x0], $0xffff  }
0x1e2: {  	v23 =	vor.u32 v27, v57;
	v31 =	vadd.s32 v24, v31;
	v25 =	vshrl.u32 v21, $0x9  }
0x1e3: {  	[tilespmem:s18+$0x20] =	vst v18;
	v28 =	vshrl.u32 v15, $0x9;
	v27 =	vld.idx.msk [tilespmem:v56+s16+$0x0], $0xffff;
	v25 =	vadd.s32 v21, v25;
	v18 =	vshrl.u32 v55, $0x2  }
0x1e4: {  	v52 =	vshll.u32 v49, $0x11;
	v60 =	vadd.s32 v15, v28;
	v30 =	vld.idx.msk [tilespmem:v30+s16+$0x0], $0xffff;
	v58 =	vand.u32 $0x3FC0, v18  }
0x1e5: {  	v18 =	vand.u32 $0x3F80, v18;
	v59 =	vshrl.u32 v19, $0x9;
	v28 =	vor.u32 v0, v58  }
0x1e6: {  	[tilespmem:v36+s12+$0x0] =	vst.idx.add.s32.msk $0xffff, v4;
	v61 =	vadd.s32 v19, v59;
	v32 =	vand.u32 $0x4F, v28;
	v29 =	vshrl.u32 v29, $0x2  }
0x1e7: {  	v33 =	vor.u32 v26, v52;
	v31 =	vld.idx.msk [tilespmem:v31+s16+$0x0], $0xffff;
	[tilespmem:s18+$0xFFFFFFE0] =	vst v23;
	v34 =	vor.u32 v18, v32;
	v23 =	vand.u32 $0x3FC0, v29  }
0x1e8: {  	v62 =	vand.u32 $0x3F80, v29;
	v27 =	vshrl.u32 v27, $0x2;
	v32 =	vld.idx.msk [tilespmem:v25+s16+$0x0], $0xffff;
	v26 =	vor.u32 v7, v23  }
0x1e9: {  	v18 =	vld [tilespmem:s18+$0xFFFFFFF0];
	v39 =	vand.u32 $0x3FC0, v27;
	v25 =	vand.u32 $0x5F, v26;
	v29 =	vshrl.u32 v30, $0x2  }
0x1ea: {  	s26 =	simm.s32 $0x8;
	s28 =	simm.s32 $0x8340;
	s22 =	simm.s32 $0x0;
	[tilespmem:s19+$0xFFFFFFD0] =	vst v33;
	v23 =	vld.idx.msk [tilespmem:v60+s16+$0x0], $0xffff;
	v33 =	vor.u32 v62, v25;
	v25 =	vor.u32 v10, v39;
	v63 =	vand.u32 $0x3FC0, v29  }
0x1eb: {  	s23 =	simm.s32 $0x0;
	s24 =	simm.s32 $0x0;
	s25 =	simm.s32 $0x0;
	[tilespmem:s17+$0x30] =	vst v51;
	v35 =	vand.u32 $0x3F80, v27;
	v30 =	vld.idx.msk [tilespmem:v61+s16+$0x0], $0xffff;
	v36 =	vand.u32 $0x6F, v25;
	v27 =	vor.u32 v13, v63  }
.LBB2_23:
0x1ec: {  	v37 =	vld [tilespmem:s28+$0x0];
	v35 =	vor.u32 v35, v36;
	v29 =	vand.u32 $0x3F80, v29;
	v36 =	vand.u32 $0x7F, v27  }
0x1ed: {  	v31 =	vshrl.u32 v31, $0x2;
	v32 =	vshrl.u32 v32, $0x2;
	[tilespmem:v34+s12+$0x0] =	vst.idx.add.s32.msk $0xffff, v4;
	v29 =	vor.u32 v29, v36  }
0x1ee: {  	v34 =	vand.u32 $0x3FC0, v31;
	v31 =	vand.u32 $0x3F80, v31;
	v38 =	vand.u32 $0x3FC0, v32;
	v36 =	vld [tilespmem:s21+$0x10]  }
0x1ef: {  	v32 =	vand.u32 $0x3F80, v32;
	v34 =	vor.u32 v0, v34;
	v38 =	vor.u32 v7, v38;
	[tilespmem:v33+s12+$0x0] =	vst.idx.add.s32.msk $0xffff, v4  }
0x1f0: {  	v33 =	vand.u32 $0x4F, v34;
	v34 =	vshll.u32 v34, $0x11;
	v39 =	vand.u32 $0x5F, v38;
	v40 =	vld [tilespmem:s20+$0x20]  }
0x1f1: {  	v31 =	vor.u32 v31, v33;
	v33 =	vor.u32 v24, v34;
	v24 =	vshll.u32 v27, $0x11;
	[tilespmem:v35+s12+$0x0] =	vst.idx.add.s32.msk $0xffff, v4  }
0x1f2: {  	v32 =	vor.u32 v32, v39;
	v27 =	vshrl.u32 v37, $0x9;
	v24 =	vor.u32 v16, v24;
	[tilespmem:v29+s12+$0x0] =	vst.idx.add.s32.msk $0xffff, v4  }
0x1f3: {  	v30 =	vshrl.u32 v30, $0x2;
	v27 =	vadd.s32 v37, v27;
	v29 =	vshll.u32 v38, $0x11;
	v16 =	vld [tilespmem:s19+$0x30];
	[tilespmem:s18+$0x30] =	vst v24  }
0x1f4: {  	s26 =	sadd.s32 $0x2, s26;
	v29 =	vor.u32 v21, v29;
	v21 =	vand.u32 $0x3FC0, v30;
	v30 =	vand.u32 $0x3F80, v30;
	v24 =	vld [tilespmem:s28+$0xFFFFFFC0]  }
0x1f5: {  	p1 =	slt.u32 s26, $0x1FE;
	v35 =	vshrl.u32 v18, $0x9;
	v34 =	vshrl.u32 v36, $0x9;
	v21 =	vor.u32 v10, v21  }
0x1f6: {  	v38 =	vshll.u32 v21, $0x11;
	[tilespmem:v31+s12+$0x0] =	vst.idx.add.s32.msk $0xffff, v4;
	v31 =	vadd.s32 v36, v34;
	v34 =	vand.u32 $0x6F, v21  }
0x1f7: {  	[tilespmem:s21+$0xFFFFFFC0] =	vst v33;
	v21 =	vld [tilespmem:s21+$0xFFFFFFD0];
	v33 =	vshrl.u32 v40, $0x9;
	v30 =	vor.u32 v30, v34;
	v34 =	vor.u32 v19, v38  }
0x1f8: {  	v19 =	vshll.u32 v28, $0x11;
	v27 =	vld.idx.msk [tilespmem:v27+s16+$0x0], $0xffff;
	v28 =	vadd.s32 v40, v33;
	v33 =	vshrl.u32 v16, $0x9  }
0x1f9: {  	v19 =	vor.u32 v22, v19;
	v38 =	vshrl.u32 v24, $0x9;
	[tilespmem:v32+s12+$0x0] =	vst.idx.add.s32.msk $0xffff, v4;
	v32 =	vadd.s32 v16, v33  }
0x1fa: {  	v26 =	vshll.u32 v26, $0x11;
	v35 =	vadd.s32 v18, v35;
	v22 =	vmovc v37;
	v33 =	vadd.s32 v24, v38;
	[tilespmem:s21+$0x0] =	vst v19;
	v19 =	vld [tilespmem:s20+$0xFFFFFFE0]  }
0x1fb: {  	v25 =	vshll.u32 v25, $0x11;
	v26 =	vor.u32 v20, v26;
	v23 =	vshrl.u32 v23, $0x2;
	v20 =	vmovc v36;
	v37 =	vld.idx.msk [tilespmem:v31+s22+$0x0], $0xffff;
	[tilespmem:s20+$0xFFFFFFD0] =	vst v29  }
0x1fc: {  	v25 =	vor.u32 v17, v25;
	v17 =	vmovc v40;
	v29 =	vshrl.u32 v21, $0x9;
	[tilespmem:s20+$0x10] =	vst v26;
	v26 =	vand.u32 $0x3FC0, v23  }
0x1fd: {  	v23 =	vand.u32 $0x3F80, v23;
	v29 =	vadd.s32 v21, v29;
	v36 =	vld.idx.msk [tilespmem:v28+s23+$0x0], $0xffff;
	[tilespmem:s19+$0x20] =	vst v25;
	v25 =	vor.u32 v13, v26  }
0x1fe: {  	v26 =	vshrl.u32 v27, $0x2;
	v27 =	vld.idx.msk [tilespmem:v32+s24+$0x0], $0xffff;
	v28 =	vand.u32 $0x7F, v25;
	v25 =	vshll.u32 v25, $0x11  }
0x1ff: {  	v32 =	vand.u32 $0x3FC0, v26;
	v31 =	vld.idx.msk [tilespmem:v33+s16+$0x0], $0xffff;
	v33 =	vshrl.u32 v19, $0x9;
	v38 =	vor.u32 v23, v28  }
0x200: {  	v28 =	vor.u32 v0, v32;
	v39 =	vadd.s32 v19, v33;
	[tilespmem:v30+s12+$0x0] =	vst.idx.add.s32.msk $0xffff, v4  }
0x201: {  	v23 =	vand.u32 $0x3F80, v26;
	v26 =	vand.u32 $0x4F, v28;
	v30 =	vshrl.u32 v37, $0x2;
	[tilespmem:s19+$0xFFFFFFE0] =	vst v34;
	v37 =	vld [tilespmem:s19+$0xFFFFFFF0]  }
.Ltmp12:
0x202: {  	v40 =	vor.u32 v15, v25;
	v15 =	vmovc v18;
	v34 =	vor.u32 v23, v26;
	v23 =	vand.u32 $0x3FC0, v30;
	v32 =	vld.idx.msk [tilespmem:v29+s22+$0x0], $0xffff;
	(pc) =	sbr.rel @p1 .LBB2_23-.Ltmp12, $4  }
0x203: {  	v18 =	vand.u32 $0x3F80, v30;
	v26 =	vor.u32 v7, v23;
	v36 =	vshrl.u32 v36, $0x2;
	v23 =	vld.idx.msk [tilespmem:v35+s25+$0x0], $0xffff;
	s25 =	smov.u32 s24;
	s24 =	smov.u32 s23;
	s23 =	smov.u32 s22  }
0x204: {  	v25 =	vand.u32 $0x5F, v26;
	v35 =	vand.u32 $0x3FC0, v36;
	v29 =	vshrl.u32 v27, $0x2;
	s22 =	smov.u32 s16;
	[tilespmem:v38+s12+$0x0] =	vst.idx.add.s32.msk $0xffff, v4  }
0x205: {  	v33 =	vor.u32 v18, v25;
	v25 =	vor.u32 v10, v35;
	v38 =	vand.u32 $0x3FC0, v29;
	v30 =	vld.idx.msk [tilespmem:v39+s24+$0x0], $0xffff;
	[tilespmem:s17+$0xFFFFFFF0] =	vst v40;
	s17 =	smov.u32 s18;
	s18 =	smov.u32 s19;
	s19 =	smov.u32 s20  }
0x206: {  	v35 =	vand.u32 $0x3F80, v36;
	v36 =	vand.u32 $0x6F, v25;
	v27 =	vor.u32 v13, v38;
	s20 =	smov.u32 s21;
	s21 =	smov.u32 s28;
	s28 =	sadd.s32 $0x80, s28;
	v18 =	vmovc v37  }
0x207: {  	v31 =	vshrl.u32 v31, $0x2  }
0x208: {  	v37 =	vand.u32 $0x3FC0, v31  }
0x209: {  	v37 =	vor.u32 v0, v37  }
0x20a: {  	v31 =	vand.u32 $0x3F80, v31;
	v38 =	vand.u32 $0x4F, v37  }
0x20b: {  	v31 =	vor.u32 v31, v38;
	_ =	sdelay $0x1  }
0x20c: {  	[tilespmem:v34+s12+$0x0] =	vst.idx.add.s32.msk $0xffff, v4  }
0x20d: {  	v34 =	vld [tilespmem:s21+$0x10];
	_ =	sdelay $0x1  }
0x20e: {  	[tilespmem:v31+s12+$0x0] =	vst.idx.add.s32.msk $0xffff, v4  }
0x20f: {  	v63 =	vld [tilespmem:s21+$0xFFFFFFD0];
	_ =	sdelay $0x1  }
0x210: {  	v40 =	vshrl.u32 v34, $0x9  }
0x211: {  	v31 =	vadd.s32 v34, v40;
	_ =	sdelay $0x1  }
0x212: {  	v28 =	vshll.u32 v28, $0x11;
	v41 =	vshrl.u32 v63, $0x9  }
0x213: {  	v22 =	vor.u32 v22, v28;
	v42 =	vadd.s32 v63, v41  }
0x214: {  	[tilespmem:s21+$0x0] =	vst v22  }
0x215: {  	v37 =	vshll.u32 v37, $0x11;
	v22 =	vld.idx.msk [tilespmem:v31+s22+$0x0], $0xffff  }
0x216: {  	v24 =	vor.u32 v24, v37  }
0x217: {  	v43 =	vshrl.u32 v32, $0x2;
	[tilespmem:s21+$0xFFFFFFC0] =	vst v24  }
0x218: {  	v32 =	vand.u32 $0x3FC0, v43;
	v28 =	vld.idx.msk [tilespmem:v42+s22+$0x0], $0xffff  }
0x219: {  	v32 =	vor.u32 v7, v32  }
0x21a: {  	v44 =	vand.u32 $0x5F, v32;
	v31 =	vand.u32 $0x3F80, v43;
	v22 =	vshrl.u32 v22, $0x2  }
0x21b: {  	v31 =	vor.u32 v31, v44;
	v45 =	vand.u32 $0x3FC0, v22  }
0x21c: {  	v46 =	vor.u32 v7, v45  }
0x21d: {  	v22 =	vand.u32 $0x3F80, v22;
	v38 =	vand.u32 $0x5F, v46;
	v28 =	vshrl.u32 v28, $0x2  }
0x21e: {  	[tilespmem:v33+s12+$0x0] =	vst.idx.add.s32.msk $0xffff, v4;
	v22 =	vor.u32 v22, v38;
	v47 =	vand.u32 $0x3FC0, v28  }
0x21f: {  	v38 =	vld [tilespmem:s20+$0x20];
	v33 =	vor.u32 v7, v47  }
0x220: {  	[tilespmem:v31+s12+$0x0] =	vst.idx.add.s32.msk $0xffff, v4;
	v28 =	vand.u32 $0x3F80, v28;
	v39 =	vand.u32 $0x5F, v33  }
0x221: {  	v31 =	vld [tilespmem:s20+$0xFFFFFFE0];
	v28 =	vor.u32 v28, v39;
	_ =	sdelay $0x1  }
0x222: {  	v35 =	vor.u32 v35, v36;
	v51 =	vshll.u32 v32, $0x11;
	[tilespmem:v22+s12+$0x0] =	vst.idx.add.s32.msk $0xffff, v4  }
0x223: {  	v26 =	vshll.u32 v26, $0x11;
	v21 =	vor.u32 v21, v51;
	v22 =	vshrl.u32 v38, $0x9;
	v39 =	vld [tilespmem:s21+$0x20]  }
0x224: {  	v30 =	vshrl.u32 v30, $0x2;
	[tilespmem:s20+$0xFFFFFFD0] =	vst v21;
	v21 =	vshll.u32 v46, $0x11;
	v22 =	vadd.s32 v38, v22  }
0x225: {  	v53 =	vand.u32 $0x3FC0, v30;
	v21 =	vor.u32 v34, v21;
	v48 =	vshrl.u32 v31, $0x9;
	[tilespmem:v28+s12+$0x0] =	vst.idx.add.s32.msk $0xffff, v4  }
0x226: {  	v20 =	vor.u32 v20, v26;
	v50 =	vadd.s32 v31, v48;
	[tilespmem:s21+$0x10] =	vst v21;
	v21 =	vor.u32 v10, v53;
	v49 =	vld [tilespmem:s21+$0xFFFFFFE0]  }
0x227: {  	[tilespmem:s20+$0x10] =	vst v20;
	v30 =	vand.u32 $0x3F80, v30;
	v34 =	vand.u32 $0x6F, v21  }
0x228: {  	[tilespmem:v35+s12+$0x0] =	vst.idx.add.s32.msk $0xffff, v4;
	v30 =	vor.u32 v30, v34;
	v20 =	vshrl.u32 v39, $0x9  }
0x229: {  	v22 =	vld.idx.msk [tilespmem:v22+s23+$0x0], $0xffff;
	v20 =	vadd.s32 v39, v20  }
0x22a: {  	v32 =	vld [tilespmem:s19+$0x30]  }
0x22b: {  	v26 =	vld.idx.msk [tilespmem:v50+s23+$0x0], $0xffff;
	v52 =	vshrl.u32 v49, $0x9  }
0x22c: {  	v28 =	vadd.s32 v49, v52  }
0x22d: {  	v25 =	vshll.u32 v25, $0x11;
	[tilespmem:v30+s12+$0x0] =	vst.idx.add.s32.msk $0xffff, v4  }
0x22e: {  	v17 =	vor.u32 v17, v25;
	v33 =	vshll.u32 v33, $0x11;
	v22 =	vshrl.u32 v22, $0x2;
	v20 =	vld.idx.msk [tilespmem:v20+s22+$0x0], $0xffff  }
0x22f: {  	v57 =	vshrl.u32 v32, $0x9;
	v24 =	vor.u32 v63, v33;
	v42 =	vld [tilespmem:s19+$0xFFFFFFF0];
	v54 =	vand.u32 $0x3FC0, v22  }
0x230: {  	v34 =	vadd.s32 v32, v57;
	[tilespmem:s21+$0xFFFFFFD0] =	vst v24;
	v26 =	vshrl.u32 v26, $0x2;
	v55 =	vor.u32 v10, v54  }
0x231: {  	v58 =	vand.u32 $0x3FC0, v26;
	v22 =	vand.u32 $0x3F80, v22;
	v56 =	vand.u32 $0x6F, v55;
	v28 =	vld.idx.msk [tilespmem:v28+s22+$0x0], $0xffff  }
0x232: {  	v21 =	vshll.u32 v21, $0x11;
	v24 =	vor.u32 v10, v58;
	v22 =	vor.u32 v22, v56  }
0x233: {  	v26 =	vand.u32 $0x3F80, v26;
	v59 =	vand.u32 $0x6F, v24;
	v20 =	vshrl.u32 v20, $0x2  }
0x234: {  	v26 =	vor.u32 v26, v59;
	v50 =	vshrl.u32 v42, $0x9;
	v60 =	vand.u32 $0x3FC0, v20  }
0x235: {  	[tilespmem:s19+$0x20] =	vst v17;
	v63 =	vand.u32 $0x3F80, v29;
	v29 =	vadd.s32 v42, v50;
	v61 =	vor.u32 v10, v60  }
0x236: {  	v37 =	vld.idx.msk [tilespmem:v34+s24+$0x0], $0xffff;
	v20 =	vand.u32 $0x3F80, v20;
	v62 =	vand.u32 $0x6F, v61;
	v28 =	vshrl.u32 v28, $0x2  }
0x237: {  	v19 =	vor.u32 v19, v21;
	[tilespmem:v22+s12+$0x0] =	vst.idx.add.s32.msk $0xffff, v4;
	v20 =	vor.u32 v20, v62;
	v22 =	vand.u32 $0x3FC0, v28  }
0x238: {  	[tilespmem:s19+$0xFFFFFFE0] =	vst v19;
	v17 =	vld [tilespmem:s20+$0x30];
	v21 =	vor.u32 v10, v22  }
0x239: {  	[tilespmem:v26+s12+$0x0] =	vst.idx.add.s32.msk $0xffff, v4;
	v19 =	vand.u32 $0x3F80, v28;
	v40 =	vand.u32 $0x6F, v21  }
0x23a: {  	v41 =	vshrl.u32 v18, $0x9;
	v47 =	vld [tilespmem:s20+$0xFFFFFFF0];
	v19 =	vor.u32 v19, v40  }
0x23b: {  	v23 =	vshrl.u32 v23, $0x2;
	v43 =	vshll.u32 v27, $0x11;
	v25 =	vadd.s32 v18, v41;
	v29 =	vld.idx.msk [tilespmem:v29+s24+$0x0], $0xffff  }
0x23c: {  	v44 =	vand.u32 $0x3FC0, v23;
	v24 =	vshll.u32 v24, $0x11;
	v51 =	vshll.u32 v55, $0x11;
	[tilespmem:v20+s12+$0x0] =	vst.idx.add.s32.msk $0xffff, v4  }
0x23d: {  	v24 =	vor.u32 v31, v24;
	v31 =	vor.u32 v38, v51;
	v45 =	vshrl.u32 v17, $0x9;
	v46 =	vld [tilespmem:s21+$0x30]  }
0x23e: {  	v16 =	vor.u32 v16, v43;
	[tilespmem:s20+$0x20] =	vst v31;
	v56 =	vshll.u32 v61, $0x11;
	v26 =	vadd.s32 v17, v45  }
0x23f: {  	v23 =	vand.u32 $0x3F80, v23;
	v31 =	vor.u32 v39, v56;
	v55 =	vshrl.u32 v47, $0x9;
	[tilespmem:v19+s12+$0x0] =	vst.idx.add.s32.msk $0xffff, v4  }
0x240: {  	v29 =	vshrl.u32 v29, $0x2;
	v22 =	vand.u32 $0x7F, v27;
	v21 =	vshll.u32 v21, $0x11;
	v19 =	vld.idx.msk [tilespmem:v25+s25+$0x0], $0xffff  }
0x241: {  	v22 =	vor.u32 v63, v22;
	v21 =	vor.u32 v49, v21;
	v49 =	vshrl.u32 v37, $0x2;
	v52 =	vld [tilespmem:s21+$0xFFFFFFF0]  }
0x242: {  	v20 =	vor.u32 v13, v44;
	v53 =	vshrl.u32 v46, $0x9;
	[tilespmem:s21+$0xFFFFFFE0] =	vst v21;
	v21 =	vand.u32 $0x3FC0, v49  }
0x243: {  	v48 =	vand.u32 $0x7F, v20;
	v26 =	vld.idx.msk [tilespmem:v26+s23+$0x0], $0xffff;
	v28 =	vadd.s32 v46, v53;
	v21 =	vor.u32 v13, v21  }
0x244: {  	v20 =	vshll.u32 v20, $0x11;
	v25 =	vand.u32 $0x3F80, v49;
	v54 =	vand.u32 $0x7F, v21  }
0x245: {  	v15 =	vor.u32 v15, v20;
	v20 =	vor.u32 v25, v54;
	v25 =	vadd.s32 v47, v55  }
0x246: {  	v23 =	vor.u32 v23, v48;
	v19 =	vshrl.u32 v19, $0x2;
	v57 =	vshrl.u32 v52, $0x9  }
0x247: {  	[tilespmem:s21+$0x20] =	vst v31;
	v21 =	vshll.u32 v21, $0x11;
	v58 =	vand.u32 $0x3FC0, v19;
	v59 =	vadd.s32 v52, v57  }
0x248: {  	[tilespmem:s20+$0xFFFFFFE0] =	vst v24;
	v21 =	vor.u32 v32, v21;
	v26 =	vshrl.u32 v26, $0x2;
	v28 =	vld.idx.msk [tilespmem:v28+s22+$0x0], $0xffff;
	v32 =	vor.u32 v13, v58  }
0x249: {  	[tilespmem:v22+s12+$0x0] =	vst.idx.add.s32.msk $0xffff, v4;
	v60 =	vand.u32 $0x3FC0, v26;
	v19 =	vand.u32 $0x3F80, v19;
	v22 =	vand.u32 $0x7F, v32  }
0x24a: {  	v32 =	vshll.u32 v32, $0x11;
	v19 =	vor.u32 v19, v22;
	v22 =	vor.u32 v13, v60;
	v25 =	vld.idx.msk [tilespmem:v25+s23+$0x0], $0xffff  }
0x24b: {  	[tilespmem:v23+s12+$0x0] =	vst.idx.add.s32.msk $0xffff, v4;
	v23 =	vand.u32 $0x3F80, v26;
	v18 =	vor.u32 v18, v32;
	v61 =	vand.u32 $0x7F, v22  }
0x24c: {  	[tilespmem:s18+$0x30] =	vst v16;
	v22 =	vshll.u32 v22, $0x11;
	v16 =	vor.u32 v23, v61;
	v23 =	vand.u32 $0x3FC0, v29;
	v62 =	vld.idx.msk [tilespmem:v59+s22+$0x0], $0xffff  }
0x24d: {  	[tilespmem:s17+$0xFFFFFFF0] =	vst v15;
	v15 =	vor.u32 v17, v22;
	v22 =	vshrl.u32 v28, $0x2;
	v17 =	vor.u32 v13, v23  }
0x24e: {  	[tilespmem:v20+s12+$0x0] =	vst.idx.add.s32.msk $0xffff, v4;
	v20 =	vand.u32 $0x3F80, v29;
	v28 =	vand.u32 $0x3FC0, v22;
	v23 =	vand.u32 $0x7F, v17  }
0x24f: {  	[tilespmem:s19+$0x30] =	vst v21;
	v21 =	vor.u32 v13, v28;
	v20 =	vor.u32 v20, v23;
	v23 =	vshrl.u32 v25, $0x2  }
0x250: {  	[tilespmem:v19+s12+$0x0] =	vst.idx.add.s32.msk $0xffff, v4;
	v19 =	vand.u32 $0x3F80, v22;
	v22 =	vand.u32 $0x7F, v21;
	v25 =	vand.u32 $0x3FC0, v23  }
0x251: {  	[tilespmem:s18+$0xFFFFFFF0] =	vst v18;
	v18 =	vor.u32 v19, v22;
	v19 =	vor.u32 v13, v25;
	v22 =	vshrl.u32 v62, $0x2  }
0x252: {  	[tilespmem:v16+s12+$0x0] =	vst.idx.add.s32.msk $0xffff, v4;
	v16 =	vand.u32 $0x3F80, v23;
	v23 =	vand.u32 $0x7F, v19;
	v63 =	vand.u32 $0x3FC0, v22  }
0x253: {  	[tilespmem:s20+$0x30] =	vst v15;
	v15 =	vshll.u32 v17, $0x11;
	v16 =	vor.u32 v16, v23;
	v17 =	vor.u32 v13, v63  }
0x254: {  	v15 =	vor.u32 v42, v15;
	[tilespmem:v20+s12+$0x0] =	vst.idx.add.s32.msk $0xffff, v4;
	v20 =	vand.u32 $0x3F80, v22;
	v22 =	vand.u32 $0x7F, v17  }
0x255: {  	[tilespmem:s19+$0xFFFFFFF0] =	vst v15;
	v15 =	vshll.u32 v21, $0x11;
	v20 =	vor.u32 v20, v22  }
0x256: {  	[tilespmem:v18+s12+$0x0] =	vst.idx.add.s32.msk $0xffff, v4;
	v15 =	vor.u32 v46, v15  }
0x257: {  	[tilespmem:s21+$0x30] =	vst v15;
	v15 =	vshll.u32 v19, $0x11  }
0x258: {  	v15 =	vor.u32 v47, v15;
	[tilespmem:v16+s12+$0x0] =	vst.idx.add.s32.msk $0xffff, v4  }
0x259: {  	[tilespmem:s20+$0xFFFFFFF0] =	vst v15;
	v15 =	vshll.u32 v17, $0x11  }
0x25a: {  	v15 =	vor.u32 v52, v15;
	[tilespmem:v20+s12+$0x0] =	vst.idx.add.s32.msk $0xffff, v4  }
0x25b: {  	s18 =	simm.s32 $0x180A0;
	[tilespmem:s21+$0xFFFFFFF0] =	vst v15  }
0x25c: {  	v17 =	vld [tilespmem:s18+$0xFFFFFFE0]  }
0x25d: {  	v19 =	vld [tilespmem:s18+$0xFFFFFFF0]  }
0x25e: {  	p4 =	por $0x1, $0x1;
	v23 =	vld [tilespmem:s18+$0x0]  }
.Ltmp13:
0x25f: {  	_ = 	snop;
	(pc) =	sbr.rel @!p4 .LBB2_25-.Ltmp13, $4  }
0x260: {  	_ = 	snop  }
0x261: {  	(xrf0) =	vadd.scan.msk.s32 $0xffff, v17  }
0x262: {  	p1 =	por $0x0, $0x0;
	(xrf0) =	vadd.scan.msk.s32 $0xffff, v19  }
0x263: {  	p2 =	por $0x0, $0x0;
	p3 =	por $0x0, $0x0;
	s17 =	simm.s32 $0x180E0;
	v22 =	vld [tilespmem:s18+$0x10];
	(xrf0) =	vadd.scan.msk.s32 $0xffff, v23  }
0x264: {  	_ =	sdelay $0x1  }
0x265: {  	v15 =	vld [tilespmem:s17+$0xFFFFFFE0];
	_ =	sdelay $0x1  }
0x266: {  	v21 =	vld [tilespmem:s17+$0xFFFFFFF0];
	v18, _, _ =	vpop (xrf0);
	(xrf0) =	vadd.scan.msk.s32 $0xffff, v22  }
0x267: {  	v20 =	vxor.u32 $0x80000000, v18  }
0x268: {  	v16 =	vld [tilespmem:s17+$0x0];
	p4 =	por $0x1, $0x1;
	v24, _, _ =	vpop (xrf0);
	(xrf0) =	vmax.scan.msk.u32 $0xffff, v20  }
.Ltmp14:
0x269: {  	v20 =	vxor.u32 $0x80000000, v24;
	(xrf0) =	vadd.scan.msk.s32 $0xffff, v15;
	(pc) =	sbr.rel @!p4 .LBB2_27-.Ltmp14, $4  }
0x26a: {  	v25, _, _ =	vpop (xrf0);
	(xrf0) =	vmax.scan.msk.u32 $0xffff, v20  }
0x26b: {  	v26 =	vxor.u32 $0x80000000, v25;
	(xrf0) =	vadd.scan.msk.s32 $0xffff, v21  }
0x26c: {  	v20 =	vsub.s32 v24, v19;
	(xrf0) =	vmax.scan.msk.u32 $0xffff, v26;
	v63, _, _ =	vpop (xrf0)  }
0x26d: {  	s19 =	simm.s32 $0x18120;
	p1 =	por $0x1, $0x1;
	v19 =	vsub.s32 v25, v23;
	v23 =	vld [tilespmem:s17+$0x10];
	(xrf0) =	vadd.scan.msk.s32 $0xffff, v16;
	v22 =	vsub.s32 v63, v22;
	v33 =	vxor.u32 $0x80000000, v63  }
0x26e: {  	v24, _, _ =	vpop (xrf0)  }
0x26f: {  	(xrf0) =	vmax.scan.msk.u32 $0xffff, v33;
	v27, _, _ =	vpop (xrf0)  }
0x270: {  	v26 =	vxor.u32 $0x80000000, v27  }
0x271: {  	v25, _, _ =	vpop (xrf0)  }
0x272: {  	(v2sf) =	vpush v24, $0xF;
	v29, _, _ =	vpop (xrf0);
	(xrf0) =	vadd.scan.msk.s32 $0xffff, v23  }
0x273: {  	(v2sf) =	vpush v25, $0xF;
	(xrf0) =	vmax.scan.msk.u32 $0xffff, v26;
	v26, _, _ =	vpop (xrf0)  }
0x274: {  	v32, _, _ =	vpop (xrf0);
	(v2sf) =	vpush v26, $0xF  }
0x275: {  	v25, _, _ =	vpop (xrf0)  }
0x276: {  	(v2sf) =	vpush v25, $0xF;
	_ =	sdelay $0x1  }
0x277: {  	v30 =	vld [tilespmem:s19+$0xFFFFFFE0];
	_ =	sdelay $0x1  }
0x278: {  	v39 =	vld [tilespmem:s19+$0xFFFFFFF0];
	_ =	sdelay $0x1  }
0x279: {  	v28 =	vld [tilespmem:s19+$0x0];
	p4 =	por $0x1, $0x1  }
.Ltmp15:
0x27a: {  	v31 =	vxor.u32 $0x80000000, v29;
	(xrf0) =	vadd.scan.msk.s32 $0xffff, v30;
	(pc) =	sbr.rel @!p4 .LBB2_29-.Ltmp15, $4  }
0x27b: {  	(xrf0) =	vmax.scan.msk.u32 $0xffff, v31  }
0x27c: {  	v31 =	vxor.u32 $0x80000000, v32;
	(xrf0) =	vadd.scan.msk.s32 $0xffff, v39  }
0x27d: {  	v26 =	vsub.s32 v32, v16;
	(xrf0) =	vmax.scan.msk.u32 $0xffff, v31;
	v16, _, _ =	vpop (xrf0)  }
0x27e: {  	s21 =	simm.s32 $0x18160;
	p2 =	por $0x1, $0x1;
	v24 =	vsub.s32 v29, v21;
	v29 =	vld [tilespmem:s19+$0x10];
	(xrf0) =	vadd.scan.msk.s32 $0xffff, v28;
	v25 =	vsub.s32 v16, v23;
	v33 =	vxor.u32 $0x80000000, v16  }
0x27f: {  	v23, _, _ =	vpop (xrf0);
	(xrf0) =	vmax.scan.msk.u32 $0xffff, v33  }
0x280: {  	v32, _, _ =	vpop (xrf0)  }
0x281: {  	v34 =	vld [tilespmem:s21+$0xFFFFFFE0];
	v31, _, _ =	vpop (xrf0)  }
0x282: {  	v35, _, _ =	vpop (xrf0)  }
0x283: {  	v21 =	vld [tilespmem:s21+$0xFFFFFFF0];
	(v2sf) =	vpush v23, $0xF;
	(xrf0) =	vadd.scan.msk.s32 $0xffff, v29;
	v23, _, _ =	vpop (xrf0)  }
0x284: {  	v59 =	vxor.u32 $0x80000000, v32;
	(v2sf) =	vpush v31, $0xF;
	v31, _, _ =	vpop (xrf0)  }
0x285: {  	v16 =	vld [tilespmem:s21+$0x0];
	p4 =	por $0x1, $0x1;
	(xrf0) =	vmax.scan.msk.u32 $0xffff, v59;
	(v2sf) =	vpush v23, $0xF;
	v23, _, _ =	vpop (xrf0)  }
.Ltmp16:
0x286: {  	v61 =	vsub.s32 s16, v17;
	s20 =	spop (v2sf);
	v60 =	vxor.u32 $0x80000000, v35;
	(xrf0) =	vadd.scan.msk.s32 $0xffff, v34;
	(v2sf) =	vpush v23, $0xF;
	(pc) =	sbr.rel @!p4 .LBB2_31-.Ltmp16, $4  }
0x287: {  	v62 =	vadd.s32 v18, v61;
	s20 =	sadd.s32 $0x0, s20;
	(xrf0) =	vmax.scan.msk.u32 $0xffff, v60  }
0x288: {  	[tilespmem:s18+$0xFFFFFFE0] =	vst v62;
	s20 =	sadd.s32 $0x80000000, s20;
	v63 =	vxor.u32 $0x80000000, v31;
	(xrf0) =	vadd.scan.msk.s32 $0xffff, v21  }
0x289: {  	s23 =	simm.s32 $0xC;
	s24 =	simm.s32 $0x181A0;
	s22 =	spop (v2sf);
	v37 =	vsub.s32 v35, v39;
	v41 =	vsub.s32 v31, v28;
	v31 =	vadd.s32 s20, v20;
	v23 =	vld [tilespmem:s21+$0x10];
	(xrf0) =	vmax.scan.msk.u32 $0xffff, v63;
	v28, _, _ =	vpop (xrf0)  }
0x28a: {  	p3 =	por $0x1, $0x1;
	s22 =	sadd.s32 s22, s20;
	s20 =	simm.s32 $0x180A0;
	(xrf0) =	vadd.scan.msk.s32 $0xffff, v16;
	v42 =	vsub.s32 v28, v29;
	v33 =	vxor.u32 $0x80000000, v28;
	v28 =	vmovc v19;
	v29 =	vmov v22  }
.LBB2_32:
0x28b: {  	v36, _, _ =	vpop (xrf0);
	(xrf0) =	vmax.scan.msk.u32 $0xffff, v33  }
0x28c: {  	v35 =	vld [tilespmem:s24+$0xFFFFFFE0];
	[tilespmem:s20+$0xFFFFFFF0] =	vst v31;
	s22 =	sadd.s32 $0x80000000, s22;
	s25 =	spop (v2sf);
	v31 =	vmovc v16;
	v38 =	vmovc v24;
	v24 =	vmov v37;
	v33 =	vmov v25;
	v25 =	vmov v42  }
0x28d: {  	s23 =	sadd.s32 $0x4, s23;
	v39, _, _ =	vpop (xrf0);
	(v2sf) =	vpush v36, $0xF;
	v16 =	vadd.s32 s22, v28;
	s22 =	sadd.s32 s25, s22;
	v28 =	vmov v26  }
0x28e: {  	p4 =	slt.u32 s23, $0x3FC;
	v26 =	vmov v41;
	v36 =	vld [tilespmem:s24+$0xFFFFFFF0];
	(xrf0) =	vadd.scan.msk.s32 $0xffff, v23;
	v37, _, _ =	vpop (xrf0);
	[tilespmem:s20+$0x0] =	vst v16;
	s22 =	sadd.s32 $0x80000000, s22;
	s25 =	spop (v2sf);
	v40 =	vmov v23  }
0x28f: {  	v23 =	vxor.u32 $0x80000000, v39;
	v41, _, _ =	vpop (xrf0);
	(v2sf) =	vpush v37, $0xF;
	v42 =	vadd.s32 s22, v29;
	s22 =	sadd.s32 s25, s22  }
0x290: {  	v29 =	vmov v33;
	v16 =	vld [tilespmem:s24+$0x0];
	v37 =	vsub.s32 v41, v21;
	(xrf0) =	vmax.scan.msk.u32 $0xffff, v23;
	v21, _, _ =	vpop (xrf0);
	[tilespmem:s20+$0x10] =	vst v42;
	s22 =	sadd.s32 $0x80000000, s22  }
.Ltmp17:
0x291: {  	v23 =	vxor.u32 $0x80000000, v41;
	s20 =	smov.u32 s17;
	s17 =	smov.u32 s19;
	(xrf0) =	vadd.scan.msk.s32 $0xffff, v35;
	v33, _, _ =	vpop (xrf0);
	(v2sf) =	vpush v21, $0xF;
	v42 =	vsub.s32 s22, v15;
	(pc) =	sbr.rel @p4 .LBB2_32-.Ltmp17, $4  }
0x292: {  	s19 =	smov.u32 s21;
	s21 =	smov.u32 s24;
	v15 =	vmov v30;
	v41 =	vsub.s32 v33, v31;
	(xrf0) =	vmax.scan.msk.u32 $0xffff, v23;
	v21, _, _ =	vpop (xrf0);
	v42 =	vadd.s32 v27, v42;
	s25 =	spop (v2sf)  }
0x293: {  	v30 =	vmovc v34;
	v31 =	vxor.u32 $0x80000000, v33;
	v23 =	vld [tilespmem:s24+$0x10];
	(xrf0) =	vadd.scan.msk.s32 $0xffff, v36;
	(v2sf) =	vpush v21, $0xF;
	[tilespmem:s20+$0xFFFFFFE0] =	vst v42;
	s22 =	sadd.s32 s25, s22  }
0x294: {  	v34 =	vmov v35;
	v27 =	vmov v32;
	v32 =	vmov v39;
	(xrf0) =	vmax.scan.msk.u32 $0xffff, v31;
	v21, _, _ =	vpop (xrf0);
	s22 =	sadd.s32 $0x80000000, s22;
	s25 =	spop (v2sf)  }
0x295: {  	s24 =	sadd.s32 $0x40, s24;
	(xrf0) =	vadd.scan.msk.s32 $0xffff, v16;
	v42 =	vsub.s32 v21, v40;
	v33 =	vxor.u32 $0x80000000, v21;
	v31 =	vadd.s32 s22, v38;
	s22 =	sadd.s32 s25, s22;
	v21 =	vmovc v36  }
0x296: {  	v35 =	vmov v24  }
0x297: {  	v36 =	vmovc v25;
	v38 =	vmovc v26;
	v39 =	vmov v15;
	v40 =	vmov v27;
	v24 =	vmov v37  }
0x298: {  	s23 =	smov.u32 s17;
	v25 =	vmovc v42;
	v26 =	vmovc v41;
	v37 =	vmov v30;
	s17 =	smov.u32 s21;
	v15 =	vmov v34;
	v27 =	vmov v32  }
.LBB2_34:
0x299: {  	v30, _, _ =	vpop @p1 (xrf0)  }
0x29a: {  	(xrf0) =	vmax.scan.msk.u32 @p1 $0xffff, v33;
	s21 =	sadd.s32 @p3 $0x80000000, s22;
	s22 =	spop @p3 (v2sf);
	v32, _, _ =	vpop (xrf0);
	(v2sf) =	vpush @p1 v30, $0xF  }
0x29b: {  	s22 =	sadd.s32 @p3 s22, s21;
	v30, _, _ =	vpop @p1 (xrf0)  }
0x29c: {  	(xrf0) =	vadd.scan.msk.s32 $0xffff, v23;
	s24 =	spop @p3 (v2sf);
	s22 =	sadd.s32 @p3 $0x80000000, s22;
	v53 =	vxor.u32 $0x80000000, v32;
	(v2sf) =	vpush @p1 v30, $0xF  }
0x29d: {  	v54, _, _ =	vpop (xrf0);
	s24 =	sadd.s32 @p3 s24, s22;
	(xrf0) =	vmax.scan.msk.u32 $0xffff, v53  }
0x29e: {  	s25 =	simm.s32 $0x0;
	v33, _, _ =	vpop @p1 (xrf0);
	s24 =	sadd.s32 @p3 $0x80000000, s24;
	v34 =	vxor.u32 $0x80000000, v54  }
0x29f: {  	v41, _, _ =	vpop (xrf0);
	(v2sf) =	vpush @p1 v33, $0xF;
	s25 =	smov.u32 @p3 s24;
	(xrf0) =	vmax.scan.msk.u32 $0xffff, v34;
	s24 =	spop @p2 (v2sf)  }
0x2a0: {  	v33, _, _ =	vpop @p1 (xrf0);
	v55 =	vxor.u32 $0x80000000, v41;
	s24 =	sadd.s32 @p2 s24, s25  }
0x2a1: {  	s26 =	spop @p2 (v2sf);
	(v2sf) =	vpush @p1 v33, $0xF;
	(xrf0) =	vmax.scan.msk.u32 $0xffff, v55;
	s24 =	sadd.s32 @p2 $0x80000000, s24  }
0x2a2: {  	v56, _, _ =	vpop (xrf0);
	s26 =	sadd.s32 @p2 s26, s24  }
0x2a3: {  	s26 =	smov.u32 @p2 s26;
	v57, _, _ =	vpop (xrf0)  }
0x2a4: {  	s28 =	spop @p2 (v2sf);
	v58 =	vxor.u32 $0x80000000, v56;
	(v2sf) =	vpush v57, $0xF;
	s26 =	sadd.s32 @p2 $0x80000000, s26  }
0x2a5: {  	(xrf0) =	vmax.scan.msk.u32 $0xffff, v58;
	s28 =	sadd.s32 @p2 s28, s26;
	v59, _, _ =	vpop (xrf0)  }
0x2a6: {  	s29 =	spop @p2 (v2sf);
	s28 =	sadd.s32 @p2 $0x80000000, s28;
	(v2sf) =	vpush v59, $0xF  }
0x2a7: {  	s29 =	sadd.s32 @p2 s29, s28;
	v60, _, _ =	vpop (xrf0)  }
0x2a8: {  	s30 =	simm.s32 $0x0;
	s29 =	sadd.s32 @p2 $0x80000000, s29;
	(v2sf) =	vpush v60, $0xF  }
0x2a9: {  	s30 =	smov.u32 @p2 s29;
	s29 =	spop @p1 (v2sf)  }
0x2aa: {  	s29 =	sadd.s32 @p1 s29, s30  }
0x2ab: {  	v28 =	vadd.s32 @p3 s21, v28;
	v61, _, _ =	vpop (xrf0);
	s29 =	sadd.s32 @p1 $0x80000000, s29;
	s31 =	spop @p1 (v2sf)  }
0x2ac: {  	[tilespmem:s20+$0xFFFFFFF0] =	vst @p3 v31;
	(v2sf) =	vpush v61, $0xF;
	s21 =	sadd.s32 @p1 s31, s29  }
0x2ad: {  	[tilespmem:s20+$0x0] =	vst @p3 v28;
	v29 =	vadd.s32 @p3 s22, v29;
	s21 =	smov.u32 @p1 s21  }
0x2ae: {  	v20 =	vpsel p1, v24, v20;
	v28 =	vmov @p2 v35;
	[tilespmem:s20+$0x10] =	vst @p3 v29;
	v29 =	vsub.s32 @p2 s25, v39;
	s20 =	sadd.s32 @p1 $0x80000000, s21;
	s21 =	spop @p1 (v2sf)  }
0x2af: {  	v22 =	vpsel p1, v25, v22;
	s22 =	smov.u32 @p2 s23;
	v34 =	vmovc @p2 v38;
	v29 =	vadd.s32 @p2 v40, v29;
	v28 =	vadd.s32 @p2 s24, v28;
	s21 =	sadd.s32 @p1 s21, s20  }
0x2b0: {  	v31 =	vmovc @p2 v36;
	v35 =	vmov @p1 v37;
	v34 =	vpsel p2, v34, v0;
	[tilespmem:s22+$0xFFFFFFE0] =	vst @p2 v29;
	s22 =	smov.u32 @p2 s22;
	v28 =	vpsel p2, v28, v0;
	s23 =	spop @p1 (v2sf);
	s21 =	sadd.s32 @p1 $0x80000000, s21  }
0x2b1: {  	v31 =	vpsel p2, v31, v0;
	v17 =	vpsel p1, v35, v17;
	[tilespmem:s22+$0xFFFFFFF0] =	vst @p2 v28;
	v34 =	vadd.s32 @p2 s26, v34;
	s23 =	sadd.s32 @p1 s23, s21  }
0x2b2: {  	s18 =	smov.u32 @p1 s19;
	v18 =	vpsel p1, v27, v18;
	[tilespmem:s22+$0x0] =	vst @p2 v34;
	v29 =	vadd.s32 @p2 s28, v31;
	v17 =	vsub.s32 @p1 s30, v17;
	s19 =	sadd.s32 @p1 $0x80000000, s23  }
0x2b3: {  	v19 =	vpsel p1, v26, v19;
	[tilespmem:s22+$0x10] =	vst @p2 v29;
	v17 =	vadd.s32 @p1 v18, v17;
	v18 =	vadd.s32 @p1 s29, v20;
	s25 =	spop (v2sf);
	s16 =	smov.u32 @p1 s19  }
0x2b4: {  	[tilespmem:s18+$0xFFFFFFE0] =	vst @p1 v17;
	s18 =	smov.u32 @p1 s18;
	v20 =	vmov @p1 v22;
	v17 =	vpsel p1, v18, v0;
	v18 =	vpsel p1, v19, v0;
	s19 =	sadd.s32 s25, s16  }
0x2b5: {  	v19 =	vpsel p1, v20, v0;
	[tilespmem:s18+$0xFFFFFFF0] =	vst @p1 v17;
	v17 =	vadd.s32 @p1 s20, v18;
	s26 =	spop (v2sf);
	s19 =	sadd.s32 $0x80000000, s19  }
0x2b6: {  	[tilespmem:s18+$0x0] =	vst @p1 v17;
	v17 =	vadd.s32 @p1 s21, v19;
	v15 =	vsub.s32 s16, v15;
	s28 =	sadd.s32 s26, s19  }
0x2b7: {  	v62 =	vsub.s32 v54, v21;
	[tilespmem:s18+$0x10] =	vst @p1 v17;
	v15 =	vadd.s32 v32, v15;
	s29 =	spop (v2sf);
	s16 =	sadd.s32 $0x80000000, s28  }
0x2b8: {  	v16 =	vsub.s32 v41, v16;
	[tilespmem:s17+$0xFFFFFFE0] =	vst v15;
	v15 =	vadd.s32 s19, v62;
	s18 =	sadd.s32 s29, s16  }
0x2b9: {  	v63 =	vsub.s32 v56, v23;
	[tilespmem:s17+$0xFFFFFFF0] =	vst v15;
	v15 =	vadd.s32 s16, v16;
	s30 =	sadd.s32 $0x80000000, s18  }
0x2ba: {  	[tilespmem:s17+$0x0] =	vst v15;
	v15 =	vadd.s32 s30, v63  }
0x2bb: {  	s31 =	spop (v2sf);
	s16 =	simm.s32 $0xFFFFFFFE;
	[tilespmem:s17+$0x10] =	vst v15;
	s17 =	simm.s32 $0x80C0  }
.LBB2_35:
0x2bc: {  	v15 =	vld [tilespmem:s17+$0xFFFFFFC0]  }
0x2bd: {  	v16 =	vld [tilespmem:s17+$0xFFFFFFD0];
	_ =	sdelay $0x1  }
0x2be: {  	v17 =	vld [tilespmem:s17+$0xFFFFFFE0];
	_ =	sdelay $0x1  }
0x2bf: {  	v18 =	vld [tilespmem:s17+$0xFFFFFFF0];
	v19 =	vshrl.u32 v15, $0x11  }
0x2c0: {  	v20 =	vshrl.u32 v16, $0x11;
	_ =	sdelay $0x1  }
0x2c1: {  	v21 =	vshrl.u32 v17, $0x11;
	_ =	sdelay $0x1  }
0x2c2: {  	v22 =	vshrl.u32 v18, $0x11;
	v23 =	vld.idx.msk [tilespmem:v19+s12+$0x0], $0xffff  }
0x2c3: {  	v24 =	vld.idx.msk [tilespmem:v20+s12+$0x0], $0xffff;
	_ =	sdelay $0x1  }
0x2c4: {  	v25 =	vld.idx.msk [tilespmem:v21+s12+$0x0], $0xffff;
	_ =	sdelay $0x1  }
0x2c5: {  	v26 =	vld.idx.msk [tilespmem:v22+s12+$0x0], $0xffff  }
0x2c6: {  	v27 =	vadd.s32 $0x1, v23;
	v28 =	vadd.s32 $0x1, v24;
	v29 =	vshll.u32 v23, $0x6  }
0x2c7: {  	v23 =	vshrl.u32 v23, $0x9;
	v30 =	vshll.u32 v24, $0x6;
	v24 =	vshrl.u32 v24, $0x9  }
0x2c8: {  	v36 =	vadd.s32 $0x1, v25;
	v37 =	vshll.u32 v25, $0x6;
	v29 =	vand.u32 $0x7FC0, v29  }
0x2c9: {  	v25 =	vshrl.u32 v25, $0x9;
	v35 =	vand.u32 $0x7FC0, v30;
	v23 =	vor.u32 v23, v29  }
0x2ca: {  	v39 =	vshll.u32 v26, $0x6;
	[tilespmem:v19+s12+$0x0] =	vst.idx.msk $0xffff, v27;
	v38 =	vand.u32 $0x7FC0, v37;
	v24 =	vor.u32 v24, v35  }
0x2cb: {  	v41 =	vshrl.u32 v26, $0x9;
	v40 =	vand.u32 $0x7FC0, v39;
	[tilespmem:v20+s12+$0x0] =	vst.idx.msk $0xffff, v28;
	v19 =	vor.u32 v25, v38  }
0x2cc: {  	v42 =	vadd.s32 $0x1, v26;
	v20 =	vor.u32 v41, v40;
	[tilespmem:v21+s12+$0x0] =	vst.idx.msk $0xffff, v36  }
0x2cd: {  	v15 =	vand.u32 $0x1FFFF, v15;
	[tilespmem:v22+s12+$0x0] =	vst.idx.msk $0xffff, v42  }
0x2ce: {  	[tilespmem:v23+s10+$0x0] =	vst.idx.msk $0xffff, v15;
	v15 =	vand.u32 $0x1FFFF, v16  }
0x2cf: {  	[tilespmem:v24+s10+$0x0] =	vst.idx.msk $0xffff, v15;
	v15 =	vand.u32 $0x1FFFF, v17  }
0x2d0: {  	[tilespmem:v19+s10+$0x0] =	vst.idx.msk $0xffff, v15;
	v15 =	vand.u32 $0x1FFFF, v18  }
0x2d1: {  	[tilespmem:v20+s10+$0x0] =	vst.idx.msk $0xffff, v15  }
0x2d2: {  	v15 =	vld [tilespmem:s17+$0x0]  }
0x2d3: {  	v43 =	vld [tilespmem:s17+$0x10];
	_ =	sdelay $0x1  }
0x2d4: {  	v44 =	vld [tilespmem:s17+$0x20];
	_ =	sdelay $0x1  }
0x2d5: {  	v45 =	vld [tilespmem:s17+$0x30];
	v46 =	vshrl.u32 v15, $0x11  }
0x2d6: {  	v47 =	vshrl.u32 v43, $0x11;
	_ =	sdelay $0x1  }
0x2d7: {  	v48 =	vshrl.u32 v44, $0x11;
	_ =	sdelay $0x1  }
0x2d8: {  	v49 =	vshrl.u32 v45, $0x11;
	v23 =	vld.idx.msk [tilespmem:v46+s12+$0x0], $0xffff  }
0x2d9: {  	v24 =	vld.idx.msk [tilespmem:v47+s12+$0x0], $0xffff;
	_ =	sdelay $0x1  }
0x2da: {  	v50 =	vld.idx.msk [tilespmem:v48+s12+$0x0], $0xffff;
	_ =	sdelay $0x1  }
0x2db: {  	v51 =	vld.idx.msk [tilespmem:v49+s12+$0x0], $0xffff  }
0x2dc: {  	v52 =	vadd.s32 $0x1, v23;
	v53 =	vadd.s32 $0x1, v24;
	v54 =	vshll.u32 v23, $0x6  }
0x2dd: {  	v23 =	vshrl.u32 v23, $0x9;
	v55 =	vshll.u32 v24, $0x6;
	v24 =	vshrl.u32 v24, $0x9  }
0x2de: {  	v57 =	vadd.s32 $0x1, v50;
	v58 =	vshll.u32 v50, $0x6;
	v29 =	vand.u32 $0x7FC0, v54  }
0x2df: {  	v25 =	vshrl.u32 v50, $0x9;
	v56 =	vand.u32 $0x7FC0, v55;
	v23 =	vor.u32 v23, v29  }
0x2e0: {  	v60 =	vshll.u32 v51, $0x6;
	[tilespmem:v46+s12+$0x0] =	vst.idx.msk $0xffff, v52;
	v59 =	vand.u32 $0x7FC0, v58;
	v24 =	vor.u32 v24, v56  }
0x2e1: {  	s16 =	sadd.s32 $0x2, s16;
	v62 =	vshrl.u32 v51, $0x9;
	v61 =	vand.u32 $0x7FC0, v60;
	[tilespmem:v47+s12+$0x0] =	vst.idx.msk $0xffff, v53;
	v19 =	vor.u32 v25, v59  }
0x2e2: {  	p1 =	slt.u32 s16, $0x1FE;
	v63 =	vadd.s32 $0x1, v51;
	v20 =	vor.u32 v62, v61;
	[tilespmem:v48+s12+$0x0] =	vst.idx.msk $0xffff, v57  }
.Ltmp18:
0x2e3: {  	v15 =	vand.u32 $0x1FFFF, v15;
	[tilespmem:v49+s12+$0x0] =	vst.idx.msk $0xffff, v63;
	(pc) =	sbr.rel @p1 .LBB2_35-.Ltmp18, $4  }
0x2e4: {  	[tilespmem:v23+s10+$0x0] =	vst.idx.msk $0xffff, v15;
	v15 =	vand.u32 $0x1FFFF, v43  }
0x2e5: {  	[tilespmem:v24+s10+$0x0] =	vst.idx.msk $0xffff, v15;
	v15 =	vand.u32 $0x1FFFF, v44  }
0x2e6: {  	[tilespmem:v19+s10+$0x0] =	vst.idx.msk $0xffff, v15;
	v15 =	vand.u32 $0x1FFFF, v45  }
0x2e7: {  	s19 =	simm.s32 $0xFFFFFFF8;
	s18 =	simm.s32 $0x180C0;
	s17 =	sadd.s32 $0x80, s17;
	[tilespmem:v20+s10+$0x0] =	vst.idx.msk $0xffff, v15  }
0x2e8: {  	[tilespmem:s18+$0xFFFFFFC0] =	vst v3  }
0x2e9: {  	[tilespmem:s18+$0x30] =	vst v3  }
0x2ea: {  	[tilespmem:s18+$0x20] =	vst v3  }
0x2eb: {  	[tilespmem:s18+$0x10] =	vst v3  }
0x2ec: {  	[tilespmem:s18+$0x0] =	vst v3  }
0x2ed: {  	[tilespmem:s18+$0xFFFFFFF0] =	vst v3  }
0x2ee: {  	s16 =	sadd.s32 $0x8, s19;
	[tilespmem:s18+$0xFFFFFFE0] =	vst v3  }
.LBB2_37:
0x2ef: {  	s16 =	sadd.s32 $0x8, s16;
	[tilespmem:s18+$0xFFFFFFD0] =	vst v3;
	s18 =	sadd.s32 $0x80, s18  }
0x2f0: {  	[tilespmem:s18+$0xFFFFFFC0] =	vst v3;
	p1 =	slt.u32 s16, $0x3F8  }
0x2f1: {  	[tilespmem:s18+$0x30] =	vst v3  }
.Ltmp19:
0x2f2: {  	[tilespmem:s18+$0x20] =	vst v3;
	(pc) =	sbr.rel @p1 .LBB2_37-.Ltmp19, $4  }
0x2f3: {  	[tilespmem:s18+$0x10] =	vst v3  }
0x2f4: {  	[tilespmem:s18+$0x0] =	vst v3  }
0x2f5: {  	[tilespmem:s18+$0xFFFFFFF0] =	vst v3  }
0x2f6: {  	s17 =	simm.s32 $0x100C0;
	[tilespmem:s18+$0xFFFFFFE0] =	vst v3  }
0x2f7: {  	[tilespmem:s18+$0xFFFFFFD0] =	vst v3  }
0x2f8: {  	v15 =	vld [tilespmem:s17+$0x0];
	_ =	sdelay $0x4  }
0x2f9: {  	v16 =	vshrl.u32 v15, $0x9  }
0x2fa: {  	v16 =	vadd.s32 v15, v16;
	_ =	sdelay $0x1  }
0x2fb: {  	v17 =	vld [tilespmem:s17+$0xFFFFFFC0];
	_ =	sdelay $0x1  }
0x2fc: {  	s16 =	simm.s32 $0x0  }
0x2fd: {  	v16 =	vld.idx.msk [tilespmem:v16+s16+$0x0], $0xffff;
	_ =	sdelay $0x1  }
0x2fe: {  	v18 =	vshrl.u32 v17, $0x9  }
0x2ff: {  	v18 =	vadd.s32 v17, v18;
	_ =	sdelay $0x1  }
0x300: {  	v16 =	vshrl.u32 v16, $0xA  }
0x301: {  	v19 =	vand.u32 $0x3FC0, v16  }
0x302: {  	v19 =	vor.u32 v0, v19  }
0x303: {  	v18 =	vld.idx.msk [tilespmem:v18+s16+$0x0], $0xffff;
	v16 =	vand.u32 $0x3F80, v16;
	v20 =	vand.u32 $0x4F, v19  }
0x304: {  	v16 =	vor.u32 v16, v20;
	_ =	sdelay $0x2  }
0x305: {  	s18 =	simm.s32 $0x10140  }
0x306: {  	v18 =	vshrl.u32 v18, $0xA;
	v20 =	vld [tilespmem:s18+$0x0]  }
0x307: {  	v21 =	vand.u32 $0x3FC0, v18;
	[tilespmem:v16+s12+$0x0] =	vst.idx.add.s32.msk $0xffff, v4  }
0x308: {  	v16 =	vor.u32 v0, v21;
	v21 =	vld [tilespmem:s17+$0x10]  }
0x309: {  	v18 =	vand.u32 $0x3F80, v18;
	v22 =	vand.u32 $0x4F, v16  }
0x30a: {  	v18 =	vor.u32 v18, v22  }
0x30b: {  	v22 =	vshrl.u32 v20, $0x9  }
0x30c: {  	v22 =	vadd.s32 v20, v22  }
0x30d: {  	v23 =	vld [tilespmem:s18+$0xFFFFFFC0];
	v16 =	vshll.u32 v16, $0x11;
	v24 =	vshrl.u32 v21, $0x9  }
0x30e: {  	v16 =	vor.u32 v17, v16;
	v17 =	vadd.s32 v21, v24  }
0x30f: {  	[tilespmem:v18+s12+$0x0] =	vst.idx.add.s32.msk $0xffff, v4  }
0x310: {  	v18 =	vshll.u32 v19, $0x11;
	[tilespmem:s17+$0xFFFFFFC0] =	vst v16;
	v16 =	vld [tilespmem:s17+$0xFFFFFFD0]  }
0x311: {  	v19 =	vld.idx.msk [tilespmem:v22+s16+$0x0], $0xffff;
	v15 =	vor.u32 v15, v18  }
0x312: {  	v22 =	vshrl.u32 v23, $0x9;
	[tilespmem:s17+$0x0] =	vst v15  }
0x313: {  	v18 =	vadd.s32 v23, v22;
	v15 =	vld.idx.msk [tilespmem:v17+s16+$0x0], $0xffff;
	_ =	sdelay $0x1  }
0x314: {  	v17 =	vshrl.u32 v16, $0x9  }
0x315: {  	v19 =	vshrl.u32 v19, $0xA;
	v17 =	vadd.s32 v16, v17  }
0x316: {  	v22 =	vand.u32 $0x3FC0, v19  }
0x317: {  	v18 =	vld.idx.msk [tilespmem:v18+s16+$0x0], $0xffff;
	v22 =	vor.u32 v0, v22;
	v15 =	vshrl.u32 v15, $0xA  }
0x318: {  	v19 =	vand.u32 $0x3F80, v19;
	v24 =	vand.u32 $0x4F, v22;
	v25 =	vand.u32 $0x3FC0, v15  }
0x319: {  	v19 =	vor.u32 v19, v24;
	v24 =	vor.u32 v7, v25  }
0x31a: {  	v15 =	vand.u32 $0x3F80, v15;
	v17 =	vld.idx.msk [tilespmem:v17+s16+$0x0], $0xffff;
	v25 =	vand.u32 $0x5F, v24  }
0x31b: {  	v15 =	vor.u32 v15, v25  }
0x31c: {  	s19 =	simm.s32 $0x101C0;
	v18 =	vshrl.u32 v18, $0xA  }
0x31d: {  	v27 =	vld [tilespmem:s19+$0x0];
	v25 =	vand.u32 $0x3FC0, v18  }
0x31e: {  	v25 =	vor.u32 v0, v25;
	[tilespmem:v19+s12+$0x0] =	vst.idx.add.s32.msk $0xffff, v4  }
0x31f: {  	v18 =	vand.u32 $0x3F80, v18;
	v19 =	vand.u32 $0x4F, v25;
	v28 =	vld [tilespmem:s18+$0x10];
	v17 =	vshrl.u32 v17, $0xA  }
0x320: {  	v18 =	vor.u32 v18, v19;
	v19 =	vand.u32 $0x3FC0, v17;
	[tilespmem:v15+s12+$0x0] =	vst.idx.add.s32.msk $0xffff, v4  }
0x321: {  	v15 =	vor.u32 v7, v19;
	v19 =	vld [tilespmem:s17+$0x20]  }
0x322: {  	v26 =	vshrl.u32 v27, $0x9;
	v17 =	vand.u32 $0x3F80, v17;
	v29 =	vand.u32 $0x5F, v15  }
0x323: {  	v26 =	vadd.s32 v27, v26;
	v25 =	vshll.u32 v25, $0x11;
	v17 =	vor.u32 v17, v29;
	v29 =	vld [tilespmem:s19+$0xFFFFFFC0]  }
0x324: {  	v23 =	vor.u32 v23, v25;
	v25 =	vshrl.u32 v28, $0x9  }
0x325: {  	[tilespmem:v18+s12+$0x0] =	vst.idx.add.s32.msk $0xffff, v4;
	v18 =	vadd.s32 v28, v25  }
0x326: {  	v22 =	vshll.u32 v22, $0x11;
	[tilespmem:s18+$0xFFFFFFC0] =	vst v23;
	v23 =	vshrl.u32 v19, $0x9  }
0x327: {  	v20 =	vor.u32 v20, v22;
	v30 =	vld [tilespmem:s18+$0xFFFFFFD0];
	v23 =	vadd.s32 v19, v23  }
0x328: {  	[tilespmem:s18+$0x0] =	vst v20;
	v25 =	vld.idx.msk [tilespmem:v26+s16+$0x0], $0xffff;
	v26 =	vshrl.u32 v29, $0x9  }
0x329: {  	v22 =	vshll.u32 v24, $0x11;
	[tilespmem:v17+s12+$0x0] =	vst.idx.add.s32.msk $0xffff, v4;
	v17 =	vadd.s32 v29, v26  }
0x32a: {  	v21 =	vor.u32 v21, v22;
	v18 =	vld.idx.msk [tilespmem:v18+s16+$0x0], $0xffff  }
0x32b: {  	[tilespmem:s17+$0x10] =	vst v21  }
0x32c: {  	v21 =	vshrl.u32 v30, $0x9;
	v22 =	vld.idx.msk [tilespmem:v23+s16+$0x0], $0xffff  }
0x32d: {  	v15 =	vshll.u32 v15, $0x11;
	v21 =	vadd.s32 v30, v21;
	v23 =	vshrl.u32 v25, $0xA  }
0x32e: {  	v15 =	vor.u32 v16, v15;
	v16 =	vld.idx.msk [tilespmem:v17+s16+$0x0], $0xffff;
	v17 =	vand.u32 $0x3FC0, v23  }
0x32f: {  	v18 =	vshrl.u32 v18, $0xA;
	v17 =	vor.u32 v0, v17  }
0x330: {  	v20 =	vld [tilespmem:s17+$0xFFFFFFE0];
	v23 =	vand.u32 $0x3F80, v23;
	v26 =	vand.u32 $0x3FC0, v18;
	v25 =	vand.u32 $0x4F, v17  }
0x331: {  	v31 =	vor.u32 v7, v26;
	v23 =	vor.u32 v23, v25;
	v22 =	vshrl.u32 v22, $0xA  }
0x332: {  	v18 =	vand.u32 $0x3F80, v18;
	v21 =	vld.idx.msk [tilespmem:v21+s16+$0x0], $0xffff;
	v25 =	vand.u32 $0x5F, v31;
	v26 =	vand.u32 $0x3FC0, v22  }
0x333: {  	s20 =	simm.s32 $0x10240;
	v25 =	vor.u32 v18, v25;
	v32 =	vor.u32 v10, v26  }
0x334: {  	[tilespmem:s17+$0xFFFFFFD0] =	vst v15;
	v18 =	vld [tilespmem:s20+$0x0];
	v16 =	vshrl.u32 v16, $0xA;
	v15 =	vand.u32 $0x3F80, v22;
	v22 =	vand.u32 $0x6F, v32  }
0x335: {  	v44 =	vld [tilespmem:s20+$0xFFFFFFC0];
	v24 =	vshrl.u32 v20, $0x9;
	v26 =	vand.u32 $0x3FC0, v16;
	v15 =	vor.u32 v15, v22  }
0x336: {  	v24 =	vadd.s32 v20, v24;
	v22 =	vor.u32 v0, v26;
	[tilespmem:v23+s12+$0x0] =	vst.idx.add.s32.msk $0xffff, v4  }
0x337: {  	v16 =	vand.u32 $0x3F80, v16;
	v21 =	vshrl.u32 v21, $0xA;
	v26 =	vand.u32 $0x4F, v22;
	v23 =	vld [tilespmem:s19+$0x10]  }
0x338: {  	[tilespmem:v25+s12+$0x0] =	vst.idx.add.s32.msk $0xffff, v4;
	v16 =	vor.u32 v16, v26;
	v26 =	vand.u32 $0x3FC0, v21  }
0x339: {  	v33 =	vshrl.u32 v18, $0x9;
	v25 =	vld [tilespmem:s18+$0x20];
	v26 =	vor.u32 v7, v26  }
0x33a: {  	v21 =	vand.u32 $0x3F80, v21;
	v34 =	vand.u32 $0x5F, v26;
	[tilespmem:v15+s12+$0x0] =	vst.idx.add.s32.msk $0xffff, v4;
	v15 =	vadd.s32 v18, v33  }
0x33b: {  	v24 =	vld.idx.msk [tilespmem:v24+s16+$0x0], $0xffff;
	v22 =	vshll.u32 v22, $0x11;
	v21 =	vor.u32 v21, v34  }
0x33c: {  	v22 =	vor.u32 v29, v22;
	v43 =	vld [tilespmem:s17+$0x30];
	v29 =	vshrl.u32 v23, $0x9  }
0x33d: {  	v17 =	vshll.u32 v17, $0x11;
	[tilespmem:v16+s12+$0x0] =	vst.idx.add.s32.msk $0xffff, v4;
	v16 =	vadd.s32 v23, v29  }
0x33e: {  	v17 =	vor.u32 v27, v17;
	v29 =	vshrl.u32 v25, $0x9;
	[tilespmem:s19+$0xFFFFFFC0] =	vst v22;
	v22 =	vshll.u32 v26, $0x11;
	v26 =	vld [tilespmem:s19+$0xFFFFFFD0]  }
0x33f: {  	[tilespmem:s19+$0x0] =	vst v17;
	v17 =	vshll.u32 v31, $0x11;
	v29 =	vadd.s32 v25, v29;
	v15 =	vld.idx.msk [tilespmem:v15+s16+$0x0], $0xffff  }
0x340: {  	v31 =	vshrl.u32 v44, $0x9;
	v17 =	vor.u32 v28, v17;
	v24 =	vshrl.u32 v24, $0xA;
	[tilespmem:v21+s12+$0x0] =	vst.idx.add.s32.msk $0xffff, v4  }
0x341: {  	v22 =	vor.u32 v30, v22;
	v30 =	vand.u32 $0x3FC0, v24;
	v35 =	vshrl.u32 v43, $0x9;
	v27 =	vld [tilespmem:s18+$0xFFFFFFE0]  }
0x342: {  	v21 =	vand.u32 $0x3F80, v24;
	v30 =	vor.u32 v10, v30;
	v24 =	vadd.s32 v43, v35;
	v16 =	vld.idx.msk [tilespmem:v16+s16+$0x0], $0xffff  }
0x343: {  	v31 =	vadd.s32 v44, v31;
	[tilespmem:s18+$0x10] =	vst v17;
	v28 =	vand.u32 $0x6F, v30  }
0x344: {  	v32 =	vshll.u32 v32, $0x11;
	v17 =	vshll.u32 v30, $0x11;
	v21 =	vor.u32 v21, v28;
	v28 =	vld.idx.msk [tilespmem:v29+s16+$0x0], $0xffff  }
0x345: {  	v19 =	vor.u32 v19, v32;
	v17 =	vor.u32 v20, v17;
	v20 =	vshrl.u32 v26, $0x9  }
0x346: {  	[tilespmem:s17+$0x20] =	vst v19;
	v19 =	vadd.s32 v26, v20;
	v15 =	vshrl.u32 v15, $0xA;
	v29 =	vshrl.u32 v27, $0x9  }
0x347: {  	v20 =	vld.idx.msk [tilespmem:v24+s16+$0x0], $0xffff;
	v24 =	vand.u32 $0x3FC0, v15;
	v16 =	vshrl.u32 v16, $0xA;
	v15 =	vand.u32 $0x3F80, v15  }
0x348: {  	v30 =	vor.u32 v0, v24;
	v24 =	vadd.s32 v27, v29;
	v29 =	vld.idx.msk [tilespmem:v31+s16+$0x0], $0xffff;
	v45 =	vand.u32 $0x3FC0, v16  }
0x349: {  	[tilespmem:s18+$0xFFFFFFD0] =	vst v22;
	v28 =	vshrl.u32 v28, $0xA;
	v16 =	vand.u32 $0x3F80, v16;
	v31 =	vand.u32 $0x4F, v30  }
0x34a: {  	[tilespmem:v21+s12+$0x0] =	vst.idx.add.s32.msk $0xffff, v4;
	v46 =	vand.u32 $0x3FC0, v28;
	v21 =	vor.u32 v15, v31;
	v31 =	vor.u32 v7, v45  }
0x34b: {  	[tilespmem:s17+$0xFFFFFFE0] =	vst v17;
	v22 =	vand.u32 $0x3F80, v28;
	v15 =	vld [tilespmem:s17+$0xFFFFFFF0];
	v32 =	vor.u32 v10, v46;
	v17 =	vand.u32 $0x5F, v31  }
0x34c: {  	s21 =	simm.s32 $0x102C0;
	v28 =	vand.u32 $0x6F, v32;
	v20 =	vshrl.u32 v20, $0xA;
	v16 =	vor.u32 v16, v17;
	v17 =	vld.idx.msk [tilespmem:v19+s16+$0x0], $0xffff  }
0x34d: {  	v28 =	vor.u32 v22, v28;
	v22 =	vld [tilespmem:s21+$0x0];
	v19 =	vand.u32 $0x3FC0, v20;
	v29 =	vshrl.u32 v29, $0xA  }
0x34e: {  	v24 =	vld.idx.msk [tilespmem:v24+s16+$0x0], $0xffff;
	v19 =	vor.u32 v13, v19;
	v36 =	vand.u32 $0x3FC0, v29  }
0x34f: {  	v20 =	vand.u32 $0x3F80, v20;
	v47 =	vand.u32 $0x7F, v19;
	[tilespmem:v21+s12+$0x0] =	vst.idx.add.s32.msk $0xffff, v4;
	v48 =	vor.u32 v0, v36  }
0x350: {  	v29 =	vand.u32 $0x3F80, v29;
	v21 =	vor.u32 v20, v47;
	v20 =	vld [tilespmem:s20+$0x10];
	v36 =	vand.u32 $0x4F, v48  }
0x351: {  	v30 =	vshll.u32 v30, $0x11;
	v37 =	vshrl.u32 v17, $0xA;
	[tilespmem:v16+s12+$0x0] =	vst.idx.add.s32.msk $0xffff, v4;
	v29 =	vor.u32 v29, v36  }
0x352: {  	v18 =	vor.u32 v18, v30;
	[tilespmem:v28+s12+$0x0] =	vst.idx.add.s32.msk $0xffff, v4;
	v16 =	vand.u32 $0x3FC0, v37  }
0x353: {  	v19 =	vshll.u32 v19, $0x11;
	v17 =	vld [tilespmem:s19+$0x20];
	v49 =	vor.u32 v7, v16;
	v16 =	vshrl.u32 v22, $0x9  }
0x354: {  	[tilespmem:s20+$0x0] =	vst v18;
	v28 =	vand.u32 $0x3F80, v37;
	v50 =	vand.u32 $0x5F, v49;
	v38 =	vadd.s32 v22, v16;
	v16 =	vld [tilespmem:s18+$0x30]  }
0x355: {  	v51 =	vor.u32 v43, v19;
	[tilespmem:v21+s12+$0x0] =	vst.idx.add.s32.msk $0xffff, v4;
	v28 =	vor.u32 v28, v50  }
0x356: {  	v18 =	vshll.u32 v31, $0x11;
	v21 =	vshll.u32 v48, $0x11;
	[tilespmem:v29+s12+$0x0] =	vst.idx.add.s32.msk $0xffff, v4;
	v29 =	vshrl.u32 v20, $0x9  }
0x357: {  	v19 =	vshrl.u32 v24, $0xA;
	v24 =	vld [tilespmem:s21+$0xFFFFFFC0];
	v21 =	vor.u32 v44, v21;
	v29 =	vadd.s32 v20, v29  }
0x358: {  	v53 =	vand.u32 $0x3FC0, v19;
	v54 =	vand.u32 $0x3F80, v19;
	[tilespmem:s20+$0xFFFFFFC0] =	vst v21;
	v21 =	vld [tilespmem:s20+$0xFFFFFFD0];
	v19 =	vshrl.u32 v17, $0x9  }
0x359: {  	v18 =	vor.u32 v23, v18;
	v56 =	vadd.s32 v17, v19;
	v55 =	vld.idx.msk [tilespmem:v38+s16+$0x0], $0xffff;
	v19 =	vshrl.u32 v16, $0x9  }
0x35a: {  	v23 =	vshll.u32 v32, $0x11;
	v34 =	vor.u32 v10, v53;
	[tilespmem:v28+s12+$0x0] =	vst.idx.add.s32.msk $0xffff, v4;
	v30 =	vadd.s32 v16, v19  }
0x35b: {  	[tilespmem:s19+$0x10] =	vst v18;
	v18 =	vor.u32 v25, v23;
	v28 =	vand.u32 $0x6F, v34;
	v19 =	vld [tilespmem:s19+$0xFFFFFFE0]  }
0x35c: {  	v57 =	vshll.u32 v34, $0x11;
	v31 =	vshrl.u32 v24, $0x9;
	v36 =	vor.u32 v54, v28;
	v29 =	vld.idx.msk [tilespmem:v29+s16+$0x0], $0xffff  }
0x35d: {  	v23 =	vor.u32 v27, v57;
	v31 =	vadd.s32 v24, v31;
	v25 =	vshrl.u32 v21, $0x9  }
0x35e: {  	[tilespmem:s18+$0x20] =	vst v18;
	v28 =	vshrl.u32 v15, $0x9;
	v27 =	vld.idx.msk [tilespmem:v56+s16+$0x0], $0xffff;
	v25 =	vadd.s32 v21, v25;
	v18 =	vshrl.u32 v55, $0xA  }
0x35f: {  	v52 =	vshll.u32 v49, $0x11;
	v60 =	vadd.s32 v15, v28;
	v30 =	vld.idx.msk [tilespmem:v30+s16+$0x0], $0xffff;
	v58 =	vand.u32 $0x3FC0, v18  }
0x360: {  	v18 =	vand.u32 $0x3F80, v18;
	v59 =	vshrl.u32 v19, $0x9;
	v28 =	vor.u32 v0, v58  }
0x361: {  	[tilespmem:v36+s12+$0x0] =	vst.idx.add.s32.msk $0xffff, v4;
	v61 =	vadd.s32 v19, v59;
	v32 =	vand.u32 $0x4F, v28;
	v29 =	vshrl.u32 v29, $0xA  }
0x362: {  	v33 =	vor.u32 v26, v52;
	v31 =	vld.idx.msk [tilespmem:v31+s16+$0x0], $0xffff;
	[tilespmem:s18+$0xFFFFFFE0] =	vst v23;
	v34 =	vor.u32 v18, v32;
	v23 =	vand.u32 $0x3FC0, v29  }
0x363: {  	v62 =	vand.u32 $0x3F80, v29;
	v27 =	vshrl.u32 v27, $0xA;
	v32 =	vld.idx.msk [tilespmem:v25+s16+$0x0], $0xffff;
	v26 =	vor.u32 v7, v23  }
0x364: {  	v18 =	vld [tilespmem:s18+$0xFFFFFFF0];
	v39 =	vand.u32 $0x3FC0, v27;
	v25 =	vand.u32 $0x5F, v26;
	v29 =	vshrl.u32 v30, $0xA  }
0x365: {  	s26 =	simm.s32 $0x8;
	s28 =	simm.s32 $0x10340;
	s22 =	simm.s32 $0x0;
	[tilespmem:s19+$0xFFFFFFD0] =	vst v33;
	v23 =	vld.idx.msk [tilespmem:v60+s16+$0x0], $0xffff;
	v33 =	vor.u32 v62, v25;
	v25 =	vor.u32 v10, v39;
	v63 =	vand.u32 $0x3FC0, v29  }
0x366: {  	s23 =	simm.s32 $0x0;
	s24 =	simm.s32 $0x0;
	s25 =	simm.s32 $0x0;
	[tilespmem:s17+$0x30] =	vst v51;
	v35 =	vand.u32 $0x3F80, v27;
	v30 =	vld.idx.msk [tilespmem:v61+s16+$0x0], $0xffff;
	v36 =	vand.u32 $0x6F, v25;
	v27 =	vor.u32 v13, v63  }
.LBB2_39:
0x367: {  	v37 =	vld [tilespmem:s28+$0x0];
	v35 =	vor.u32 v35, v36;
	v29 =	vand.u32 $0x3F80, v29;
	v36 =	vand.u32 $0x7F, v27  }
0x368: {  	v31 =	vshrl.u32 v31, $0xA;
	v32 =	vshrl.u32 v32, $0xA;
	[tilespmem:v34+s12+$0x0] =	vst.idx.add.s32.msk $0xffff, v4;
	v29 =	vor.u32 v29, v36  }
0x369: {  	v34 =	vand.u32 $0x3FC0, v31;
	v31 =	vand.u32 $0x3F80, v31;
	v38 =	vand.u32 $0x3FC0, v32;
	v36 =	vld [tilespmem:s21+$0x10]  }
0x36a: {  	v32 =	vand.u32 $0x3F80, v32;
	v34 =	vor.u32 v0, v34;
	v38 =	vor.u32 v7, v38;
	[tilespmem:v33+s12+$0x0] =	vst.idx.add.s32.msk $0xffff, v4  }
0x36b: {  	v33 =	vand.u32 $0x4F, v34;
	v34 =	vshll.u32 v34, $0x11;
	v39 =	vand.u32 $0x5F, v38;
	v40 =	vld [tilespmem:s20+$0x20]  }
0x36c: {  	v31 =	vor.u32 v31, v33;
	v33 =	vor.u32 v24, v34;
	v24 =	vshll.u32 v27, $0x11;
	[tilespmem:v35+s12+$0x0] =	vst.idx.add.s32.msk $0xffff, v4  }
0x36d: {  	v32 =	vor.u32 v32, v39;
	v27 =	vshrl.u32 v37, $0x9;
	v24 =	vor.u32 v16, v24;
	[tilespmem:v29+s12+$0x0] =	vst.idx.add.s32.msk $0xffff, v4  }
0x36e: {  	v30 =	vshrl.u32 v30, $0xA;
	v27 =	vadd.s32 v37, v27;
	v29 =	vshll.u32 v38, $0x11;
	v16 =	vld [tilespmem:s19+$0x30];
	[tilespmem:s18+$0x30] =	vst v24  }
0x36f: {  	s26 =	sadd.s32 $0x2, s26;
	v29 =	vor.u32 v21, v29;
	v21 =	vand.u32 $0x3FC0, v30;
	v30 =	vand.u32 $0x3F80, v30;
	v24 =	vld [tilespmem:s28+$0xFFFFFFC0]  }
0x370: {  	p1 =	slt.u32 s26, $0x1FE;
	v35 =	vshrl.u32 v18, $0x9;
	v34 =	vshrl.u32 v36, $0x9;
	v21 =	vor.u32 v10, v21  }
0x371: {  	v38 =	vshll.u32 v21, $0x11;
	[tilespmem:v31+s12+$0x0] =	vst.idx.add.s32.msk $0xffff, v4;
	v31 =	vadd.s32 v36, v34;
	v34 =	vand.u32 $0x6F, v21  }
0x372: {  	[tilespmem:s21+$0xFFFFFFC0] =	vst v33;
	v21 =	vld [tilespmem:s21+$0xFFFFFFD0];
	v33 =	vshrl.u32 v40, $0x9;
	v30 =	vor.u32 v30, v34;
	v34 =	vor.u32 v19, v38  }
0x373: {  	v19 =	vshll.u32 v28, $0x11;
	v27 =	vld.idx.msk [tilespmem:v27+s16+$0x0], $0xffff;
	v28 =	vadd.s32 v40, v33;
	v33 =	vshrl.u32 v16, $0x9  }
0x374: {  	v19 =	vor.u32 v22, v19;
	v38 =	vshrl.u32 v24, $0x9;
	[tilespmem:v32+s12+$0x0] =	vst.idx.add.s32.msk $0xffff, v4;
	v32 =	vadd.s32 v16, v33  }
0x375: {  	v26 =	vshll.u32 v26, $0x11;
	v35 =	vadd.s32 v18, v35;
	v22 =	vmovc v37;
	v33 =	vadd.s32 v24, v38;
	[tilespmem:s21+$0x0] =	vst v19;
	v19 =	vld [tilespmem:s20+$0xFFFFFFE0]  }
0x376: {  	v25 =	vshll.u32 v25, $0x11;
	v26 =	vor.u32 v20, v26;
	v23 =	vshrl.u32 v23, $0xA;
	v20 =	vmovc v36;
	v37 =	vld.idx.msk [tilespmem:v31+s22+$0x0], $0xffff;
	[tilespmem:s20+$0xFFFFFFD0] =	vst v29  }
0x377: {  	v25 =	vor.u32 v17, v25;
	v17 =	vmovc v40;
	v29 =	vshrl.u32 v21, $0x9;
	[tilespmem:s20+$0x10] =	vst v26;
	v26 =	vand.u32 $0x3FC0, v23  }
0x378: {  	v23 =	vand.u32 $0x3F80, v23;
	v29 =	vadd.s32 v21, v29;
	v36 =	vld.idx.msk [tilespmem:v28+s23+$0x0], $0xffff;
	[tilespmem:s19+$0x20] =	vst v25;
	v25 =	vor.u32 v13, v26  }
0x379: {  	v26 =	vshrl.u32 v27, $0xA;
	v27 =	vld.idx.msk [tilespmem:v32+s24+$0x0], $0xffff;
	v28 =	vand.u32 $0x7F, v25;
	v25 =	vshll.u32 v25, $0x11  }
0x37a: {  	v32 =	vand.u32 $0x3FC0, v26;
	v31 =	vld.idx.msk [tilespmem:v33+s16+$0x0], $0xffff;
	v33 =	vshrl.u32 v19, $0x9;
	v38 =	vor.u32 v23, v28  }
0x37b: {  	v28 =	vor.u32 v0, v32;
	v39 =	vadd.s32 v19, v33;
	[tilespmem:v30+s12+$0x0] =	vst.idx.add.s32.msk $0xffff, v4  }
0x37c: {  	v23 =	vand.u32 $0x3F80, v26;
	v26 =	vand.u32 $0x4F, v28;
	v30 =	vshrl.u32 v37, $0xA;
	[tilespmem:s19+$0xFFFFFFE0] =	vst v34;
	v37 =	vld [tilespmem:s19+$0xFFFFFFF0]  }
.Ltmp20:
0x37d: {  	v40 =	vor.u32 v15, v25;
	v15 =	vmovc v18;
	v34 =	vor.u32 v23, v26;
	v23 =	vand.u32 $0x3FC0, v30;
	v32 =	vld.idx.msk [tilespmem:v29+s22+$0x0], $0xffff;
	(pc) =	sbr.rel @p1 .LBB2_39-.Ltmp20, $4  }
0x37e: {  	v18 =	vand.u32 $0x3F80, v30;
	v26 =	vor.u32 v7, v23;
	v36 =	vshrl.u32 v36, $0xA;
	v23 =	vld.idx.msk [tilespmem:v35+s25+$0x0], $0xffff;
	s25 =	smov.u32 s24;
	s24 =	smov.u32 s23;
	s23 =	smov.u32 s22  }
0x37f: {  	v25 =	vand.u32 $0x5F, v26;
	v35 =	vand.u32 $0x3FC0, v36;
	v29 =	vshrl.u32 v27, $0xA;
	s22 =	smov.u32 s16;
	[tilespmem:v38+s12+$0x0] =	vst.idx.add.s32.msk $0xffff, v4  }
0x380: {  	v33 =	vor.u32 v18, v25;
	v25 =	vor.u32 v10, v35;
	v38 =	vand.u32 $0x3FC0, v29;
	v30 =	vld.idx.msk [tilespmem:v39+s24+$0x0], $0xffff;
	[tilespmem:s17+$0xFFFFFFF0] =	vst v40;
	s17 =	smov.u32 s18;
	s18 =	smov.u32 s19;
	s19 =	smov.u32 s20  }
0x381: {  	v35 =	vand.u32 $0x3F80, v36;
	v36 =	vand.u32 $0x6F, v25;
	v27 =	vor.u32 v13, v38;
	s20 =	smov.u32 s21;
	s21 =	smov.u32 s28;
	s28 =	sadd.s32 $0x80, s28;
	v18 =	vmovc v37  }
0x382: {  	v31 =	vshrl.u32 v31, $0xA  }
0x383: {  	v37 =	vand.u32 $0x3FC0, v31  }
0x384: {  	v37 =	vor.u32 v0, v37  }
0x385: {  	v31 =	vand.u32 $0x3F80, v31;
	v38 =	vand.u32 $0x4F, v37  }
0x386: {  	v31 =	vor.u32 v31, v38;
	_ =	sdelay $0x1  }
0x387: {  	[tilespmem:v34+s12+$0x0] =	vst.idx.add.s32.msk $0xffff, v4  }
0x388: {  	v34 =	vld [tilespmem:s21+$0x10];
	_ =	sdelay $0x1  }
0x389: {  	[tilespmem:v31+s12+$0x0] =	vst.idx.add.s32.msk $0xffff, v4  }
0x38a: {  	v63 =	vld [tilespmem:s21+$0xFFFFFFD0];
	_ =	sdelay $0x1  }
0x38b: {  	v40 =	vshrl.u32 v34, $0x9  }
0x38c: {  	v31 =	vadd.s32 v34, v40;
	_ =	sdelay $0x1  }
0x38d: {  	v28 =	vshll.u32 v28, $0x11;
	v41 =	vshrl.u32 v63, $0x9  }
0x38e: {  	v22 =	vor.u32 v22, v28;
	v42 =	vadd.s32 v63, v41  }
0x38f: {  	[tilespmem:s21+$0x0] =	vst v22  }
0x390: {  	v37 =	vshll.u32 v37, $0x11;
	v22 =	vld.idx.msk [tilespmem:v31+s22+$0x0], $0xffff  }
0x391: {  	v24 =	vor.u32 v24, v37  }
0x392: {  	v43 =	vshrl.u32 v32, $0xA;
	[tilespmem:s21+$0xFFFFFFC0] =	vst v24  }
0x393: {  	v32 =	vand.u32 $0x3FC0, v43;
	v28 =	vld.idx.msk [tilespmem:v42+s22+$0x0], $0xffff  }
0x394: {  	v32 =	vor.u32 v7, v32  }
0x395: {  	v44 =	vand.u32 $0x5F, v32;
	v31 =	vand.u32 $0x3F80, v43;
	v22 =	vshrl.u32 v22, $0xA  }
0x396: {  	v31 =	vor.u32 v31, v44;
	v45 =	vand.u32 $0x3FC0, v22  }
0x397: {  	v46 =	vor.u32 v7, v45  }
0x398: {  	v22 =	vand.u32 $0x3F80, v22;
	v38 =	vand.u32 $0x5F, v46;
	v28 =	vshrl.u32 v28, $0xA  }
0x399: {  	[tilespmem:v33+s12+$0x0] =	vst.idx.add.s32.msk $0xffff, v4;
	v22 =	vor.u32 v22, v38;
	v47 =	vand.u32 $0x3FC0, v28  }
0x39a: {  	v38 =	vld [tilespmem:s20+$0x20];
	v33 =	vor.u32 v7, v47  }
0x39b: {  	[tilespmem:v31+s12+$0x0] =	vst.idx.add.s32.msk $0xffff, v4;
	v28 =	vand.u32 $0x3F80, v28;
	v39 =	vand.u32 $0x5F, v33  }
0x39c: {  	v31 =	vld [tilespmem:s20+$0xFFFFFFE0];
	v28 =	vor.u32 v28, v39;
	_ =	sdelay $0x1  }
0x39d: {  	v35 =	vor.u32 v35, v36;
	v51 =	vshll.u32 v32, $0x11;
	[tilespmem:v22+s12+$0x0] =	vst.idx.add.s32.msk $0xffff, v4  }
0x39e: {  	v26 =	vshll.u32 v26, $0x11;
	v21 =	vor.u32 v21, v51;
	v22 =	vshrl.u32 v38, $0x9;
	v39 =	vld [tilespmem:s21+$0x20]  }
0x39f: {  	v30 =	vshrl.u32 v30, $0xA;
	[tilespmem:s20+$0xFFFFFFD0] =	vst v21;
	v21 =	vshll.u32 v46, $0x11;
	v22 =	vadd.s32 v38, v22  }
0x3a0: {  	v53 =	vand.u32 $0x3FC0, v30;
	v21 =	vor.u32 v34, v21;
	v48 =	vshrl.u32 v31, $0x9;
	[tilespmem:v28+s12+$0x0] =	vst.idx.add.s32.msk $0xffff, v4  }
0x3a1: {  	v20 =	vor.u32 v20, v26;
	v50 =	vadd.s32 v31, v48;
	[tilespmem:s21+$0x10] =	vst v21;
	v21 =	vor.u32 v10, v53;
	v49 =	vld [tilespmem:s21+$0xFFFFFFE0]  }
0x3a2: {  	[tilespmem:s20+$0x10] =	vst v20;
	v30 =	vand.u32 $0x3F80, v30;
	v34 =	vand.u32 $0x6F, v21  }
0x3a3: {  	[tilespmem:v35+s12+$0x0] =	vst.idx.add.s32.msk $0xffff, v4;
	v30 =	vor.u32 v30, v34;
	v20 =	vshrl.u32 v39, $0x9  }
0x3a4: {  	v22 =	vld.idx.msk [tilespmem:v22+s23+$0x0], $0xffff;
	v20 =	vadd.s32 v39, v20  }
0x3a5: {  	v32 =	vld [tilespmem:s19+$0x30]  }
0x3a6: {  	v26 =	vld.idx.msk [tilespmem:v50+s23+$0x0], $0xffff;
	v52 =	vshrl.u32 v49, $0x9  }
0x3a7: {  	v28 =	vadd.s32 v49, v52  }
0x3a8: {  	v25 =	vshll.u32 v25, $0x11;
	[tilespmem:v30+s12+$0x0] =	vst.idx.add.s32.msk $0xffff, v4  }
0x3a9: {  	v17 =	vor.u32 v17, v25;
	v33 =	vshll.u32 v33, $0x11;
	v22 =	vshrl.u32 v22, $0xA;
	v20 =	vld.idx.msk [tilespmem:v20+s22+$0x0], $0xffff  }
0x3aa: {  	v57 =	vshrl.u32 v32, $0x9;
	v24 =	vor.u32 v63, v33;
	v42 =	vld [tilespmem:s19+$0xFFFFFFF0];
	v54 =	vand.u32 $0x3FC0, v22  }
0x3ab: {  	v34 =	vadd.s32 v32, v57;
	[tilespmem:s21+$0xFFFFFFD0] =	vst v24;
	v26 =	vshrl.u32 v26, $0xA;
	v55 =	vor.u32 v10, v54  }
0x3ac: {  	v58 =	vand.u32 $0x3FC0, v26;
	v22 =	vand.u32 $0x3F80, v22;
	v56 =	vand.u32 $0x6F, v55;
	v28 =	vld.idx.msk [tilespmem:v28+s22+$0x0], $0xffff  }
0x3ad: {  	v21 =	vshll.u32 v21, $0x11;
	v24 =	vor.u32 v10, v58;
	v22 =	vor.u32 v22, v56  }
0x3ae: {  	v26 =	vand.u32 $0x3F80, v26;
	v59 =	vand.u32 $0x6F, v24;
	v20 =	vshrl.u32 v20, $0xA  }
0x3af: {  	v26 =	vor.u32 v26, v59;
	v50 =	vshrl.u32 v42, $0x9;
	v60 =	vand.u32 $0x3FC0, v20  }
0x3b0: {  	[tilespmem:s19+$0x20] =	vst v17;
	v63 =	vand.u32 $0x3F80, v29;
	v29 =	vadd.s32 v42, v50;
	v61 =	vor.u32 v10, v60  }
0x3b1: {  	v37 =	vld.idx.msk [tilespmem:v34+s24+$0x0], $0xffff;
	v20 =	vand.u32 $0x3F80, v20;
	v62 =	vand.u32 $0x6F, v61;
	v28 =	vshrl.u32 v28, $0xA  }
0x3b2: {  	v19 =	vor.u32 v19, v21;
	[tilespmem:v22+s12+$0x0] =	vst.idx.add.s32.msk $0xffff, v4;
	v20 =	vor.u32 v20, v62;
	v22 =	vand.u32 $0x3FC0, v28  }
0x3b3: {  	[tilespmem:s19+$0xFFFFFFE0] =	vst v19;
	v17 =	vld [tilespmem:s20+$0x30];
	v21 =	vor.u32 v10, v22  }
0x3b4: {  	[tilespmem:v26+s12+$0x0] =	vst.idx.add.s32.msk $0xffff, v4;
	v19 =	vand.u32 $0x3F80, v28;
	v40 =	vand.u32 $0x6F, v21  }
0x3b5: {  	v41 =	vshrl.u32 v18, $0x9;
	v47 =	vld [tilespmem:s20+$0xFFFFFFF0];
	v19 =	vor.u32 v19, v40  }
0x3b6: {  	v23 =	vshrl.u32 v23, $0xA;
	v43 =	vshll.u32 v27, $0x11;
	v25 =	vadd.s32 v18, v41;
	v29 =	vld.idx.msk [tilespmem:v29+s24+$0x0], $0xffff  }
0x3b7: {  	v44 =	vand.u32 $0x3FC0, v23;
	v24 =	vshll.u32 v24, $0x11;
	v51 =	vshll.u32 v55, $0x11;
	[tilespmem:v20+s12+$0x0] =	vst.idx.add.s32.msk $0xffff, v4  }
0x3b8: {  	v24 =	vor.u32 v31, v24;
	v31 =	vor.u32 v38, v51;
	v45 =	vshrl.u32 v17, $0x9;
	v46 =	vld [tilespmem:s21+$0x30]  }
0x3b9: {  	v16 =	vor.u32 v16, v43;
	[tilespmem:s20+$0x20] =	vst v31;
	v56 =	vshll.u32 v61, $0x11;
	v26 =	vadd.s32 v17, v45  }
0x3ba: {  	v23 =	vand.u32 $0x3F80, v23;
	v31 =	vor.u32 v39, v56;
	v55 =	vshrl.u32 v47, $0x9;
	[tilespmem:v19+s12+$0x0] =	vst.idx.add.s32.msk $0xffff, v4  }
0x3bb: {  	v29 =	vshrl.u32 v29, $0xA;
	v22 =	vand.u32 $0x7F, v27;
	v21 =	vshll.u32 v21, $0x11;
	v19 =	vld.idx.msk [tilespmem:v25+s25+$0x0], $0xffff  }
0x3bc: {  	v22 =	vor.u32 v63, v22;
	v21 =	vor.u32 v49, v21;
	v49 =	vshrl.u32 v37, $0xA;
	v52 =	vld [tilespmem:s21+$0xFFFFFFF0]  }
0x3bd: {  	v20 =	vor.u32 v13, v44;
	v53 =	vshrl.u32 v46, $0x9;
	[tilespmem:s21+$0xFFFFFFE0] =	vst v21;
	v21 =	vand.u32 $0x3FC0, v49  }
0x3be: {  	v48 =	vand.u32 $0x7F, v20;
	v26 =	vld.idx.msk [tilespmem:v26+s23+$0x0], $0xffff;
	v28 =	vadd.s32 v46, v53;
	v21 =	vor.u32 v13, v21  }
0x3bf: {  	v20 =	vshll.u32 v20, $0x11;
	v25 =	vand.u32 $0x3F80, v49;
	v54 =	vand.u32 $0x7F, v21  }
0x3c0: {  	v15 =	vor.u32 v15, v20;
	v20 =	vor.u32 v25, v54;
	v25 =	vadd.s32 v47, v55  }
0x3c1: {  	v23 =	vor.u32 v23, v48;
	v19 =	vshrl.u32 v19, $0xA;
	v57 =	vshrl.u32 v52, $0x9  }
0x3c2: {  	[tilespmem:s21+$0x20] =	vst v31;
	v21 =	vshll.u32 v21, $0x11;
	v58 =	vand.u32 $0x3FC0, v19;
	v59 =	vadd.s32 v52, v57  }
0x3c3: {  	[tilespmem:s20+$0xFFFFFFE0] =	vst v24;
	v21 =	vor.u32 v32, v21;
	v26 =	vshrl.u32 v26, $0xA;
	v28 =	vld.idx.msk [tilespmem:v28+s22+$0x0], $0xffff;
	v32 =	vor.u32 v13, v58  }
0x3c4: {  	[tilespmem:v22+s12+$0x0] =	vst.idx.add.s32.msk $0xffff, v4;
	v60 =	vand.u32 $0x3FC0, v26;
	v19 =	vand.u32 $0x3F80, v19;
	v22 =	vand.u32 $0x7F, v32  }
0x3c5: {  	v32 =	vshll.u32 v32, $0x11;
	v19 =	vor.u32 v19, v22;
	v22 =	vor.u32 v13, v60;
	v25 =	vld.idx.msk [tilespmem:v25+s23+$0x0], $0xffff  }
0x3c6: {  	[tilespmem:v23+s12+$0x0] =	vst.idx.add.s32.msk $0xffff, v4;
	v23 =	vand.u32 $0x3F80, v26;
	v18 =	vor.u32 v18, v32;
	v61 =	vand.u32 $0x7F, v22  }
0x3c7: {  	[tilespmem:s18+$0x30] =	vst v16;
	v22 =	vshll.u32 v22, $0x11;
	v16 =	vor.u32 v23, v61;
	v23 =	vand.u32 $0x3FC0, v29;
	v62 =	vld.idx.msk [tilespmem:v59+s22+$0x0], $0xffff  }
0x3c8: {  	[tilespmem:s17+$0xFFFFFFF0] =	vst v15;
	v15 =	vor.u32 v17, v22;
	v22 =	vshrl.u32 v28, $0xA;
	v17 =	vor.u32 v13, v23  }
0x3c9: {  	[tilespmem:v20+s12+$0x0] =	vst.idx.add.s32.msk $0xffff, v4;
	v20 =	vand.u32 $0x3F80, v29;
	v28 =	vand.u32 $0x3FC0, v22;
	v23 =	vand.u32 $0x7F, v17  }
0x3ca: {  	[tilespmem:s19+$0x30] =	vst v21;
	v21 =	vor.u32 v13, v28;
	v20 =	vor.u32 v20, v23;
	v23 =	vshrl.u32 v25, $0xA  }
0x3cb: {  	[tilespmem:v19+s12+$0x0] =	vst.idx.add.s32.msk $0xffff, v4;
	v19 =	vand.u32 $0x3F80, v22;
	v22 =	vand.u32 $0x7F, v21;
	v25 =	vand.u32 $0x3FC0, v23  }
0x3cc: {  	[tilespmem:s18+$0xFFFFFFF0] =	vst v18;
	v18 =	vor.u32 v19, v22;
	v19 =	vor.u32 v13, v25;
	v22 =	vshrl.u32 v62, $0xA  }
0x3cd: {  	[tilespmem:v16+s12+$0x0] =	vst.idx.add.s32.msk $0xffff, v4;
	v16 =	vand.u32 $0x3F80, v23;
	v23 =	vand.u32 $0x7F, v19;
	v63 =	vand.u32 $0x3FC0, v22  }
0x3ce: {  	[tilespmem:s20+$0x30] =	vst v15;
	v15 =	vshll.u32 v17, $0x11;
	v16 =	vor.u32 v16, v23;
	v17 =	vor.u32 v13, v63  }
0x3cf: {  	v15 =	vor.u32 v42, v15;
	[tilespmem:v20+s12+$0x0] =	vst.idx.add.s32.msk $0xffff, v4;
	v20 =	vand.u32 $0x3F80, v22;
	v22 =	vand.u32 $0x7F, v17  }
0x3d0: {  	[tilespmem:s19+$0xFFFFFFF0] =	vst v15;
	v15 =	vshll.u32 v21, $0x11;
	v20 =	vor.u32 v20, v22  }
0x3d1: {  	[tilespmem:v18+s12+$0x0] =	vst.idx.add.s32.msk $0xffff, v4;
	v15 =	vor.u32 v46, v15  }
0x3d2: {  	[tilespmem:s21+$0x30] =	vst v15;
	v15 =	vshll.u32 v19, $0x11  }
0x3d3: {  	v15 =	vor.u32 v47, v15;
	[tilespmem:v16+s12+$0x0] =	vst.idx.add.s32.msk $0xffff, v4  }
0x3d4: {  	[tilespmem:s20+$0xFFFFFFF0] =	vst v15;
	v15 =	vshll.u32 v17, $0x11  }
0x3d5: {  	v15 =	vor.u32 v52, v15;
	[tilespmem:v20+s12+$0x0] =	vst.idx.add.s32.msk $0xffff, v4  }
0x3d6: {  	s18 =	simm.s32 $0x180A0;
	[tilespmem:s21+$0xFFFFFFF0] =	vst v15  }
0x3d7: {  	v17 =	vld [tilespmem:s18+$0xFFFFFFE0]  }
0x3d8: {  	v19 =	vld [tilespmem:s18+$0xFFFFFFF0]  }
0x3d9: {  	p4 =	por $0x1, $0x1;
	v23 =	vld [tilespmem:s18+$0x0]  }
.Ltmp21:
0x3da: {  	_ = 	snop;
	(pc) =	sbr.rel @!p4 .LBB2_41-.Ltmp21, $4  }
0x3db: {  	_ = 	snop  }
0x3dc: {  	(xrf0) =	vadd.scan.msk.s32 $0xffff, v17  }
0x3dd: {  	p1 =	por $0x0, $0x0;
	(xrf0) =	vadd.scan.msk.s32 $0xffff, v19  }
0x3de: {  	p2 =	por $0x0, $0x0;
	p3 =	por $0x0, $0x0;
	s17 =	simm.s32 $0x180E0;
	v22 =	vld [tilespmem:s18+$0x10];
	(xrf0) =	vadd.scan.msk.s32 $0xffff, v23  }
0x3df: {  	_ =	sdelay $0x1  }
0x3e0: {  	v15 =	vld [tilespmem:s17+$0xFFFFFFE0];
	_ =	sdelay $0x1  }
0x3e1: {  	v21 =	vld [tilespmem:s17+$0xFFFFFFF0];
	v18, _, _ =	vpop (xrf0);
	(xrf0) =	vadd.scan.msk.s32 $0xffff, v22  }
0x3e2: {  	v20 =	vxor.u32 $0x80000000, v18  }
0x3e3: {  	v16 =	vld [tilespmem:s17+$0x0];
	p4 =	por $0x1, $0x1;
	v24, _, _ =	vpop (xrf0);
	(xrf0) =	vmax.scan.msk.u32 $0xffff, v20  }
.Ltmp22:
0x3e4: {  	v20 =	vxor.u32 $0x80000000, v24;
	(xrf0) =	vadd.scan.msk.s32 $0xffff, v15;
	(pc) =	sbr.rel @!p4 .LBB2_43-.Ltmp22, $4  }
0x3e5: {  	v25, _, _ =	vpop (xrf0);
	(xrf0) =	vmax.scan.msk.u32 $0xffff, v20  }
0x3e6: {  	v26 =	vxor.u32 $0x80000000, v25;
	(xrf0) =	vadd.scan.msk.s32 $0xffff, v21  }
0x3e7: {  	v20 =	vsub.s32 v24, v19;
	(xrf0) =	vmax.scan.msk.u32 $0xffff, v26;
	v63, _, _ =	vpop (xrf0)  }
0x3e8: {  	s19 =	simm.s32 $0x18120;
	p1 =	por $0x1, $0x1;
	v19 =	vsub.s32 v25, v23;
	v23 =	vld [tilespmem:s17+$0x10];
	(xrf0) =	vadd.scan.msk.s32 $0xffff, v16;
	v22 =	vsub.s32 v63, v22;
	v33 =	vxor.u32 $0x80000000, v63  }
0x3e9: {  	v24, _, _ =	vpop (xrf0)  }
0x3ea: {  	(xrf0) =	vmax.scan.msk.u32 $0xffff, v33;
	v27, _, _ =	vpop (xrf0)  }
0x3eb: {  	v26 =	vxor.u32 $0x80000000, v27  }
0x3ec: {  	v25, _, _ =	vpop (xrf0)  }
0x3ed: {  	(v2sf) =	vpush v24, $0xF;
	v29, _, _ =	vpop (xrf0);
	(xrf0) =	vadd.scan.msk.s32 $0xffff, v23  }
0x3ee: {  	(v2sf) =	vpush v25, $0xF;
	(xrf0) =	vmax.scan.msk.u32 $0xffff, v26;
	v26, _, _ =	vpop (xrf0)  }
0x3ef: {  	v32, _, _ =	vpop (xrf0);
	(v2sf) =	vpush v26, $0xF  }
0x3f0: {  	v25, _, _ =	vpop (xrf0)  }
0x3f1: {  	(v2sf) =	vpush v25, $0xF;
	_ =	sdelay $0x1  }
0x3f2: {  	v30 =	vld [tilespmem:s19+$0xFFFFFFE0];
	_ =	sdelay $0x1  }
0x3f3: {  	v39 =	vld [tilespmem:s19+$0xFFFFFFF0];
	_ =	sdelay $0x1  }
0x3f4: {  	v28 =	vld [tilespmem:s19+$0x0];
	p4 =	por $0x1, $0x1  }
.Ltmp23:
0x3f5: {  	v31 =	vxor.u32 $0x80000000, v29;
	(xrf0) =	vadd.scan.msk.s32 $0xffff, v30;
	(pc) =	sbr.rel @!p4 .LBB2_45-.Ltmp23, $4  }
0x3f6: {  	(xrf0) =	vmax.scan.msk.u32 $0xffff, v31  }
0x3f7: {  	v31 =	vxor.u32 $0x80000000, v32;
	(xrf0) =	vadd.scan.msk.s32 $0xffff, v39  }
0x3f8: {  	v26 =	vsub.s32 v32, v16;
	(xrf0) =	vmax.scan.msk.u32 $0xffff, v31;
	v16, _, _ =	vpop (xrf0)  }
0x3f9: {  	s21 =	simm.s32 $0x18160;
	p2 =	por $0x1, $0x1;
	v24 =	vsub.s32 v29, v21;
	v29 =	vld [tilespmem:s19+$0x10];
	(xrf0) =	vadd.scan.msk.s32 $0xffff, v28;
	v25 =	vsub.s32 v16, v23;
	v33 =	vxor.u32 $0x80000000, v16  }
0x3fa: {  	v23, _, _ =	vpop (xrf0);
	(xrf0) =	vmax.scan.msk.u32 $0xffff, v33  }
0x3fb: {  	v32, _, _ =	vpop (xrf0)  }
0x3fc: {  	v34 =	vld [tilespmem:s21+$0xFFFFFFE0];
	v31, _, _ =	vpop (xrf0)  }
0x3fd: {  	v35, _, _ =	vpop (xrf0)  }
0x3fe: {  	v21 =	vld [tilespmem:s21+$0xFFFFFFF0];
	(v2sf) =	vpush v23, $0xF;
	(xrf0) =	vadd.scan.msk.s32 $0xffff, v29;
	v23, _, _ =	vpop (xrf0)  }
0x3ff: {  	v59 =	vxor.u32 $0x80000000, v32;
	(v2sf) =	vpush v31, $0xF;
	v31, _, _ =	vpop (xrf0)  }
0x400: {  	v16 =	vld [tilespmem:s21+$0x0];
	p4 =	por $0x1, $0x1;
	(xrf0) =	vmax.scan.msk.u32 $0xffff, v59;
	(v2sf) =	vpush v23, $0xF;
	v23, _, _ =	vpop (xrf0)  }
.Ltmp24:
0x401: {  	v61 =	vsub.s32 s16, v17;
	s20 =	spop (v2sf);
	v60 =	vxor.u32 $0x80000000, v35;
	(xrf0) =	vadd.scan.msk.s32 $0xffff, v34;
	(v2sf) =	vpush v23, $0xF;
	(pc) =	sbr.rel @!p4 .LBB2_47-.Ltmp24, $4  }
0x402: {  	v62 =	vadd.s32 v18, v61;
	s20 =	sadd.s32 $0x0, s20;
	(xrf0) =	vmax.scan.msk.u32 $0xffff, v60  }
0x403: {  	[tilespmem:s18+$0xFFFFFFE0] =	vst v62;
	s20 =	sadd.s32 $0x80000000, s20;
	v63 =	vxor.u32 $0x80000000, v31;
	(xrf0) =	vadd.scan.msk.s32 $0xffff, v21  }
0x404: {  	s23 =	simm.s32 $0xC;
	s24 =	simm.s32 $0x181A0;
	s22 =	spop (v2sf);
	v37 =	vsub.s32 v35, v39;
	v41 =	vsub.s32 v31, v28;
	v31 =	vadd.s32 s20, v20;
	v23 =	vld [tilespmem:s21+$0x10];
	(xrf0) =	vmax.scan.msk.u32 $0xffff, v63;
	v28, _, _ =	vpop (xrf0)  }
0x405: {  	p3 =	por $0x1, $0x1;
	s22 =	sadd.s32 s22, s20;
	s20 =	simm.s32 $0x180A0;
	(xrf0) =	vadd.scan.msk.s32 $0xffff, v16;
	v42 =	vsub.s32 v28, v29;
	v33 =	vxor.u32 $0x80000000, v28;
	v28 =	vmovc v19;
	v29 =	vmov v22  }
.LBB2_48:
0x406: {  	v36, _, _ =	vpop (xrf0);
	(xrf0) =	vmax.scan.msk.u32 $0xffff, v33  }
0x407: {  	v35 =	vld [tilespmem:s24+$0xFFFFFFE0];
	[tilespmem:s20+$0xFFFFFFF0] =	vst v31;
	s22 =	sadd.s32 $0x80000000, s22;
	s25 =	spop (v2sf);
	v31 =	vmovc v16;
	v38 =	vmovc v24;
	v24 =	vmov v37;
	v33 =	vmov v25;
	v25 =	vmov v42  }
0x408: {  	s23 =	sadd.s32 $0x4, s23;
	v39, _, _ =	vpop (xrf0);
	(v2sf) =	vpush v36, $0xF;
	v16 =	vadd.s32 s22, v28;
	s22 =	sadd.s32 s25, s22;
	v28 =	vmov v26  }
0x409: {  	p4 =	slt.u32 s23, $0x3FC;
	v26 =	vmov v41;
	v36 =	vld [tilespmem:s24+$0xFFFFFFF0];
	(xrf0) =	vadd.scan.msk.s32 $0xffff, v23;
	v37, _, _ =	vpop (xrf0);
	[tilespmem:s20+$0x0] =	vst v16;
	s22 =	sadd.s32 $0x80000000, s22;
	s25 =	spop (v2sf);
	v40 =	vmov v23  }
0x40a: {  	v23 =	vxor.u32 $0x80000000, v39;
	v41, _, _ =	vpop (xrf0);
	(v2sf) =	vpush v37, $0xF;
	v42 =	vadd.s32 s22, v29;
	s22 =	sadd.s32 s25, s22  }
0x40b: {  	v29 =	vmov v33;
	v16 =	vld [tilespmem:s24+$0x0];
	v37 =	vsub.s32 v41, v21;
	(xrf0) =	vmax.scan.msk.u32 $0xffff, v23;
	v21, _, _ =	vpop (xrf0);
	[tilespmem:s20+$0x10] =	vst v42;
	s22 =	sadd.s32 $0x80000000, s22  }
.Ltmp25:
0x40c: {  	v23 =	vxor.u32 $0x80000000, v41;
	s20 =	smov.u32 s17;
	s17 =	smov.u32 s19;
	(xrf0) =	vadd.scan.msk.s32 $0xffff, v35;
	v33, _, _ =	vpop (xrf0);
	(v2sf) =	vpush v21, $0xF;
	v42 =	vsub.s32 s22, v15;
	(pc) =	sbr.rel @p4 .LBB2_48-.Ltmp25, $4  }
0x40d: {  	s19 =	smov.u32 s21;
	s21 =	smov.u32 s24;
	v15 =	vmov v30;
	v41 =	vsub.s32 v33, v31;
	(xrf0) =	vmax.scan.msk.u32 $0xffff, v23;
	v21, _, _ =	vpop (xrf0);
	v42 =	vadd.s32 v27, v42;
	s25 =	spop (v2sf)  }
0x40e: {  	v30 =	vmovc v34;
	v31 =	vxor.u32 $0x80000000, v33;
	v23 =	vld [tilespmem:s24+$0x10];
	(xrf0) =	vadd.scan.msk.s32 $0xffff, v36;
	(v2sf) =	vpush v21, $0xF;
	[tilespmem:s20+$0xFFFFFFE0] =	vst v42;
	s22 =	sadd.s32 s25, s22  }
0x40f: {  	v34 =	vmov v35;
	v27 =	vmov v32;
	v32 =	vmov v39;
	(xrf0) =	vmax.scan.msk.u32 $0xffff, v31;
	v21, _, _ =	vpop (xrf0);
	s22 =	sadd.s32 $0x80000000, s22;
	s25 =	spop (v2sf)  }
0x410: {  	s24 =	sadd.s32 $0x40, s24;
	(xrf0) =	vadd.scan.msk.s32 $0xffff, v16;
	v42 =	vsub.s32 v21, v40;
	v33 =	vxor.u32 $0x80000000, v21;
	v31 =	vadd.s32 s22, v38;
	s22 =	sadd.s32 s25, s22;
	v21 =	vmovc v36  }
0x411: {  	v35 =	vmov v24  }
0x412: {  	v36 =	vmovc v25;
	v38 =	vmovc v26;
	v39 =	vmov v15;
	v40 =	vmov v27;
	v24 =	vmov v37  }
0x413: {  	s23 =	smov.u32 s17;
	v25 =	vmovc v42;
	v26 =	vmovc v41;
	v37 =	vmov v30;
	s17 =	smov.u32 s21;
	v15 =	vmov v34;
	v27 =	vmov v32  }
.LBB2_50:
0x414: {  	v30, _, _ =	vpop @p1 (xrf0)  }
0x415: {  	(xrf0) =	vmax.scan.msk.u32 @p1 $0xffff, v33;
	s21 =	sadd.s32 @p3 $0x80000000, s22;
	s22 =	spop @p3 (v2sf);
	v32, _, _ =	vpop (xrf0);
	(v2sf) =	vpush @p1 v30, $0xF  }
0x416: {  	s22 =	sadd.s32 @p3 s22, s21;
	v30, _, _ =	vpop @p1 (xrf0)  }
0x417: {  	(xrf0) =	vadd.scan.msk.s32 $0xffff, v23;
	s24 =	spop @p3 (v2sf);
	s22 =	sadd.s32 @p3 $0x80000000, s22;
	v53 =	vxor.u32 $0x80000000, v32;
	(v2sf) =	vpush @p1 v30, $0xF  }
0x418: {  	v54, _, _ =	vpop (xrf0);
	s24 =	sadd.s32 @p3 s24, s22;
	(xrf0) =	vmax.scan.msk.u32 $0xffff, v53  }
0x419: {  	s25 =	simm.s32 $0x0;
	v33, _, _ =	vpop @p1 (xrf0);
	s24 =	sadd.s32 @p3 $0x80000000, s24;
	v34 =	vxor.u32 $0x80000000, v54  }
0x41a: {  	v41, _, _ =	vpop (xrf0);
	(v2sf) =	vpush @p1 v33, $0xF;
	s25 =	smov.u32 @p3 s24;
	(xrf0) =	vmax.scan.msk.u32 $0xffff, v34;
	s24 =	spop @p2 (v2sf)  }
0x41b: {  	v33, _, _ =	vpop @p1 (xrf0);
	v55 =	vxor.u32 $0x80000000, v41;
	s24 =	sadd.s32 @p2 s24, s25  }
0x41c: {  	s26 =	spop @p2 (v2sf);
	(v2sf) =	vpush @p1 v33, $0xF;
	(xrf0) =	vmax.scan.msk.u32 $0xffff, v55;
	s24 =	sadd.s32 @p2 $0x80000000, s24  }
0x41d: {  	v56, _, _ =	vpop (xrf0);
	s26 =	sadd.s32 @p2 s26, s24  }
0x41e: {  	s26 =	smov.u32 @p2 s26;
	v57, _, _ =	vpop (xrf0)  }
0x41f: {  	s28 =	spop @p2 (v2sf);
	v58 =	vxor.u32 $0x80000000, v56;
	(v2sf) =	vpush v57, $0xF;
	s26 =	sadd.s32 @p2 $0x80000000, s26  }
0x420: {  	(xrf0) =	vmax.scan.msk.u32 $0xffff, v58;
	s28 =	sadd.s32 @p2 s28, s26;
	v59, _, _ =	vpop (xrf0)  }
0x421: {  	s29 =	spop @p2 (v2sf);
	s28 =	sadd.s32 @p2 $0x80000000, s28;
	(v2sf) =	vpush v59, $0xF  }
0x422: {  	s29 =	sadd.s32 @p2 s29, s28;
	v60, _, _ =	vpop (xrf0)  }
0x423: {  	s30 =	simm.s32 $0x0;
	s29 =	sadd.s32 @p2 $0x80000000, s29;
	(v2sf) =	vpush v60, $0xF  }
0x424: {  	s30 =	smov.u32 @p2 s29;
	s29 =	spop @p1 (v2sf)  }
0x425: {  	s29 =	sadd.s32 @p1 s29, s30  }
0x426: {  	v28 =	vadd.s32 @p3 s21, v28;
	v61, _, _ =	vpop (xrf0);
	s29 =	sadd.s32 @p1 $0x80000000, s29;
	s31 =	spop @p1 (v2sf)  }
0x427: {  	[tilespmem:s20+$0xFFFFFFF0] =	vst @p3 v31;
	(v2sf) =	vpush v61, $0xF;
	s21 =	sadd.s32 @p1 s31, s29  }
0x428: {  	[tilespmem:s20+$0x0] =	vst @p3 v28;
	v29 =	vadd.s32 @p3 s22, v29;
	s21 =	smov.u32 @p1 s21  }
0x429: {  	v20 =	vpsel p1, v24, v20;
	v28 =	vmov @p2 v35;
	[tilespmem:s20+$0x10] =	vst @p3 v29;
	v29 =	vsub.s32 @p2 s25, v39;
	s20 =	sadd.s32 @p1 $0x80000000, s21;
	s21 =	spop @p1 (v2sf)  }
0x42a: {  	v22 =	vpsel p1, v25, v22;
	s22 =	smov.u32 @p2 s23;
	v34 =	vmovc @p2 v38;
	v29 =	vadd.s32 @p2 v40, v29;
	v28 =	vadd.s32 @p2 s24, v28;
	s21 =	sadd.s32 @p1 s21, s20  }
0x42b: {  	v31 =	vmovc @p2 v36;
	v35 =	vmov @p1 v37;
	v34 =	vpsel p2, v34, v0;
	[tilespmem:s22+$0xFFFFFFE0] =	vst @p2 v29;
	s22 =	smov.u32 @p2 s22;
	v28 =	vpsel p2, v28, v0;
	s23 =	spop @p1 (v2sf);
	s21 =	sadd.s32 @p1 $0x80000000, s21  }
0x42c: {  	v31 =	vpsel p2, v31, v0;
	v17 =	vpsel p1, v35, v17;
	[tilespmem:s22+$0xFFFFFFF0] =	vst @p2 v28;
	v34 =	vadd.s32 @p2 s26, v34;
	s23 =	sadd.s32 @p1 s23, s21  }
0x42d: {  	s18 =	smov.u32 @p1 s19;
	v18 =	vpsel p1, v27, v18;
	[tilespmem:s22+$0x0] =	vst @p2 v34;
	v29 =	vadd.s32 @p2 s28, v31;
	v17 =	vsub.s32 @p1 s30, v17;
	s19 =	sadd.s32 @p1 $0x80000000, s23  }
0x42e: {  	v19 =	vpsel p1, v26, v19;
	[tilespmem:s22+$0x10] =	vst @p2 v29;
	v17 =	vadd.s32 @p1 v18, v17;
	v18 =	vadd.s32 @p1 s29, v20;
	s25 =	spop (v2sf);
	s16 =	smov.u32 @p1 s19  }
0x42f: {  	[tilespmem:s18+$0xFFFFFFE0] =	vst @p1 v17;
	s18 =	smov.u32 @p1 s18;
	v20 =	vmov @p1 v22;
	v17 =	vpsel p1, v18, v0;
	v18 =	vpsel p1, v19, v0;
	s19 =	sadd.s32 s25, s16  }
0x430: {  	v19 =	vpsel p1, v20, v0;
	[tilespmem:s18+$0xFFFFFFF0] =	vst @p1 v17;
	v17 =	vadd.s32 @p1 s20, v18;
	s26 =	spop (v2sf);
	s19 =	sadd.s32 $0x80000000, s19  }
0x431: {  	[tilespmem:s18+$0x0] =	vst @p1 v17;
	v17 =	vadd.s32 @p1 s21, v19;
	v15 =	vsub.s32 s16, v15;
	s28 =	sadd.s32 s26, s19  }
0x432: {  	v62 =	vsub.s32 v54, v21;
	[tilespmem:s18+$0x10] =	vst @p1 v17;
	v15 =	vadd.s32 v32, v15;
	s29 =	spop (v2sf);
	s16 =	sadd.s32 $0x80000000, s28  }
0x433: {  	v16 =	vsub.s32 v41, v16;
	[tilespmem:s17+$0xFFFFFFE0] =	vst v15;
	v15 =	vadd.s32 s19, v62;
	s18 =	sadd.s32 s29, s16  }
0x434: {  	v63 =	vsub.s32 v56, v23;
	[tilespmem:s17+$0xFFFFFFF0] =	vst v15;
	v15 =	vadd.s32 s16, v16;
	s30 =	sadd.s32 $0x80000000, s18  }
0x435: {  	[tilespmem:s17+$0x0] =	vst v15;
	v15 =	vadd.s32 s30, v63  }
0x436: {  	s31 =	spop (v2sf);
	s16 =	simm.s32 $0xFFFFFFFE;
	[tilespmem:s17+$0x10] =	vst v15;
	s17 =	simm.s32 $0x100C0  }
.LBB2_51:
0x437: {  	v15 =	vld [tilespmem:s17+$0xFFFFFFC0]  }
0x438: {  	v16 =	vld [tilespmem:s17+$0xFFFFFFD0];
	_ =	sdelay $0x1  }
0x439: {  	v17 =	vld [tilespmem:s17+$0xFFFFFFE0];
	_ =	sdelay $0x1  }
0x43a: {  	v18 =	vld [tilespmem:s17+$0xFFFFFFF0];
	v19 =	vshrl.u32 v15, $0x11  }
0x43b: {  	v20 =	vshrl.u32 v16, $0x11;
	_ =	sdelay $0x1  }
0x43c: {  	v21 =	vshrl.u32 v17, $0x11;
	_ =	sdelay $0x1  }
0x43d: {  	v22 =	vshrl.u32 v18, $0x11;
	v23 =	vld.idx.msk [tilespmem:v19+s12+$0x0], $0xffff  }
0x43e: {  	v24 =	vld.idx.msk [tilespmem:v20+s12+$0x0], $0xffff;
	_ =	sdelay $0x1  }
0x43f: {  	v25 =	vld.idx.msk [tilespmem:v21+s12+$0x0], $0xffff;
	_ =	sdelay $0x1  }
0x440: {  	v26 =	vld.idx.msk [tilespmem:v22+s12+$0x0], $0xffff  }
0x441: {  	v27 =	vadd.s32 $0x1, v23;
	v28 =	vadd.s32 $0x1, v24;
	v29 =	vshll.u32 v23, $0x6  }
0x442: {  	v23 =	vshrl.u32 v23, $0x9;
	v30 =	vshll.u32 v24, $0x6;
	v24 =	vshrl.u32 v24, $0x9  }
0x443: {  	v36 =	vadd.s32 $0x1, v25;
	v37 =	vshll.u32 v25, $0x6;
	v29 =	vand.u32 $0x7FC0, v29  }
0x444: {  	v25 =	vshrl.u32 v25, $0x9;
	v35 =	vand.u32 $0x7FC0, v30;
	v23 =	vor.u32 v23, v29  }
0x445: {  	v39 =	vshll.u32 v26, $0x6;
	[tilespmem:v19+s12+$0x0] =	vst.idx.msk $0xffff, v27;
	v38 =	vand.u32 $0x7FC0, v37;
	v24 =	vor.u32 v24, v35  }
0x446: {  	v41 =	vshrl.u32 v26, $0x9;
	v40 =	vand.u32 $0x7FC0, v39;
	[tilespmem:v20+s12+$0x0] =	vst.idx.msk $0xffff, v28;
	v19 =	vor.u32 v25, v38  }
0x447: {  	v42 =	vadd.s32 $0x1, v26;
	v20 =	vor.u32 v41, v40;
	[tilespmem:v21+s12+$0x0] =	vst.idx.msk $0xffff, v36  }
0x448: {  	v15 =	vand.u32 $0x1FFFF, v15;
	[tilespmem:v22+s12+$0x0] =	vst.idx.msk $0xffff, v42  }
0x449: {  	[tilespmem:v23+s13+$0x0] =	vst.idx.msk $0xffff, v15;
	v15 =	vand.u32 $0x1FFFF, v16  }
0x44a: {  	[tilespmem:v24+s13+$0x0] =	vst.idx.msk $0xffff, v15;
	v15 =	vand.u32 $0x1FFFF, v17  }
0x44b: {  	[tilespmem:v19+s13+$0x0] =	vst.idx.msk $0xffff, v15;
	v15 =	vand.u32 $0x1FFFF, v18  }
0x44c: {  	[tilespmem:v20+s13+$0x0] =	vst.idx.msk $0xffff, v15  }
0x44d: {  	v15 =	vld [tilespmem:s17+$0x0]  }
0x44e: {  	v43 =	vld [tilespmem:s17+$0x10];
	_ =	sdelay $0x1  }
0x44f: {  	v44 =	vld [tilespmem:s17+$0x20];
	_ =	sdelay $0x1  }
0x450: {  	v45 =	vld [tilespmem:s17+$0x30];
	v46 =	vshrl.u32 v15, $0x11  }
0x451: {  	v47 =	vshrl.u32 v43, $0x11;
	_ =	sdelay $0x1  }
0x452: {  	v48 =	vshrl.u32 v44, $0x11;
	_ =	sdelay $0x1  }
0x453: {  	v49 =	vshrl.u32 v45, $0x11;
	v23 =	vld.idx.msk [tilespmem:v46+s12+$0x0], $0xffff  }
0x454: {  	v24 =	vld.idx.msk [tilespmem:v47+s12+$0x0], $0xffff;
	_ =	sdelay $0x1  }
0x455: {  	v50 =	vld.idx.msk [tilespmem:v48+s12+$0x0], $0xffff;
	_ =	sdelay $0x1  }
0x456: {  	v51 =	vld.idx.msk [tilespmem:v49+s12+$0x0], $0xffff  }
0x457: {  	v52 =	vadd.s32 $0x1, v23;
	v53 =	vadd.s32 $0x1, v24;
	v54 =	vshll.u32 v23, $0x6  }
0x458: {  	v23 =	vshrl.u32 v23, $0x9;
	v55 =	vshll.u32 v24, $0x6;
	v24 =	vshrl.u32 v24, $0x9  }
0x459: {  	v57 =	vadd.s32 $0x1, v50;
	v58 =	vshll.u32 v50, $0x6;
	v29 =	vand.u32 $0x7FC0, v54  }
0x45a: {  	v25 =	vshrl.u32 v50, $0x9;
	v56 =	vand.u32 $0x7FC0, v55;
	v23 =	vor.u32 v23, v29  }
0x45b: {  	v60 =	vshll.u32 v51, $0x6;
	[tilespmem:v46+s12+$0x0] =	vst.idx.msk $0xffff, v52;
	v59 =	vand.u32 $0x7FC0, v58;
	v24 =	vor.u32 v24, v56  }
0x45c: {  	s16 =	sadd.s32 $0x2, s16;
	v62 =	vshrl.u32 v51, $0x9;
	v61 =	vand.u32 $0x7FC0, v60;
	[tilespmem:v47+s12+$0x0] =	vst.idx.msk $0xffff, v53;
	v19 =	vor.u32 v25, v59  }
0x45d: {  	p1 =	slt.u32 s16, $0x1FE;
	v63 =	vadd.s32 $0x1, v51;
	v20 =	vor.u32 v62, v61;
	[tilespmem:v48+s12+$0x0] =	vst.idx.msk $0xffff, v57  }
.Ltmp26:
0x45e: {  	v15 =	vand.u32 $0x1FFFF, v15;
	[tilespmem:v49+s12+$0x0] =	vst.idx.msk $0xffff, v63;
	(pc) =	sbr.rel @p1 .LBB2_51-.Ltmp26, $4  }
0x45f: {  	[tilespmem:v23+s13+$0x0] =	vst.idx.msk $0xffff, v15;
	v15 =	vand.u32 $0x1FFFF, v43  }
0x460: {  	[tilespmem:v24+s13+$0x0] =	vst.idx.msk $0xffff, v15;
	v15 =	vand.u32 $0x1FFFF, v44  }
0x461: {  	[tilespmem:v19+s13+$0x0] =	vst.idx.msk $0xffff, v15;
	v15 =	vand.u32 $0x1FFFF, v45  }
0x462: {  	s19 =	simm.s32 $0xFFFFFFF8;
	s18 =	simm.s32 $0x180C0;
	s17 =	sadd.s32 $0x80, s17;
	[tilespmem:v20+s13+$0x0] =	vst.idx.msk $0xffff, v15  }
0x463: {  	[tilespmem:s18+$0xFFFFFFC0] =	vst v3  }
0x464: {  	[tilespmem:s18+$0x30] =	vst v3  }
0x465: {  	[tilespmem:s18+$0x20] =	vst v3  }
0x466: {  	[tilespmem:s18+$0x10] =	vst v3  }
0x467: {  	[tilespmem:s18+$0x0] =	vst v3  }
0x468: {  	[tilespmem:s18+$0xFFFFFFF0] =	vst v3  }
0x469: {  	s16 =	sadd.s32 $0x8, s19;
	[tilespmem:s18+$0xFFFFFFE0] =	vst v3  }
.LBB2_53:
0x46a: {  	s16 =	sadd.s32 $0x8, s16;
	[tilespmem:s18+$0xFFFFFFD0] =	vst v3;
	s18 =	sadd.s32 $0x80, s18  }
0x46b: {  	[tilespmem:s18+$0xFFFFFFC0] =	vst v3;
	p1 =	slt.u32 s16, $0x3F8  }
0x46c: {  	[tilespmem:s18+$0x30] =	vst v3  }
.Ltmp27:
0x46d: {  	[tilespmem:s18+$0x20] =	vst v3;
	(pc) =	sbr.rel @p1 .LBB2_53-.Ltmp27, $4  }
0x46e: {  	[tilespmem:s18+$0x10] =	vst v3  }
0x46f: {  	[tilespmem:s18+$0x0] =	vst v3  }
0x470: {  	[tilespmem:s18+$0xFFFFFFF0] =	vst v3  }
0x471: {  	s17 =	simm.s32 $0x80C0;
	[tilespmem:s18+$0xFFFFFFE0] =	vst v3  }
0x472: {  	[tilespmem:s18+$0xFFFFFFD0] =	vst v3  }
0x473: {  	v15 =	vld [tilespmem:s17+$0x0];
	_ =	sdelay $0x4  }
0x474: {  	v16 =	vshrl.u32 v15, $0x9  }
0x475: {  	v16 =	vadd.s32 v15, v16;
	_ =	sdelay $0x1  }
0x476: {  	v17 =	vld [tilespmem:s17+$0xFFFFFFC0];
	_ =	sdelay $0x1  }
0x477: {  	s16 =	simm.s32 $0x0  }
0x478: {  	v16 =	vld.idx.msk [tilespmem:v16+s16+$0x0], $0xffff;
	_ =	sdelay $0x1  }
0x479: {  	v18 =	vshrl.u32 v17, $0x9  }
0x47a: {  	v18 =	vadd.s32 v17, v18;
	_ =	sdelay $0x1  }
0x47b: {  	v16 =	vshrl.u32 v16, $0x12  }
0x47c: {  	v19 =	vand.u32 $0x3FC0, v16  }
0x47d: {  	v19 =	vor.u32 v0, v19  }
0x47e: {  	v18 =	vld.idx.msk [tilespmem:v18+s16+$0x0], $0xffff;
	v16 =	vand.u32 $0x3F80, v16;
	v20 =	vand.u32 $0x4F, v19  }
0x47f: {  	v16 =	vor.u32 v16, v20;
	_ =	sdelay $0x2  }
0x480: {  	s18 =	simm.s32 $0x8140  }
0x481: {  	v18 =	vshrl.u32 v18, $0x12;
	v20 =	vld [tilespmem:s18+$0x0]  }
0x482: {  	v21 =	vand.u32 $0x3FC0, v18;
	[tilespmem:v16+s12+$0x0] =	vst.idx.add.s32.msk $0xffff, v4  }
0x483: {  	v16 =	vor.u32 v0, v21;
	v21 =	vld [tilespmem:s17+$0x10]  }
0x484: {  	v18 =	vand.u32 $0x3F80, v18;
	v22 =	vand.u32 $0x4F, v16  }
0x485: {  	v18 =	vor.u32 v18, v22  }
0x486: {  	v22 =	vshrl.u32 v20, $0x9  }
0x487: {  	v22 =	vadd.s32 v20, v22  }
0x488: {  	v23 =	vld [tilespmem:s18+$0xFFFFFFC0];
	v16 =	vshll.u32 v16, $0x11;
	v24 =	vshrl.u32 v21, $0x9  }
0x489: {  	v16 =	vor.u32 v17, v16;
	v17 =	vadd.s32 v21, v24  }
0x48a: {  	[tilespmem:v18+s12+$0x0] =	vst.idx.add.s32.msk $0xffff, v4  }
0x48b: {  	v18 =	vshll.u32 v19, $0x11;
	[tilespmem:s17+$0xFFFFFFC0] =	vst v16;
	v16 =	vld [tilespmem:s17+$0xFFFFFFD0]  }
0x48c: {  	v19 =	vld.idx.msk [tilespmem:v22+s16+$0x0], $0xffff;
	v15 =	vor.u32 v15, v18  }
0x48d: {  	v22 =	vshrl.u32 v23, $0x9;
	[tilespmem:s17+$0x0] =	vst v15  }
0x48e: {  	v18 =	vadd.s32 v23, v22;
	v15 =	vld.idx.msk [tilespmem:v17+s16+$0x0], $0xffff;
	_ =	sdelay $0x1  }
0x48f: {  	v17 =	vshrl.u32 v16, $0x9  }
0x490: {  	v19 =	vshrl.u32 v19, $0x12;
	v17 =	vadd.s32 v16, v17  }
0x491: {  	v22 =	vand.u32 $0x3FC0, v19  }
0x492: {  	v18 =	vld.idx.msk [tilespmem:v18+s16+$0x0], $0xffff;
	v22 =	vor.u32 v0, v22;
	v15 =	vshrl.u32 v15, $0x12  }
0x493: {  	v19 =	vand.u32 $0x3F80, v19;
	v24 =	vand.u32 $0x4F, v22;
	v25 =	vand.u32 $0x3FC0, v15  }
0x494: {  	v19 =	vor.u32 v19, v24;
	v24 =	vor.u32 v7, v25  }
0x495: {  	v15 =	vand.u32 $0x3F80, v15;
	v17 =	vld.idx.msk [tilespmem:v17+s16+$0x0], $0xffff;
	v25 =	vand.u32 $0x5F, v24  }
0x496: {  	v15 =	vor.u32 v15, v25  }
0x497: {  	s19 =	simm.s32 $0x81C0;
	v18 =	vshrl.u32 v18, $0x12  }
0x498: {  	v27 =	vld [tilespmem:s19+$0x0];
	v25 =	vand.u32 $0x3FC0, v18  }
0x499: {  	v25 =	vor.u32 v0, v25;
	[tilespmem:v19+s12+$0x0] =	vst.idx.add.s32.msk $0xffff, v4  }
0x49a: {  	v18 =	vand.u32 $0x3F80, v18;
	v19 =	vand.u32 $0x4F, v25;
	v28 =	vld [tilespmem:s18+$0x10];
	v17 =	vshrl.u32 v17, $0x12  }
0x49b: {  	v18 =	vor.u32 v18, v19;
	v19 =	vand.u32 $0x3FC0, v17;
	[tilespmem:v15+s12+$0x0] =	vst.idx.add.s32.msk $0xffff, v4  }
0x49c: {  	v15 =	vor.u32 v7, v19;
	v19 =	vld [tilespmem:s17+$0x20]  }
0x49d: {  	v26 =	vshrl.u32 v27, $0x9;
	v17 =	vand.u32 $0x3F80, v17;
	v29 =	vand.u32 $0x5F, v15  }
0x49e: {  	v26 =	vadd.s32 v27, v26;
	v25 =	vshll.u32 v25, $0x11;
	v17 =	vor.u32 v17, v29;
	v29 =	vld [tilespmem:s19+$0xFFFFFFC0]  }
0x49f: {  	v23 =	vor.u32 v23, v25;
	v25 =	vshrl.u32 v28, $0x9  }
0x4a0: {  	[tilespmem:v18+s12+$0x0] =	vst.idx.add.s32.msk $0xffff, v4;
	v18 =	vadd.s32 v28, v25  }
0x4a1: {  	v22 =	vshll.u32 v22, $0x11;
	[tilespmem:s18+$0xFFFFFFC0] =	vst v23;
	v23 =	vshrl.u32 v19, $0x9  }
0x4a2: {  	v20 =	vor.u32 v20, v22;
	v30 =	vld [tilespmem:s18+$0xFFFFFFD0];
	v23 =	vadd.s32 v19, v23  }
0x4a3: {  	[tilespmem:s18+$0x0] =	vst v20;
	v25 =	vld.idx.msk [tilespmem:v26+s16+$0x0], $0xffff;
	v26 =	vshrl.u32 v29, $0x9  }
0x4a4: {  	v22 =	vshll.u32 v24, $0x11;
	[tilespmem:v17+s12+$0x0] =	vst.idx.add.s32.msk $0xffff, v4;
	v17 =	vadd.s32 v29, v26  }
0x4a5: {  	v21 =	vor.u32 v21, v22;
	v18 =	vld.idx.msk [tilespmem:v18+s16+$0x0], $0xffff  }
0x4a6: {  	[tilespmem:s17+$0x10] =	vst v21  }
0x4a7: {  	v21 =	vshrl.u32 v30, $0x9;
	v22 =	vld.idx.msk [tilespmem:v23+s16+$0x0], $0xffff  }
0x4a8: {  	v15 =	vshll.u32 v15, $0x11;
	v21 =	vadd.s32 v30, v21;
	v23 =	vshrl.u32 v25, $0x12  }
0x4a9: {  	v15 =	vor.u32 v16, v15;
	v16 =	vld.idx.msk [tilespmem:v17+s16+$0x0], $0xffff;
	v17 =	vand.u32 $0x3FC0, v23  }
0x4aa: {  	v18 =	vshrl.u32 v18, $0x12;
	v17 =	vor.u32 v0, v17  }
0x4ab: {  	v20 =	vld [tilespmem:s17+$0xFFFFFFE0];
	v23 =	vand.u32 $0x3F80, v23;
	v26 =	vand.u32 $0x3FC0, v18;
	v25 =	vand.u32 $0x4F, v17  }
0x4ac: {  	v31 =	vor.u32 v7, v26;
	v23 =	vor.u32 v23, v25;
	v22 =	vshrl.u32 v22, $0x12  }
0x4ad: {  	v18 =	vand.u32 $0x3F80, v18;
	v21 =	vld.idx.msk [tilespmem:v21+s16+$0x0], $0xffff;
	v25 =	vand.u32 $0x5F, v31;
	v26 =	vand.u32 $0x3FC0, v22  }
0x4ae: {  	s20 =	simm.s32 $0x8240;
	v25 =	vor.u32 v18, v25;
	v32 =	vor.u32 v10, v26  }
0x4af: {  	[tilespmem:s17+$0xFFFFFFD0] =	vst v15;
	v18 =	vld [tilespmem:s20+$0x0];
	v16 =	vshrl.u32 v16, $0x12;
	v22 =	vand.u32 $0x3F80, v22;
	v15 =	vand.u32 $0x6F, v32  }
0x4b0: {  	v44 =	vld [tilespmem:s20+$0xFFFFFFC0];
	v24 =	vshrl.u32 v20, $0x9;
	v26 =	vand.u32 $0x3FC0, v16;
	v15 =	vor.u32 v22, v15  }
0x4b1: {  	v24 =	vadd.s32 v20, v24;
	v22 =	vor.u32 v0, v26;
	[tilespmem:v23+s12+$0x0] =	vst.idx.add.s32.msk $0xffff, v4  }
0x4b2: {  	v16 =	vand.u32 $0x3F80, v16;
	v21 =	vshrl.u32 v21, $0x12;
	v26 =	vand.u32 $0x4F, v22;
	v23 =	vld [tilespmem:s19+$0x10]  }
0x4b3: {  	[tilespmem:v25+s12+$0x0] =	vst.idx.add.s32.msk $0xffff, v4;
	v16 =	vor.u32 v16, v26;
	v26 =	vand.u32 $0x3FC0, v21  }
0x4b4: {  	v33 =	vshrl.u32 v18, $0x9;
	v25 =	vld [tilespmem:s18+$0x20];
	v26 =	vor.u32 v7, v26  }
0x4b5: {  	v21 =	vand.u32 $0x3F80, v21;
	v34 =	vand.u32 $0x5F, v26;
	[tilespmem:v15+s12+$0x0] =	vst.idx.add.s32.msk $0xffff, v4;
	v15 =	vadd.s32 v18, v33  }
0x4b6: {  	v24 =	vld.idx.msk [tilespmem:v24+s16+$0x0], $0xffff;
	v22 =	vshll.u32 v22, $0x11;
	v21 =	vor.u32 v21, v34  }
0x4b7: {  	v22 =	vor.u32 v29, v22;
	v43 =	vld [tilespmem:s17+$0x30];
	v29 =	vshrl.u32 v23, $0x9  }
0x4b8: {  	v17 =	vshll.u32 v17, $0x11;
	[tilespmem:v16+s12+$0x0] =	vst.idx.add.s32.msk $0xffff, v4;
	v16 =	vadd.s32 v23, v29  }
0x4b9: {  	v17 =	vor.u32 v27, v17;
	v29 =	vshrl.u32 v25, $0x9;
	[tilespmem:s19+$0xFFFFFFC0] =	vst v22;
	v22 =	vshll.u32 v26, $0x11;
	v26 =	vld [tilespmem:s19+$0xFFFFFFD0]  }
0x4ba: {  	[tilespmem:s19+$0x0] =	vst v17;
	v17 =	vshll.u32 v31, $0x11;
	v29 =	vadd.s32 v25, v29;
	v15 =	vld.idx.msk [tilespmem:v15+s16+$0x0], $0xffff  }
0x4bb: {  	v31 =	vshrl.u32 v44, $0x9;
	v17 =	vor.u32 v28, v17;
	v24 =	vshrl.u32 v24, $0x12;
	[tilespmem:v21+s12+$0x0] =	vst.idx.add.s32.msk $0xffff, v4  }
0x4bc: {  	v22 =	vor.u32 v30, v22;
	v30 =	vand.u32 $0x3FC0, v24;
	v35 =	vshrl.u32 v43, $0x9;
	v27 =	vld [tilespmem:s18+$0xFFFFFFE0]  }
0x4bd: {  	v21 =	vand.u32 $0x3F80, v24;
	v30 =	vor.u32 v10, v30;
	v24 =	vadd.s32 v43, v35;
	v16 =	vld.idx.msk [tilespmem:v16+s16+$0x0], $0xffff  }
0x4be: {  	v31 =	vadd.s32 v44, v31;
	[tilespmem:s18+$0x10] =	vst v17;
	v28 =	vand.u32 $0x6F, v30  }
0x4bf: {  	v32 =	vshll.u32 v32, $0x11;
	v17 =	vshll.u32 v30, $0x11;
	v21 =	vor.u32 v21, v28;
	v28 =	vld.idx.msk [tilespmem:v29+s16+$0x0], $0xffff  }
0x4c0: {  	v19 =	vor.u32 v19, v32;
	v17 =	vor.u32 v20, v17;
	v20 =	vshrl.u32 v26, $0x9  }
0x4c1: {  	[tilespmem:s17+$0x20] =	vst v19;
	v19 =	vadd.s32 v26, v20;
	v15 =	vshrl.u32 v15, $0x12;
	v29 =	vshrl.u32 v27, $0x9  }
0x4c2: {  	v20 =	vld.idx.msk [tilespmem:v24+s16+$0x0], $0xffff;
	v24 =	vand.u32 $0x3FC0, v15;
	v16 =	vshrl.u32 v16, $0x12;
	v15 =	vand.u32 $0x3F80, v15  }
0x4c3: {  	v30 =	vor.u32 v0, v24;
	v24 =	vadd.s32 v27, v29;
	v29 =	vld.idx.msk [tilespmem:v31+s16+$0x0], $0xffff;
	v45 =	vand.u32 $0x3FC0, v16  }
0x4c4: {  	v28 =	vshrl.u32 v28, $0x12;
	v16 =	vand.u32 $0x3F80, v16;
	v31 =	vand.u32 $0x4F, v30  }
0x4c5: {  	[tilespmem:v21+s12+$0x0] =	vst.idx.add.s32.msk $0xffff, v4;
	v46 =	vand.u32 $0x3FC0, v28;
	v21 =	vor.u32 v15, v31;
	v31 =	vor.u32 v7, v45  }
0x4c6: {  	[tilespmem:s17+$0xFFFFFFE0] =	vst v17;
	v28 =	vand.u32 $0x3F80, v28;
	v15 =	vld [tilespmem:s17+$0xFFFFFFF0];
	v32 =	vor.u32 v10, v46;
	v17 =	vand.u32 $0x5F, v31  }
0x4c7: {  	s21 =	simm.s32 $0x82C0;
	[tilespmem:s18+$0xFFFFFFD0] =	vst v22;
	v22 =	vand.u32 $0x6F, v32;
	v20 =	vshrl.u32 v20, $0x12;
	v16 =	vor.u32 v16, v17;
	v17 =	vld.idx.msk [tilespmem:v19+s16+$0x0], $0xffff  }
0x4c8: {  	v28 =	vor.u32 v28, v22;
	v22 =	vld [tilespmem:s21+$0x0];
	v19 =	vand.u32 $0x3FC0, v20;
	v29 =	vshrl.u32 v29, $0x12  }
0x4c9: {  	v24 =	vld.idx.msk [tilespmem:v24+s16+$0x0], $0xffff;
	v19 =	vor.u32 v13, v19;
	v36 =	vand.u32 $0x3FC0, v29  }
0x4ca: {  	v20 =	vand.u32 $0x3F80, v20;
	v47 =	vand.u32 $0x7F, v19;
	[tilespmem:v21+s12+$0x0] =	vst.idx.add.s32.msk $0xffff, v4;
	v48 =	vor.u32 v0, v36  }
0x4cb: {  	v29 =	vand.u32 $0x3F80, v29;
	v21 =	vor.u32 v20, v47;
	v20 =	vld [tilespmem:s20+$0x10];
	v36 =	vand.u32 $0x4F, v48  }
0x4cc: {  	v30 =	vshll.u32 v30, $0x11;
	v37 =	vshrl.u32 v17, $0x12;
	[tilespmem:v16+s12+$0x0] =	vst.idx.add.s32.msk $0xffff, v4;
	v29 =	vor.u32 v29, v36  }
0x4cd: {  	v18 =	vor.u32 v18, v30;
	[tilespmem:v28+s12+$0x0] =	vst.idx.add.s32.msk $0xffff, v4;
	v16 =	vand.u32 $0x3FC0, v37  }
0x4ce: {  	v19 =	vshll.u32 v19, $0x11;
	v17 =	vld [tilespmem:s19+$0x20];
	v49 =	vor.u32 v7, v16;
	v16 =	vshrl.u32 v22, $0x9  }
0x4cf: {  	[tilespmem:s20+$0x0] =	vst v18;
	v28 =	vand.u32 $0x3F80, v37;
	v50 =	vand.u32 $0x5F, v49;
	v38 =	vadd.s32 v22, v16;
	v16 =	vld [tilespmem:s18+$0x30]  }
0x4d0: {  	v51 =	vor.u32 v43, v19;
	[tilespmem:v21+s12+$0x0] =	vst.idx.add.s32.msk $0xffff, v4;
	v28 =	vor.u32 v28, v50  }
0x4d1: {  	v18 =	vshll.u32 v31, $0x11;
	v21 =	vshll.u32 v48, $0x11;
	[tilespmem:v29+s12+$0x0] =	vst.idx.add.s32.msk $0xffff, v4;
	v29 =	vshrl.u32 v20, $0x9  }
0x4d2: {  	v19 =	vshrl.u32 v24, $0x12;
	v24 =	vld [tilespmem:s21+$0xFFFFFFC0];
	v21 =	vor.u32 v44, v21;
	v29 =	vadd.s32 v20, v29  }
0x4d3: {  	v53 =	vand.u32 $0x3FC0, v19;
	v54 =	vand.u32 $0x3F80, v19;
	[tilespmem:s20+$0xFFFFFFC0] =	vst v21;
	v21 =	vld [tilespmem:s20+$0xFFFFFFD0];
	v19 =	vshrl.u32 v17, $0x9  }
0x4d4: {  	v18 =	vor.u32 v23, v18;
	v56 =	vadd.s32 v17, v19;
	v55 =	vld.idx.msk [tilespmem:v38+s16+$0x0], $0xffff;
	v19 =	vshrl.u32 v16, $0x9  }
0x4d5: {  	v23 =	vshll.u32 v32, $0x11;
	v34 =	vor.u32 v10, v53;
	[tilespmem:v28+s12+$0x0] =	vst.idx.add.s32.msk $0xffff, v4;
	v30 =	vadd.s32 v16, v19  }
0x4d6: {  	[tilespmem:s19+$0x10] =	vst v18;
	v18 =	vor.u32 v25, v23;
	v28 =	vand.u32 $0x6F, v34;
	v19 =	vld [tilespmem:s19+$0xFFFFFFE0]  }
0x4d7: {  	v57 =	vshll.u32 v34, $0x11;
	v31 =	vshrl.u32 v24, $0x9;
	v36 =	vor.u32 v54, v28;
	v29 =	vld.idx.msk [tilespmem:v29+s16+$0x0], $0xffff  }
0x4d8: {  	v23 =	vor.u32 v27, v57;
	v31 =	vadd.s32 v24, v31;
	v25 =	vshrl.u32 v21, $0x9  }
0x4d9: {  	[tilespmem:s18+$0x20] =	vst v18;
	v28 =	vshrl.u32 v15, $0x9;
	v27 =	vld.idx.msk [tilespmem:v56+s16+$0x0], $0xffff;
	v25 =	vadd.s32 v21, v25;
	v18 =	vshrl.u32 v55, $0x12  }
0x4da: {  	v52 =	vshll.u32 v49, $0x11;
	v60 =	vadd.s32 v15, v28;
	v30 =	vld.idx.msk [tilespmem:v30+s16+$0x0], $0xffff;
	v58 =	vand.u32 $0x3FC0, v18  }
0x4db: {  	v18 =	vand.u32 $0x3F80, v18;
	v59 =	vshrl.u32 v19, $0x9;
	v28 =	vor.u32 v0, v58  }
0x4dc: {  	[tilespmem:v36+s12+$0x0] =	vst.idx.add.s32.msk $0xffff, v4;
	v61 =	vadd.s32 v19, v59;
	v32 =	vand.u32 $0x4F, v28;
	v29 =	vshrl.u32 v29, $0x12  }
0x4dd: {  	v33 =	vor.u32 v26, v52;
	v31 =	vld.idx.msk [tilespmem:v31+s16+$0x0], $0xffff;
	[tilespmem:s18+$0xFFFFFFE0] =	vst v23;
	v34 =	vor.u32 v18, v32;
	v23 =	vand.u32 $0x3FC0, v29  }
0x4de: {  	v62 =	vand.u32 $0x3F80, v29;
	v27 =	vshrl.u32 v27, $0x12;
	v32 =	vld.idx.msk [tilespmem:v25+s16+$0x0], $0xffff;
	v26 =	vor.u32 v7, v23  }
0x4df: {  	v18 =	vld [tilespmem:s18+$0xFFFFFFF0];
	v39 =	vand.u32 $0x3FC0, v27;
	v25 =	vand.u32 $0x5F, v26;
	v29 =	vshrl.u32 v30, $0x12  }
0x4e0: {  	s26 =	simm.s32 $0x8;
	s28 =	simm.s32 $0x8340;
	s22 =	simm.s32 $0x0;
	[tilespmem:s19+$0xFFFFFFD0] =	vst v33;
	v23 =	vld.idx.msk [tilespmem:v60+s16+$0x0], $0xffff;
	v33 =	vor.u32 v62, v25;
	v25 =	vor.u32 v10, v39;
	v63 =	vand.u32 $0x3FC0, v29  }
0x4e1: {  	s23 =	simm.s32 $0x0;
	s24 =	simm.s32 $0x0;
	s25 =	simm.s32 $0x0;
	[tilespmem:s17+$0x30] =	vst v51;
	v36 =	vand.u32 $0x3F80, v27;
	v30 =	vld.idx.msk [tilespmem:v61+s16+$0x0], $0xffff;
	v35 =	vand.u32 $0x6F, v25;
	v27 =	vor.u32 v13, v63  }
.LBB2_55:
0x4e2: {  	v37 =	vld [tilespmem:s28+$0x0];
	v35 =	vor.u32 v36, v35;
	v36 =	vand.u32 $0x7F, v27;
	v29 =	vand.u32 $0x3F80, v29  }
0x4e3: {  	v31 =	vshrl.u32 v31, $0x12;
	v32 =	vshrl.u32 v32, $0x12;
	[tilespmem:v34+s12+$0x0] =	vst.idx.add.s32.msk $0xffff, v4;
	v29 =	vor.u32 v29, v36  }
0x4e4: {  	v34 =	vand.u32 $0x3FC0, v31;
	v31 =	vand.u32 $0x3F80, v31;
	v38 =	vand.u32 $0x3FC0, v32;
	v36 =	vld [tilespmem:s21+$0x10]  }
0x4e5: {  	v32 =	vand.u32 $0x3F80, v32;
	v34 =	vor.u32 v0, v34;
	v38 =	vor.u32 v7, v38;
	[tilespmem:v33+s12+$0x0] =	vst.idx.add.s32.msk $0xffff, v4  }
0x4e6: {  	v33 =	vand.u32 $0x4F, v34;
	v34 =	vshll.u32 v34, $0x11;
	v39 =	vand.u32 $0x5F, v38;
	v40 =	vld [tilespmem:s20+$0x20]  }
0x4e7: {  	v31 =	vor.u32 v31, v33;
	v33 =	vor.u32 v24, v34;
	v24 =	vshll.u32 v27, $0x11;
	[tilespmem:v35+s12+$0x0] =	vst.idx.add.s32.msk $0xffff, v4  }
0x4e8: {  	v32 =	vor.u32 v32, v39;
	v27 =	vshrl.u32 v37, $0x9;
	v24 =	vor.u32 v16, v24;
	[tilespmem:v29+s12+$0x0] =	vst.idx.add.s32.msk $0xffff, v4  }
0x4e9: {  	v30 =	vshrl.u32 v30, $0x12;
	v27 =	vadd.s32 v37, v27;
	v29 =	vshll.u32 v38, $0x11;
	v16 =	vld [tilespmem:s19+$0x30];
	[tilespmem:s18+$0x30] =	vst v24  }
0x4ea: {  	s26 =	sadd.s32 $0x2, s26;
	v29 =	vor.u32 v21, v29;
	v21 =	vand.u32 $0x3FC0, v30;
	v30 =	vand.u32 $0x3F80, v30;
	v24 =	vld [tilespmem:s28+$0xFFFFFFC0]  }
0x4eb: {  	p1 =	slt.u32 s26, $0x1FE;
	v35 =	vshrl.u32 v18, $0x9;
	v34 =	vshrl.u32 v36, $0x9;
	v21 =	vor.u32 v10, v21  }
0x4ec: {  	v38 =	vshll.u32 v21, $0x11;
	[tilespmem:v31+s12+$0x0] =	vst.idx.add.s32.msk $0xffff, v4;
	v31 =	vadd.s32 v36, v34;
	v34 =	vand.u32 $0x6F, v21  }
0x4ed: {  	[tilespmem:s21+$0xFFFFFFC0] =	vst v33;
	v21 =	vld [tilespmem:s21+$0xFFFFFFD0];
	v33 =	vshrl.u32 v40, $0x9;
	v30 =	vor.u32 v30, v34;
	v34 =	vor.u32 v19, v38  }
0x4ee: {  	v19 =	vshll.u32 v28, $0x11;
	v27 =	vld.idx.msk [tilespmem:v27+s16+$0x0], $0xffff;
	v28 =	vadd.s32 v40, v33;
	v33 =	vshrl.u32 v16, $0x9  }
0x4ef: {  	v19 =	vor.u32 v22, v19;
	v38 =	vshrl.u32 v24, $0x9;
	[tilespmem:v32+s12+$0x0] =	vst.idx.add.s32.msk $0xffff, v4;
	v32 =	vadd.s32 v16, v33  }
0x4f0: {  	v26 =	vshll.u32 v26, $0x11;
	v35 =	vadd.s32 v18, v35;
	v22 =	vmovc v37;
	v33 =	vadd.s32 v24, v38;
	[tilespmem:s21+$0x0] =	vst v19;
	v19 =	vld [tilespmem:s20+$0xFFFFFFE0]  }
0x4f1: {  	v25 =	vshll.u32 v25, $0x11;
	v26 =	vor.u32 v20, v26;
	v23 =	vshrl.u32 v23, $0x12;
	v20 =	vmovc v36;
	v37 =	vld.idx.msk [tilespmem:v31+s22+$0x0], $0xffff;
	[tilespmem:s20+$0xFFFFFFD0] =	vst v29  }
0x4f2: {  	v25 =	vor.u32 v17, v25;
	v17 =	vmovc v40;
	v29 =	vshrl.u32 v21, $0x9;
	[tilespmem:s20+$0x10] =	vst v26;
	v26 =	vand.u32 $0x3FC0, v23  }
0x4f3: {  	v23 =	vand.u32 $0x3F80, v23;
	v29 =	vadd.s32 v21, v29;
	v36 =	vld.idx.msk [tilespmem:v28+s23+$0x0], $0xffff;
	[tilespmem:s19+$0x20] =	vst v25;
	v25 =	vor.u32 v13, v26  }
0x4f4: {  	v26 =	vshrl.u32 v27, $0x12;
	v27 =	vld.idx.msk [tilespmem:v32+s24+$0x0], $0xffff;
	v28 =	vand.u32 $0x7F, v25;
	v25 =	vshll.u32 v25, $0x11  }
0x4f5: {  	v32 =	vand.u32 $0x3FC0, v26;
	v31 =	vld.idx.msk [tilespmem:v33+s16+$0x0], $0xffff;
	v33 =	vshrl.u32 v19, $0x9;
	v38 =	vor.u32 v23, v28  }
0x4f6: {  	v28 =	vor.u32 v0, v32;
	v39 =	vadd.s32 v19, v33;
	[tilespmem:v30+s12+$0x0] =	vst.idx.add.s32.msk $0xffff, v4  }
0x4f7: {  	v26 =	vand.u32 $0x3F80, v26;
	v23 =	vand.u32 $0x4F, v28;
	v30 =	vshrl.u32 v37, $0x12;
	[tilespmem:s19+$0xFFFFFFE0] =	vst v34;
	v37 =	vld [tilespmem:s19+$0xFFFFFFF0]  }
.Ltmp28:
0x4f8: {  	v40 =	vor.u32 v15, v25;
	v15 =	vmovc v18;
	v34 =	vor.u32 v26, v23;
	v23 =	vand.u32 $0x3FC0, v30;
	v32 =	vld.idx.msk [tilespmem:v29+s22+$0x0], $0xffff;
	(pc) =	sbr.rel @p1 .LBB2_55-.Ltmp28, $4  }
0x4f9: {  	v18 =	vand.u32 $0x3F80, v30;
	v26 =	vor.u32 v7, v23;
	v36 =	vshrl.u32 v36, $0x12;
	v23 =	vld.idx.msk [tilespmem:v35+s25+$0x0], $0xffff;
	s25 =	smov.u32 s24;
	s24 =	smov.u32 s23;
	s23 =	smov.u32 s22  }
0x4fa: {  	v25 =	vand.u32 $0x5F, v26;
	v35 =	vand.u32 $0x3FC0, v36;
	v29 =	vshrl.u32 v27, $0x12;
	s22 =	smov.u32 s16;
	[tilespmem:v38+s12+$0x0] =	vst.idx.add.s32.msk $0xffff, v4  }
0x4fb: {  	v33 =	vor.u32 v18, v25;
	v25 =	vor.u32 v10, v35;
	v38 =	vand.u32 $0x3FC0, v29;
	v30 =	vld.idx.msk [tilespmem:v39+s24+$0x0], $0xffff;
	[tilespmem:s17+$0xFFFFFFF0] =	vst v40;
	s17 =	smov.u32 s18;
	s18 =	smov.u32 s19;
	s19 =	smov.u32 s20  }
0x4fc: {  	v36 =	vand.u32 $0x3F80, v36;
	v35 =	vand.u32 $0x6F, v25;
	v27 =	vor.u32 v13, v38;
	s20 =	smov.u32 s21;
	s21 =	smov.u32 s28;
	s28 =	sadd.s32 $0x80, s28;
	v18 =	vmovc v37  }
0x4fd: {  	v31 =	vshrl.u32 v31, $0x12  }
0x4fe: {  	v37 =	vand.u32 $0x3FC0, v31  }
0x4ff: {  	v37 =	vor.u32 v0, v37  }
0x500: {  	v31 =	vand.u32 $0x3F80, v31;
	v38 =	vand.u32 $0x4F, v37  }
0x501: {  	v31 =	vor.u32 v31, v38;
	_ =	sdelay $0x1  }
0x502: {  	[tilespmem:v34+s12+$0x0] =	vst.idx.add.s32.msk $0xffff, v4  }
0x503: {  	v34 =	vld [tilespmem:s21+$0x10];
	_ =	sdelay $0x1  }
0x504: {  	[tilespmem:v31+s12+$0x0] =	vst.idx.add.s32.msk $0xffff, v4  }
0x505: {  	v63 =	vld [tilespmem:s21+$0xFFFFFFD0];
	_ =	sdelay $0x1  }
0x506: {  	v41 =	vshrl.u32 v34, $0x9  }
0x507: {  	v31 =	vadd.s32 v34, v41;
	_ =	sdelay $0x1  }
0x508: {  	v28 =	vshll.u32 v28, $0x11;
	v42 =	vshrl.u32 v63, $0x9  }
0x509: {  	v22 =	vor.u32 v22, v28;
	v43 =	vadd.s32 v63, v42  }
0x50a: {  	[tilespmem:s21+$0x0] =	vst v22  }
0x50b: {  	v37 =	vshll.u32 v37, $0x11;
	v22 =	vld.idx.msk [tilespmem:v31+s22+$0x0], $0xffff  }
0x50c: {  	v24 =	vor.u32 v24, v37  }
0x50d: {  	[tilespmem:s21+$0xFFFFFFC0] =	vst v24  }
0x50e: {  	v44 =	vshrl.u32 v32, $0x12;
	v28 =	vld.idx.msk [tilespmem:v43+s22+$0x0], $0xffff  }
0x50f: {  	v32 =	vand.u32 $0x3FC0, v44  }
0x510: {  	v32 =	vor.u32 v7, v32;
	v22 =	vshrl.u32 v22, $0x12  }
0x511: {  	v45 =	vand.u32 $0x5F, v32;
	v31 =	vand.u32 $0x3F80, v44;
	v46 =	vand.u32 $0x3FC0, v22  }
0x512: {  	v31 =	vor.u32 v31, v45;
	v47 =	vor.u32 v7, v46  }
0x513: {  	v22 =	vand.u32 $0x3F80, v22;
	v38 =	vand.u32 $0x5F, v47;
	v28 =	vshrl.u32 v28, $0x12  }
0x514: {  	[tilespmem:v33+s12+$0x0] =	vst.idx.add.s32.msk $0xffff, v4;
	v22 =	vor.u32 v22, v38;
	v48 =	vand.u32 $0x3FC0, v28  }
0x515: {  	v38 =	vld [tilespmem:s20+$0x20];
	v33 =	vor.u32 v7, v48  }
0x516: {  	v28 =	vand.u32 $0x3F80, v28;
	v39 =	vand.u32 $0x5F, v33  }
0x517: {  	[tilespmem:v31+s12+$0x0] =	vst.idx.add.s32.msk $0xffff, v4;
	v28 =	vor.u32 v28, v39  }
0x518: {  	v31 =	vld [tilespmem:s20+$0xFFFFFFE0]  }
0x519: {  	[tilespmem:v22+s12+$0x0] =	vst.idx.add.s32.msk $0xffff, v4  }
0x51a: {  	v22 =	vshrl.u32 v38, $0x9;
	v39 =	vld [tilespmem:s21+$0x20]  }
0x51b: {  	v22 =	vadd.s32 v38, v22  }
0x51c: {  	v35 =	vor.u32 v36, v35;
	[tilespmem:v28+s12+$0x0] =	vst.idx.add.s32.msk $0xffff, v4  }
0x51d: {  	v26 =	vshll.u32 v26, $0x11;
	v49 =	vshrl.u32 v31, $0x9;
	v50 =	vld [tilespmem:s21+$0xFFFFFFE0]  }
0x51e: {  	v20 =	vor.u32 v20, v26;
	v51 =	vadd.s32 v31, v49  }
0x51f: {  	[tilespmem:s20+$0x10] =	vst v20;
	v20 =	vshrl.u32 v39, $0x9  }
0x520: {  	v52 =	vshll.u32 v32, $0x11;
	v22 =	vld.idx.msk [tilespmem:v22+s23+$0x0], $0xffff;
	v20 =	vadd.s32 v39, v20  }
0x521: {  	v21 =	vor.u32 v21, v52;
	[tilespmem:v35+s12+$0x0] =	vst.idx.add.s32.msk $0xffff, v4  }
0x522: {  	[tilespmem:s20+$0xFFFFFFD0] =	vst v21;
	v21 =	vshll.u32 v47, $0x11;
	v53 =	vshrl.u32 v50, $0x9  }
0x523: {  	v30 =	vshrl.u32 v30, $0x12;
	v21 =	vor.u32 v34, v21;
	v26 =	vld.idx.msk [tilespmem:v51+s23+$0x0], $0xffff;
	v28 =	vadd.s32 v50, v53  }
0x524: {  	v25 =	vshll.u32 v25, $0x11;
	v54 =	vand.u32 $0x3FC0, v30;
	v30 =	vand.u32 $0x3F80, v30;
	v32 =	vld [tilespmem:s19+$0x30];
	[tilespmem:s21+$0x10] =	vst v21  }
0x525: {  	v21 =	vor.u32 v10, v54;
	v33 =	vshll.u32 v33, $0x11;
	v22 =	vshrl.u32 v22, $0x12;
	v20 =	vld.idx.msk [tilespmem:v20+s22+$0x0], $0xffff  }
0x526: {  	v34 =	vand.u32 $0x6F, v21;
	v24 =	vor.u32 v63, v33;
	v55 =	vand.u32 $0x3FC0, v22  }
0x527: {  	v17 =	vor.u32 v17, v25;
	v30 =	vor.u32 v30, v34;
	[tilespmem:s21+$0xFFFFFFD0] =	vst v24;
	v56 =	vor.u32 v10, v55  }
0x528: {  	v26 =	vshrl.u32 v26, $0x12;
	v22 =	vand.u32 $0x3F80, v22;
	v57 =	vand.u32 $0x6F, v56;
	v28 =	vld.idx.msk [tilespmem:v28+s22+$0x0], $0xffff  }
0x529: {  	v58 =	vshrl.u32 v32, $0x9;
	v59 =	vand.u32 $0x3FC0, v26;
	v22 =	vor.u32 v22, v57  }
0x52a: {  	v34 =	vadd.s32 v32, v58;
	v24 =	vor.u32 v10, v59;
	v20 =	vshrl.u32 v20, $0x12  }
0x52b: {  	v26 =	vand.u32 $0x3F80, v26;
	v60 =	vand.u32 $0x6F, v24;
	v61 =	vand.u32 $0x3FC0, v20  }
0x52c: {  	[tilespmem:v30+s12+$0x0] =	vst.idx.add.s32.msk $0xffff, v4;
	v26 =	vor.u32 v26, v60;
	v62 =	vor.u32 v10, v61  }
0x52d: {  	v43 =	vld [tilespmem:s19+$0xFFFFFFF0];
	v20 =	vand.u32 $0x3F80, v20;
	v63 =	vand.u32 $0x6F, v62;
	v28 =	vshrl.u32 v28, $0x12  }
0x52e: {  	v21 =	vshll.u32 v21, $0x11;
	[tilespmem:v22+s12+$0x0] =	vst.idx.add.s32.msk $0xffff, v4;
	v20 =	vor.u32 v20, v63;
	v22 =	vand.u32 $0x3FC0, v28  }
0x52f: {  	v23 =	vshrl.u32 v23, $0x12;
	[tilespmem:s19+$0x20] =	vst v17;
	v19 =	vor.u32 v19, v21;
	v17 =	vld [tilespmem:s20+$0x30];
	v21 =	vor.u32 v10, v22  }
0x530: {  	v37 =	vand.u32 $0x7F, v27;
	v40 =	vld.idx.msk [tilespmem:v34+s24+$0x0], $0xffff;
	[tilespmem:s19+$0xFFFFFFE0] =	vst v19;
	v19 =	vand.u32 $0x3F80, v28;
	v41 =	vand.u32 $0x6F, v21  }
0x531: {  	v44 =	vshll.u32 v27, $0x11;
	v42 =	vshrl.u32 v18, $0x9;
	[tilespmem:v26+s12+$0x0] =	vst.idx.add.s32.msk $0xffff, v4;
	v19 =	vor.u32 v19, v41  }
0x532: {  	v25 =	vadd.s32 v18, v42;
	v24 =	vshll.u32 v24, $0x11;
	v52 =	vshll.u32 v56, $0x11;
	v48 =	vld [tilespmem:s20+$0xFFFFFFF0]  }
0x533: {  	v24 =	vor.u32 v31, v24;
	v51 =	vshrl.u32 v43, $0x9;
	v31 =	vor.u32 v38, v52;
	[tilespmem:v20+s12+$0x0] =	vst.idx.add.s32.msk $0xffff, v4  }
0x534: {  	v22 =	vand.u32 $0x3F80, v29;
	v46 =	vshrl.u32 v17, $0x9;
	v29 =	vadd.s32 v43, v51;
	v47 =	vld [tilespmem:s21+$0x30]  }
0x535: {  	v45 =	vand.u32 $0x3FC0, v23;
	[tilespmem:s20+$0x20] =	vst v31;
	v57 =	vshll.u32 v62, $0x11;
	v26 =	vadd.s32 v17, v46  }
0x536: {  	v16 =	vor.u32 v16, v44;
	v23 =	vand.u32 $0x3F80, v23;
	v31 =	vor.u32 v39, v57;
	[tilespmem:v19+s12+$0x0] =	vst.idx.add.s32.msk $0xffff, v4  }
0x537: {  	v56 =	vshrl.u32 v48, $0x9;
	v22 =	vor.u32 v22, v37;
	v21 =	vshll.u32 v21, $0x11;
	v19 =	vld.idx.msk [tilespmem:v25+s25+$0x0], $0xffff  }
0x538: {  	v20 =	vor.u32 v13, v45;
	v21 =	vor.u32 v50, v21;
	v50 =	vshrl.u32 v40, $0x12;
	v53 =	vld [tilespmem:s21+$0xFFFFFFF0]  }
0x539: {  	v49 =	vand.u32 $0x7F, v20;
	v29 =	vld.idx.msk [tilespmem:v29+s24+$0x0], $0xffff;
	v54 =	vshrl.u32 v47, $0x9;
	[tilespmem:s21+$0xFFFFFFE0] =	vst v21;
	v21 =	vand.u32 $0x3FC0, v50  }
0x53a: {  	v20 =	vshll.u32 v20, $0x11;
	v26 =	vld.idx.msk [tilespmem:v26+s23+$0x0], $0xffff;
	v28 =	vadd.s32 v47, v54;
	v21 =	vor.u32 v13, v21  }
0x53b: {  	v23 =	vor.u32 v23, v49;
	v25 =	vand.u32 $0x3F80, v50;
	v55 =	vand.u32 $0x7F, v21  }
0x53c: {  	v15 =	vor.u32 v15, v20;
	v20 =	vor.u32 v25, v55;
	v25 =	vadd.s32 v48, v56  }
0x53d: {  	v21 =	vshll.u32 v21, $0x11;
	v19 =	vshrl.u32 v19, $0x12;
	v58 =	vshrl.u32 v53, $0x9  }
0x53e: {  	[tilespmem:s21+$0x20] =	vst v31;
	v29 =	vshrl.u32 v29, $0x12;
	v59 =	vand.u32 $0x3FC0, v19;
	v60 =	vadd.s32 v53, v58  }
0x53f: {  	[tilespmem:s20+$0xFFFFFFE0] =	vst v24;
	v21 =	vor.u32 v32, v21;
	v26 =	vshrl.u32 v26, $0x12;
	v28 =	vld.idx.msk [tilespmem:v28+s22+$0x0], $0xffff;
	v32 =	vor.u32 v13, v59  }
0x540: {  	[tilespmem:v22+s12+$0x0] =	vst.idx.add.s32.msk $0xffff, v4;
	v61 =	vand.u32 $0x3FC0, v26;
	v19 =	vand.u32 $0x3F80, v19;
	v22 =	vand.u32 $0x7F, v32  }
0x541: {  	v32 =	vshll.u32 v32, $0x11;
	v19 =	vor.u32 v19, v22;
	v22 =	vor.u32 v13, v61;
	v25 =	vld.idx.msk [tilespmem:v25+s23+$0x0], $0xffff  }
0x542: {  	[tilespmem:v23+s12+$0x0] =	vst.idx.add.s32.msk $0xffff, v4;
	v26 =	vand.u32 $0x3F80, v26;
	v18 =	vor.u32 v18, v32;
	v23 =	vand.u32 $0x7F, v22  }
0x543: {  	[tilespmem:s18+$0x30] =	vst v16;
	v22 =	vshll.u32 v22, $0x11;
	v16 =	vor.u32 v26, v23;
	v23 =	vand.u32 $0x3FC0, v29;
	v62 =	vld.idx.msk [tilespmem:v60+s22+$0x0], $0xffff  }
0x544: {  	[tilespmem:s17+$0xFFFFFFF0] =	vst v15;
	v15 =	vor.u32 v17, v22;
	v22 =	vshrl.u32 v28, $0x12;
	v17 =	vor.u32 v13, v23  }
0x545: {  	[tilespmem:v20+s12+$0x0] =	vst.idx.add.s32.msk $0xffff, v4;
	v20 =	vand.u32 $0x3F80, v29;
	v28 =	vand.u32 $0x3FC0, v22;
	v23 =	vand.u32 $0x7F, v17  }
0x546: {  	[tilespmem:s19+$0x30] =	vst v21;
	v21 =	vor.u32 v13, v28;
	v20 =	vor.u32 v20, v23;
	v23 =	vshrl.u32 v25, $0x12  }
0x547: {  	v22 =	vand.u32 $0x3F80, v22;
	[tilespmem:v19+s12+$0x0] =	vst.idx.add.s32.msk $0xffff, v4;
	v19 =	vand.u32 $0x7F, v21;
	v25 =	vand.u32 $0x3FC0, v23  }
0x548: {  	[tilespmem:s18+$0xFFFFFFF0] =	vst v18;
	v18 =	vor.u32 v22, v19;
	v19 =	vor.u32 v13, v25;
	v22 =	vshrl.u32 v62, $0x12  }
0x549: {  	[tilespmem:v16+s12+$0x0] =	vst.idx.add.s32.msk $0xffff, v4;
	v16 =	vand.u32 $0x3F80, v23;
	v23 =	vand.u32 $0x7F, v19;
	v63 =	vand.u32 $0x3FC0, v22  }
0x54a: {  	[tilespmem:s20+$0x30] =	vst v15;
	v15 =	vshll.u32 v17, $0x11;
	v16 =	vor.u32 v16, v23;
	v17 =	vor.u32 v13, v63  }
0x54b: {  	v15 =	vor.u32 v43, v15;
	[tilespmem:v20+s12+$0x0] =	vst.idx.add.s32.msk $0xffff, v4;
	v20 =	vand.u32 $0x3F80, v22;
	v22 =	vand.u32 $0x7F, v17  }
0x54c: {  	[tilespmem:s19+$0xFFFFFFF0] =	vst v15;
	v15 =	vshll.u32 v21, $0x11;
	v20 =	vor.u32 v20, v22  }
0x54d: {  	[tilespmem:v18+s12+$0x0] =	vst.idx.add.s32.msk $0xffff, v4;
	v15 =	vor.u32 v47, v15  }
0x54e: {  	[tilespmem:s21+$0x30] =	vst v15;
	v15 =	vshll.u32 v19, $0x11  }
0x54f: {  	v15 =	vor.u32 v48, v15;
	[tilespmem:v16+s12+$0x0] =	vst.idx.add.s32.msk $0xffff, v4  }
0x550: {  	[tilespmem:s20+$0xFFFFFFF0] =	vst v15;
	v15 =	vshll.u32 v17, $0x11  }
0x551: {  	v15 =	vor.u32 v53, v15;
	[tilespmem:v20+s12+$0x0] =	vst.idx.add.s32.msk $0xffff, v4  }
0x552: {  	s18 =	simm.s32 $0x180A0;
	[tilespmem:s21+$0xFFFFFFF0] =	vst v15  }
0x553: {  	v17 =	vld [tilespmem:s18+$0xFFFFFFE0]  }
0x554: {  	v19 =	vld [tilespmem:s18+$0xFFFFFFF0]  }
0x555: {  	p4 =	por $0x1, $0x1;
	v23 =	vld [tilespmem:s18+$0x0]  }
.Ltmp29:
0x556: {  	_ = 	snop;
	(pc) =	sbr.rel @!p4 .LBB2_57-.Ltmp29, $4  }
0x557: {  	_ = 	snop  }
0x558: {  	(xrf0) =	vadd.scan.msk.s32 $0xffff, v17  }
0x559: {  	p1 =	por $0x0, $0x0;
	(xrf0) =	vadd.scan.msk.s32 $0xffff, v19  }
0x55a: {  	p2 =	por $0x0, $0x0;
	p3 =	por $0x0, $0x0;
	s17 =	simm.s32 $0x180E0;
	v22 =	vld [tilespmem:s18+$0x10];
	(xrf0) =	vadd.scan.msk.s32 $0xffff, v23  }
0x55b: {  	_ =	sdelay $0x1  }
0x55c: {  	v15 =	vld [tilespmem:s17+$0xFFFFFFE0];
	_ =	sdelay $0x1  }
0x55d: {  	v21 =	vld [tilespmem:s17+$0xFFFFFFF0];
	v18, _, _ =	vpop (xrf0);
	(xrf0) =	vadd.scan.msk.s32 $0xffff, v22  }
0x55e: {  	v20 =	vxor.u32 $0x80000000, v18  }
0x55f: {  	v16 =	vld [tilespmem:s17+$0x0];
	p4 =	por $0x1, $0x1;
	v24, _, _ =	vpop (xrf0);
	(xrf0) =	vmax.scan.msk.u32 $0xffff, v20  }
.Ltmp30:
0x560: {  	v20 =	vxor.u32 $0x80000000, v24;
	(xrf0) =	vadd.scan.msk.s32 $0xffff, v15;
	(pc) =	sbr.rel @!p4 .LBB2_59-.Ltmp30, $4  }
0x561: {  	v25, _, _ =	vpop (xrf0);
	(xrf0) =	vmax.scan.msk.u32 $0xffff, v20  }
0x562: {  	v26 =	vxor.u32 $0x80000000, v25;
	(xrf0) =	vadd.scan.msk.s32 $0xffff, v21  }
0x563: {  	v20 =	vsub.s32 v24, v19;
	(xrf0) =	vmax.scan.msk.u32 $0xffff, v26;
	v63, _, _ =	vpop (xrf0)  }
0x564: {  	s19 =	simm.s32 $0x18120;
	p1 =	por $0x1, $0x1;
	v19 =	vsub.s32 v25, v23;
	v23 =	vld [tilespmem:s17+$0x10];
	(xrf0) =	vadd.scan.msk.s32 $0xffff, v16;
	v22 =	vsub.s32 v63, v22;
	v33 =	vxor.u32 $0x80000000, v63  }
0x565: {  	v24, _, _ =	vpop (xrf0)  }
0x566: {  	(xrf0) =	vmax.scan.msk.u32 $0xffff, v33;
	v27, _, _ =	vpop (xrf0)  }
0x567: {  	v26 =	vxor.u32 $0x80000000, v27  }
0x568: {  	v25, _, _ =	vpop (xrf0)  }
0x569: {  	(v2sf) =	vpush v24, $0xF;
	v29, _, _ =	vpop (xrf0);
	(xrf0) =	vadd.scan.msk.s32 $0xffff, v23  }
0x56a: {  	(v2sf) =	vpush v25, $0xF;
	(xrf0) =	vmax.scan.msk.u32 $0xffff, v26;
	v26, _, _ =	vpop (xrf0)  }
0x56b: {  	v32, _, _ =	vpop (xrf0);
	(v2sf) =	vpush v26, $0xF  }
0x56c: {  	v25, _, _ =	vpop (xrf0)  }
0x56d: {  	(v2sf) =	vpush v25, $0xF;
	_ =	sdelay $0x1  }
0x56e: {  	v30 =	vld [tilespmem:s19+$0xFFFFFFE0];
	_ =	sdelay $0x1  }
0x56f: {  	v39 =	vld [tilespmem:s19+$0xFFFFFFF0];
	_ =	sdelay $0x1  }
0x570: {  	v28 =	vld [tilespmem:s19+$0x0];
	p4 =	por $0x1, $0x1  }
.Ltmp31:
0x571: {  	v31 =	vxor.u32 $0x80000000, v29;
	(xrf0) =	vadd.scan.msk.s32 $0xffff, v30;
	(pc) =	sbr.rel @!p4 .LBB2_61-.Ltmp31, $4  }
0x572: {  	(xrf0) =	vmax.scan.msk.u32 $0xffff, v31  }
0x573: {  	v31 =	vxor.u32 $0x80000000, v32;
	(xrf0) =	vadd.scan.msk.s32 $0xffff, v39  }
0x574: {  	v26 =	vsub.s32 v32, v16;
	(xrf0) =	vmax.scan.msk.u32 $0xffff, v31;
	v16, _, _ =	vpop (xrf0)  }
0x575: {  	s21 =	simm.s32 $0x18160;
	p2 =	por $0x1, $0x1;
	v24 =	vsub.s32 v29, v21;
	v29 =	vld [tilespmem:s19+$0x10];
	(xrf0) =	vadd.scan.msk.s32 $0xffff, v28;
	v25 =	vsub.s32 v16, v23;
	v33 =	vxor.u32 $0x80000000, v16  }
0x576: {  	v23, _, _ =	vpop (xrf0);
	(xrf0) =	vmax.scan.msk.u32 $0xffff, v33  }
0x577: {  	v32, _, _ =	vpop (xrf0)  }
0x578: {  	v34 =	vld [tilespmem:s21+$0xFFFFFFE0];
	v31, _, _ =	vpop (xrf0)  }
0x579: {  	v35, _, _ =	vpop (xrf0)  }
0x57a: {  	v21 =	vld [tilespmem:s21+$0xFFFFFFF0];
	(v2sf) =	vpush v23, $0xF;
	(xrf0) =	vadd.scan.msk.s32 $0xffff, v29;
	v23, _, _ =	vpop (xrf0)  }
0x57b: {  	v59 =	vxor.u32 $0x80000000, v32;
	(v2sf) =	vpush v31, $0xF;
	v31, _, _ =	vpop (xrf0)  }
0x57c: {  	v16 =	vld [tilespmem:s21+$0x0];
	p4 =	por $0x1, $0x1;
	(xrf0) =	vmax.scan.msk.u32 $0xffff, v59;
	(v2sf) =	vpush v23, $0xF;
	v23, _, _ =	vpop (xrf0)  }
.Ltmp32:
0x57d: {  	v61 =	vsub.s32 s16, v17;
	s20 =	spop (v2sf);
	v60 =	vxor.u32 $0x80000000, v35;
	(xrf0) =	vadd.scan.msk.s32 $0xffff, v34;
	(v2sf) =	vpush v23, $0xF;
	(pc) =	sbr.rel @!p4 .LBB2_63-.Ltmp32, $4  }
0x57e: {  	v62 =	vadd.s32 v18, v61;
	s20 =	sadd.s32 $0x0, s20;
	(xrf0) =	vmax.scan.msk.u32 $0xffff, v60  }
0x57f: {  	[tilespmem:s18+$0xFFFFFFE0] =	vst v62;
	s20 =	sadd.s32 $0x80000000, s20;
	v63 =	vxor.u32 $0x80000000, v31;
	(xrf0) =	vadd.scan.msk.s32 $0xffff, v21  }
0x580: {  	s23 =	simm.s32 $0xC;
	s24 =	simm.s32 $0x181A0;
	s22 =	spop (v2sf);
	v37 =	vsub.s32 v35, v39;
	v41 =	vsub.s32 v31, v28;
	v31 =	vadd.s32 s20, v20;
	v23 =	vld [tilespmem:s21+$0x10];
	(xrf0) =	vmax.scan.msk.u32 $0xffff, v63;
	v28, _, _ =	vpop (xrf0)  }
0x581: {  	p3 =	por $0x1, $0x1;
	s22 =	sadd.s32 s22, s20;
	s20 =	simm.s32 $0x180A0;
	(xrf0) =	vadd.scan.msk.s32 $0xffff, v16;
	v42 =	vsub.s32 v28, v29;
	v33 =	vxor.u32 $0x80000000, v28;
	v28 =	vmovc v19;
	v29 =	vmov v22  }
.LBB2_64:
0x582: {  	v36, _, _ =	vpop (xrf0);
	(xrf0) =	vmax.scan.msk.u32 $0xffff, v33  }
0x583: {  	v35 =	vld [tilespmem:s24+$0xFFFFFFE0];
	[tilespmem:s20+$0xFFFFFFF0] =	vst v31;
	s22 =	sadd.s32 $0x80000000, s22;
	s25 =	spop (v2sf);
	v31 =	vmovc v16;
	v38 =	vmovc v24;
	v24 =	vmov v37;
	v33 =	vmov v25;
	v25 =	vmov v42  }
0x584: {  	s23 =	sadd.s32 $0x4, s23;
	v39, _, _ =	vpop (xrf0);
	(v2sf) =	vpush v36, $0xF;
	v16 =	vadd.s32 s22, v28;
	s22 =	sadd.s32 s25, s22;
	v28 =	vmov v26  }
0x585: {  	p4 =	slt.u32 s23, $0x3FC;
	v26 =	vmov v41;
	v36 =	vld [tilespmem:s24+$0xFFFFFFF0];
	(xrf0) =	vadd.scan.msk.s32 $0xffff, v23;
	v37, _, _ =	vpop (xrf0);
	[tilespmem:s20+$0x0] =	vst v16;
	s22 =	sadd.s32 $0x80000000, s22;
	s25 =	spop (v2sf);
	v40 =	vmov v23  }
0x586: {  	v23 =	vxor.u32 $0x80000000, v39;
	v41, _, _ =	vpop (xrf0);
	(v2sf) =	vpush v37, $0xF;
	v42 =	vadd.s32 s22, v29;
	s22 =	sadd.s32 s25, s22  }
0x587: {  	v29 =	vmov v33;
	v16 =	vld [tilespmem:s24+$0x0];
	v37 =	vsub.s32 v41, v21;
	(xrf0) =	vmax.scan.msk.u32 $0xffff, v23;
	v21, _, _ =	vpop (xrf0);
	[tilespmem:s20+$0x10] =	vst v42;
	s22 =	sadd.s32 $0x80000000, s22  }
.Ltmp33:
0x588: {  	v23 =	vxor.u32 $0x80000000, v41;
	s20 =	smov.u32 s17;
	s17 =	smov.u32 s19;
	(xrf0) =	vadd.scan.msk.s32 $0xffff, v35;
	v33, _, _ =	vpop (xrf0);
	(v2sf) =	vpush v21, $0xF;
	v42 =	vsub.s32 s22, v15;
	(pc) =	sbr.rel @p4 .LBB2_64-.Ltmp33, $4  }
0x589: {  	s19 =	smov.u32 s21;
	s21 =	smov.u32 s24;
	v15 =	vmov v30;
	v41 =	vsub.s32 v33, v31;
	(xrf0) =	vmax.scan.msk.u32 $0xffff, v23;
	v21, _, _ =	vpop (xrf0);
	v42 =	vadd.s32 v27, v42;
	s25 =	spop (v2sf)  }
0x58a: {  	v30 =	vmovc v34;
	v31 =	vxor.u32 $0x80000000, v33;
	v23 =	vld [tilespmem:s24+$0x10];
	(xrf0) =	vadd.scan.msk.s32 $0xffff, v36;
	(v2sf) =	vpush v21, $0xF;
	[tilespmem:s20+$0xFFFFFFE0] =	vst v42;
	s22 =	sadd.s32 s25, s22  }
0x58b: {  	v34 =	vmov v35;
	v27 =	vmov v32;
	v32 =	vmov v39;
	(xrf0) =	vmax.scan.msk.u32 $0xffff, v31;
	v21, _, _ =	vpop (xrf0);
	s22 =	sadd.s32 $0x80000000, s22;
	s25 =	spop (v2sf)  }
0x58c: {  	s24 =	sadd.s32 $0x40, s24;
	(xrf0) =	vadd.scan.msk.s32 $0xffff, v16;
	v42 =	vsub.s32 v21, v40;
	v33 =	vxor.u32 $0x80000000, v21;
	v31 =	vadd.s32 s22, v38;
	s22 =	sadd.s32 s25, s22;
	v21 =	vmovc v36  }
0x58d: {  	v35 =	vmov v24  }
0x58e: {  	v36 =	vmovc v25;
	v38 =	vmovc v26;
	v39 =	vmov v15;
	v40 =	vmov v27;
	v24 =	vmov v37  }
0x58f: {  	s23 =	smov.u32 s17;
	v25 =	vmovc v42;
	v26 =	vmovc v41;
	v37 =	vmov v30;
	s17 =	smov.u32 s21;
	v15 =	vmov v34;
	v27 =	vmov v32  }
.LBB2_66:
0x590: {  	v30, _, _ =	vpop @p1 (xrf0)  }
0x591: {  	(xrf0) =	vmax.scan.msk.u32 @p1 $0xffff, v33;
	s21 =	sadd.s32 @p3 $0x80000000, s22;
	s22 =	spop @p3 (v2sf);
	v32, _, _ =	vpop (xrf0);
	(v2sf) =	vpush @p1 v30, $0xF  }
0x592: {  	s22 =	sadd.s32 @p3 s22, s21;
	v30, _, _ =	vpop @p1 (xrf0)  }
0x593: {  	(xrf0) =	vadd.scan.msk.s32 $0xffff, v23;
	s24 =	spop @p3 (v2sf);
	s22 =	sadd.s32 @p3 $0x80000000, s22;
	v54 =	vxor.u32 $0x80000000, v32;
	(v2sf) =	vpush @p1 v30, $0xF  }
0x594: {  	v55, _, _ =	vpop (xrf0);
	s24 =	sadd.s32 @p3 s24, s22;
	(xrf0) =	vmax.scan.msk.u32 $0xffff, v54  }
0x595: {  	s25 =	simm.s32 $0x0;
	v33, _, _ =	vpop @p1 (xrf0);
	s24 =	sadd.s32 @p3 $0x80000000, s24;
	v34 =	vxor.u32 $0x80000000, v55  }
0x596: {  	v41, _, _ =	vpop (xrf0);
	(v2sf) =	vpush @p1 v33, $0xF;
	s25 =	smov.u32 @p3 s24;
	(xrf0) =	vmax.scan.msk.u32 $0xffff, v34;
	s24 =	spop @p2 (v2sf)  }
0x597: {  	v33, _, _ =	vpop @p1 (xrf0);
	v56 =	vxor.u32 $0x80000000, v41;
	s24 =	sadd.s32 @p2 s24, s25  }
0x598: {  	s26 =	spop @p2 (v2sf);
	(v2sf) =	vpush @p1 v33, $0xF;
	(xrf0) =	vmax.scan.msk.u32 $0xffff, v56;
	s24 =	sadd.s32 @p2 $0x80000000, s24  }
0x599: {  	v57, _, _ =	vpop (xrf0);
	s26 =	sadd.s32 @p2 s26, s24  }
0x59a: {  	s26 =	smov.u32 @p2 s26;
	v42, _, _ =	vpop (xrf0)  }
0x59b: {  	s28 =	spop @p2 (v2sf);
	v58 =	vxor.u32 $0x80000000, v57;
	s26 =	sadd.s32 @p2 $0x80000000, s26;
	(v2sf) =	vpush v42, $0xF  }
0x59c: {  	(xrf0) =	vmax.scan.msk.u32 $0xffff, v58;
	s28 =	sadd.s32 @p2 s28, s26;
	v59, _, _ =	vpop (xrf0)  }
0x59d: {  	s29 =	spop @p2 (v2sf);
	s28 =	sadd.s32 @p2 $0x80000000, s28;
	(v2sf) =	vpush v59, $0xF  }
0x59e: {  	s29 =	sadd.s32 @p2 s29, s28;
	v60, _, _ =	vpop (xrf0)  }
0x59f: {  	s30 =	simm.s32 $0x0;
	s29 =	sadd.s32 @p2 $0x80000000, s29;
	(v2sf) =	vpush v60, $0xF  }
0x5a0: {  	s30 =	smov.u32 @p2 s29;
	s29 =	spop @p1 (v2sf)  }
0x5a1: {  	s29 =	sadd.s32 @p1 s29, s30  }
0x5a2: {  	v28 =	vadd.s32 @p3 s21, v28;
	v61, _, _ =	vpop (xrf0);
	s29 =	sadd.s32 @p1 $0x80000000, s29;
	s31 =	spop @p1 (v2sf)  }
0x5a3: {  	[tilespmem:s20+$0xFFFFFFF0] =	vst @p3 v31;
	(v2sf) =	vpush v61, $0xF;
	s21 =	sadd.s32 @p1 s31, s29  }
0x5a4: {  	[tilespmem:s20+$0x0] =	vst @p3 v28;
	v29 =	vadd.s32 @p3 s22, v29;
	s21 =	smov.u32 @p1 s21  }
0x5a5: {  	v20 =	vpsel p1, v24, v20;
	v28 =	vmov @p2 v35;
	[tilespmem:s20+$0x10] =	vst @p3 v29;
	v29 =	vsub.s32 @p2 s25, v39;
	s20 =	sadd.s32 @p1 $0x80000000, s21;
	s21 =	spop @p1 (v2sf)  }
0x5a6: {  	v22 =	vpsel p1, v25, v22;
	s22 =	smov.u32 @p2 s23;
	v34 =	vmovc @p2 v38;
	v29 =	vadd.s32 @p2 v40, v29;
	v28 =	vadd.s32 @p2 s24, v28;
	s21 =	sadd.s32 @p1 s21, s20  }
0x5a7: {  	v31 =	vmovc @p2 v36;
	v35 =	vmov @p1 v37;
	v34 =	vpsel p2, v34, v0;
	[tilespmem:s22+$0xFFFFFFE0] =	vst @p2 v29;
	s22 =	smov.u32 @p2 s22;
	v28 =	vpsel p2, v28, v0;
	s23 =	spop @p1 (v2sf);
	s21 =	sadd.s32 @p1 $0x80000000, s21  }
0x5a8: {  	v31 =	vpsel p2, v31, v0;
	v17 =	vpsel p1, v35, v17;
	[tilespmem:s22+$0xFFFFFFF0] =	vst @p2 v28;
	v34 =	vadd.s32 @p2 s26, v34;
	s23 =	sadd.s32 @p1 s23, s21  }
0x5a9: {  	s18 =	smov.u32 @p1 s19;
	v18 =	vpsel p1, v27, v18;
	[tilespmem:s22+$0x0] =	vst @p2 v34;
	v29 =	vadd.s32 @p2 s28, v31;
	v17 =	vsub.s32 @p1 s30, v17;
	s19 =	sadd.s32 @p1 $0x80000000, s23  }
0x5aa: {  	v19 =	vpsel p1, v26, v19;
	[tilespmem:s22+$0x10] =	vst @p2 v29;
	v17 =	vadd.s32 @p1 v18, v17;
	v18 =	vadd.s32 @p1 s29, v20;
	s25 =	spop (v2sf);
	s16 =	smov.u32 @p1 s19  }
0x5ab: {  	[tilespmem:s18+$0xFFFFFFE0] =	vst @p1 v17;
	s18 =	smov.u32 @p1 s18;
	v20 =	vmov @p1 v22;
	v17 =	vpsel p1, v18, v0;
	v18 =	vpsel p1, v19, v0;
	s19 =	sadd.s32 s25, s16  }
0x5ac: {  	v19 =	vpsel p1, v20, v0;
	[tilespmem:s18+$0xFFFFFFF0] =	vst @p1 v17;
	v17 =	vadd.s32 @p1 s20, v18;
	s26 =	spop (v2sf);
	s19 =	sadd.s32 $0x80000000, s19  }
0x5ad: {  	[tilespmem:s18+$0x0] =	vst @p1 v17;
	v17 =	vadd.s32 @p1 s21, v19;
	v15 =	vsub.s32 s16, v15;
	s28 =	sadd.s32 s26, s19  }
0x5ae: {  	v62 =	vsub.s32 v55, v21;
	[tilespmem:s18+$0x10] =	vst @p1 v17;
	v15 =	vadd.s32 v32, v15;
	s29 =	spop (v2sf);
	s16 =	sadd.s32 $0x80000000, s28  }
0x5af: {  	v16 =	vsub.s32 v41, v16;
	[tilespmem:s17+$0xFFFFFFE0] =	vst v15;
	v15 =	vadd.s32 s19, v62;
	s18 =	sadd.s32 s29, s16  }
0x5b0: {  	v63 =	vsub.s32 v57, v23;
	[tilespmem:s17+$0xFFFFFFF0] =	vst v15;
	v15 =	vadd.s32 s16, v16;
	s30 =	sadd.s32 $0x80000000, s18  }
0x5b1: {  	s19 =	simm.s32 $0x80C0;
	[tilespmem:s17+$0x0] =	vst v15;
	v15 =	vadd.s32 s30, v63  }
0x5b2: {  	s31 =	spop (v2sf);
	s16 =	simm.s32 $0x80C0;
	s18 =	simm.s32 $0xFFFFFFFE;
	[tilespmem:s17+$0x10] =	vst v15  }
.LBB2_67:
0x5b3: {  	v15 =	vld [tilespmem:s19+$0xFFFFFFC0]  }
0x5b4: {  	v16 =	vld [tilespmem:s19+$0xFFFFFFD0]  }
0x5b5: {  	v17 =	vld [tilespmem:s19+$0xFFFFFFE0]  }
0x5b6: {  	v18 =	vld [tilespmem:s19+$0xFFFFFFF0];
	_ =	sdelay $0x1  }
0x5b7: {  	v19 =	vshrl.u32 v15, $0x11  }
0x5b8: {  	v20 =	vshrl.u32 v16, $0x11  }
0x5b9: {  	v21 =	vshrl.u32 v17, $0x11  }
0x5ba: {  	v22 =	vshrl.u32 v18, $0x11;
	_ =	sdelay $0x1  }
0x5bb: {  	v23 =	vld.idx.msk [tilespmem:v19+s12+$0x0], $0xffff  }
0x5bc: {  	v24 =	vld.idx.msk [tilespmem:v20+s12+$0x0], $0xffff  }
0x5bd: {  	v25 =	vld.idx.msk [tilespmem:v21+s12+$0x0], $0xffff  }
0x5be: {  	v26 =	vld.idx.msk [tilespmem:v22+s12+$0x0], $0xffff;
	_ =	sdelay $0x1  }
0x5bf: {  	v27 =	vadd.s32 $0x1, v23  }
0x5c0: {  	v50 =	vadd.s32 $0x1, v24;
	[tilespmem:v19+s12+$0x0] =	vst.idx.msk $0xffff, v27  }
0x5c1: {  	v51 =	vadd.s32 $0x1, v25;
	[tilespmem:v20+s12+$0x0] =	vst.idx.msk $0xffff, v50  }
0x5c2: {  	v52 =	vadd.s32 $0x1, v26;
	[tilespmem:v21+s12+$0x0] =	vst.idx.msk $0xffff, v51  }
0x5c3: {  	v15 =	vand.u32 $0x1FFFF, v15;
	[tilespmem:v22+s12+$0x0] =	vst.idx.msk $0xffff, v52  }
0x5c4: {  	[tilespmem:v23+s10+$0x0] =	vst.idx.msk $0xffff, v15;
	v15 =	vand.u32 $0x1FFFF, v16  }
0x5c5: {  	[tilespmem:v24+s10+$0x0] =	vst.idx.msk $0xffff, v15;
	v15 =	vand.u32 $0x1FFFF, v17  }
0x5c6: {  	[tilespmem:v25+s10+$0x0] =	vst.idx.msk $0xffff, v15;
	v15 =	vand.u32 $0x1FFFF, v18  }
0x5c7: {  	[tilespmem:v26+s10+$0x0] =	vst.idx.msk $0xffff, v15  }
0x5c8: {  	v15 =	vld [tilespmem:s19+$0x0]  }
0x5c9: {  	v53 =	vld [tilespmem:s19+$0x10]  }
0x5ca: {  	v54 =	vld [tilespmem:s19+$0x20]  }
0x5cb: {  	v55 =	vld [tilespmem:s19+$0x30];
	_ =	sdelay $0x1  }
0x5cc: {  	v56 =	vshrl.u32 v15, $0x11  }
0x5cd: {  	v57 =	vshrl.u32 v53, $0x11  }
0x5ce: {  	v58 =	vshrl.u32 v54, $0x11  }
0x5cf: {  	v59 =	vshrl.u32 v55, $0x11;
	_ =	sdelay $0x1  }
0x5d0: {  	v23 =	vld.idx.msk [tilespmem:v56+s12+$0x0], $0xffff  }
0x5d1: {  	v24 =	vld.idx.msk [tilespmem:v57+s12+$0x0], $0xffff  }
0x5d2: {  	v25 =	vld.idx.msk [tilespmem:v58+s12+$0x0], $0xffff  }
0x5d3: {  	v26 =	vld.idx.msk [tilespmem:v59+s12+$0x0], $0xffff;
	_ =	sdelay $0x1  }
0x5d4: {  	v60 =	vadd.s32 $0x1, v23  }
0x5d5: {  	v61 =	vadd.s32 $0x1, v24;
	[tilespmem:v56+s12+$0x0] =	vst.idx.msk $0xffff, v60  }
0x5d6: {  	s18 =	sadd.s32 $0x2, s18;
	v62 =	vadd.s32 $0x1, v25;
	[tilespmem:v57+s12+$0x0] =	vst.idx.msk $0xffff, v61  }
0x5d7: {  	p1 =	slt.u32 s18, $0x1FE;
	v63 =	vadd.s32 $0x1, v26;
	[tilespmem:v58+s12+$0x0] =	vst.idx.msk $0xffff, v62  }
.Ltmp34:
0x5d8: {  	v15 =	vand.u32 $0x1FFFF, v15;
	[tilespmem:v59+s12+$0x0] =	vst.idx.msk $0xffff, v63;
	(pc) =	sbr.rel @p1 .LBB2_67-.Ltmp34, $4  }
0x5d9: {  	[tilespmem:v23+s10+$0x0] =	vst.idx.msk $0xffff, v15;
	v15 =	vand.u32 $0x1FFFF, v53  }
0x5da: {  	[tilespmem:v24+s10+$0x0] =	vst.idx.msk $0xffff, v15;
	v15 =	vand.u32 $0x1FFFF, v54  }
0x5db: {  	[tilespmem:v25+s10+$0x0] =	vst.idx.msk $0xffff, v15;
	v15 =	vand.u32 $0x1FFFF, v55  }
0x5dc: {  	s17 =	simm.s32 $0xFFFFFFF8;
	s20 =	simm.s32 $0x100C0;
	s19 =	sadd.s32 $0x80, s19;
	[tilespmem:v26+s10+$0x0] =	vst.idx.msk $0xffff, v15  }
0x5dd: {  	v15 =	vld [tilespmem:s20+$0x30]  }
0x5de: {  	v16 =	vld [tilespmem:s20+$0xFFFFFFD0]  }
0x5df: {  	v17 =	vld [tilespmem:s20+$0xFFFFFFE0]  }
0x5e0: {  	v18 =	vld [tilespmem:s20+$0xFFFFFFF0]  }
0x5e1: {  	v21 =	vld [tilespmem:s20+$0x10]  }
0x5e2: {  	v22 =	vld [tilespmem:s20+$0x20];
	s18 =	sadd.s32 $0x80, s20  }
0x5e3: {  	v24 =	vld [tilespmem:s18+$0xFFFFFFD0];
	v19 =	vshrl.u32 v15, $0x9  }
0x5e4: {  	v25 =	vld [tilespmem:s18+$0xFFFFFFE0];
	v20 =	vshrl.u32 v16, $0x9;
	v15 =	vadd.s32 v15, v19  }
0x5e5: {  	v19 =	vld [tilespmem:s20+$0x0];
	v16 =	vadd.s32 v16, v20  }
0x5e6: {  	v27 =	vld [tilespmem:s18+$0xFFFFFFF0];
	v20 =	vshrl.u32 v17, $0x9  }
0x5e7: {  	v61 =	vld [tilespmem:s18+$0x10];
	v17 =	vadd.s32 v17, v20;
	v20 =	vshrl.u32 v18, $0x9  }
0x5e8: {  	v18 =	vadd.s32 v18, v20;
	v20 =	vld [tilespmem:s20+$0xFFFFFFC0]  }
0x5e9: {  	v15 =	vld.idx.msk [tilespmem:v15+s3+$0x0], $0xffff  }
0x5ea: {  	v16 =	vld.idx.msk [tilespmem:v16+s3+$0x0], $0xffff;
	v23 =	vshrl.u32 v19, $0x9  }
0x5eb: {  	v19 =	vadd.s32 v19, v23;
	v23 =	vld [tilespmem:s18+$0x30]  }
0x5ec: {  	v31 =	vld [tilespmem:s18+$0x20];
	v28 =	vshrl.u32 v21, $0x9;
	v29 =	vshrl.u32 v22, $0x9  }
0x5ed: {  	v21 =	vadd.s32 v21, v28;
	v62 =	vshrl.u32 v24, $0x9;
	v17 =	vld.idx.msk [tilespmem:v17+s3+$0x0], $0xffff;
	v26 =	vshrl.u32 v20, $0x9  }
0x5ee: {  	v28 =	vadd.s32 v24, v62;
	v24 =	vshrl.u32 v27, $0x9;
	v20 =	vadd.s32 v20, v26;
	v26 =	vld [tilespmem:s18+$0x0]  }
0x5ef: {  	v22 =	vadd.s32 v22, v29;
	v27 =	vadd.s32 v27, v24;
	v18 =	vld.idx.msk [tilespmem:v18+s3+$0x0], $0xffff  }
0x5f0: {  	vm0 =	vgt.s32 v15, $0xFFFFFFFF;
	vm1 =	vgt.s32 v16, $0xFFFFFFFF;
	v19 =	vld.idx.msk [tilespmem:v19+s3+$0x0], $0xffff;
	v30 =	vshrl.u32 v23, $0x9  }
0x5f1: {  	v32 =	vld [tilespmem:s18+$0xFFFFFFC0];
	v60 =	vsel vm0, $0xFFFFFFFF, v14;
	v33 =	vsel vm1, $0xFFFFFFFF, v14;
	v30 =	vadd.s32 v23, v30  }
0x5f2: {  	v24 =	vld.idx.msk [tilespmem:v21+s3+$0x0], $0xffff;
	vm0 =	vgt.s32 v17, $0xFFFFFFFF;
	v15 =	vxor.u32 v15, v60;
	v23 =	vshrl.u32 v25, $0x9  }
0x5f3: {  	v16 =	vxor.u32 v16, v33;
	v25 =	vadd.s32 v25, v23;
	v23 =	vld.idx.msk [tilespmem:v20+s3+$0x0], $0xffff;
	v20 =	vshrl.u32 v26, $0x9  }
0x5f4: {  	v21 =	vld.idx.msk [tilespmem:v22+s3+$0x0], $0xffff;
	[tilespmem:s16+$0x30] =	vst v15;
	v26 =	vadd.s32 v26, v20;
	v20 =	vsel vm0, $0xFFFFFFFF, v14;
	vm0 =	vgt.s32 v18, $0xFFFFFFFF  }
0x5f5: {  	[tilespmem:s16+$0xFFFFFFD0] =	vst v16;
	v15 =	vsel vm0, $0xFFFFFFFF, v14;
	v16 =	vxor.u32 v17, v20;
	v20 =	vld.idx.msk [tilespmem:v28+s3+$0x0], $0xffff;
	vm1 =	vgt.s32 v19, $0xFFFFFFFF  }
0x5f6: {  	v17 =	vxor.u32 v18, v15;
	v15 =	vshrl.u32 v61, $0x9;
	[tilespmem:s16+$0xFFFFFFE0] =	vst v16;
	v16 =	vshrl.u32 v31, $0x9;
	v22 =	vld.idx.msk [tilespmem:v30+s3+$0x0], $0xffff  }
0x5f7: {  	v63 =	vsel vm1, $0xFFFFFFFF, v14;
	v15 =	vadd.s32 v61, v15;
	[tilespmem:s16+$0xFFFFFFF0] =	vst v17;
	v16 =	vadd.s32 v31, v16;
	v17 =	vld.idx.msk [tilespmem:v27+s3+$0x0], $0xffff  }
0x5f8: {  	s17 =	sadd.s32 $0x8, s17;
	v18 =	vxor.u32 v19, v63;
	v19 =	vld.idx.msk [tilespmem:v25+s3+$0x0], $0xffff;
	v25 =	vshrl.u32 v32, $0x9;
	vm0 =	vgt.s32 v23, $0xFFFFFFFF  }
0x5f9: {  	s17 =	sadd.s32 $0x8, s17;
	s18 =	sadd.s32 $0x80, s18;
	[tilespmem:s16+$0x0] =	vst v18;
	v25 =	vadd.s32 v32, v25;
	v18 =	vld.idx.msk [tilespmem:v26+s3+$0x0], $0xffff;
	v26 =	vsel vm0, $0xFFFFFFFF, v14;
	vm0 =	vgt.s32 v24, $0xFFFFFFFF  }
.LBB2_69:
0x5fa: {  	v27 =	vld [tilespmem:s18+$0x30];
	s17 =	sadd.s32 $0x8, s17;
	v23 =	vxor.u32 v23, v26;
	v26 =	vsel vm0, $0xFFFFFFFF, v14;
	vm0 =	vgt.s32 v21, $0xFFFFFFFF  }
0x5fb: {  	vm1 =	vgt.s32 v22, $0xFFFFFFFF;
	v28 =	vld [tilespmem:s18+$0xFFFFFFD0];
	p1 =	slt.u32 s17, $0x7F8;
	[tilespmem:s16+$0xFFFFFFC0] =	vst v23;
	v23 =	vxor.u32 v24, v26;
	v24 =	vsel vm0, $0xFFFFFFFF, v14  }
0x5fc: {  	vm0 =	vgt.s32 v20, $0xFFFFFFFF;
	v29 =	vsel vm1, $0xFFFFFFFF, v14;
	v26 =	vld [tilespmem:s18+$0xFFFFFFE0];
	[tilespmem:s16+$0x10] =	vst v23;
	v21 =	vxor.u32 v21, v24  }
0x5fd: {  	v23 =	vsel vm0, $0xFFFFFFFF, v14;
	vm0 =	vgt.s32 v19, $0xFFFFFFFF;
	v22 =	vxor.u32 v22, v29;
	v24 =	vld [tilespmem:s18+$0xFFFFFFF0];
	[tilespmem:s16+$0x20] =	vst v21;
	s16 =	sadd.s32 $0x80, s16  }
0x5fe: {  	v20 =	vxor.u32 v20, v23;
	v23 =	vsel vm0, $0xFFFFFFFF, v14;
	vm0 =	vgt.s32 v17, $0xFFFFFFFF;
	v21 =	vld [tilespmem:s18+$0x0];
	[tilespmem:s16+$0x30] =	vst v22  }
0x5ff: {  	v22 =	vld [tilespmem:s18+$0x10];
	v29 =	vshrl.u32 v27, $0x9;
	[tilespmem:s16+$0xFFFFFFD0] =	vst v20;
	v20 =	vsel vm0, $0xFFFFFFFF, v14;
	vm0 =	vgt.s32 v18, $0xFFFFFFFF  }
0x600: {  	v30 =	vshrl.u32 v28, $0x9;
	v31 =	vld [tilespmem:s18+$0x20];
	v27 =	vadd.s32 v27, v29;
	v29 =	vsel vm0, $0xFFFFFFFF, v14  }
0x601: {  	v19 =	vxor.u32 v19, v23;
	v32 =	vld [tilespmem:s18+$0xFFFFFFC0];
	v28 =	vadd.s32 v28, v30;
	v30 =	vshrl.u32 v26, $0x9  }
0x602: {  	v17 =	vxor.u32 v17, v20;
	v26 =	vadd.s32 v26, v30;
	v30 =	vshrl.u32 v24, $0x9;
	v23 =	vld.idx.msk [tilespmem:v25+s3+$0x0], $0xffff;
	[tilespmem:s16+$0xFFFFFFE0] =	vst v19  }
0x603: {  	v30 =	vadd.s32 v24, v30;
	v19 =	vshrl.u32 v21, $0x9;
	[tilespmem:s16+$0xFFFFFFF0] =	vst v17;
	v17 =	vxor.u32 v18, v29;
	v24 =	vld.idx.msk [tilespmem:v15+s3+$0x0], $0xffff  }
0x604: {  	v18 =	vadd.s32 v21, v19;
	v15 =	vshrl.u32 v22, $0x9;
	[tilespmem:s16+$0x0] =	vst v17;
	v21 =	vld.idx.msk [tilespmem:v16+s3+$0x0], $0xffff  }
.Ltmp35:
0x605: {  	v15 =	vadd.s32 v22, v15;
	v16 =	vshrl.u32 v31, $0x9;
	v22 =	vld.idx.msk [tilespmem:v27+s3+$0x0], $0xffff;
	(pc) =	sbr.rel @p1 .LBB2_69-.Ltmp35, $4  }
0x606: {  	v17 =	vshrl.u32 v32, $0x9;
	v20 =	vld.idx.msk [tilespmem:v28+s3+$0x0], $0xffff;
	v16 =	vadd.s32 v31, v16  }
0x607: {  	v25 =	vadd.s32 v32, v17;
	v19 =	vld.idx.msk [tilespmem:v26+s3+$0x0], $0xffff  }
0x608: {  	vm0 =	vgt.s32 v23, $0xFFFFFFFF;
	v17 =	vld.idx.msk [tilespmem:v30+s3+$0x0], $0xffff  }
0x609: {  	s18 =	sadd.s32 $0x80, s18;
	v26 =	vsel vm0, $0xFFFFFFFF, v14;
	vm0 =	vgt.s32 v24, $0xFFFFFFFF;
	v18 =	vld.idx.msk [tilespmem:v18+s3+$0x0], $0xffff  }
0x60a: {  	_ =	sdelay $0x2  }
0x60b: {  	v23 =	vxor.u32 v23, v26;
	v46 =	vsel vm0, $0xFFFFFFFF, v14;
	vm8 =	vgt.s32 v21, $0xFFFFFFFF  }
0x60c: {  	vm1 =	vgt.s32 v22, $0xFFFFFFFF;
	v25 =	vld.idx.msk [tilespmem:v25+s3+$0x0], $0xffff;
	[tilespmem:s16+$0xFFFFFFC0] =	vst v23;
	v47 =	vxor.u32 v24, v46;
	v48 =	vsel vm8, $0xFFFFFFFF, v14  }
0x60d: {  	v15 =	vld.idx.msk [tilespmem:v15+s3+$0x0], $0xffff;
	vm9 =	vgt.s32 v20, $0xFFFFFFFF;
	v49 =	vsel vm1, $0xFFFFFFFF, v14;
	[tilespmem:s16+$0x10] =	vst v47;
	v50 =	vxor.u32 v21, v48  }
0x60e: {  	s29 =	sadd.s32 $0x80, s16;
	v16 =	vld.idx.msk [tilespmem:v16+s3+$0x0], $0xffff;
	v51 =	vsel vm9, $0xFFFFFFFF, v14;
	vm10 =	vgt.s32 v19, $0xFFFFFFFF;
	v52 =	vxor.u32 v22, v49;
	[tilespmem:s16+$0x20] =	vst v50  }
0x60f: {  	v53 =	vxor.u32 v20, v51;
	v54 =	vsel vm10, $0xFFFFFFFF, v14;
	vm11 =	vgt.s32 v17, $0xFFFFFFFF;
	[tilespmem:s29+$0x30] =	vst v52  }
0x610: {  	[tilespmem:s29+$0xFFFFFFD0] =	vst v53;
	v55 =	vsel vm11, $0xFFFFFFFF, v14;
	vm12 =	vgt.s32 v18, $0xFFFFFFFF;
	v56 =	vxor.u32 v19, v54  }
0x611: {  	v57 =	vsel vm12, $0xFFFFFFFF, v14;
	[tilespmem:s29+$0xFFFFFFE0] =	vst v56;
	v58 =	vxor.u32 v17, v55;
	vm13 =	vgt.s32 v25, $0xFFFFFFFF  }
0x612: {  	vm14 =	vgt.s32 v15, $0xFFFFFFFF;
	[tilespmem:s29+$0xFFFFFFF0] =	vst v58;
	v59 =	vxor.u32 v18, v57;
	v60 =	vsel vm13, $0xFFFFFFFF, v14  }
0x613: {  	vm15 =	vgt.s32 v16, $0xFFFFFFFF;
	v62 =	vsel vm14, $0xFFFFFFFF, v14;
	[tilespmem:s29+$0x0] =	vst v59;
	v61 =	vxor.u32 v25, v60  }
0x614: {  	v63 =	vsel vm15, $0xFFFFFFFF, v14;
	v15 =	vxor.u32 v15, v62;
	[tilespmem:s29+$0xFFFFFFC0] =	vst v61  }
0x615: {  	[tilespmem:s29+$0x10] =	vst v15;
	v15 =	vxor.u32 v16, v63  }
0x616: {  	s30 =	sadd.s32 s5, s15;
	[tilespmem:s29+$0x20] =	vst v15  }
0x617: {  	[hbm4b:s30+s8] =	stream.strided.scatter [tilespmem:s13], [sflag:$0x1], $0x8000, s9, s8, $0x38;
	[tilespmem:$0x1C080] =	vst v63  }
0x618: {  	_ =	swait.ge [sflag:s11], $0x8000  }
0x619: {  	[sflag:s11] =	ssyncset.done $0x0  }
0x61a: {  	s31 =	sadd.s32 s2, s15;
	[sflag:s11] =	ssyncadd.s32 $0xFFFF8000  }
0x61b: {  	[hbm4b:s31+s8] =	stream.strided.scatter [tilespmem:s10], [sflag:$0x1], $0x8000, s9, s8, $0x38;
	[tilespmem:$0x1C080] =	vst v63  }
.Ltmp36:
0x61c: {  	_ = 	snop;
	(pc) =	sbr.rel @p0 .LBB2_2-.Ltmp36, $4  }
.Ltmp37:
0x61d: {  	_ = 	snop;
	(pc) =	sbr.rel @!p0 .LBB2_71-.Ltmp37, $4  }
0x61e: {  	_ =	swait.ge [sflag:s11], $0x8000  }
0x61f: {  	[sflag:s11] =	ssyncset.done $0x0  }
0x620: {  	s15 =	simm.s32 $0x10;
	p1 =	por $0x0, $0x0;
	[sflag:s11] =	ssyncadd.s32 $0xFFFF8000  }
0x621: {  	_ = 	snop  }
.LBB2_9:
.Ltmp38:
0x622: {  	_ = 	snop;
	(pc) =	sbr.rel .LBB2_18-.Ltmp38, $2  }
0x623: {  	_ =	sdelay $0x2  }
0x624: {  	v15 =	vmovc v17;
	v16 =	vmov v23;
	v21 =	vmov v19;
	s17 =	simm.s32 $0x180A0;
	v23 =	vmov v22  }
.LBB2_25:
.Ltmp39:
0x625: {  	_ = 	snop;
	(pc) =	sbr.rel .LBB2_34-.Ltmp39, $2  }
0x626: {  	_ =	sdelay $0x2  }
0x627: {  	v15 =	vmovc v17;
	v16 =	vmov v23;
	v21 =	vmov v19;
	s17 =	simm.s32 $0x180A0;
	v23 =	vmov v22  }
.LBB2_41:
.Ltmp40:
0x628: {  	_ = 	snop;
	(pc) =	sbr.rel .LBB2_50-.Ltmp40, $2  }
0x629: {  	_ =	sdelay $0x2  }
0x62a: {  	v15 =	vmovc v17;
	v16 =	vmov v23;
	v21 =	vmov v19;
	s17 =	simm.s32 $0x180A0;
	v23 =	vmov v22  }
.LBB2_57:
.Ltmp41:
0x62b: {  	_ = 	snop;
	(pc) =	sbr.rel .LBB2_66-.Ltmp41, $2  }
0x62c: {  	_ =	sdelay $0x2  }
0x62d: {  	v15 =	vmovc v17;
	v16 =	vmov v23;
	v21 =	vmov v19;
	s17 =	simm.s32 $0x180A0;
	v23 =	vmov v22  }
.LBB2_11:
.Ltmp42:
0x62e: {  	(pc) =	sbr.rel .LBB2_18-.Ltmp42, $2  }
0x62f: {  	_ =	sdelay $0x2  }
0x630: {  	v24 =	vmovc v20;
	v25 =	vmovc v22;
	v26 =	vmov v19;
	v37 =	vmov v17;
	v27 =	vmov v18;
	s19 =	simm.s32 $0x180A0  }
.LBB2_27:
.Ltmp43:
0x631: {  	(pc) =	sbr.rel .LBB2_34-.Ltmp43, $2  }
0x632: {  	_ =	sdelay $0x2  }
0x633: {  	v24 =	vmovc v20;
	v25 =	vmovc v22;
	v26 =	vmov v19;
	v37 =	vmov v17;
	v27 =	vmov v18;
	s19 =	simm.s32 $0x180A0  }
.LBB2_43:
.Ltmp44:
0x634: {  	(pc) =	sbr.rel .LBB2_50-.Ltmp44, $2  }
0x635: {  	_ =	sdelay $0x2  }
0x636: {  	v24 =	vmovc v20;
	v25 =	vmovc v22;
	v26 =	vmov v19;
	v37 =	vmov v17;
	v27 =	vmov v18;
	s19 =	simm.s32 $0x180A0  }
.LBB2_59:
.Ltmp45:
0x637: {  	(pc) =	sbr.rel .LBB2_66-.Ltmp45, $2  }
0x638: {  	_ =	sdelay $0x2  }
0x639: {  	v24 =	vmovc v20;
	v25 =	vmovc v22;
	v26 =	vmov v19;
	v37 =	vmov v17;
	v27 =	vmov v18;
	s19 =	simm.s32 $0x180A0  }
.LBB2_13:
.Ltmp46:
0x63a: {  	_ = 	snop;
	(pc) =	sbr.rel .LBB2_18-.Ltmp46, $3  }
0x63b: {  	_ =	sdelay $0x1  }
0x63c: {  	v37 =	vmovc v15;
	v16 =	vmovc v28;
	v35 =	vmov v20;
	v36 =	vmov v22;
	v38 =	vmov v19  }
0x63d: {  	v21 =	vmovc v39;
	v39 =	vmovc v17;
	s23 =	simm.s32 $0x180A0;
	s19 =	simm.s32 $0x180E0;
	v40 =	vmov v18;
	s17 =	simm.s32 $0x18120;
	v15 =	vmov v30;
	v23 =	vmov v29  }
.LBB2_29:
.Ltmp47:
0x63e: {  	_ = 	snop;
	(pc) =	sbr.rel .LBB2_34-.Ltmp47, $3  }
0x63f: {  	_ =	sdelay $0x1  }
0x640: {  	v37 =	vmovc v15;
	v16 =	vmovc v28;
	v35 =	vmov v20;
	v36 =	vmov v22;
	v38 =	vmov v19  }
0x641: {  	v21 =	vmovc v39;
	v39 =	vmovc v17;
	s23 =	simm.s32 $0x180A0;
	s19 =	simm.s32 $0x180E0;
	v40 =	vmov v18;
	s17 =	simm.s32 $0x18120;
	v15 =	vmov v30;
	v23 =	vmov v29  }
.LBB2_45:
.Ltmp48:
0x642: {  	_ = 	snop;
	(pc) =	sbr.rel .LBB2_50-.Ltmp48, $3  }
0x643: {  	_ =	sdelay $0x1  }
0x644: {  	v37 =	vmovc v15;
	v16 =	vmovc v28;
	v35 =	vmov v20;
	v36 =	vmov v22;
	v38 =	vmov v19  }
0x645: {  	v21 =	vmovc v39;
	v39 =	vmovc v17;
	s23 =	simm.s32 $0x180A0;
	s19 =	simm.s32 $0x180E0;
	v40 =	vmov v18;
	s17 =	simm.s32 $0x18120;
	v15 =	vmov v30;
	v23 =	vmov v29  }
.LBB2_61:
.Ltmp49:
0x646: {  	_ = 	snop;
	(pc) =	sbr.rel .LBB2_66-.Ltmp49, $3  }
0x647: {  	_ =	sdelay $0x1  }
0x648: {  	v37 =	vmovc v15;
	v16 =	vmovc v28;
	v35 =	vmov v20;
	v36 =	vmov v22;
	v38 =	vmov v19  }
0x649: {  	v21 =	vmovc v39;
	v39 =	vmovc v17;
	s23 =	simm.s32 $0x180A0;
	s19 =	simm.s32 $0x180E0;
	v40 =	vmov v18;
	s17 =	simm.s32 $0x18120;
	v15 =	vmov v30;
	v23 =	vmov v29  }
.LBB2_15:
.Ltmp50:
0x64a: {  	(pc) =	sbr.rel .LBB2_18-.Ltmp50, $4  }
0x64b: {  	_ = 	snop  }
0x64c: {  	v35 =	vmov v24;
	v36 =	vmov v25;
	v38 =	vmov v26  }
0x64d: {  	v39 =	vmovc v15;
	v40 =	vmovc v27;
	v24 =	vmov v37;
	v25 =	vmov v42;
	v28 =	vmov v19  }
0x64e: {  	s20 =	simm.s32 $0x180A0;
	v26 =	vmovc v41;
	v29 =	vmovc v22;
	s23 =	simm.s32 $0x180E0;
	v37 =	vmov v30;
	s17 =	simm.s32 $0x18160;
	v15 =	vmov v34;
	v27 =	vmov v32  }
.LBB2_31:
.Ltmp51:
0x64f: {  	(pc) =	sbr.rel .LBB2_34-.Ltmp51, $4  }
0x650: {  	_ = 	snop  }
0x651: {  	v35 =	vmov v24;
	v36 =	vmov v25;
	v38 =	vmov v26  }
0x652: {  	v39 =	vmovc v15;
	v40 =	vmovc v27;
	v24 =	vmov v37;
	v25 =	vmov v42;
	v28 =	vmov v19  }
0x653: {  	s20 =	simm.s32 $0x180A0;
	v26 =	vmovc v41;
	v29 =	vmovc v22;
	s23 =	simm.s32 $0x180E0;
	v37 =	vmov v30;
	s17 =	simm.s32 $0x18160;
	v15 =	vmov v34;
	v27 =	vmov v32  }
.LBB2_47:
.Ltmp52:
0x654: {  	(pc) =	sbr.rel .LBB2_50-.Ltmp52, $4  }
0x655: {  	_ = 	snop  }
0x656: {  	v35 =	vmov v24;
	v36 =	vmov v25;
	v38 =	vmov v26  }
0x657: {  	v39 =	vmovc v15;
	v40 =	vmovc v27;
	v24 =	vmov v37;
	v25 =	vmov v42;
	v28 =	vmov v19  }
0x658: {  	s20 =	simm.s32 $0x180A0;
	v26 =	vmovc v41;
	v29 =	vmovc v22;
	s23 =	simm.s32 $0x180E0;
	v37 =	vmov v30;
	s17 =	simm.s32 $0x18160;
	v15 =	vmov v34;
	v27 =	vmov v32  }
.LBB2_63:
.Ltmp53:
0x659: {  	(pc) =	sbr.rel .LBB2_66-.Ltmp53, $4  }
0x65a: {  	_ = 	snop  }
0x65b: {  	v35 =	vmov v24;
	v36 =	vmov v25;
	v38 =	vmov v26  }
0x65c: {  	v39 =	vmovc v15;
	v40 =	vmovc v27;
	v24 =	vmov v37;
	v25 =	vmov v42;
	v28 =	vmov v19  }
0x65d: {  	s20 =	simm.s32 $0x180A0;
	v26 =	vmovc v41;
	v29 =	vmovc v22;
	s23 =	simm.s32 $0x180E0;
	v37 =	vmov v30;
	s17 =	simm.s32 $0x18160;
	v15 =	vmov v34;
	v27 =	vmov v32  }
.LBB2_72:
0x65e: {  	_ =	sfence.sel $0x180000  }
0x65f: {  	[bflag:$0x0] =	sbarrier.arrive $0xFFFF  }
0x660: {  	p0 =	sne.s32 s4, $0x0;
	_ =	strace $0x90000047  }
0x661: {  	s0 =	sadd.s32 @!p0 $0x100000, s0;
	[bflag:$0x2] =	sbarrier.arrive $0xFFFF  }
0x662: {  	[sflag:s0] =	ssyncadd.tile.s32 @!p0 $0x1;
	_ =	shalt  }
.Lfunc_end2:
_tile_overlayer_lowered:
.L_overlay_start_2:
0x663: {  	(tag) =	ssettag $0x2  }
0x664: {  	s0 =	rddreg [dreg:$0x0];
	s2 =	stileid.u32  }
0x665: {  	s1 =	rddreg [dreg:$0x1];
	p0 =	sne.s32 s2, $0x0  }
0x666: {  	s3 =	rddreg [dreg:$0x2];
	[bflag:$0x3] =	sbarrier.arrive $0xFFFF;
	s2 =	simm.s32 @!p0 $0x1C01  }
0x667: {  	[timem:s3], [sflag:s2] =	dma.local @!p0 [hbm:s0], s1  }
0x668: {  	s0 =	simm.s32 @!p0 $0x1  }
0x669: {  	_ =	swait.ge @!p0 [sflag:s0], s1  }
0x66a: {  	s1 =	ssub.s32 @!p0 $0x0, s1;
	[sflag:s0] =	ssyncset.done @!p0 $0x0  }
0x66b: {  	[sflag:s0] =	ssyncadd.s32 @!p0 s1  }
0x66c: {  	[bflag:$0x3] =	sbarrier.arrive $0xFFFF  }
0x66d: {  	_ =	shalt  }

</sc_bundles>
